<compile_context>
chip_gen: v7x
topology: tpu7x:2x2x1
jax: 0.10.2.dev20260603
libtpu: 0.0.44.dev20260713+nightly
codegen_flags: <defaults>
</compile_context>

<pallas_src>
import functools

import jax
import jax.numpy as jnp
from jax import lax
from jax.experimental import pallas as pl
from jax.experimental.pallas import tpu as pltpu
from jax.experimental.pallas import tpu_sc as plsc

N = 10000
E = 320000
D = 128
K = 27
BN_EPS = 1e-3

NC = 2
NS = 16
NW = NC * NS
C = 104
G = 97
GA = 104
PHASES = (40, 40, 17)
GMAX = 40
EPW = G * C
EP = NW * EPW
ACC_N = 10008
RPW = 632
RLAST = ACC_N - 15 * RPW



def _mm_body(x_ref, w_ref, o_ref):
    o_ref[0] = jnp.dot(x_ref[...], w_ref[0], preferred_element_type=jnp.float32)


def _mm(x, W):
    return pl.pallas_call(
        _mm_body,
        grid=(K,),
        in_specs=[
            pl.BlockSpec((N, D), lambda k: (0, 0)),
            pl.BlockSpec((1, D, D), lambda k: (k, 0, 0)),
        ],
        out_specs=pl.BlockSpec((1, N, D), lambda k: (k, 0, 0)),
        out_shape=jax.ShapeDtypeStruct((K, N, D), jnp.float32),
    )(x, W)


def _bn_relu(f, g_ref, be_ref):
    mu = jnp.mean(f, axis=0, keepdims=True)
    var = jnp.mean(f * f, axis=0, keepdims=True) - mu * mu
    return jnp.maximum((f - mu) * lax.rsqrt(var + BN_EPS) * g_ref[...] + be_ref[...], 0.0)


def _mid_body(p_ref, b_ref, g_ref, be_ref, w_ref, o_ref, h_ref):
    @pl.when(pl.program_id(0) == 0)
    def _():
        f = p_ref[0, :N, :] + p_ref[1, :N, :] + b_ref[...]
        h_ref[...] = _bn_relu(f, g_ref, be_ref)

    o_ref[0] = jnp.dot(h_ref[...], w_ref[0], preferred_element_type=jnp.float32)


def _mid(p, b1, g1, be1, W2):
    return pl.pallas_call(
        _mid_body,
        grid=(K,),
        in_specs=[
            pl.BlockSpec((NC, ACC_N, D), lambda k: (0, 0, 0)),
            pl.BlockSpec((1, D), lambda k: (0, 0)),
            pl.BlockSpec((1, D), lambda k: (0, 0)),
            pl.BlockSpec((1, D), lambda k: (0, 0)),
            pl.BlockSpec((1, D, D), lambda k: (k, 0, 0)),
        ],
        out_specs=pl.BlockSpec((1, N, D), lambda k: (k, 0, 0)),
        out_shape=jax.ShapeDtypeStruct((K, N, D), jnp.float32),
        scratch_shapes=[pltpu.VMEM((N, D), jnp.float32)],
    )(p, b1, g1, be1, W2)


def _final_body(p_ref, x_ref, b_ref, g_ref, be_ref, o_ref):
    f = p_ref[0, :N, :] + p_ref[1, :N, :] + b_ref[...]
    mu = jnp.mean(f, axis=0, keepdims=True)
    var = jnp.mean(f * f, axis=0, keepdims=True) - mu * mu
    bn = (f - mu) * lax.rsqrt(var + BN_EPS) * g_ref[...] + be_ref[...]
    o_ref[...] = jnp.maximum(bn + x_ref[...], 0.0)


def _final(p, x, b2, g2, be2):
    return pl.pallas_call(
        _final_body,
        out_shape=jax.ShapeDtypeStruct((N, D), jnp.float32),
    )(p, x, b2, g2, be2)



def _sc_gather_scatter(y_flat, gi_p, dst_p, zeros):
    mesh = plsc.VectorSubcoreMesh(core_axis_name="c", subcore_axis_name="s")

    @functools.partial(
        pl.kernel,
        out_type=jax.ShapeDtypeStruct((NC, ACC_N, D), jnp.float32),
        mesh=mesh,
        scratch_types=[
            pltpu.VMEM((GMAX, C), jnp.int32),
            pltpu.VMEM((GMAX, C), jnp.int32),
            pltpu.VMEM((C, D), jnp.float32),
            pltpu.VMEM((C, D), jnp.float32),
            pltpu.VMEM((C, D), jnp.float32),
            pltpu.VMEM_SHARED((ACC_N, D), jnp.float32),
            pltpu.SemaphoreType.DMA,
            pltpu.SemaphoreType.DMA,
            pltpu.SemaphoreType.DMA,
            pltpu.SemaphoreType.DMA,
            pltpu.SemaphoreType.DMA,
            pltpu.SemaphoreType.DMA,
        ],
    )
    def k(y_hbm, gi_hbm, dst_hbm, z_hbm, out_hbm, gi_v, dst_v, msg0, msg1, msg2,
          acc, gs0, gs1, gs2, ss0, ss1, ss2):
        c = lax.axis_index("c")
        s = lax.axis_index("s")
        wid = c * NS + s
        msgs = (msg0, msg1, msg2)
        gsem = (gs0, gs1, gs2)
        ssem = (ss0, ss1, ss2)

        @pl.when(s < 15)
        def _():
            pltpu.sync_copy(z_hbm.at[pl.ds(s * RPW, RPW)],
                            acc.at[pl.ds(s * RPW, RPW)])

        @pl.when(s == 15)
        def _():
            pltpu.sync_copy(z_hbm.at[pl.ds(15 * RPW, RLAST)],
                            acc.at[pl.ds(15 * RPW, RLAST)])

        plsc.subcore_barrier()

        def gather(row, b):
            pltpu.async_copy(y_hbm.at[gi_v.at[row]], msgs[b], gsem[b])

        def gather_wait(row, b):
            pltpu.make_async_copy(y_hbm.at[gi_v.at[row]], msgs[b],
                                  gsem[b]).wait()

        def scatter(row, b):
            pltpu.async_copy(msgs[b], acc.at[dst_v.at[row]], ssem[b], add=True)

        def scatter_wait(row, b):
            pltpu.make_async_copy(msgs[b], acc.at[dst_v.at[row]],
                                  ssem[b]).wait()

        def one_iter(i_row, b, do_swait, bn, do_gather, g_row):
            gather_wait(i_row, b)
            scatter(i_row, b)
            if do_swait:
                scatter_wait(i_row, bn)
            if do_gather:
                gather(g_row, bn)

        for ph_off, GHp in zip((0, 40, 80), PHASES):
            GHs = ((GHp + 7) // 8) * 8
            pltpu.sync_copy(gi_hbm.at[wid, pl.ds(ph_off, GHs)],
                            gi_v.at[pl.ds(0, GHs)])
            pltpu.sync_copy(dst_hbm.at[wid, pl.ds(ph_off, GHs)],
                            dst_v.at[pl.ds(0, GHs)])
            gather(0, 0)
            gather(1, 1)
            rounds = (GHp - 4) // 3
            m_end = 2 + 3 * rounds
            for i in (0, 1):
                one_iter(i, i % 3, i >= 1, (i + 2) % 3, True, i + 2)

            def body(r, carry):
                for j in range(3):
                    i = 2 + 3 * r + j
                    b = (2 + j) % 3
                    bn = (2 + j + 2) % 3
                    one_iter(i, b, True, bn, True, i + 2)
                return carry

            lax.fori_loop(0, rounds, body, 0)
            for i in range(m_end, GHp):
                one_iter(i, i % 3, True, (i + 2) % 3, i + 2 < GHp, i + 2)
            scatter_wait(0, (GHp - 1) % 3)

        plsc.subcore_barrier()

        @pl.when(s < 15)
        def _():
            pltpu.sync_copy(acc.at[pl.ds(s * RPW, RPW)],
                            out_hbm.at[c, pl.ds(s * RPW, RPW)])

        @pl.when(s == 15)
        def _():
            pltpu.sync_copy(acc.at[pl.ds(15 * RPW, RLAST)],
                            out_hbm.at[c, pl.ds(15 * RPW, RLAST)])

    return k(y_flat, gi_p, dst_p, zeros)



def kernel(x, edge_index, kernel_idx, W1, b1, g1, be1, W2, b2, g2, be2):
    src = edge_index[0].astype(jnp.int32)
    dst = edge_index[1].astype(jnp.int32)
    ki = kernel_idx.astype(jnp.int32)

    pad = EP - E
    gi = ki * N + src
    gi_p = jnp.pad(
        jnp.concatenate([gi, jnp.zeros((pad,), jnp.int32)]).reshape(NW, G, C),
        ((0, 0), (0, GA - G), (0, 0)))
    dst_p = jnp.pad(
        jnp.concatenate([dst, jnp.full((pad,), N, jnp.int32)]).reshape(NW, G, C),
        ((0, 0), (0, GA - G), (0, 0)))
    zeros = jnp.zeros((ACC_N, D), jnp.float32)

    b1r, g1r, be1r = b1.reshape(1, D), g1.reshape(1, D), be1.reshape(1, D)
    b2r, g2r, be2r = b2.reshape(1, D), g2.reshape(1, D), be2.reshape(1, D)

    y1 = _mm(x, W1).reshape(K * N, D)
    p1 = _sc_gather_scatter(y1, gi_p, dst_p, zeros)
    y2 = _mid(p1, b1r, g1r, be1r, W2).reshape(K * N, D)
    p2 = _sc_gather_scatter(y2, gi_p, dst_p, zeros)
    return _final(p2, x, b2r, g2r, be2r)

# --- scband reference (transcript-rebuilt; emitter-appended) ---
"""Pipeline reference for scband-sp-middle-res-net-fhd-63385127355250 (READ-ONLY COPY).

The authoritative reference and input builder live on the scoring server;
editing this copy changes nothing except your own understanding.
"""

import jax, jax.numpy as jnp
import numpy as np

N_NODES = 10000
N_EDGES = 320000
D = 128
K = 27  # 3x3x3 kernel positions
BN_EPS = 1e-3


def setup_inputs(seed: int = 0) -> dict:
    key = jax.random.key(seed)
    ks = jax.random.split(key, 12)
    x = jax.random.normal(ks[0], (N_NODES, D), dtype=jnp.float32)
    edge_index = jax.random.randint(ks[1], (2, N_EDGES), 0, N_NODES, dtype=jnp.int64)
    kernel_idx = jax.random.randint(ks[2], (N_EDGES,), 0, K, dtype=jnp.int64)
    # SparseBasicBlock params (kaiming-uniform-ish scale)
    bound = 1.0 / np.sqrt(D * K)
    W1 = jax.random.uniform(ks[3], (K, D, D), dtype=jnp.float32, minval=-bound, maxval=bound)
    b1 = jax.random.uniform(ks[4], (D,), dtype=jnp.float32, minval=-bound, maxval=bound)
    g1 = jnp.ones((D,), dtype=jnp.float32)
    be1 = jnp.zeros((D,), dtype=jnp.float32)
    W2 = jax.random.uniform(ks[5], (K, D, D), dtype=jnp.float32, minval=-bound, maxval=bound)
    b2 = jax.random.uniform(ks[6], (D,), dtype=jnp.float32, minval=-bound, maxval=bound)
    g2 = jnp.ones((D,), dtype=jnp.float32)
    be2 = jnp.zeros((D,), dtype=jnp.float32)
    return {
        'x': x, 'edge_index': edge_index, 'kernel_idx': kernel_idx,
        'W1': W1, 'b1': b1, 'g1': g1, 'be1': be1,
        'W2': W2, 'b2': b2, 'g2': g2, 'be2': be2,
    }


def _subm_conv(feat, W, b, edge_index, kernel_idx, num_nodes):
    # spconv indice_subm_conv: for each kernel offset k, out[dst] += feat[src] @ W[k]
    # transform-first formulation: dense matmuls then edge gather + scatter-add
    y = jnp.einsum('nc,kcd->knd', feat, W)          # [K, N, D]
    msg = y[kernel_idx, edge_index[0]]              # gather per-edge messages [E, D]
    out = jax.ops.segment_sum(msg, edge_index[1], num_segments=num_nodes)  # scatter-add
    return out + b


def _bn1d(f, g, be):
    mu = jnp.mean(f, axis=0)
    var = jnp.var(f, axis=0)
    return (f - mu) * jax.lax.rsqrt(var + BN_EPS) * g + be


def reference(x, edge_index, kernel_idx, W1, b1, g1, be1, W2, b2, g2, be2):
    n = x.shape[0]
    out = _subm_conv(x, W1, b1, edge_index, kernel_idx, n)
    out = jax.nn.relu(_bn1d(out, g1, be1))
    out = _subm_conv(out, W2, b2, edge_index, kernel_idx, n)
    out = _bn1d(out, g2, be2)
    out = jax.nn.relu(out + x)   # residual identity add on sparse features
    return out

if __name__ == "__main__":
    import jax
    _d = setup_inputs()
    print(jax.jit(kernel)(*tuple(_d.values())))

</pallas_src>

<mosaic_0001>
#map = affine_map<(d0, d1) -> (0, 0)>
#map1 = affine_map<(d0, d1) -> (0, 0, 0)>
module attributes {stable_mosaic.version = 14 : i64} {
  func.func @k(%arg0: i32, %arg1: i32, %arg2: memref<270000x128xf32, #tpu.memory_space<hbm>>, %arg3: memref<32x104x104xi32, #tpu.memory_space<hbm>>, %arg4: memref<32x104x104xi32, #tpu.memory_space<hbm>>, %arg5: memref<10008x128xf32, #tpu.memory_space<hbm>>, %arg6: memref<2x10008x128xf32, #tpu.memory_space<hbm>>, %arg7: memref<40x104xi32, #tpu.memory_space<vmem>>, %arg8: memref<40x104xi32, #tpu.memory_space<vmem>>, %arg9: memref<104x128xf32, #tpu.memory_space<vmem>>, %arg10: memref<104x128xf32, #tpu.memory_space<vmem>>, %arg11: memref<104x128xf32, #tpu.memory_space<vmem>>, %arg12: memref<10008x128xf32, #tpu.memory_space<vmem_shared>>, %arg13: memref<!tpu.dma_semaphore, #tpu.memory_space<semaphore_mem>>, %arg14: memref<!tpu.dma_semaphore, #tpu.memory_space<semaphore_mem>>, %arg15: memref<!tpu.dma_semaphore, #tpu.memory_space<semaphore_mem>>, %arg16: memref<!tpu.dma_semaphore, #tpu.memory_space<semaphore_mem>>, %arg17: memref<!tpu.dma_semaphore, #tpu.memory_space<semaphore_mem>>, %arg18: memref<!tpu.dma_semaphore, #tpu.memory_space<semaphore_mem>>) attributes {dimension_semantics = [#tpu.dimension_semantics<core_parallel>, #tpu.dimension_semantics<subcore_parallel>], iteration_bounds = array<i64: 2, 16>, scalar_prefetch = 0 : i64, scratch_operands = 12 : i64, tpu.core_type = #tpu.core_type<sc_vector_subcore>, window_params = [{transform_indices = #map}, {transform_indices = #map1}, {transform_indices = #map1}, {transform_indices = #map}, {transform_indices = #map1}]} {
    %mul3A = arith.constant 16 : i32
    %mul3A_0 = arith.muli %arg0, %mul3A : i32
    %add3A = arith.addi %mul3A_0, %arg1 : i32
    %lt3A = arith.constant 15 : i32
    %lt3A_1 = arith.cmpi slt, %arg1, %lt3A : i32
    %convert_element_type3A = arith.extui %lt3A_1 : i1 to i32
    %cond3A = arith.constant 0 : i32
    %cond3A_2 = arith.cmpi ne, %convert_element_type3A, %cond3A : i32
    scf.if %cond3A_2 {
      %mul3A_397 = arith.constant 632 : i32
      %mul3A_398 = arith.muli %arg1, %mul3A_397 : i32
      %mul3A_399 = arith.constant 632 : i32
      %mul3A_400 = arith.muli %arg1, %mul3A_399 : i32
      "tpu.region"() ({
        %run_scoped3A = tpu.sem_alloc : memref<!tpu.dma_semaphore, #tpu.memory_space<semaphore_mem>>
        %dma_start3A_401 = arith.constant 0 : i32
        %dma_start3A_402 = tpu.memref_slice %arg12[%mul3A_400, %dma_start3A_401] : memref<10008x128xf32, #tpu.memory_space<vmem_shared>> -> memref<632x128xf32, #tpu.memory_space<vmem_shared>>
        %dma_start3A_403 = arith.constant 0 : i32
        %dma_start3A_404 = tpu.memref_slice %arg5[%mul3A_398, %dma_start3A_403] : memref<10008x128xf32, #tpu.memory_space<hbm>> -> memref<632x128xf32, #tpu.memory_space<hbm>>
        tpu.enqueue_dma source(%dma_start3A_404 : memref<632x128xf32, #tpu.memory_space<hbm>>) target(%dma_start3A_402 : memref<632x128xf32, #tpu.memory_space<vmem_shared>>) target_semaphore(%run_scoped3A : memref<!tpu.dma_semaphore, #tpu.memory_space<semaphore_mem>>)
        %dma_wait3A_405 = arith.constant 0 : i32
        %dma_wait3A_406 = tpu.memref_slice %arg12[%mul3A_400, %dma_wait3A_405] : memref<10008x128xf32, #tpu.memory_space<vmem_shared>> -> memref<632x128xf32, #tpu.memory_space<vmem_shared>>
        %dma_wait3A_407 = arith.constant 0 : i32
        %dma_wait3A_408 = tpu.memref_slice %arg5[%mul3A_398, %dma_wait3A_407] : memref<10008x128xf32, #tpu.memory_space<hbm>> -> memref<632x128xf32, #tpu.memory_space<hbm>>
        tpu.wait_dma2 semaphore(%run_scoped3A : memref<!tpu.dma_semaphore, #tpu.memory_space<semaphore_mem>>) src(%dma_wait3A_408 : memref<632x128xf32, #tpu.memory_space<hbm>>) dst(%dma_wait3A_406 : memref<632x128xf32, #tpu.memory_space<vmem_shared>>)
        tpu.yield
      }) : () -> ()
    } else {
    }
    %eq3A = arith.constant 15 : i32
    %eq3A_3 = arith.cmpi eq, %arg1, %eq3A : i32
    %convert_element_type3A_4 = arith.extui %eq3A_3 : i1 to i32
    %cond3A_5 = arith.constant 0 : i32
    %cond3A_6 = arith.cmpi ne, %convert_element_type3A_4, %cond3A_5 : i32
    scf.if %cond3A_6 {
      "tpu.region"() ({
        %run_scoped3A = tpu.sem_alloc : memref<!tpu.dma_semaphore, #tpu.memory_space<semaphore_mem>>
        %dma_start3A_397 = arith.constant 9480 : i32
        %dma_start3A_398 = arith.constant 0 : i32
        %dma_start3A_399 = tpu.memref_slice %arg12[%dma_start3A_397, %dma_start3A_398] : memref<10008x128xf32, #tpu.memory_space<vmem_shared>> -> memref<528x128xf32, #tpu.memory_space<vmem_shared>>
        %dma_start3A_400 = arith.constant 9480 : i32
        %dma_start3A_401 = arith.constant 0 : i32
        %dma_start3A_402 = tpu.memref_slice %arg5[%dma_start3A_400, %dma_start3A_401] : memref<10008x128xf32, #tpu.memory_space<hbm>> -> memref<528x128xf32, #tpu.memory_space<hbm>>
        tpu.enqueue_dma source(%dma_start3A_402 : memref<528x128xf32, #tpu.memory_space<hbm>>) target(%dma_start3A_399 : memref<528x128xf32, #tpu.memory_space<vmem_shared>>) target_semaphore(%run_scoped3A : memref<!tpu.dma_semaphore, #tpu.memory_space<semaphore_mem>>)
        %dma_wait3A_403 = arith.constant 9480 : i32
        %dma_wait3A_404 = arith.constant 0 : i32
        %dma_wait3A_405 = tpu.memref_slice %arg12[%dma_wait3A_403, %dma_wait3A_404] : memref<10008x128xf32, #tpu.memory_space<vmem_shared>> -> memref<528x128xf32, #tpu.memory_space<vmem_shared>>
        %dma_wait3A_406 = arith.constant 9480 : i32
        %dma_wait3A_407 = arith.constant 0 : i32
        %dma_wait3A_408 = tpu.memref_slice %arg5[%dma_wait3A_406, %dma_wait3A_407] : memref<10008x128xf32, #tpu.memory_space<hbm>> -> memref<528x128xf32, #tpu.memory_space<hbm>>
        tpu.wait_dma2 semaphore(%run_scoped3A : memref<!tpu.dma_semaphore, #tpu.memory_space<semaphore_mem>>) src(%dma_wait3A_408 : memref<528x128xf32, #tpu.memory_space<hbm>>) dst(%dma_wait3A_405 : memref<528x128xf32, #tpu.memory_space<vmem_shared>>)
        tpu.yield
      }) : () -> ()
    } else {
    }
    %barrier3A = arith.constant 0 : index
    tpu.barrier barrier_id(%barrier3A)
    "tpu.region"() ({
      %run_scoped3A = tpu.sem_alloc : memref<!tpu.dma_semaphore, #tpu.memory_space<semaphore_mem>>
      %dma_start3A_397 = arith.constant 0 : i32
      %dma_start3A_398 = arith.constant 0 : i32
      %dma_start3A_399 = tpu.memref_slice %arg7[%dma_start3A_397, %dma_start3A_398] : memref<40x104xi32, #tpu.memory_space<vmem>> -> memref<40x104xi32, #tpu.memory_space<vmem>>
      %dma_start3A_400 = arith.constant 0 : i32
      %dma_start3A_401 = arith.constant 0 : i32
      %dma_start3A_402 = tpu.memref_slice %arg3[%add3A, %dma_start3A_400, %dma_start3A_401] : memref<32x104x104xi32, #tpu.memory_space<hbm>> -> memref<1x40x104xi32, #tpu.memory_space<hbm>>
      %dma_start3A_403 = tpu.memref_squeeze %dma_start3A_402 : memref<1x40x104xi32, #tpu.memory_space<hbm>> -> memref<40x104xi32, #tpu.memory_space<hbm>>
      %dma_start3A_404 = arith.constant 0 : i32
      %dma_start3A_405 = arith.constant 0 : i32
      %dma_start3A_406 = tpu.memref_slice %arg7[%dma_start3A_404, %dma_start3A_405] : memref<40x104xi32, #tpu.memory_space<vmem>> -> memref<40x104xi32, #tpu.memory_space<vmem>>
      %dma_start3A_407 = arith.constant 0 : i32
      %dma_start3A_408 = arith.constant 0 : i32
      %dma_start3A_409 = tpu.memref_slice %arg3[%add3A, %dma_start3A_407, %dma_start3A_408] : memref<32x104x104xi32, #tpu.memory_space<hbm>> -> memref<1x40x104xi32, #tpu.memory_space<hbm>>
      %dma_start3A_410 = tpu.memref_squeeze %dma_start3A_409 : memref<1x40x104xi32, #tpu.memory_space<hbm>> -> memref<40x104xi32, #tpu.memory_space<hbm>>
      tpu.enqueue_dma source(%dma_start3A_410 : memref<40x104xi32, #tpu.memory_space<hbm>>) target(%dma_start3A_406 : memref<40x104xi32, #tpu.memory_space<vmem>>) target_semaphore(%run_scoped3A : memref<!tpu.dma_semaphore, #tpu.memory_space<semaphore_mem>>)
      %dma_wait3A_411 = arith.constant 0 : i32
      %dma_wait3A_412 = arith.constant 0 : i32
      %dma_wait3A_413 = tpu.memref_slice %arg7[%dma_wait3A_411, %dma_wait3A_412] : memref<40x104xi32, #tpu.memory_space<vmem>> -> memref<40x104xi32, #tpu.memory_space<vmem>>
      %dma_wait3A_414 = arith.constant 0 : i32
      %dma_wait3A_415 = arith.constant 0 : i32
      %dma_wait3A_416 = tpu.memref_slice %arg3[%add3A, %dma_wait3A_414, %dma_wait3A_415] : memref<32x104x104xi32, #tpu.memory_space<hbm>> -> memref<1x40x104xi32, #tpu.memory_space<hbm>>
      %dma_wait3A_417 = tpu.memref_squeeze %dma_wait3A_416 : memref<1x40x104xi32, #tpu.memory_space<hbm>> -> memref<40x104xi32, #tpu.memory_space<hbm>>
      %dma_wait3A_418 = arith.constant 0 : i32
      %dma_wait3A_419 = arith.constant 0 : i32
      %dma_wait3A_420 = tpu.memref_slice %arg7[%dma_wait3A_418, %dma_wait3A_419] : memref<40x104xi32, #tpu.memory_space<vmem>> -> memref<40x104xi32, #tpu.memory_space<vmem>>
      %dma_wait3A_421 = arith.constant 0 : i32
      %dma_wait3A_422 = arith.constant 0 : i32
      %dma_wait3A_423 = tpu.memref_slice %arg3[%add3A, %dma_wait3A_421, %dma_wait3A_422] : memref<32x104x104xi32, #tpu.memory_space<hbm>> -> memref<1x40x104xi32, #tpu.memory_space<hbm>>
      %dma_wait3A_424 = tpu.memref_squeeze %dma_wait3A_423 : memref<1x40x104xi32, #tpu.memory_space<hbm>> -> memref<40x104xi32, #tpu.memory_space<hbm>>
      tpu.wait_dma2 semaphore(%run_scoped3A : memref<!tpu.dma_semaphore, #tpu.memory_space<semaphore_mem>>) src(%dma_wait3A_424 : memref<40x104xi32, #tpu.memory_space<hbm>>) dst(%dma_wait3A_420 : memref<40x104xi32, #tpu.memory_space<vmem>>)
      tpu.yield
    }) : () -> ()
    "tpu.region"() ({
      %run_scoped3A = tpu.sem_alloc : memref<!tpu.dma_semaphore, #tpu.memory_space<semaphore_mem>>
      %dma_start3A_397 = arith.constant 0 : i32
      %dma_start3A_398 = arith.constant 0 : i32
      %dma_start3A_399 = tpu.memref_slice %arg8[%dma_start3A_397, %dma_start3A_398] : memref<40x104xi32, #tpu.memory_space<vmem>> -> memref<40x104xi32, #tpu.memory_space<vmem>>
      %dma_start3A_400 = arith.constant 0 : i32
      %dma_start3A_401 = arith.constant 0 : i32
      %dma_start3A_402 = tpu.memref_slice %arg4[%add3A, %dma_start3A_400, %dma_start3A_401] : memref<32x104x104xi32, #tpu.memory_space<hbm>> -> memref<1x40x104xi32, #tpu.memory_space<hbm>>
      %dma_start3A_403 = tpu.memref_squeeze %dma_start3A_402 : memref<1x40x104xi32, #tpu.memory_space<hbm>> -> memref<40x104xi32, #tpu.memory_space<hbm>>
      %dma_start3A_404 = arith.constant 0 : i32
      %dma_start3A_405 = arith.constant 0 : i32
      %dma_start3A_406 = tpu.memref_slice %arg8[%dma_start3A_404, %dma_start3A_405] : memref<40x104xi32, #tpu.memory_space<vmem>> -> memref<40x104xi32, #tpu.memory_space<vmem>>
      %dma_start3A_407 = arith.constant 0 : i32
      %dma_start3A_408 = arith.constant 0 : i32
      %dma_start3A_409 = tpu.memref_slice %arg4[%add3A, %dma_start3A_407, %dma_start3A_408] : memref<32x104x104xi32, #tpu.memory_space<hbm>> -> memref<1x40x104xi32, #tpu.memory_space<hbm>>
      %dma_start3A_410 = tpu.memref_squeeze %dma_start3A_409 : memref<1x40x104xi32, #tpu.memory_space<hbm>> -> memref<40x104xi32, #tpu.memory_space<hbm>>
      tpu.enqueue_dma source(%dma_start3A_410 : memref<40x104xi32, #tpu.memory_space<hbm>>) target(%dma_start3A_406 : memref<40x104xi32, #tpu.memory_space<vmem>>) target_semaphore(%run_scoped3A : memref<!tpu.dma_semaphore, #tpu.memory_space<semaphore_mem>>)
      %dma_wait3A_411 = arith.constant 0 : i32
      %dma_wait3A_412 = arith.constant 0 : i32
      %dma_wait3A_413 = tpu.memref_slice %arg8[%dma_wait3A_411, %dma_wait3A_412] : memref<40x104xi32, #tpu.memory_space<vmem>> -> memref<40x104xi32, #tpu.memory_space<vmem>>
      %dma_wait3A_414 = arith.constant 0 : i32
      %dma_wait3A_415 = arith.constant 0 : i32
      %dma_wait3A_416 = tpu.memref_slice %arg4[%add3A, %dma_wait3A_414, %dma_wait3A_415] : memref<32x104x104xi32, #tpu.memory_space<hbm>> -> memref<1x40x104xi32, #tpu.memory_space<hbm>>
      %dma_wait3A_417 = tpu.memref_squeeze %dma_wait3A_416 : memref<1x40x104xi32, #tpu.memory_space<hbm>> -> memref<40x104xi32, #tpu.memory_space<hbm>>
      %dma_wait3A_418 = arith.constant 0 : i32
      %dma_wait3A_419 = arith.constant 0 : i32
      %dma_wait3A_420 = tpu.memref_slice %arg8[%dma_wait3A_418, %dma_wait3A_419] : memref<40x104xi32, #tpu.memory_space<vmem>> -> memref<40x104xi32, #tpu.memory_space<vmem>>
      %dma_wait3A_421 = arith.constant 0 : i32
      %dma_wait3A_422 = arith.constant 0 : i32
      %dma_wait3A_423 = tpu.memref_slice %arg4[%add3A, %dma_wait3A_421, %dma_wait3A_422] : memref<32x104x104xi32, #tpu.memory_space<hbm>> -> memref<1x40x104xi32, #tpu.memory_space<hbm>>
      %dma_wait3A_424 = tpu.memref_squeeze %dma_wait3A_423 : memref<1x40x104xi32, #tpu.memory_space<hbm>> -> memref<40x104xi32, #tpu.memory_space<hbm>>
      tpu.wait_dma2 semaphore(%run_scoped3A : memref<!tpu.dma_semaphore, #tpu.memory_space<semaphore_mem>>) src(%dma_wait3A_424 : memref<40x104xi32, #tpu.memory_space<hbm>>) dst(%dma_wait3A_420 : memref<40x104xi32, #tpu.memory_space<vmem>>)
      tpu.yield
    }) : () -> ()
    %dma_start3A = arith.constant 0 : i32
    %dma_start3A_7 = arith.constant 0 : i32
    %dma_start3A_8 = tpu.memref_slice %arg7[%dma_start3A, %dma_start3A_7] : memref<40x104xi32, #tpu.memory_space<vmem>> -> memref<1x104xi32, #tpu.memory_space<vmem>>
    %dma_start3A_9 = tpu.memref_squeeze %dma_start3A_8 : memref<1x104xi32, #tpu.memory_space<vmem>> -> memref<104xi32, #tpu.memory_space<vmem>>
    %dma_start3A_10 = arith.constant 0 : i32
    %dma_start3A_11 = arith.constant 0 : i32
    %dma_start3A_12 = tpu.memref_slice %arg2[%dma_start3A_10, %dma_start3A_11] : memref<270000x128xf32, #tpu.memory_space<hbm>> -> memref<270000x128xf32, #tpu.memory_space<hbm>>
    tpu.enqueue_indirect_dma source(%dma_start3A_12 : memref<270000x128xf32, #tpu.memory_space<hbm>>) target(%arg9 : memref<104x128xf32, #tpu.memory_space<vmem>>) offsets(%dma_start3A_9 : memref<104xi32, #tpu.memory_space<vmem>>) semaphore(%arg13 : memref<!tpu.dma_semaphore, #tpu.memory_space<semaphore_mem>>)
    %dma_start3A_13 = arith.constant 1 : i32
    %dma_start3A_14 = arith.constant 0 : i32
    %dma_start3A_15 = tpu.memref_slice %arg7[%dma_start3A_13, %dma_start3A_14] : memref<40x104xi32, #tpu.memory_space<vmem>> -> memref<1x104xi32, #tpu.memory_space<vmem>>
    %dma_start3A_16 = tpu.memref_squeeze %dma_start3A_15 : memref<1x104xi32, #tpu.memory_space<vmem>> -> memref<104xi32, #tpu.memory_space<vmem>>
    %dma_start3A_17 = arith.constant 0 : i32
    %dma_start3A_18 = arith.constant 0 : i32
    %dma_start3A_19 = tpu.memref_slice %arg2[%dma_start3A_17, %dma_start3A_18] : memref<270000x128xf32, #tpu.memory_space<hbm>> -> memref<270000x128xf32, #tpu.memory_space<hbm>>
    tpu.enqueue_indirect_dma source(%dma_start3A_19 : memref<270000x128xf32, #tpu.memory_space<hbm>>) target(%arg10 : memref<104x128xf32, #tpu.memory_space<vmem>>) offsets(%dma_start3A_16 : memref<104xi32, #tpu.memory_space<vmem>>) semaphore(%arg14 : memref<!tpu.dma_semaphore, #tpu.memory_space<semaphore_mem>>)
    %dma_wait3A = arith.constant 0 : i32
    %dma_wait3A_20 = arith.constant 0 : i32
    %dma_wait3A_21 = tpu.memref_slice %arg7[%dma_wait3A, %dma_wait3A_20] : memref<40x104xi32, #tpu.memory_space<vmem>> -> memref<1x104xi32, #tpu.memory_space<vmem>>
    %dma_wait3A_22 = tpu.memref_squeeze %dma_wait3A_21 : memref<1x104xi32, #tpu.memory_space<vmem>> -> memref<104xi32, #tpu.memory_space<vmem>>
    %dma_wait3A_23 = arith.constant 0 : i32
    %dma_wait3A_24 = arith.constant 0 : i32
    %dma_wait3A_25 = tpu.memref_slice %arg2[%dma_wait3A_23, %dma_wait3A_24] : memref<270000x128xf32, #tpu.memory_space<hbm>> -> memref<270000x128xf32, #tpu.memory_space<hbm>>
    tpu.wait_indirect_dma semaphore(%arg13 : memref<!tpu.dma_semaphore, #tpu.memory_space<semaphore_mem>>) src(%dma_wait3A_25 : memref<270000x128xf32, #tpu.memory_space<hbm>>) dst(%arg9 : memref<104x128xf32, #tpu.memory_space<vmem>>)
    %dma_start3A_26 = arith.constant 0 : i32
    %dma_start3A_27 = arith.constant 0 : i32
    %dma_start3A_28 = tpu.memref_slice %arg8[%dma_start3A_26, %dma_start3A_27] : memref<40x104xi32, #tpu.memory_space<vmem>> -> memref<1x104xi32, #tpu.memory_space<vmem>>
    %dma_start3A_29 = tpu.memref_squeeze %dma_start3A_28 : memref<1x104xi32, #tpu.memory_space<vmem>> -> memref<104xi32, #tpu.memory_space<vmem>>
    %dma_start3A_30 = arith.constant 0 : i32
    %dma_start3A_31 = arith.constant 0 : i32
    %dma_start3A_32 = tpu.memref_slice %arg12[%dma_start3A_30, %dma_start3A_31] : memref<10008x128xf32, #tpu.memory_space<vmem_shared>> -> memref<10008x128xf32, #tpu.memory_space<vmem_shared>>
    tpu.enqueue_indirect_dma source(%arg9 : memref<104x128xf32, #tpu.memory_space<vmem>>) target(%dma_start3A_32 : memref<10008x128xf32, #tpu.memory_space<vmem_shared>>) offsets(%dma_start3A_29 : memref<104xi32, #tpu.memory_space<vmem>>) semaphore(%arg16 : memref<!tpu.dma_semaphore, #tpu.memory_space<semaphore_mem>>) {add = true}
    %dma_start3A_33 = arith.constant 2 : i32
    %dma_start3A_34 = arith.constant 0 : i32
    %dma_start3A_35 = tpu.memref_slice %arg7[%dma_start3A_33, %dma_start3A_34] : memref<40x104xi32, #tpu.memory_space<vmem>> -> memref<1x104xi32, #tpu.memory_space<vmem>>
    %dma_start3A_36 = tpu.memref_squeeze %dma_start3A_35 : memref<1x104xi32, #tpu.memory_space<vmem>> -> memref<104xi32, #tpu.memory_space<vmem>>
    %dma_start3A_37 = arith.constant 0 : i32
    %dma_start3A_38 = arith.constant 0 : i32
    %dma_start3A_39 = tpu.memref_slice %arg2[%dma_start3A_37, %dma_start3A_38] : memref<270000x128xf32, #tpu.memory_space<hbm>> -> memref<270000x128xf32, #tpu.memory_space<hbm>>
    tpu.enqueue_indirect_dma source(%dma_start3A_39 : memref<270000x128xf32, #tpu.memory_space<hbm>>) target(%arg11 : memref<104x128xf32, #tpu.memory_space<vmem>>) offsets(%dma_start3A_36 : memref<104xi32, #tpu.memory_space<vmem>>) semaphore(%arg15 : memref<!tpu.dma_semaphore, #tpu.memory_space<semaphore_mem>>)
    %dma_wait3A_40 = arith.constant 1 : i32
    %dma_wait3A_41 = arith.constant 0 : i32
    %dma_wait3A_42 = tpu.memref_slice %arg7[%dma_wait3A_40, %dma_wait3A_41] : memref<40x104xi32, #tpu.memory_space<vmem>> -> memref<1x104xi32, #tpu.memory_space<vmem>>
    %dma_wait3A_43 = tpu.memref_squeeze %dma_wait3A_42 : memref<1x104xi32, #tpu.memory_space<vmem>> -> memref<104xi32, #tpu.memory_space<vmem>>
    %dma_wait3A_44 = arith.constant 0 : i32
    %dma_wait3A_45 = arith.constant 0 : i32
    %dma_wait3A_46 = tpu.memref_slice %arg2[%dma_wait3A_44, %dma_wait3A_45] : memref<270000x128xf32, #tpu.memory_space<hbm>> -> memref<270000x128xf32, #tpu.memory_space<hbm>>
    tpu.wait_indirect_dma semaphore(%arg14 : memref<!tpu.dma_semaphore, #tpu.memory_space<semaphore_mem>>) src(%dma_wait3A_46 : memref<270000x128xf32, #tpu.memory_space<hbm>>) dst(%arg10 : memref<104x128xf32, #tpu.memory_space<vmem>>)
    %dma_start3A_47 = arith.constant 1 : i32
    %dma_start3A_48 = arith.constant 0 : i32
    %dma_start3A_49 = tpu.memref_slice %arg8[%dma_start3A_47, %dma_start3A_48] : memref<40x104xi32, #tpu.memory_space<vmem>> -> memref<1x104xi32, #tpu.memory_space<vmem>>
    %dma_start3A_50 = tpu.memref_squeeze %dma_start3A_49 : memref<1x104xi32, #tpu.memory_space<vmem>> -> memref<104xi32, #tpu.memory_space<vmem>>
    %dma_start3A_51 = arith.constant 0 : i32
    %dma_start3A_52 = arith.constant 0 : i32
    %dma_start3A_53 = tpu.memref_slice %arg12[%dma_start3A_51, %dma_start3A_52] : memref<10008x128xf32, #tpu.memory_space<vmem_shared>> -> memref<10008x128xf32, #tpu.memory_space<vmem_shared>>
    tpu.enqueue_indirect_dma source(%arg10 : memref<104x128xf32, #tpu.memory_space<vmem>>) target(%dma_start3A_53 : memref<10008x128xf32, #tpu.memory_space<vmem_shared>>) offsets(%dma_start3A_50 : memref<104xi32, #tpu.memory_space<vmem>>) semaphore(%arg17 : memref<!tpu.dma_semaphore, #tpu.memory_space<semaphore_mem>>) {add = true}
    %dma_wait3A_54 = arith.constant 1 : i32
    %dma_wait3A_55 = arith.constant 0 : i32
    %dma_wait3A_56 = tpu.memref_slice %arg8[%dma_wait3A_54, %dma_wait3A_55] : memref<40x104xi32, #tpu.memory_space<vmem>> -> memref<1x104xi32, #tpu.memory_space<vmem>>
    %dma_wait3A_57 = tpu.memref_squeeze %dma_wait3A_56 : memref<1x104xi32, #tpu.memory_space<vmem>> -> memref<104xi32, #tpu.memory_space<vmem>>
    %dma_wait3A_58 = arith.constant 0 : i32
    %dma_wait3A_59 = arith.constant 0 : i32
    %dma_wait3A_60 = tpu.memref_slice %arg12[%dma_wait3A_58, %dma_wait3A_59] : memref<10008x128xf32, #tpu.memory_space<vmem_shared>> -> memref<10008x128xf32, #tpu.memory_space<vmem_shared>>
    tpu.wait_indirect_dma semaphore(%arg16 : memref<!tpu.dma_semaphore, #tpu.memory_space<semaphore_mem>>) src(%arg9 : memref<104x128xf32, #tpu.memory_space<vmem>>) dst(%dma_wait3A_60 : memref<10008x128xf32, #tpu.memory_space<vmem_shared>>)
    %dma_start3A_61 = arith.constant 3 : i32
    %dma_start3A_62 = arith.constant 0 : i32
    %dma_start3A_63 = tpu.memref_slice %arg7[%dma_start3A_61, %dma_start3A_62] : memref<40x104xi32, #tpu.memory_space<vmem>> -> memref<1x104xi32, #tpu.memory_space<vmem>>
    %dma_start3A_64 = tpu.memref_squeeze %dma_start3A_63 : memref<1x104xi32, #tpu.memory_space<vmem>> -> memref<104xi32, #tpu.memory_space<vmem>>
    %dma_start3A_65 = arith.constant 0 : i32
    %dma_start3A_66 = arith.constant 0 : i32
    %dma_start3A_67 = tpu.memref_slice %arg2[%dma_start3A_65, %dma_start3A_66] : memref<270000x128xf32, #tpu.memory_space<hbm>> -> memref<270000x128xf32, #tpu.memory_space<hbm>>
    tpu.enqueue_indirect_dma source(%dma_start3A_67 : memref<270000x128xf32, #tpu.memory_space<hbm>>) target(%arg9 : memref<104x128xf32, #tpu.memory_space<vmem>>) offsets(%dma_start3A_64 : memref<104xi32, #tpu.memory_space<vmem>>) semaphore(%arg13 : memref<!tpu.dma_semaphore, #tpu.memory_space<semaphore_mem>>)
    %scan3A = arith.constant 0 : i32
    %scan3A_68 = arith.constant 0 : i32
    %scan3A_69 = arith.constant 12 : i32
    %scan3A_70 = arith.addi %scan3A_68, %scan3A_69 : i32
    %scan3A_71 = arith.constant 1 : i32
    scf.for %scan3A_397 = %scan3A_68 to %scan3A_70 step %scan3A_71  : i32 {
      %mul3A_398 = arith.constant 3 : i32
      %mul3A_399 = arith.muli %mul3A_398, %scan3A_397 : i32
      %add3A_400 = arith.constant 2 : i32
      %add3A_401 = arith.addi %add3A_400, %mul3A_399 : i32
      %add3A_402 = arith.constant 0 : i32
      %add3A_403 = arith.addi %add3A_401, %add3A_402 : i32
      %add3A_404 = arith.constant 2 : i32
      %add3A_405 = arith.addi %add3A_403, %add3A_404 : i32
      %dma_wait3A_406 = arith.constant 0 : i32
      %dma_wait3A_407 = tpu.memref_slice %arg7[%add3A_403, %dma_wait3A_406] : memref<40x104xi32, #tpu.memory_space<vmem>> -> memref<1x104xi32, #tpu.memory_space<vmem>>
      %dma_wait3A_408 = tpu.memref_squeeze %dma_wait3A_407 : memref<1x104xi32, #tpu.memory_space<vmem>> -> memref<104xi32, #tpu.memory_space<vmem>>
      %dma_wait3A_409 = arith.constant 0 : i32
      %dma_wait3A_410 = arith.constant 0 : i32
      %dma_wait3A_411 = tpu.memref_slice %arg2[%dma_wait3A_409, %dma_wait3A_410] : memref<270000x128xf32, #tpu.memory_space<hbm>> -> memref<270000x128xf32, #tpu.memory_space<hbm>>
      tpu.wait_indirect_dma semaphore(%arg15 : memref<!tpu.dma_semaphore, #tpu.memory_space<semaphore_mem>>) src(%dma_wait3A_411 : memref<270000x128xf32, #tpu.memory_space<hbm>>) dst(%arg11 : memref<104x128xf32, #tpu.memory_space<vmem>>)
      %dma_start3A_412 = arith.constant 0 : i32
      %dma_start3A_413 = tpu.memref_slice %arg8[%add3A_403, %dma_start3A_412] : memref<40x104xi32, #tpu.memory_space<vmem>> -> memref<1x104xi32, #tpu.memory_space<vmem>>
      %dma_start3A_414 = tpu.memref_squeeze %dma_start3A_413 : memref<1x104xi32, #tpu.memory_space<vmem>> -> memref<104xi32, #tpu.memory_space<vmem>>
      %dma_start3A_415 = arith.constant 0 : i32
      %dma_start3A_416 = arith.constant 0 : i32
      %dma_start3A_417 = tpu.memref_slice %arg12[%dma_start3A_415, %dma_start3A_416] : memref<10008x128xf32, #tpu.memory_space<vmem_shared>> -> memref<10008x128xf32, #tpu.memory_space<vmem_shared>>
      tpu.enqueue_indirect_dma source(%arg11 : memref<104x128xf32, #tpu.memory_space<vmem>>) target(%dma_start3A_417 : memref<10008x128xf32, #tpu.memory_space<vmem_shared>>) offsets(%dma_start3A_414 : memref<104xi32, #tpu.memory_space<vmem>>) semaphore(%arg18 : memref<!tpu.dma_semaphore, #tpu.memory_space<semaphore_mem>>) {add = true}
      %dma_wait3A_418 = arith.constant 0 : i32
      %dma_wait3A_419 = tpu.memref_slice %arg8[%add3A_403, %dma_wait3A_418] : memref<40x104xi32, #tpu.memory_space<vmem>> -> memref<1x104xi32, #tpu.memory_space<vmem>>
      %dma_wait3A_420 = tpu.memref_squeeze %dma_wait3A_419 : memref<1x104xi32, #tpu.memory_space<vmem>> -> memref<104xi32, #tpu.memory_space<vmem>>
      %dma_wait3A_421 = arith.constant 0 : i32
      %dma_wait3A_422 = arith.constant 0 : i32
      %dma_wait3A_423 = tpu.memref_slice %arg12[%dma_wait3A_421, %dma_wait3A_422] : memref<10008x128xf32, #tpu.memory_space<vmem_shared>> -> memref<10008x128xf32, #tpu.memory_space<vmem_shared>>
      tpu.wait_indirect_dma semaphore(%arg17 : memref<!tpu.dma_semaphore, #tpu.memory_space<semaphore_mem>>) src(%arg10 : memref<104x128xf32, #tpu.memory_space<vmem>>) dst(%dma_wait3A_423 : memref<10008x128xf32, #tpu.memory_space<vmem_shared>>)
      %dma_start3A_424 = arith.constant 0 : i32
      %dma_start3A_425 = tpu.memref_slice %arg7[%add3A_405, %dma_start3A_424] : memref<40x104xi32, #tpu.memory_space<vmem>> -> memref<1x104xi32, #tpu.memory_space<vmem>>
      %dma_start3A_426 = tpu.memref_squeeze %dma_start3A_425 : memref<1x104xi32, #tpu.memory_space<vmem>> -> memref<104xi32, #tpu.memory_space<vmem>>
      %dma_start3A_427 = arith.constant 0 : i32
      %dma_start3A_428 = arith.constant 0 : i32
      %dma_start3A_429 = tpu.memref_slice %arg2[%dma_start3A_427, %dma_start3A_428] : memref<270000x128xf32, #tpu.memory_space<hbm>> -> memref<270000x128xf32, #tpu.memory_space<hbm>>
      tpu.enqueue_indirect_dma source(%dma_start3A_429 : memref<270000x128xf32, #tpu.memory_space<hbm>>) target(%arg10 : memref<104x128xf32, #tpu.memory_space<vmem>>) offsets(%dma_start3A_426 : memref<104xi32, #tpu.memory_space<vmem>>) semaphore(%arg14 : memref<!tpu.dma_semaphore, #tpu.memory_space<semaphore_mem>>)
      %mul3A_430 = arith.constant 3 : i32
      %mul3A_431 = arith.muli %mul3A_430, %scan3A_397 : i32
      %add3A_432 = arith.constant 2 : i32
      %add3A_433 = arith.addi %add3A_432, %mul3A_431 : i32
      %add3A_434 = arith.constant 1 : i32
      %add3A_435 = arith.addi %add3A_433, %add3A_434 : i32
      %add3A_436 = arith.constant 2 : i32
      %add3A_437 = arith.addi %add3A_435, %add3A_436 : i32
      %dma_wait3A_438 = arith.constant 0 : i32
      %dma_wait3A_439 = tpu.memref_slice %arg7[%add3A_435, %dma_wait3A_438] : memref<40x104xi32, #tpu.memory_space<vmem>> -> memref<1x104xi32, #tpu.memory_space<vmem>>
      %dma_wait3A_440 = tpu.memref_squeeze %dma_wait3A_439 : memref<1x104xi32, #tpu.memory_space<vmem>> -> memref<104xi32, #tpu.memory_space<vmem>>
      %dma_wait3A_441 = arith.constant 0 : i32
      %dma_wait3A_442 = arith.constant 0 : i32
      %dma_wait3A_443 = tpu.memref_slice %arg2[%dma_wait3A_441, %dma_wait3A_442] : memref<270000x128xf32, #tpu.memory_space<hbm>> -> memref<270000x128xf32, #tpu.memory_space<hbm>>
      tpu.wait_indirect_dma semaphore(%arg13 : memref<!tpu.dma_semaphore, #tpu.memory_space<semaphore_mem>>) src(%dma_wait3A_443 : memref<270000x128xf32, #tpu.memory_space<hbm>>) dst(%arg9 : memref<104x128xf32, #tpu.memory_space<vmem>>)
      %dma_start3A_444 = arith.constant 0 : i32
      %dma_start3A_445 = tpu.memref_slice %arg8[%add3A_435, %dma_start3A_444] : memref<40x104xi32, #tpu.memory_space<vmem>> -> memref<1x104xi32, #tpu.memory_space<vmem>>
      %dma_start3A_446 = tpu.memref_squeeze %dma_start3A_445 : memref<1x104xi32, #tpu.memory_space<vmem>> -> memref<104xi32, #tpu.memory_space<vmem>>
      %dma_start3A_447 = arith.constant 0 : i32
      %dma_start3A_448 = arith.constant 0 : i32
      %dma_start3A_449 = tpu.memref_slice %arg12[%dma_start3A_447, %dma_start3A_448] : memref<10008x128xf32, #tpu.memory_space<vmem_shared>> -> memref<10008x128xf32, #tpu.memory_space<vmem_shared>>
      tpu.enqueue_indirect_dma source(%arg9 : memref<104x128xf32, #tpu.memory_space<vmem>>) target(%dma_start3A_449 : memref<10008x128xf32, #tpu.memory_space<vmem_shared>>) offsets(%dma_start3A_446 : memref<104xi32, #tpu.memory_space<vmem>>) semaphore(%arg16 : memref<!tpu.dma_semaphore, #tpu.memory_space<semaphore_mem>>) {add = true}
      %dma_wait3A_450 = arith.constant 0 : i32
      %dma_wait3A_451 = tpu.memref_slice %arg8[%add3A_435, %dma_wait3A_450] : memref<40x104xi32, #tpu.memory_space<vmem>> -> memref<1x104xi32, #tpu.memory_space<vmem>>
      %dma_wait3A_452 = tpu.memref_squeeze %dma_wait3A_451 : memref<1x104xi32, #tpu.memory_space<vmem>> -> memref<104xi32, #tpu.memory_space<vmem>>
      %dma_wait3A_453 = arith.constant 0 : i32
      %dma_wait3A_454 = arith.constant 0 : i32
      %dma_wait3A_455 = tpu.memref_slice %arg12[%dma_wait3A_453, %dma_wait3A_454] : memref<10008x128xf32, #tpu.memory_space<vmem_shared>> -> memref<10008x128xf32, #tpu.memory_space<vmem_shared>>
      tpu.wait_indirect_dma semaphore(%arg18 : memref<!tpu.dma_semaphore, #tpu.memory_space<semaphore_mem>>) src(%arg11 : memref<104x128xf32, #tpu.memory_space<vmem>>) dst(%dma_wait3A_455 : memref<10008x128xf32, #tpu.memory_space<vmem_shared>>)
      %dma_start3A_456 = arith.constant 0 : i32
      %dma_start3A_457 = tpu.memref_slice %arg7[%add3A_437, %dma_start3A_456] : memref<40x104xi32, #tpu.memory_space<vmem>> -> memref<1x104xi32, #tpu.memory_space<vmem>>
      %dma_start3A_458 = tpu.memref_squeeze %dma_start3A_457 : memref<1x104xi32, #tpu.memory_space<vmem>> -> memref<104xi32, #tpu.memory_space<vmem>>
      %dma_start3A_459 = arith.constant 0 : i32
      %dma_start3A_460 = arith.constant 0 : i32
      %dma_start3A_461 = tpu.memref_slice %arg2[%dma_start3A_459, %dma_start3A_460] : memref<270000x128xf32, #tpu.memory_space<hbm>> -> memref<270000x128xf32, #tpu.memory_space<hbm>>
      tpu.enqueue_indirect_dma source(%dma_start3A_461 : memref<270000x128xf32, #tpu.memory_space<hbm>>) target(%arg11 : memref<104x128xf32, #tpu.memory_space<vmem>>) offsets(%dma_start3A_458 : memref<104xi32, #tpu.memory_space<vmem>>) semaphore(%arg15 : memref<!tpu.dma_semaphore, #tpu.memory_space<semaphore_mem>>)
      %mul3A_462 = arith.constant 3 : i32
      %mul3A_463 = arith.muli %mul3A_462, %scan3A_397 : i32
      %add3A_464 = arith.constant 2 : i32
      %add3A_465 = arith.addi %add3A_464, %mul3A_463 : i32
      %add3A_466 = arith.constant 2 : i32
      %add3A_467 = arith.addi %add3A_465, %add3A_466 : i32
      %add3A_468 = arith.constant 2 : i32
      %add3A_469 = arith.addi %add3A_467, %add3A_468 : i32
      %dma_wait3A_470 = arith.constant 0 : i32
      %dma_wait3A_471 = tpu.memref_slice %arg7[%add3A_467, %dma_wait3A_470] : memref<40x104xi32, #tpu.memory_space<vmem>> -> memref<1x104xi32, #tpu.memory_space<vmem>>
      %dma_wait3A_472 = tpu.memref_squeeze %dma_wait3A_471 : memref<1x104xi32, #tpu.memory_space<vmem>> -> memref<104xi32, #tpu.memory_space<vmem>>
      %dma_wait3A_473 = arith.constant 0 : i32
      %dma_wait3A_474 = arith.constant 0 : i32
      %dma_wait3A_475 = tpu.memref_slice %arg2[%dma_wait3A_473, %dma_wait3A_474] : memref<270000x128xf32, #tpu.memory_space<hbm>> -> memref<270000x128xf32, #tpu.memory_space<hbm>>
      tpu.wait_indirect_dma semaphore(%arg14 : memref<!tpu.dma_semaphore, #tpu.memory_space<semaphore_mem>>) src(%dma_wait3A_475 : memref<270000x128xf32, #tpu.memory_space<hbm>>) dst(%arg10 : memref<104x128xf32, #tpu.memory_space<vmem>>)
      %dma_start3A_476 = arith.constant 0 : i32
      %dma_start3A_477 = tpu.memref_slice %arg8[%add3A_467, %dma_start3A_476] : memref<40x104xi32, #tpu.memory_space<vmem>> -> memref<1x104xi32, #tpu.memory_space<vmem>>
      %dma_start3A_478 = tpu.memref_squeeze %dma_start3A_477 : memref<1x104xi32, #tpu.memory_space<vmem>> -> memref<104xi32, #tpu.memory_space<vmem>>
      %dma_start3A_479 = arith.constant 0 : i32
      %dma_start3A_480 = arith.constant 0 : i32
      %dma_start3A_481 = tpu.memref_slice %arg12[%dma_start3A_479, %dma_start3A_480] : memref<10008x128xf32, #tpu.memory_space<vmem_shared>> -> memref<10008x128xf32, #tpu.memory_space<vmem_shared>>
      tpu.enqueue_indirect_dma source(%arg10 : memref<104x128xf32, #tpu.memory_space<vmem>>) target(%dma_start3A_481 : memref<10008x128xf32, #tpu.memory_space<vmem_shared>>) offsets(%dma_start3A_478 : memref<104xi32, #tpu.memory_space<vmem>>) semaphore(%arg17 : memref<!tpu.dma_semaphore, #tpu.memory_space<semaphore_mem>>) {add = true}
      %dma_wait3A_482 = arith.constant 0 : i32
      %dma_wait3A_483 = tpu.memref_slice %arg8[%add3A_467, %dma_wait3A_482] : memref<40x104xi32, #tpu.memory_space<vmem>> -> memref<1x104xi32, #tpu.memory_space<vmem>>
      %dma_wait3A_484 = tpu.memref_squeeze %dma_wait3A_483 : memref<1x104xi32, #tpu.memory_space<vmem>> -> memref<104xi32, #tpu.memory_space<vmem>>
      %dma_wait3A_485 = arith.constant 0 : i32
      %dma_wait3A_486 = arith.constant 0 : i32
      %dma_wait3A_487 = tpu.memref_slice %arg12[%dma_wait3A_485, %dma_wait3A_486] : memref<10008x128xf32, #tpu.memory_space<vmem_shared>> -> memref<10008x128xf32, #tpu.memory_space<vmem_shared>>
      tpu.wait_indirect_dma semaphore(%arg16 : memref<!tpu.dma_semaphore, #tpu.memory_space<semaphore_mem>>) src(%arg9 : memref<104x128xf32, #tpu.memory_space<vmem>>) dst(%dma_wait3A_487 : memref<10008x128xf32, #tpu.memory_space<vmem_shared>>)
      %dma_start3A_488 = arith.constant 0 : i32
      %dma_start3A_489 = tpu.memref_slice %arg7[%add3A_469, %dma_start3A_488] : memref<40x104xi32, #tpu.memory_space<vmem>> -> memref<1x104xi32, #tpu.memory_space<vmem>>
      %dma_start3A_490 = tpu.memref_squeeze %dma_start3A_489 : memref<1x104xi32, #tpu.memory_space<vmem>> -> memref<104xi32, #tpu.memory_space<vmem>>
      %dma_start3A_491 = arith.constant 0 : i32
      %dma_start3A_492 = arith.constant 0 : i32
      %dma_start3A_493 = tpu.memref_slice %arg2[%dma_start3A_491, %dma_start3A_492] : memref<270000x128xf32, #tpu.memory_space<hbm>> -> memref<270000x128xf32, #tpu.memory_space<hbm>>
      tpu.enqueue_indirect_dma source(%dma_start3A_493 : memref<270000x128xf32, #tpu.memory_space<hbm>>) target(%arg9 : memref<104x128xf32, #tpu.memory_space<vmem>>) offsets(%dma_start3A_490 : memref<104xi32, #tpu.memory_space<vmem>>) semaphore(%arg13 : memref<!tpu.dma_semaphore, #tpu.memory_space<semaphore_mem>>)
    }
    %scan3A_72 = arith.constant 12 : i32
    %dma_wait3A_73 = arith.constant 38 : i32
    %dma_wait3A_74 = arith.constant 0 : i32
    %dma_wait3A_75 = tpu.memref_slice %arg7[%dma_wait3A_73, %dma_wait3A_74] : memref<40x104xi32, #tpu.memory_space<vmem>> -> memref<1x104xi32, #tpu.memory_space<vmem>>
    %dma_wait3A_76 = tpu.memref_squeeze %dma_wait3A_75 : memref<1x104xi32, #tpu.memory_space<vmem>> -> memref<104xi32, #tpu.memory_space<vmem>>
    %dma_wait3A_77 = arith.constant 0 : i32
    %dma_wait3A_78 = arith.constant 0 : i32
    %dma_wait3A_79 = tpu.memref_slice %arg2[%dma_wait3A_77, %dma_wait3A_78] : memref<270000x128xf32, #tpu.memory_space<hbm>> -> memref<270000x128xf32, #tpu.memory_space<hbm>>
    tpu.wait_indirect_dma semaphore(%arg15 : memref<!tpu.dma_semaphore, #tpu.memory_space<semaphore_mem>>) src(%dma_wait3A_79 : memref<270000x128xf32, #tpu.memory_space<hbm>>) dst(%arg11 : memref<104x128xf32, #tpu.memory_space<vmem>>)
    %dma_start3A_80 = arith.constant 38 : i32
    %dma_start3A_81 = arith.constant 0 : i32
    %dma_start3A_82 = tpu.memref_slice %arg8[%dma_start3A_80, %dma_start3A_81] : memref<40x104xi32, #tpu.memory_space<vmem>> -> memref<1x104xi32, #tpu.memory_space<vmem>>
    %dma_start3A_83 = tpu.memref_squeeze %dma_start3A_82 : memref<1x104xi32, #tpu.memory_space<vmem>> -> memref<104xi32, #tpu.memory_space<vmem>>
    %dma_start3A_84 = arith.constant 0 : i32
    %dma_start3A_85 = arith.constant 0 : i32
    %dma_start3A_86 = tpu.memref_slice %arg12[%dma_start3A_84, %dma_start3A_85] : memref<10008x128xf32, #tpu.memory_space<vmem_shared>> -> memref<10008x128xf32, #tpu.memory_space<vmem_shared>>
    tpu.enqueue_indirect_dma source(%arg11 : memref<104x128xf32, #tpu.memory_space<vmem>>) target(%dma_start3A_86 : memref<10008x128xf32, #tpu.memory_space<vmem_shared>>) offsets(%dma_start3A_83 : memref<104xi32, #tpu.memory_space<vmem>>) semaphore(%arg18 : memref<!tpu.dma_semaphore, #tpu.memory_space<semaphore_mem>>) {add = true}
    %dma_wait3A_87 = arith.constant 38 : i32
    %dma_wait3A_88 = arith.constant 0 : i32
    %dma_wait3A_89 = tpu.memref_slice %arg8[%dma_wait3A_87, %dma_wait3A_88] : memref<40x104xi32, #tpu.memory_space<vmem>> -> memref<1x104xi32, #tpu.memory_space<vmem>>
    %dma_wait3A_90 = tpu.memref_squeeze %dma_wait3A_89 : memref<1x104xi32, #tpu.memory_space<vmem>> -> memref<104xi32, #tpu.memory_space<vmem>>
    %dma_wait3A_91 = arith.constant 0 : i32
    %dma_wait3A_92 = arith.constant 0 : i32
    %dma_wait3A_93 = tpu.memref_slice %arg12[%dma_wait3A_91, %dma_wait3A_92] : memref<10008x128xf32, #tpu.memory_space<vmem_shared>> -> memref<10008x128xf32, #tpu.memory_space<vmem_shared>>
    tpu.wait_indirect_dma semaphore(%arg17 : memref<!tpu.dma_semaphore, #tpu.memory_space<semaphore_mem>>) src(%arg10 : memref<104x128xf32, #tpu.memory_space<vmem>>) dst(%dma_wait3A_93 : memref<10008x128xf32, #tpu.memory_space<vmem_shared>>)
    %dma_wait3A_94 = arith.constant 39 : i32
    %dma_wait3A_95 = arith.constant 0 : i32
    %dma_wait3A_96 = tpu.memref_slice %arg7[%dma_wait3A_94, %dma_wait3A_95] : memref<40x104xi32, #tpu.memory_space<vmem>> -> memref<1x104xi32, #tpu.memory_space<vmem>>
    %dma_wait3A_97 = tpu.memref_squeeze %dma_wait3A_96 : memref<1x104xi32, #tpu.memory_space<vmem>> -> memref<104xi32, #tpu.memory_space<vmem>>
    %dma_wait3A_98 = arith.constant 0 : i32
    %dma_wait3A_99 = arith.constant 0 : i32
    %dma_wait3A_100 = tpu.memref_slice %arg2[%dma_wait3A_98, %dma_wait3A_99] : memref<270000x128xf32, #tpu.memory_space<hbm>> -> memref<270000x128xf32, #tpu.memory_space<hbm>>
    tpu.wait_indirect_dma semaphore(%arg13 : memref<!tpu.dma_semaphore, #tpu.memory_space<semaphore_mem>>) src(%dma_wait3A_100 : memref<270000x128xf32, #tpu.memory_space<hbm>>) dst(%arg9 : memref<104x128xf32, #tpu.memory_space<vmem>>)
    %dma_start3A_101 = arith.constant 39 : i32
    %dma_start3A_102 = arith.constant 0 : i32
    %dma_start3A_103 = tpu.memref_slice %arg8[%dma_start3A_101, %dma_start3A_102] : memref<40x104xi32, #tpu.memory_space<vmem>> -> memref<1x104xi32, #tpu.memory_space<vmem>>
    %dma_start3A_104 = tpu.memref_squeeze %dma_start3A_103 : memref<1x104xi32, #tpu.memory_space<vmem>> -> memref<104xi32, #tpu.memory_space<vmem>>
    %dma_start3A_105 = arith.constant 0 : i32
    %dma_start3A_106 = arith.constant 0 : i32
    %dma_start3A_107 = tpu.memref_slice %arg12[%dma_start3A_105, %dma_start3A_106] : memref<10008x128xf32, #tpu.memory_space<vmem_shared>> -> memref<10008x128xf32, #tpu.memory_space<vmem_shared>>
    tpu.enqueue_indirect_dma source(%arg9 : memref<104x128xf32, #tpu.memory_space<vmem>>) target(%dma_start3A_107 : memref<10008x128xf32, #tpu.memory_space<vmem_shared>>) offsets(%dma_start3A_104 : memref<104xi32, #tpu.memory_space<vmem>>) semaphore(%arg16 : memref<!tpu.dma_semaphore, #tpu.memory_space<semaphore_mem>>) {add = true}
    %dma_wait3A_108 = arith.constant 39 : i32
    %dma_wait3A_109 = arith.constant 0 : i32
    %dma_wait3A_110 = tpu.memref_slice %arg8[%dma_wait3A_108, %dma_wait3A_109] : memref<40x104xi32, #tpu.memory_space<vmem>> -> memref<1x104xi32, #tpu.memory_space<vmem>>
    %dma_wait3A_111 = tpu.memref_squeeze %dma_wait3A_110 : memref<1x104xi32, #tpu.memory_space<vmem>> -> memref<104xi32, #tpu.memory_space<vmem>>
    %dma_wait3A_112 = arith.constant 0 : i32
    %dma_wait3A_113 = arith.constant 0 : i32
    %dma_wait3A_114 = tpu.memref_slice %arg12[%dma_wait3A_112, %dma_wait3A_113] : memref<10008x128xf32, #tpu.memory_space<vmem_shared>> -> memref<10008x128xf32, #tpu.memory_space<vmem_shared>>
    tpu.wait_indirect_dma semaphore(%arg18 : memref<!tpu.dma_semaphore, #tpu.memory_space<semaphore_mem>>) src(%arg11 : memref<104x128xf32, #tpu.memory_space<vmem>>) dst(%dma_wait3A_114 : memref<10008x128xf32, #tpu.memory_space<vmem_shared>>)
    %dma_wait3A_115 = arith.constant 0 : i32
    %dma_wait3A_116 = arith.constant 0 : i32
    %dma_wait3A_117 = tpu.memref_slice %arg8[%dma_wait3A_115, %dma_wait3A_116] : memref<40x104xi32, #tpu.memory_space<vmem>> -> memref<1x104xi32, #tpu.memory_space<vmem>>
    %dma_wait3A_118 = tpu.memref_squeeze %dma_wait3A_117 : memref<1x104xi32, #tpu.memory_space<vmem>> -> memref<104xi32, #tpu.memory_space<vmem>>
    %dma_wait3A_119 = arith.constant 0 : i32
    %dma_wait3A_120 = arith.constant 0 : i32
    %dma_wait3A_121 = tpu.memref_slice %arg12[%dma_wait3A_119, %dma_wait3A_120] : memref<10008x128xf32, #tpu.memory_space<vmem_shared>> -> memref<10008x128xf32, #tpu.memory_space<vmem_shared>>
    tpu.wait_indirect_dma semaphore(%arg16 : memref<!tpu.dma_semaphore, #tpu.memory_space<semaphore_mem>>) src(%arg9 : memref<104x128xf32, #tpu.memory_space<vmem>>) dst(%dma_wait3A_121 : memref<10008x128xf32, #tpu.memory_space<vmem_shared>>)
    "tpu.region"() ({
      %run_scoped3A = tpu.sem_alloc : memref<!tpu.dma_semaphore, #tpu.memory_space<semaphore_mem>>
      %dma_start3A_397 = arith.constant 0 : i32
      %dma_start3A_398 = arith.constant 0 : i32
      %dma_start3A_399 = tpu.memref_slice %arg7[%dma_start3A_397, %dma_start3A_398] : memref<40x104xi32, #tpu.memory_space<vmem>> -> memref<40x104xi32, #tpu.memory_space<vmem>>
      %dma_start3A_400 = arith.constant 40 : i32
      %dma_start3A_401 = arith.constant 0 : i32
      %dma_start3A_402 = tpu.memref_slice %arg3[%add3A, %dma_start3A_400, %dma_start3A_401] : memref<32x104x104xi32, #tpu.memory_space<hbm>> -> memref<1x40x104xi32, #tpu.memory_space<hbm>>
      %dma_start3A_403 = tpu.memref_squeeze %dma_start3A_402 : memref<1x40x104xi32, #tpu.memory_space<hbm>> -> memref<40x104xi32, #tpu.memory_space<hbm>>
      %dma_start3A_404 = arith.constant 0 : i32
      %dma_start3A_405 = arith.constant 0 : i32
      %dma_start3A_406 = tpu.memref_slice %arg7[%dma_start3A_404, %dma_start3A_405] : memref<40x104xi32, #tpu.memory_space<vmem>> -> memref<40x104xi32, #tpu.memory_space<vmem>>
      %dma_start3A_407 = arith.constant 40 : i32
      %dma_start3A_408 = arith.constant 0 : i32
      %dma_start3A_409 = tpu.memref_slice %arg3[%add3A, %dma_start3A_407, %dma_start3A_408] : memref<32x104x104xi32, #tpu.memory_space<hbm>> -> memref<1x40x104xi32, #tpu.memory_space<hbm>>
      %dma_start3A_410 = tpu.memref_squeeze %dma_start3A_409 : memref<1x40x104xi32, #tpu.memory_space<hbm>> -> memref<40x104xi32, #tpu.memory_space<hbm>>
      tpu.enqueue_dma source(%dma_start3A_410 : memref<40x104xi32, #tpu.memory_space<hbm>>) target(%dma_start3A_406 : memref<40x104xi32, #tpu.memory_space<vmem>>) target_semaphore(%run_scoped3A : memref<!tpu.dma_semaphore, #tpu.memory_space<semaphore_mem>>)
      %dma_wait3A_411 = arith.constant 0 : i32
      %dma_wait3A_412 = arith.constant 0 : i32
      %dma_wait3A_413 = tpu.memref_slice %arg7[%dma_wait3A_411, %dma_wait3A_412] : memref<40x104xi32, #tpu.memory_space<vmem>> -> memref<40x104xi32, #tpu.memory_space<vmem>>
      %dma_wait3A_414 = arith.constant 40 : i32
      %dma_wait3A_415 = arith.constant 0 : i32
      %dma_wait3A_416 = tpu.memref_slice %arg3[%add3A, %dma_wait3A_414, %dma_wait3A_415] : memref<32x104x104xi32, #tpu.memory_space<hbm>> -> memref<1x40x104xi32, #tpu.memory_space<hbm>>
      %dma_wait3A_417 = tpu.memref_squeeze %dma_wait3A_416 : memref<1x40x104xi32, #tpu.memory_space<hbm>> -> memref<40x104xi32, #tpu.memory_space<hbm>>
      %dma_wait3A_418 = arith.constant 0 : i32
      %dma_wait3A_419 = arith.constant 0 : i32
      %dma_wait3A_420 = tpu.memref_slice %arg7[%dma_wait3A_418, %dma_wait3A_419] : memref<40x104xi32, #tpu.memory_space<vmem>> -> memref<40x104xi32, #tpu.memory_space<vmem>>
      %dma_wait3A_421 = arith.constant 40 : i32
      %dma_wait3A_422 = arith.constant 0 : i32
      %dma_wait3A_423 = tpu.memref_slice %arg3[%add3A, %dma_wait3A_421, %dma_wait3A_422] : memref<32x104x104xi32, #tpu.memory_space<hbm>> -> memref<1x40x104xi32, #tpu.memory_space<hbm>>
      %dma_wait3A_424 = tpu.memref_squeeze %dma_wait3A_423 : memref<1x40x104xi32, #tpu.memory_space<hbm>> -> memref<40x104xi32, #tpu.memory_space<hbm>>
      tpu.wait_dma2 semaphore(%run_scoped3A : memref<!tpu.dma_semaphore, #tpu.memory_space<semaphore_mem>>) src(%dma_wait3A_424 : memref<40x104xi32, #tpu.memory_space<hbm>>) dst(%dma_wait3A_420 : memref<40x104xi32, #tpu.memory_space<vmem>>)
      tpu.yield
    }) : () -> ()
    "tpu.region"() ({
      %run_scoped3A = tpu.sem_alloc : memref<!tpu.dma_semaphore, #tpu.memory_space<semaphore_mem>>
      %dma_start3A_397 = arith.constant 0 : i32
      %dma_start3A_398 = arith.constant 0 : i32
      %dma_start3A_399 = tpu.memref_slice %arg8[%dma_start3A_397, %dma_start3A_398] : memref<40x104xi32, #tpu.memory_space<vmem>> -> memref<40x104xi32, #tpu.memory_space<vmem>>
      %dma_start3A_400 = arith.constant 40 : i32
      %dma_start3A_401 = arith.constant 0 : i32
      %dma_start3A_402 = tpu.memref_slice %arg4[%add3A, %dma_start3A_400, %dma_start3A_401] : memref<32x104x104xi32, #tpu.memory_space<hbm>> -> memref<1x40x104xi32, #tpu.memory_space<hbm>>
      %dma_start3A_403 = tpu.memref_squeeze %dma_start3A_402 : memref<1x40x104xi32, #tpu.memory_space<hbm>> -> memref<40x104xi32, #tpu.memory_space<hbm>>
      %dma_start3A_404 = arith.constant 0 : i32
      %dma_start3A_405 = arith.constant 0 : i32
      %dma_start3A_406 = tpu.memref_slice %arg8[%dma_start3A_404, %dma_start3A_405] : memref<40x104xi32, #tpu.memory_space<vmem>> -> memref<40x104xi32, #tpu.memory_space<vmem>>
      %dma_start3A_407 = arith.constant 40 : i32
      %dma_start3A_408 = arith.constant 0 : i32
      %dma_start3A_409 = tpu.memref_slice %arg4[%add3A, %dma_start3A_407, %dma_start3A_408] : memref<32x104x104xi32, #tpu.memory_space<hbm>> -> memref<1x40x104xi32, #tpu.memory_space<hbm>>
      %dma_start3A_410 = tpu.memref_squeeze %dma_start3A_409 : memref<1x40x104xi32, #tpu.memory_space<hbm>> -> memref<40x104xi32, #tpu.memory_space<hbm>>
      tpu.enqueue_dma source(%dma_start3A_410 : memref<40x104xi32, #tpu.memory_space<hbm>>) target(%dma_start3A_406 : memref<40x104xi32, #tpu.memory_space<vmem>>) target_semaphore(%run_scoped3A : memref<!tpu.dma_semaphore, #tpu.memory_space<semaphore_mem>>)
      %dma_wait3A_411 = arith.constant 0 : i32
      %dma_wait3A_412 = arith.constant 0 : i32
      %dma_wait3A_413 = tpu.memref_slice %arg8[%dma_wait3A_411, %dma_wait3A_412] : memref<40x104xi32, #tpu.memory_space<vmem>> -> memref<40x104xi32, #tpu.memory_space<vmem>>
      %dma_wait3A_414 = arith.constant 40 : i32
      %dma_wait3A_415 = arith.constant 0 : i32
      %dma_wait3A_416 = tpu.memref_slice %arg4[%add3A, %dma_wait3A_414, %dma_wait3A_415] : memref<32x104x104xi32, #tpu.memory_space<hbm>> -> memref<1x40x104xi32, #tpu.memory_space<hbm>>
      %dma_wait3A_417 = tpu.memref_squeeze %dma_wait3A_416 : memref<1x40x104xi32, #tpu.memory_space<hbm>> -> memref<40x104xi32, #tpu.memory_space<hbm>>
      %dma_wait3A_418 = arith.constant 0 : i32
      %dma_wait3A_419 = arith.constant 0 : i32
      %dma_wait3A_420 = tpu.memref_slice %arg8[%dma_wait3A_418, %dma_wait3A_419] : memref<40x104xi32, #tpu.memory_space<vmem>> -> memref<40x104xi32, #tpu.memory_space<vmem>>
      %dma_wait3A_421 = arith.constant 40 : i32
      %dma_wait3A_422 = arith.constant 0 : i32
      %dma_wait3A_423 = tpu.memref_slice %arg4[%add3A, %dma_wait3A_421, %dma_wait3A_422] : memref<32x104x104xi32, #tpu.memory_space<hbm>> -> memref<1x40x104xi32, #tpu.memory_space<hbm>>
      %dma_wait3A_424 = tpu.memref_squeeze %dma_wait3A_423 : memref<1x40x104xi32, #tpu.memory_space<hbm>> -> memref<40x104xi32, #tpu.memory_space<hbm>>
      tpu.wait_dma2 semaphore(%run_scoped3A : memref<!tpu.dma_semaphore, #tpu.memory_space<semaphore_mem>>) src(%dma_wait3A_424 : memref<40x104xi32, #tpu.memory_space<hbm>>) dst(%dma_wait3A_420 : memref<40x104xi32, #tpu.memory_space<vmem>>)
      tpu.yield
    }) : () -> ()
    %dma_start3A_122 = arith.constant 0 : i32
    %dma_start3A_123 = arith.constant 0 : i32
    %dma_start3A_124 = tpu.memref_slice %arg7[%dma_start3A_122, %dma_start3A_123] : memref<40x104xi32, #tpu.memory_space<vmem>> -> memref<1x104xi32, #tpu.memory_space<vmem>>
    %dma_start3A_125 = tpu.memref_squeeze %dma_start3A_124 : memref<1x104xi32, #tpu.memory_space<vmem>> -> memref<104xi32, #tpu.memory_space<vmem>>
    %dma_start3A_126 = arith.constant 0 : i32
    %dma_start3A_127 = arith.constant 0 : i32
    %dma_start3A_128 = tpu.memref_slice %arg2[%dma_start3A_126, %dma_start3A_127] : memref<270000x128xf32, #tpu.memory_space<hbm>> -> memref<270000x128xf32, #tpu.memory_space<hbm>>
    tpu.enqueue_indirect_dma source(%dma_start3A_128 : memref<270000x128xf32, #tpu.memory_space<hbm>>) target(%arg9 : memref<104x128xf32, #tpu.memory_space<vmem>>) offsets(%dma_start3A_125 : memref<104xi32, #tpu.memory_space<vmem>>) semaphore(%arg13 : memref<!tpu.dma_semaphore, #tpu.memory_space<semaphore_mem>>)
    %dma_start3A_129 = arith.constant 1 : i32
    %dma_start3A_130 = arith.constant 0 : i32
    %dma_start3A_131 = tpu.memref_slice %arg7[%dma_start3A_129, %dma_start3A_130] : memref<40x104xi32, #tpu.memory_space<vmem>> -> memref<1x104xi32, #tpu.memory_space<vmem>>
    %dma_start3A_132 = tpu.memref_squeeze %dma_start3A_131 : memref<1x104xi32, #tpu.memory_space<vmem>> -> memref<104xi32, #tpu.memory_space<vmem>>
    %dma_start3A_133 = arith.constant 0 : i32
    %dma_start3A_134 = arith.constant 0 : i32
    %dma_start3A_135 = tpu.memref_slice %arg2[%dma_start3A_133, %dma_start3A_134] : memref<270000x128xf32, #tpu.memory_space<hbm>> -> memref<270000x128xf32, #tpu.memory_space<hbm>>
    tpu.enqueue_indirect_dma source(%dma_start3A_135 : memref<270000x128xf32, #tpu.memory_space<hbm>>) target(%arg10 : memref<104x128xf32, #tpu.memory_space<vmem>>) offsets(%dma_start3A_132 : memref<104xi32, #tpu.memory_space<vmem>>) semaphore(%arg14 : memref<!tpu.dma_semaphore, #tpu.memory_space<semaphore_mem>>)
    %dma_wait3A_136 = arith.constant 0 : i32
    %dma_wait3A_137 = arith.constant 0 : i32
    %dma_wait3A_138 = tpu.memref_slice %arg7[%dma_wait3A_136, %dma_wait3A_137] : memref<40x104xi32, #tpu.memory_space<vmem>> -> memref<1x104xi32, #tpu.memory_space<vmem>>
    %dma_wait3A_139 = tpu.memref_squeeze %dma_wait3A_138 : memref<1x104xi32, #tpu.memory_space<vmem>> -> memref<104xi32, #tpu.memory_space<vmem>>
    %dma_wait3A_140 = arith.constant 0 : i32
    %dma_wait3A_141 = arith.constant 0 : i32
    %dma_wait3A_142 = tpu.memref_slice %arg2[%dma_wait3A_140, %dma_wait3A_141] : memref<270000x128xf32, #tpu.memory_space<hbm>> -> memref<270000x128xf32, #tpu.memory_space<hbm>>
    tpu.wait_indirect_dma semaphore(%arg13 : memref<!tpu.dma_semaphore, #tpu.memory_space<semaphore_mem>>) src(%dma_wait3A_142 : memref<270000x128xf32, #tpu.memory_space<hbm>>) dst(%arg9 : memref<104x128xf32, #tpu.memory_space<vmem>>)
    %dma_start3A_143 = arith.constant 0 : i32
    %dma_start3A_144 = arith.constant 0 : i32
    %dma_start3A_145 = tpu.memref_slice %arg8[%dma_start3A_143, %dma_start3A_144] : memref<40x104xi32, #tpu.memory_space<vmem>> -> memref<1x104xi32, #tpu.memory_space<vmem>>
    %dma_start3A_146 = tpu.memref_squeeze %dma_start3A_145 : memref<1x104xi32, #tpu.memory_space<vmem>> -> memref<104xi32, #tpu.memory_space<vmem>>
    %dma_start3A_147 = arith.constant 0 : i32
    %dma_start3A_148 = arith.constant 0 : i32
    %dma_start3A_149 = tpu.memref_slice %arg12[%dma_start3A_147, %dma_start3A_148] : memref<10008x128xf32, #tpu.memory_space<vmem_shared>> -> memref<10008x128xf32, #tpu.memory_space<vmem_shared>>
    tpu.enqueue_indirect_dma source(%arg9 : memref<104x128xf32, #tpu.memory_space<vmem>>) target(%dma_start3A_149 : memref<10008x128xf32, #tpu.memory_space<vmem_shared>>) offsets(%dma_start3A_146 : memref<104xi32, #tpu.memory_space<vmem>>) semaphore(%arg16 : memref<!tpu.dma_semaphore, #tpu.memory_space<semaphore_mem>>) {add = true}
    %dma_start3A_150 = arith.constant 2 : i32
    %dma_start3A_151 = arith.constant 0 : i32
    %dma_start3A_152 = tpu.memref_slice %arg7[%dma_start3A_150, %dma_start3A_151] : memref<40x104xi32, #tpu.memory_space<vmem>> -> memref<1x104xi32, #tpu.memory_space<vmem>>
    %dma_start3A_153 = tpu.memref_squeeze %dma_start3A_152 : memref<1x104xi32, #tpu.memory_space<vmem>> -> memref<104xi32, #tpu.memory_space<vmem>>
    %dma_start3A_154 = arith.constant 0 : i32
    %dma_start3A_155 = arith.constant 0 : i32
    %dma_start3A_156 = tpu.memref_slice %arg2[%dma_start3A_154, %dma_start3A_155] : memref<270000x128xf32, #tpu.memory_space<hbm>> -> memref<270000x128xf32, #tpu.memory_space<hbm>>
    tpu.enqueue_indirect_dma source(%dma_start3A_156 : memref<270000x128xf32, #tpu.memory_space<hbm>>) target(%arg11 : memref<104x128xf32, #tpu.memory_space<vmem>>) offsets(%dma_start3A_153 : memref<104xi32, #tpu.memory_space<vmem>>) semaphore(%arg15 : memref<!tpu.dma_semaphore, #tpu.memory_space<semaphore_mem>>)
    %dma_wait3A_157 = arith.constant 1 : i32
    %dma_wait3A_158 = arith.constant 0 : i32
    %dma_wait3A_159 = tpu.memref_slice %arg7[%dma_wait3A_157, %dma_wait3A_158] : memref<40x104xi32, #tpu.memory_space<vmem>> -> memref<1x104xi32, #tpu.memory_space<vmem>>
    %dma_wait3A_160 = tpu.memref_squeeze %dma_wait3A_159 : memref<1x104xi32, #tpu.memory_space<vmem>> -> memref<104xi32, #tpu.memory_space<vmem>>
    %dma_wait3A_161 = arith.constant 0 : i32
    %dma_wait3A_162 = arith.constant 0 : i32
    %dma_wait3A_163 = tpu.memref_slice %arg2[%dma_wait3A_161, %dma_wait3A_162] : memref<270000x128xf32, #tpu.memory_space<hbm>> -> memref<270000x128xf32, #tpu.memory_space<hbm>>
    tpu.wait_indirect_dma semaphore(%arg14 : memref<!tpu.dma_semaphore, #tpu.memory_space<semaphore_mem>>) src(%dma_wait3A_163 : memref<270000x128xf32, #tpu.memory_space<hbm>>) dst(%arg10 : memref<104x128xf32, #tpu.memory_space<vmem>>)
    %dma_start3A_164 = arith.constant 1 : i32
    %dma_start3A_165 = arith.constant 0 : i32
    %dma_start3A_166 = tpu.memref_slice %arg8[%dma_start3A_164, %dma_start3A_165] : memref<40x104xi32, #tpu.memory_space<vmem>> -> memref<1x104xi32, #tpu.memory_space<vmem>>
    %dma_start3A_167 = tpu.memref_squeeze %dma_start3A_166 : memref<1x104xi32, #tpu.memory_space<vmem>> -> memref<104xi32, #tpu.memory_space<vmem>>
    %dma_start3A_168 = arith.constant 0 : i32
    %dma_start3A_169 = arith.constant 0 : i32
    %dma_start3A_170 = tpu.memref_slice %arg12[%dma_start3A_168, %dma_start3A_169] : memref<10008x128xf32, #tpu.memory_space<vmem_shared>> -> memref<10008x128xf32, #tpu.memory_space<vmem_shared>>
    tpu.enqueue_indirect_dma source(%arg10 : memref<104x128xf32, #tpu.memory_space<vmem>>) target(%dma_start3A_170 : memref<10008x128xf32, #tpu.memory_space<vmem_shared>>) offsets(%dma_start3A_167 : memref<104xi32, #tpu.memory_space<vmem>>) semaphore(%arg17 : memref<!tpu.dma_semaphore, #tpu.memory_space<semaphore_mem>>) {add = true}
    %dma_wait3A_171 = arith.constant 1 : i32
    %dma_wait3A_172 = arith.constant 0 : i32
    %dma_wait3A_173 = tpu.memref_slice %arg8[%dma_wait3A_171, %dma_wait3A_172] : memref<40x104xi32, #tpu.memory_space<vmem>> -> memref<1x104xi32, #tpu.memory_space<vmem>>
    %dma_wait3A_174 = tpu.memref_squeeze %dma_wait3A_173 : memref<1x104xi32, #tpu.memory_space<vmem>> -> memref<104xi32, #tpu.memory_space<vmem>>
    %dma_wait3A_175 = arith.constant 0 : i32
    %dma_wait3A_176 = arith.constant 0 : i32
    %dma_wait3A_177 = tpu.memref_slice %arg12[%dma_wait3A_175, %dma_wait3A_176] : memref<10008x128xf32, #tpu.memory_space<vmem_shared>> -> memref<10008x128xf32, #tpu.memory_space<vmem_shared>>
    tpu.wait_indirect_dma semaphore(%arg16 : memref<!tpu.dma_semaphore, #tpu.memory_space<semaphore_mem>>) src(%arg9 : memref<104x128xf32, #tpu.memory_space<vmem>>) dst(%dma_wait3A_177 : memref<10008x128xf32, #tpu.memory_space<vmem_shared>>)
    %dma_start3A_178 = arith.constant 3 : i32
    %dma_start3A_179 = arith.constant 0 : i32
    %dma_start3A_180 = tpu.memref_slice %arg7[%dma_start3A_178, %dma_start3A_179] : memref<40x104xi32, #tpu.memory_space<vmem>> -> memref<1x104xi32, #tpu.memory_space<vmem>>
    %dma_start3A_181 = tpu.memref_squeeze %dma_start3A_180 : memref<1x104xi32, #tpu.memory_space<vmem>> -> memref<104xi32, #tpu.memory_space<vmem>>
    %dma_start3A_182 = arith.constant 0 : i32
    %dma_start3A_183 = arith.constant 0 : i32
    %dma_start3A_184 = tpu.memref_slice %arg2[%dma_start3A_182, %dma_start3A_183] : memref<270000x128xf32, #tpu.memory_space<hbm>> -> memref<270000x128xf32, #tpu.memory_space<hbm>>
    tpu.enqueue_indirect_dma source(%dma_start3A_184 : memref<270000x128xf32, #tpu.memory_space<hbm>>) target(%arg9 : memref<104x128xf32, #tpu.memory_space<vmem>>) offsets(%dma_start3A_181 : memref<104xi32, #tpu.memory_space<vmem>>) semaphore(%arg13 : memref<!tpu.dma_semaphore, #tpu.memory_space<semaphore_mem>>)
    %scan3A_185 = arith.constant 0 : i32
    %scan3A_186 = arith.constant 0 : i32
    %scan3A_187 = arith.constant 12 : i32
    %scan3A_188 = arith.addi %scan3A_186, %scan3A_187 : i32
    %scan3A_189 = arith.constant 1 : i32
    scf.for %scan3A_397 = %scan3A_186 to %scan3A_188 step %scan3A_189  : i32 {
      %mul3A_398 = arith.constant 3 : i32
      %mul3A_399 = arith.muli %mul3A_398, %scan3A_397 : i32
      %add3A_400 = arith.constant 2 : i32
      %add3A_401 = arith.addi %add3A_400, %mul3A_399 : i32
      %add3A_402 = arith.constant 0 : i32
      %add3A_403 = arith.addi %add3A_401, %add3A_402 : i32
      %add3A_404 = arith.constant 2 : i32
      %add3A_405 = arith.addi %add3A_403, %add3A_404 : i32
      %dma_wait3A_406 = arith.constant 0 : i32
      %dma_wait3A_407 = tpu.memref_slice %arg7[%add3A_403, %dma_wait3A_406] : memref<40x104xi32, #tpu.memory_space<vmem>> -> memref<1x104xi32, #tpu.memory_space<vmem>>
      %dma_wait3A_408 = tpu.memref_squeeze %dma_wait3A_407 : memref<1x104xi32, #tpu.memory_space<vmem>> -> memref<104xi32, #tpu.memory_space<vmem>>
      %dma_wait3A_409 = arith.constant 0 : i32
      %dma_wait3A_410 = arith.constant 0 : i32
      %dma_wait3A_411 = tpu.memref_slice %arg2[%dma_wait3A_409, %dma_wait3A_410] : memref<270000x128xf32, #tpu.memory_space<hbm>> -> memref<270000x128xf32, #tpu.memory_space<hbm>>
      tpu.wait_indirect_dma semaphore(%arg15 : memref<!tpu.dma_semaphore, #tpu.memory_space<semaphore_mem>>) src(%dma_wait3A_411 : memref<270000x128xf32, #tpu.memory_space<hbm>>) dst(%arg11 : memref<104x128xf32, #tpu.memory_space<vmem>>)
      %dma_start3A_412 = arith.constant 0 : i32
      %dma_start3A_413 = tpu.memref_slice %arg8[%add3A_403, %dma_start3A_412] : memref<40x104xi32, #tpu.memory_space<vmem>> -> memref<1x104xi32, #tpu.memory_space<vmem>>
      %dma_start3A_414 = tpu.memref_squeeze %dma_start3A_413 : memref<1x104xi32, #tpu.memory_space<vmem>> -> memref<104xi32, #tpu.memory_space<vmem>>
      %dma_start3A_415 = arith.constant 0 : i32
      %dma_start3A_416 = arith.constant 0 : i32
      %dma_start3A_417 = tpu.memref_slice %arg12[%dma_start3A_415, %dma_start3A_416] : memref<10008x128xf32, #tpu.memory_space<vmem_shared>> -> memref<10008x128xf32, #tpu.memory_space<vmem_shared>>
      tpu.enqueue_indirect_dma source(%arg11 : memref<104x128xf32, #tpu.memory_space<vmem>>) target(%dma_start3A_417 : memref<10008x128xf32, #tpu.memory_space<vmem_shared>>) offsets(%dma_start3A_414 : memref<104xi32, #tpu.memory_space<vmem>>) semaphore(%arg18 : memref<!tpu.dma_semaphore, #tpu.memory_space<semaphore_mem>>) {add = true}
      %dma_wait3A_418 = arith.constant 0 : i32
      %dma_wait3A_419 = tpu.memref_slice %arg8[%add3A_403, %dma_wait3A_418] : memref<40x104xi32, #tpu.memory_space<vmem>> -> memref<1x104xi32, #tpu.memory_space<vmem>>
      %dma_wait3A_420 = tpu.memref_squeeze %dma_wait3A_419 : memref<1x104xi32, #tpu.memory_space<vmem>> -> memref<104xi32, #tpu.memory_space<vmem>>
      %dma_wait3A_421 = arith.constant 0 : i32
      %dma_wait3A_422 = arith.constant 0 : i32
      %dma_wait3A_423 = tpu.memref_slice %arg12[%dma_wait3A_421, %dma_wait3A_422] : memref<10008x128xf32, #tpu.memory_space<vmem_shared>> -> memref<10008x128xf32, #tpu.memory_space<vmem_shared>>
      tpu.wait_indirect_dma semaphore(%arg17 : memref<!tpu.dma_semaphore, #tpu.memory_space<semaphore_mem>>) src(%arg10 : memref<104x128xf32, #tpu.memory_space<vmem>>) dst(%dma_wait3A_423 : memref<10008x128xf32, #tpu.memory_space<vmem_shared>>)
      %dma_start3A_424 = arith.constant 0 : i32
      %dma_start3A_425 = tpu.memref_slice %arg7[%add3A_405, %dma_start3A_424] : memref<40x104xi32, #tpu.memory_space<vmem>> -> memref<1x104xi32, #tpu.memory_space<vmem>>
      %dma_start3A_426 = tpu.memref_squeeze %dma_start3A_425 : memref<1x104xi32, #tpu.memory_space<vmem>> -> memref<104xi32, #tpu.memory_space<vmem>>
      %dma_start3A_427 = arith.constant 0 : i32
      %dma_start3A_428 = arith.constant 0 : i32
      %dma_start3A_429 = tpu.memref_slice %arg2[%dma_start3A_427, %dma_start3A_428] : memref<270000x128xf32, #tpu.memory_space<hbm>> -> memref<270000x128xf32, #tpu.memory_space<hbm>>
      tpu.enqueue_indirect_dma source(%dma_start3A_429 : memref<270000x128xf32, #tpu.memory_space<hbm>>) target(%arg10 : memref<104x128xf32, #tpu.memory_space<vmem>>) offsets(%dma_start3A_426 : memref<104xi32, #tpu.memory_space<vmem>>) semaphore(%arg14 : memref<!tpu.dma_semaphore, #tpu.memory_space<semaphore_mem>>)
      %mul3A_430 = arith.constant 3 : i32
      %mul3A_431 = arith.muli %mul3A_430, %scan3A_397 : i32
      %add3A_432 = arith.constant 2 : i32
      %add3A_433 = arith.addi %add3A_432, %mul3A_431 : i32
      %add3A_434 = arith.constant 1 : i32
      %add3A_435 = arith.addi %add3A_433, %add3A_434 : i32
      %add3A_436 = arith.constant 2 : i32
      %add3A_437 = arith.addi %add3A_435, %add3A_436 : i32
      %dma_wait3A_438 = arith.constant 0 : i32
      %dma_wait3A_439 = tpu.memref_slice %arg7[%add3A_435, %dma_wait3A_438] : memref<40x104xi32, #tpu.memory_space<vmem>> -> memref<1x104xi32, #tpu.memory_space<vmem>>
      %dma_wait3A_440 = tpu.memref_squeeze %dma_wait3A_439 : memref<1x104xi32, #tpu.memory_space<vmem>> -> memref<104xi32, #tpu.memory_space<vmem>>
      %dma_wait3A_441 = arith.constant 0 : i32
      %dma_wait3A_442 = arith.constant 0 : i32
      %dma_wait3A_443 = tpu.memref_slice %arg2[%dma_wait3A_441, %dma_wait3A_442] : memref<270000x128xf32, #tpu.memory_space<hbm>> -> memref<270000x128xf32, #tpu.memory_space<hbm>>
      tpu.wait_indirect_dma semaphore(%arg13 : memref<!tpu.dma_semaphore, #tpu.memory_space<semaphore_mem>>) src(%dma_wait3A_443 : memref<270000x128xf32, #tpu.memory_space<hbm>>) dst(%arg9 : memref<104x128xf32, #tpu.memory_space<vmem>>)
      %dma_start3A_444 = arith.constant 0 : i32
      %dma_start3A_445 = tpu.memref_slice %arg8[%add3A_435, %dma_start3A_444] : memref<40x104xi32, #tpu.memory_space<vmem>> -> memref<1x104xi32, #tpu.memory_space<vmem>>
      %dma_start3A_446 = tpu.memref_squeeze %dma_start3A_445 : memref<1x104xi32, #tpu.memory_space<vmem>> -> memref<104xi32, #tpu.memory_space<vmem>>
      %dma_start3A_447 = arith.constant 0 : i32
      %dma_start3A_448 = arith.constant 0 : i32
      %dma_start3A_449 = tpu.memref_slice %arg12[%dma_start3A_447, %dma_start3A_448] : memref<10008x128xf32, #tpu.memory_space<vmem_shared>> -> memref<10008x128xf32, #tpu.memory_space<vmem_shared>>
      tpu.enqueue_indirect_dma source(%arg9 : memref<104x128xf32, #tpu.memory_space<vmem>>) target(%dma_start3A_449 : memref<10008x128xf32, #tpu.memory_space<vmem_shared>>) offsets(%dma_start3A_446 : memref<104xi32, #tpu.memory_space<vmem>>) semaphore(%arg16 : memref<!tpu.dma_semaphore, #tpu.memory_space<semaphore_mem>>) {add = true}
      %dma_wait3A_450 = arith.constant 0 : i32
      %dma_wait3A_451 = tpu.memref_slice %arg8[%add3A_435, %dma_wait3A_450] : memref<40x104xi32, #tpu.memory_space<vmem>> -> memref<1x104xi32, #tpu.memory_space<vmem>>
      %dma_wait3A_452 = tpu.memref_squeeze %dma_wait3A_451 : memref<1x104xi32, #tpu.memory_space<vmem>> -> memref<104xi32, #tpu.memory_space<vmem>>
      %dma_wait3A_453 = arith.constant 0 : i32
      %dma_wait3A_454 = arith.constant 0 : i32
      %dma_wait3A_455 = tpu.memref_slice %arg12[%dma_wait3A_453, %dma_wait3A_454] : memref<10008x128xf32, #tpu.memory_space<vmem_shared>> -> memref<10008x128xf32, #tpu.memory_space<vmem_shared>>
      tpu.wait_indirect_dma semaphore(%arg18 : memref<!tpu.dma_semaphore, #tpu.memory_space<semaphore_mem>>) src(%arg11 : memref<104x128xf32, #tpu.memory_space<vmem>>) dst(%dma_wait3A_455 : memref<10008x128xf32, #tpu.memory_space<vmem_shared>>)
      %dma_start3A_456 = arith.constant 0 : i32
      %dma_start3A_457 = tpu.memref_slice %arg7[%add3A_437, %dma_start3A_456] : memref<40x104xi32, #tpu.memory_space<vmem>> -> memref<1x104xi32, #tpu.memory_space<vmem>>
      %dma_start3A_458 = tpu.memref_squeeze %dma_start3A_457 : memref<1x104xi32, #tpu.memory_space<vmem>> -> memref<104xi32, #tpu.memory_space<vmem>>
      %dma_start3A_459 = arith.constant 0 : i32
      %dma_start3A_460 = arith.constant 0 : i32
      %dma_start3A_461 = tpu.memref_slice %arg2[%dma_start3A_459, %dma_start3A_460] : memref<270000x128xf32, #tpu.memory_space<hbm>> -> memref<270000x128xf32, #tpu.memory_space<hbm>>
      tpu.enqueue_indirect_dma source(%dma_start3A_461 : memref<270000x128xf32, #tpu.memory_space<hbm>>) target(%arg11 : memref<104x128xf32, #tpu.memory_space<vmem>>) offsets(%dma_start3A_458 : memref<104xi32, #tpu.memory_space<vmem>>) semaphore(%arg15 : memref<!tpu.dma_semaphore, #tpu.memory_space<semaphore_mem>>)
      %mul3A_462 = arith.constant 3 : i32
      %mul3A_463 = arith.muli %mul3A_462, %scan3A_397 : i32
      %add3A_464 = arith.constant 2 : i32
      %add3A_465 = arith.addi %add3A_464, %mul3A_463 : i32
      %add3A_466 = arith.constant 2 : i32
      %add3A_467 = arith.addi %add3A_465, %add3A_466 : i32
      %add3A_468 = arith.constant 2 : i32
      %add3A_469 = arith.addi %add3A_467, %add3A_468 : i32
      %dma_wait3A_470 = arith.constant 0 : i32
      %dma_wait3A_471 = tpu.memref_slice %arg7[%add3A_467, %dma_wait3A_470] : memref<40x104xi32, #tpu.memory_space<vmem>> -> memref<1x104xi32, #tpu.memory_space<vmem>>
      %dma_wait3A_472 = tpu.memref_squeeze %dma_wait3A_471 : memref<1x104xi32, #tpu.memory_space<vmem>> -> memref<104xi32, #tpu.memory_space<vmem>>
      %dma_wait3A_473 = arith.constant 0 : i32
      %dma_wait3A_474 = arith.constant 0 : i32
      %dma_wait3A_475 = tpu.memref_slice %arg2[%dma_wait3A_473, %dma_wait3A_474] : memref<270000x128xf32, #tpu.memory_space<hbm>> -> memref<270000x128xf32, #tpu.memory_space<hbm>>
      tpu.wait_indirect_dma semaphore(%arg14 : memref<!tpu.dma_semaphore, #tpu.memory_space<semaphore_mem>>) src(%dma_wait3A_475 : memref<270000x128xf32, #tpu.memory_space<hbm>>) dst(%arg10 : memref<104x128xf32, #tpu.memory_space<vmem>>)
      %dma_start3A_476 = arith.constant 0 : i32
      %dma_start3A_477 = tpu.memref_slice %arg8[%add3A_467, %dma_start3A_476] : memref<40x104xi32, #tpu.memory_space<vmem>> -> memref<1x104xi32, #tpu.memory_space<vmem>>
      %dma_start3A_478 = tpu.memref_squeeze %dma_start3A_477 : memref<1x104xi32, #tpu.memory_space<vmem>> -> memref<104xi32, #tpu.memory_space<vmem>>
      %dma_start3A_479 = arith.constant 0 : i32
      %dma_start3A_480 = arith.constant 0 : i32
      %dma_start3A_481 = tpu.memref_slice %arg12[%dma_start3A_479, %dma_start3A_480] : memref<10008x128xf32, #tpu.memory_space<vmem_shared>> -> memref<10008x128xf32, #tpu.memory_space<vmem_shared>>
      tpu.enqueue_indirect_dma source(%arg10 : memref<104x128xf32, #tpu.memory_space<vmem>>) target(%dma_start3A_481 : memref<10008x128xf32, #tpu.memory_space<vmem_shared>>) offsets(%dma_start3A_478 : memref<104xi32, #tpu.memory_space<vmem>>) semaphore(%arg17 : memref<!tpu.dma_semaphore, #tpu.memory_space<semaphore_mem>>) {add = true}
      %dma_wait3A_482 = arith.constant 0 : i32
      %dma_wait3A_483 = tpu.memref_slice %arg8[%add3A_467, %dma_wait3A_482] : memref<40x104xi32, #tpu.memory_space<vmem>> -> memref<1x104xi32, #tpu.memory_space<vmem>>
      %dma_wait3A_484 = tpu.memref_squeeze %dma_wait3A_483 : memref<1x104xi32, #tpu.memory_space<vmem>> -> memref<104xi32, #tpu.memory_space<vmem>>
      %dma_wait3A_485 = arith.constant 0 : i32
      %dma_wait3A_486 = arith.constant 0 : i32
      %dma_wait3A_487 = tpu.memref_slice %arg12[%dma_wait3A_485, %dma_wait3A_486] : memref<10008x128xf32, #tpu.memory_space<vmem_shared>> -> memref<10008x128xf32, #tpu.memory_space<vmem_shared>>
      tpu.wait_indirect_dma semaphore(%arg16 : memref<!tpu.dma_semaphore, #tpu.memory_space<semaphore_mem>>) src(%arg9 : memref<104x128xf32, #tpu.memory_space<vmem>>) dst(%dma_wait3A_487 : memref<10008x128xf32, #tpu.memory_space<vmem_shared>>)
      %dma_start3A_488 = arith.constant 0 : i32
      %dma_start3A_489 = tpu.memref_slice %arg7[%add3A_469, %dma_start3A_488] : memref<40x104xi32, #tpu.memory_space<vmem>> -> memref<1x104xi32, #tpu.memory_space<vmem>>
      %dma_start3A_490 = tpu.memref_squeeze %dma_start3A_489 : memref<1x104xi32, #tpu.memory_space<vmem>> -> memref<104xi32, #tpu.memory_space<vmem>>
      %dma_start3A_491 = arith.constant 0 : i32
      %dma_start3A_492 = arith.constant 0 : i32
      %dma_start3A_493 = tpu.memref_slice %arg2[%dma_start3A_491, %dma_start3A_492] : memref<270000x128xf32, #tpu.memory_space<hbm>> -> memref<270000x128xf32, #tpu.memory_space<hbm>>
      tpu.enqueue_indirect_dma source(%dma_start3A_493 : memref<270000x128xf32, #tpu.memory_space<hbm>>) target(%arg9 : memref<104x128xf32, #tpu.memory_space<vmem>>) offsets(%dma_start3A_490 : memref<104xi32, #tpu.memory_space<vmem>>) semaphore(%arg13 : memref<!tpu.dma_semaphore, #tpu.memory_space<semaphore_mem>>)
    }
    %scan3A_190 = arith.constant 12 : i32
    %dma_wait3A_191 = arith.constant 38 : i32
    %dma_wait3A_192 = arith.constant 0 : i32
    %dma_wait3A_193 = tpu.memref_slice %arg7[%dma_wait3A_191, %dma_wait3A_192] : memref<40x104xi32, #tpu.memory_space<vmem>> -> memref<1x104xi32, #tpu.memory_space<vmem>>
    %dma_wait3A_194 = tpu.memref_squeeze %dma_wait3A_193 : memref<1x104xi32, #tpu.memory_space<vmem>> -> memref<104xi32, #tpu.memory_space<vmem>>
    %dma_wait3A_195 = arith.constant 0 : i32
    %dma_wait3A_196 = arith.constant 0 : i32
    %dma_wait3A_197 = tpu.memref_slice %arg2[%dma_wait3A_195, %dma_wait3A_196] : memref<270000x128xf32, #tpu.memory_space<hbm>> -> memref<270000x128xf32, #tpu.memory_space<hbm>>
    tpu.wait_indirect_dma semaphore(%arg15 : memref<!tpu.dma_semaphore, #tpu.memory_space<semaphore_mem>>) src(%dma_wait3A_197 : memref<270000x128xf32, #tpu.memory_space<hbm>>) dst(%arg11 : memref<104x128xf32, #tpu.memory_space<vmem>>)
    %dma_start3A_198 = arith.constant 38 : i32
    %dma_start3A_199 = arith.constant 0 : i32
    %dma_start3A_200 = tpu.memref_slice %arg8[%dma_start3A_198, %dma_start3A_199] : memref<40x104xi32, #tpu.memory_space<vmem>> -> memref<1x104xi32, #tpu.memory_space<vmem>>
    %dma_start3A_201 = tpu.memref_squeeze %dma_start3A_200 : memref<1x104xi32, #tpu.memory_space<vmem>> -> memref<104xi32, #tpu.memory_space<vmem>>
    %dma_start3A_202 = arith.constant 0 : i32
    %dma_start3A_203 = arith.constant 0 : i32
    %dma_start3A_204 = tpu.memref_slice %arg12[%dma_start3A_202, %dma_start3A_203] : memref<10008x128xf32, #tpu.memory_space<vmem_shared>> -> memref<10008x128xf32, #tpu.memory_space<vmem_shared>>
    tpu.enqueue_indirect_dma source(%arg11 : memref<104x128xf32, #tpu.memory_space<vmem>>) target(%dma_start3A_204 : memref<10008x128xf32, #tpu.memory_space<vmem_shared>>) offsets(%dma_start3A_201 : memref<104xi32, #tpu.memory_space<vmem>>) semaphore(%arg18 : memref<!tpu.dma_semaphore, #tpu.memory_space<semaphore_mem>>) {add = true}
    %dma_wait3A_205 = arith.constant 38 : i32
    %dma_wait3A_206 = arith.constant 0 : i32
    %dma_wait3A_207 = tpu.memref_slice %arg8[%dma_wait3A_205, %dma_wait3A_206] : memref<40x104xi32, #tpu.memory_space<vmem>> -> memref<1x104xi32, #tpu.memory_space<vmem>>
    %dma_wait3A_208 = tpu.memref_squeeze %dma_wait3A_207 : memref<1x104xi32, #tpu.memory_space<vmem>> -> memref<104xi32, #tpu.memory_space<vmem>>
    %dma_wait3A_209 = arith.constant 0 : i32
    %dma_wait3A_210 = arith.constant 0 : i32
    %dma_wait3A_211 = tpu.memref_slice %arg12[%dma_wait3A_209, %dma_wait3A_210] : memref<10008x128xf32, #tpu.memory_space<vmem_shared>> -> memref<10008x128xf32, #tpu.memory_space<vmem_shared>>
    tpu.wait_indirect_dma semaphore(%arg17 : memref<!tpu.dma_semaphore, #tpu.memory_space<semaphore_mem>>) src(%arg10 : memref<104x128xf32, #tpu.memory_space<vmem>>) dst(%dma_wait3A_211 : memref<10008x128xf32, #tpu.memory_space<vmem_shared>>)
    %dma_wait3A_212 = arith.constant 39 : i32
    %dma_wait3A_213 = arith.constant 0 : i32
    %dma_wait3A_214 = tpu.memref_slice %arg7[%dma_wait3A_212, %dma_wait3A_213] : memref<40x104xi32, #tpu.memory_space<vmem>> -> memref<1x104xi32, #tpu.memory_space<vmem>>
    %dma_wait3A_215 = tpu.memref_squeeze %dma_wait3A_214 : memref<1x104xi32, #tpu.memory_space<vmem>> -> memref<104xi32, #tpu.memory_space<vmem>>
    %dma_wait3A_216 = arith.constant 0 : i32
    %dma_wait3A_217 = arith.constant 0 : i32
    %dma_wait3A_218 = tpu.memref_slice %arg2[%dma_wait3A_216, %dma_wait3A_217] : memref<270000x128xf32, #tpu.memory_space<hbm>> -> memref<270000x128xf32, #tpu.memory_space<hbm>>
    tpu.wait_indirect_dma semaphore(%arg13 : memref<!tpu.dma_semaphore, #tpu.memory_space<semaphore_mem>>) src(%dma_wait3A_218 : memref<270000x128xf32, #tpu.memory_space<hbm>>) dst(%arg9 : memref<104x128xf32, #tpu.memory_space<vmem>>)
    %dma_start3A_219 = arith.constant 39 : i32
    %dma_start3A_220 = arith.constant 0 : i32
    %dma_start3A_221 = tpu.memref_slice %arg8[%dma_start3A_219, %dma_start3A_220] : memref<40x104xi32, #tpu.memory_space<vmem>> -> memref<1x104xi32, #tpu.memory_space<vmem>>
    %dma_start3A_222 = tpu.memref_squeeze %dma_start3A_221 : memref<1x104xi32, #tpu.memory_space<vmem>> -> memref<104xi32, #tpu.memory_space<vmem>>
    %dma_start3A_223 = arith.constant 0 : i32
    %dma_start3A_224 = arith.constant 0 : i32
    %dma_start3A_225 = tpu.memref_slice %arg12[%dma_start3A_223, %dma_start3A_224] : memref<10008x128xf32, #tpu.memory_space<vmem_shared>> -> memref<10008x128xf32, #tpu.memory_space<vmem_shared>>
    tpu.enqueue_indirect_dma source(%arg9 : memref<104x128xf32, #tpu.memory_space<vmem>>) target(%dma_start3A_225 : memref<10008x128xf32, #tpu.memory_space<vmem_shared>>) offsets(%dma_start3A_222 : memref<104xi32, #tpu.memory_space<vmem>>) semaphore(%arg16 : memref<!tpu.dma_semaphore, #tpu.memory_space<semaphore_mem>>) {add = true}
    %dma_wait3A_226 = arith.constant 39 : i32
    %dma_wait3A_227 = arith.constant 0 : i32
    %dma_wait3A_228 = tpu.memref_slice %arg8[%dma_wait3A_226, %dma_wait3A_227] : memref<40x104xi32, #tpu.memory_space<vmem>> -> memref<1x104xi32, #tpu.memory_space<vmem>>
    %dma_wait3A_229 = tpu.memref_squeeze %dma_wait3A_228 : memref<1x104xi32, #tpu.memory_space<vmem>> -> memref<104xi32, #tpu.memory_space<vmem>>
    %dma_wait3A_230 = arith.constant 0 : i32
    %dma_wait3A_231 = arith.constant 0 : i32
    %dma_wait3A_232 = tpu.memref_slice %arg12[%dma_wait3A_230, %dma_wait3A_231] : memref<10008x128xf32, #tpu.memory_space<vmem_shared>> -> memref<10008x128xf32, #tpu.memory_space<vmem_shared>>
    tpu.wait_indirect_dma semaphore(%arg18 : memref<!tpu.dma_semaphore, #tpu.memory_space<semaphore_mem>>) src(%arg11 : memref<104x128xf32, #tpu.memory_space<vmem>>) dst(%dma_wait3A_232 : memref<10008x128xf32, #tpu.memory_space<vmem_shared>>)
    %dma_wait3A_233 = arith.constant 0 : i32
    %dma_wait3A_234 = arith.constant 0 : i32
    %dma_wait3A_235 = tpu.memref_slice %arg8[%dma_wait3A_233, %dma_wait3A_234] : memref<40x104xi32, #tpu.memory_space<vmem>> -> memref<1x104xi32, #tpu.memory_space<vmem>>
    %dma_wait3A_236 = tpu.memref_squeeze %dma_wait3A_235 : memref<1x104xi32, #tpu.memory_space<vmem>> -> memref<104xi32, #tpu.memory_space<vmem>>
    %dma_wait3A_237 = arith.constant 0 : i32
    %dma_wait3A_238 = arith.constant 0 : i32
    %dma_wait3A_239 = tpu.memref_slice %arg12[%dma_wait3A_237, %dma_wait3A_238] : memref<10008x128xf32, #tpu.memory_space<vmem_shared>> -> memref<10008x128xf32, #tpu.memory_space<vmem_shared>>
    tpu.wait_indirect_dma semaphore(%arg16 : memref<!tpu.dma_semaphore, #tpu.memory_space<semaphore_mem>>) src(%arg9 : memref<104x128xf32, #tpu.memory_space<vmem>>) dst(%dma_wait3A_239 : memref<10008x128xf32, #tpu.memory_space<vmem_shared>>)
    "tpu.region"() ({
      %run_scoped3A = tpu.sem_alloc : memref<!tpu.dma_semaphore, #tpu.memory_space<semaphore_mem>>
      %dma_start3A_397 = arith.constant 0 : i32
      %dma_start3A_398 = arith.constant 0 : i32
      %dma_start3A_399 = tpu.memref_slice %arg7[%dma_start3A_397, %dma_start3A_398] : memref<40x104xi32, #tpu.memory_space<vmem>> -> memref<24x104xi32, #tpu.memory_space<vmem>>
      %dma_start3A_400 = arith.constant 80 : i32
      %dma_start3A_401 = arith.constant 0 : i32
      %dma_start3A_402 = tpu.memref_slice %arg3[%add3A, %dma_start3A_400, %dma_start3A_401] : memref<32x104x104xi32, #tpu.memory_space<hbm>> -> memref<1x24x104xi32, #tpu.memory_space<hbm>>
      %dma_start3A_403 = tpu.memref_squeeze %dma_start3A_402 : memref<1x24x104xi32, #tpu.memory_space<hbm>> -> memref<24x104xi32, #tpu.memory_space<hbm>>
      %dma_start3A_404 = arith.constant 0 : i32
      %dma_start3A_405 = arith.constant 0 : i32
      %dma_start3A_406 = tpu.memref_slice %arg7[%dma_start3A_404, %dma_start3A_405] : memref<40x104xi32, #tpu.memory_space<vmem>> -> memref<24x104xi32, #tpu.memory_space<vmem>>
      %dma_start3A_407 = arith.constant 80 : i32
      %dma_start3A_408 = arith.constant 0 : i32
      %dma_start3A_409 = tpu.memref_slice %arg3[%add3A, %dma_start3A_407, %dma_start3A_408] : memref<32x104x104xi32, #tpu.memory_space<hbm>> -> memref<1x24x104xi32, #tpu.memory_space<hbm>>
      %dma_start3A_410 = tpu.memref_squeeze %dma_start3A_409 : memref<1x24x104xi32, #tpu.memory_space<hbm>> -> memref<24x104xi32, #tpu.memory_space<hbm>>
      tpu.enqueue_dma source(%dma_start3A_410 : memref<24x104xi32, #tpu.memory_space<hbm>>) target(%dma_start3A_406 : memref<24x104xi32, #tpu.memory_space<vmem>>) target_semaphore(%run_scoped3A : memref<!tpu.dma_semaphore, #tpu.memory_space<semaphore_mem>>)
      %dma_wait3A_411 = arith.constant 0 : i32
      %dma_wait3A_412 = arith.constant 0 : i32
      %dma_wait3A_413 = tpu.memref_slice %arg7[%dma_wait3A_411, %dma_wait3A_412] : memref<40x104xi32, #tpu.memory_space<vmem>> -> memref<24x104xi32, #tpu.memory_space<vmem>>
      %dma_wait3A_414 = arith.constant 80 : i32
      %dma_wait3A_415 = arith.constant 0 : i32
      %dma_wait3A_416 = tpu.memref_slice %arg3[%add3A, %dma_wait3A_414, %dma_wait3A_415] : memref<32x104x104xi32, #tpu.memory_space<hbm>> -> memref<1x24x104xi32, #tpu.memory_space<hbm>>
      %dma_wait3A_417 = tpu.memref_squeeze %dma_wait3A_416 : memref<1x24x104xi32, #tpu.memory_space<hbm>> -> memref<24x104xi32, #tpu.memory_space<hbm>>
      %dma_wait3A_418 = arith.constant 0 : i32
      %dma_wait3A_419 = arith.constant 0 : i32
      %dma_wait3A_420 = tpu.memref_slice %arg7[%dma_wait3A_418, %dma_wait3A_419] : memref<40x104xi32, #tpu.memory_space<vmem>> -> memref<24x104xi32, #tpu.memory_space<vmem>>
      %dma_wait3A_421 = arith.constant 80 : i32
      %dma_wait3A_422 = arith.constant 0 : i32
      %dma_wait3A_423 = tpu.memref_slice %arg3[%add3A, %dma_wait3A_421, %dma_wait3A_422] : memref<32x104x104xi32, #tpu.memory_space<hbm>> -> memref<1x24x104xi32, #tpu.memory_space<hbm>>
      %dma_wait3A_424 = tpu.memref_squeeze %dma_wait3A_423 : memref<1x24x104xi32, #tpu.memory_space<hbm>> -> memref<24x104xi32, #tpu.memory_space<hbm>>
      tpu.wait_dma2 semaphore(%run_scoped3A : memref<!tpu.dma_semaphore, #tpu.memory_space<semaphore_mem>>) src(%dma_wait3A_424 : memref<24x104xi32, #tpu.memory_space<hbm>>) dst(%dma_wait3A_420 : memref<24x104xi32, #tpu.memory_space<vmem>>)
      tpu.yield
    }) : () -> ()
    "tpu.region"() ({
      %run_scoped3A = tpu.sem_alloc : memref<!tpu.dma_semaphore, #tpu.memory_space<semaphore_mem>>
      %dma_start3A_397 = arith.constant 0 : i32
      %dma_start3A_398 = arith.constant 0 : i32
      %dma_start3A_399 = tpu.memref_slice %arg8[%dma_start3A_397, %dma_start3A_398] : memref<40x104xi32, #tpu.memory_space<vmem>> -> memref<24x104xi32, #tpu.memory_space<vmem>>
      %dma_start3A_400 = arith.constant 80 : i32
      %dma_start3A_401 = arith.constant 0 : i32
      %dma_start3A_402 = tpu.memref_slice %arg4[%add3A, %dma_start3A_400, %dma_start3A_401] : memref<32x104x104xi32, #tpu.memory_space<hbm>> -> memref<1x24x104xi32, #tpu.memory_space<hbm>>
      %dma_start3A_403 = tpu.memref_squeeze %dma_start3A_402 : memref<1x24x104xi32, #tpu.memory_space<hbm>> -> memref<24x104xi32, #tpu.memory_space<hbm>>
      %dma_start3A_404 = arith.constant 0 : i32
      %dma_start3A_405 = arith.constant 0 : i32
      %dma_start3A_406 = tpu.memref_slice %arg8[%dma_start3A_404, %dma_start3A_405] : memref<40x104xi32, #tpu.memory_space<vmem>> -> memref<24x104xi32, #tpu.memory_space<vmem>>
      %dma_start3A_407 = arith.constant 80 : i32
      %dma_start3A_408 = arith.constant 0 : i32
      %dma_start3A_409 = tpu.memref_slice %arg4[%add3A, %dma_start3A_407, %dma_start3A_408] : memref<32x104x104xi32, #tpu.memory_space<hbm>> -> memref<1x24x104xi32, #tpu.memory_space<hbm>>
      %dma_start3A_410 = tpu.memref_squeeze %dma_start3A_409 : memref<1x24x104xi32, #tpu.memory_space<hbm>> -> memref<24x104xi32, #tpu.memory_space<hbm>>
      tpu.enqueue_dma source(%dma_start3A_410 : memref<24x104xi32, #tpu.memory_space<hbm>>) target(%dma_start3A_406 : memref<24x104xi32, #tpu.memory_space<vmem>>) target_semaphore(%run_scoped3A : memref<!tpu.dma_semaphore, #tpu.memory_space<semaphore_mem>>)
      %dma_wait3A_411 = arith.constant 0 : i32
      %dma_wait3A_412 = arith.constant 0 : i32
      %dma_wait3A_413 = tpu.memref_slice %arg8[%dma_wait3A_411, %dma_wait3A_412] : memref<40x104xi32, #tpu.memory_space<vmem>> -> memref<24x104xi32, #tpu.memory_space<vmem>>
      %dma_wait3A_414 = arith.constant 80 : i32
      %dma_wait3A_415 = arith.constant 0 : i32
      %dma_wait3A_416 = tpu.memref_slice %arg4[%add3A, %dma_wait3A_414, %dma_wait3A_415] : memref<32x104x104xi32, #tpu.memory_space<hbm>> -> memref<1x24x104xi32, #tpu.memory_space<hbm>>
      %dma_wait3A_417 = tpu.memref_squeeze %dma_wait3A_416 : memref<1x24x104xi32, #tpu.memory_space<hbm>> -> memref<24x104xi32, #tpu.memory_space<hbm>>
      %dma_wait3A_418 = arith.constant 0 : i32
      %dma_wait3A_419 = arith.constant 0 : i32
      %dma_wait3A_420 = tpu.memref_slice %arg8[%dma_wait3A_418, %dma_wait3A_419] : memref<40x104xi32, #tpu.memory_space<vmem>> -> memref<24x104xi32, #tpu.memory_space<vmem>>
      %dma_wait3A_421 = arith.constant 80 : i32
      %dma_wait3A_422 = arith.constant 0 : i32
      %dma_wait3A_423 = tpu.memref_slice %arg4[%add3A, %dma_wait3A_421, %dma_wait3A_422] : memref<32x104x104xi32, #tpu.memory_space<hbm>> -> memref<1x24x104xi32, #tpu.memory_space<hbm>>
      %dma_wait3A_424 = tpu.memref_squeeze %dma_wait3A_423 : memref<1x24x104xi32, #tpu.memory_space<hbm>> -> memref<24x104xi32, #tpu.memory_space<hbm>>
      tpu.wait_dma2 semaphore(%run_scoped3A : memref<!tpu.dma_semaphore, #tpu.memory_space<semaphore_mem>>) src(%dma_wait3A_424 : memref<24x104xi32, #tpu.memory_space<hbm>>) dst(%dma_wait3A_420 : memref<24x104xi32, #tpu.memory_space<vmem>>)
      tpu.yield
    }) : () -> ()
    %dma_start3A_240 = arith.constant 0 : i32
    %dma_start3A_241 = arith.constant 0 : i32
    %dma_start3A_242 = tpu.memref_slice %arg7[%dma_start3A_240, %dma_start3A_241] : memref<40x104xi32, #tpu.memory_space<vmem>> -> memref<1x104xi32, #tpu.memory_space<vmem>>
    %dma_start3A_243 = tpu.memref_squeeze %dma_start3A_242 : memref<1x104xi32, #tpu.memory_space<vmem>> -> memref<104xi32, #tpu.memory_space<vmem>>
    %dma_start3A_244 = arith.constant 0 : i32
    %dma_start3A_245 = arith.constant 0 : i32
    %dma_start3A_246 = tpu.memref_slice %arg2[%dma_start3A_244, %dma_start3A_245] : memref<270000x128xf32, #tpu.memory_space<hbm>> -> memref<270000x128xf32, #tpu.memory_space<hbm>>
    tpu.enqueue_indirect_dma source(%dma_start3A_246 : memref<270000x128xf32, #tpu.memory_space<hbm>>) target(%arg9 : memref<104x128xf32, #tpu.memory_space<vmem>>) offsets(%dma_start3A_243 : memref<104xi32, #tpu.memory_space<vmem>>) semaphore(%arg13 : memref<!tpu.dma_semaphore, #tpu.memory_space<semaphore_mem>>)
    %dma_start3A_247 = arith.constant 1 : i32
    %dma_start3A_248 = arith.constant 0 : i32
    %dma_start3A_249 = tpu.memref_slice %arg7[%dma_start3A_247, %dma_start3A_248] : memref<40x104xi32, #tpu.memory_space<vmem>> -> memref<1x104xi32, #tpu.memory_space<vmem>>
    %dma_start3A_250 = tpu.memref_squeeze %dma_start3A_249 : memref<1x104xi32, #tpu.memory_space<vmem>> -> memref<104xi32, #tpu.memory_space<vmem>>
    %dma_start3A_251 = arith.constant 0 : i32
    %dma_start3A_252 = arith.constant 0 : i32
    %dma_start3A_253 = tpu.memref_slice %arg2[%dma_start3A_251, %dma_start3A_252] : memref<270000x128xf32, #tpu.memory_space<hbm>> -> memref<270000x128xf32, #tpu.memory_space<hbm>>
    tpu.enqueue_indirect_dma source(%dma_start3A_253 : memref<270000x128xf32, #tpu.memory_space<hbm>>) target(%arg10 : memref<104x128xf32, #tpu.memory_space<vmem>>) offsets(%dma_start3A_250 : memref<104xi32, #tpu.memory_space<vmem>>) semaphore(%arg14 : memref<!tpu.dma_semaphore, #tpu.memory_space<semaphore_mem>>)
    %dma_wait3A_254 = arith.constant 0 : i32
    %dma_wait3A_255 = arith.constant 0 : i32
    %dma_wait3A_256 = tpu.memref_slice %arg7[%dma_wait3A_254, %dma_wait3A_255] : memref<40x104xi32, #tpu.memory_space<vmem>> -> memref<1x104xi32, #tpu.memory_space<vmem>>
    %dma_wait3A_257 = tpu.memref_squeeze %dma_wait3A_256 : memref<1x104xi32, #tpu.memory_space<vmem>> -> memref<104xi32, #tpu.memory_space<vmem>>
    %dma_wait3A_258 = arith.constant 0 : i32
    %dma_wait3A_259 = arith.constant 0 : i32
    %dma_wait3A_260 = tpu.memref_slice %arg2[%dma_wait3A_258, %dma_wait3A_259] : memref<270000x128xf32, #tpu.memory_space<hbm>> -> memref<270000x128xf32, #tpu.memory_space<hbm>>
    tpu.wait_indirect_dma semaphore(%arg13 : memref<!tpu.dma_semaphore, #tpu.memory_space<semaphore_mem>>) src(%dma_wait3A_260 : memref<270000x128xf32, #tpu.memory_space<hbm>>) dst(%arg9 : memref<104x128xf32, #tpu.memory_space<vmem>>)
    %dma_start3A_261 = arith.constant 0 : i32
    %dma_start3A_262 = arith.constant 0 : i32
    %dma_start3A_263 = tpu.memref_slice %arg8[%dma_start3A_261, %dma_start3A_262] : memref<40x104xi32, #tpu.memory_space<vmem>> -> memref<1x104xi32, #tpu.memory_space<vmem>>
    %dma_start3A_264 = tpu.memref_squeeze %dma_start3A_263 : memref<1x104xi32, #tpu.memory_space<vmem>> -> memref<104xi32, #tpu.memory_space<vmem>>
    %dma_start3A_265 = arith.constant 0 : i32
    %dma_start3A_266 = arith.constant 0 : i32
    %dma_start3A_267 = tpu.memref_slice %arg12[%dma_start3A_265, %dma_start3A_266] : memref<10008x128xf32, #tpu.memory_space<vmem_shared>> -> memref<10008x128xf32, #tpu.memory_space<vmem_shared>>
    tpu.enqueue_indirect_dma source(%arg9 : memref<104x128xf32, #tpu.memory_space<vmem>>) target(%dma_start3A_267 : memref<10008x128xf32, #tpu.memory_space<vmem_shared>>) offsets(%dma_start3A_264 : memref<104xi32, #tpu.memory_space<vmem>>) semaphore(%arg16 : memref<!tpu.dma_semaphore, #tpu.memory_space<semaphore_mem>>) {add = true}
    %dma_start3A_268 = arith.constant 2 : i32
    %dma_start3A_269 = arith.constant 0 : i32
    %dma_start3A_270 = tpu.memref_slice %arg7[%dma_start3A_268, %dma_start3A_269] : memref<40x104xi32, #tpu.memory_space<vmem>> -> memref<1x104xi32, #tpu.memory_space<vmem>>
    %dma_start3A_271 = tpu.memref_squeeze %dma_start3A_270 : memref<1x104xi32, #tpu.memory_space<vmem>> -> memref<104xi32, #tpu.memory_space<vmem>>
    %dma_start3A_272 = arith.constant 0 : i32
    %dma_start3A_273 = arith.constant 0 : i32
    %dma_start3A_274 = tpu.memref_slice %arg2[%dma_start3A_272, %dma_start3A_273] : memref<270000x128xf32, #tpu.memory_space<hbm>> -> memref<270000x128xf32, #tpu.memory_space<hbm>>
    tpu.enqueue_indirect_dma source(%dma_start3A_274 : memref<270000x128xf32, #tpu.memory_space<hbm>>) target(%arg11 : memref<104x128xf32, #tpu.memory_space<vmem>>) offsets(%dma_start3A_271 : memref<104xi32, #tpu.memory_space<vmem>>) semaphore(%arg15 : memref<!tpu.dma_semaphore, #tpu.memory_space<semaphore_mem>>)
    %dma_wait3A_275 = arith.constant 1 : i32
    %dma_wait3A_276 = arith.constant 0 : i32
    %dma_wait3A_277 = tpu.memref_slice %arg7[%dma_wait3A_275, %dma_wait3A_276] : memref<40x104xi32, #tpu.memory_space<vmem>> -> memref<1x104xi32, #tpu.memory_space<vmem>>
    %dma_wait3A_278 = tpu.memref_squeeze %dma_wait3A_277 : memref<1x104xi32, #tpu.memory_space<vmem>> -> memref<104xi32, #tpu.memory_space<vmem>>
    %dma_wait3A_279 = arith.constant 0 : i32
    %dma_wait3A_280 = arith.constant 0 : i32
    %dma_wait3A_281 = tpu.memref_slice %arg2[%dma_wait3A_279, %dma_wait3A_280] : memref<270000x128xf32, #tpu.memory_space<hbm>> -> memref<270000x128xf32, #tpu.memory_space<hbm>>
    tpu.wait_indirect_dma semaphore(%arg14 : memref<!tpu.dma_semaphore, #tpu.memory_space<semaphore_mem>>) src(%dma_wait3A_281 : memref<270000x128xf32, #tpu.memory_space<hbm>>) dst(%arg10 : memref<104x128xf32, #tpu.memory_space<vmem>>)
    %dma_start3A_282 = arith.constant 1 : i32
    %dma_start3A_283 = arith.constant 0 : i32
    %dma_start3A_284 = tpu.memref_slice %arg8[%dma_start3A_282, %dma_start3A_283] : memref<40x104xi32, #tpu.memory_space<vmem>> -> memref<1x104xi32, #tpu.memory_space<vmem>>
    %dma_start3A_285 = tpu.memref_squeeze %dma_start3A_284 : memref<1x104xi32, #tpu.memory_space<vmem>> -> memref<104xi32, #tpu.memory_space<vmem>>
    %dma_start3A_286 = arith.constant 0 : i32
    %dma_start3A_287 = arith.constant 0 : i32
    %dma_start3A_288 = tpu.memref_slice %arg12[%dma_start3A_286, %dma_start3A_287] : memref<10008x128xf32, #tpu.memory_space<vmem_shared>> -> memref<10008x128xf32, #tpu.memory_space<vmem_shared>>
    tpu.enqueue_indirect_dma source(%arg10 : memref<104x128xf32, #tpu.memory_space<vmem>>) target(%dma_start3A_288 : memref<10008x128xf32, #tpu.memory_space<vmem_shared>>) offsets(%dma_start3A_285 : memref<104xi32, #tpu.memory_space<vmem>>) semaphore(%arg17 : memref<!tpu.dma_semaphore, #tpu.memory_space<semaphore_mem>>) {add = true}
    %dma_wait3A_289 = arith.constant 1 : i32
    %dma_wait3A_290 = arith.constant 0 : i32
    %dma_wait3A_291 = tpu.memref_slice %arg8[%dma_wait3A_289, %dma_wait3A_290] : memref<40x104xi32, #tpu.memory_space<vmem>> -> memref<1x104xi32, #tpu.memory_space<vmem>>
    %dma_wait3A_292 = tpu.memref_squeeze %dma_wait3A_291 : memref<1x104xi32, #tpu.memory_space<vmem>> -> memref<104xi32, #tpu.memory_space<vmem>>
    %dma_wait3A_293 = arith.constant 0 : i32
    %dma_wait3A_294 = arith.constant 0 : i32
    %dma_wait3A_295 = tpu.memref_slice %arg12[%dma_wait3A_293, %dma_wait3A_294] : memref<10008x128xf32, #tpu.memory_space<vmem_shared>> -> memref<10008x128xf32, #tpu.memory_space<vmem_shared>>
    tpu.wait_indirect_dma semaphore(%arg16 : memref<!tpu.dma_semaphore, #tpu.memory_space<semaphore_mem>>) src(%arg9 : memref<104x128xf32, #tpu.memory_space<vmem>>) dst(%dma_wait3A_295 : memref<10008x128xf32, #tpu.memory_space<vmem_shared>>)
    %dma_start3A_296 = arith.constant 3 : i32
    %dma_start3A_297 = arith.constant 0 : i32
    %dma_start3A_298 = tpu.memref_slice %arg7[%dma_start3A_296, %dma_start3A_297] : memref<40x104xi32, #tpu.memory_space<vmem>> -> memref<1x104xi32, #tpu.memory_space<vmem>>
    %dma_start3A_299 = tpu.memref_squeeze %dma_start3A_298 : memref<1x104xi32, #tpu.memory_space<vmem>> -> memref<104xi32, #tpu.memory_space<vmem>>
    %dma_start3A_300 = arith.constant 0 : i32
    %dma_start3A_301 = arith.constant 0 : i32
    %dma_start3A_302 = tpu.memref_slice %arg2[%dma_start3A_300, %dma_start3A_301] : memref<270000x128xf32, #tpu.memory_space<hbm>> -> memref<270000x128xf32, #tpu.memory_space<hbm>>
    tpu.enqueue_indirect_dma source(%dma_start3A_302 : memref<270000x128xf32, #tpu.memory_space<hbm>>) target(%arg9 : memref<104x128xf32, #tpu.memory_space<vmem>>) offsets(%dma_start3A_299 : memref<104xi32, #tpu.memory_space<vmem>>) semaphore(%arg13 : memref<!tpu.dma_semaphore, #tpu.memory_space<semaphore_mem>>)
    %scan3A_303 = arith.constant 0 : i32
    %scan3A_304 = arith.constant 0 : i32
    %scan3A_305 = arith.constant 4 : i32
    %scan3A_306 = arith.addi %scan3A_304, %scan3A_305 : i32
    %scan3A_307 = arith.constant 1 : i32
    scf.for %scan3A_397 = %scan3A_304 to %scan3A_306 step %scan3A_307  : i32 {
      %mul3A_398 = arith.constant 3 : i32
      %mul3A_399 = arith.muli %mul3A_398, %scan3A_397 : i32
      %add3A_400 = arith.constant 2 : i32
      %add3A_401 = arith.addi %add3A_400, %mul3A_399 : i32
      %add3A_402 = arith.constant 0 : i32
      %add3A_403 = arith.addi %add3A_401, %add3A_402 : i32
      %add3A_404 = arith.constant 2 : i32
      %add3A_405 = arith.addi %add3A_403, %add3A_404 : i32
      %dma_wait3A_406 = arith.constant 0 : i32
      %dma_wait3A_407 = tpu.memref_slice %arg7[%add3A_403, %dma_wait3A_406] : memref<40x104xi32, #tpu.memory_space<vmem>> -> memref<1x104xi32, #tpu.memory_space<vmem>>
      %dma_wait3A_408 = tpu.memref_squeeze %dma_wait3A_407 : memref<1x104xi32, #tpu.memory_space<vmem>> -> memref<104xi32, #tpu.memory_space<vmem>>
      %dma_wait3A_409 = arith.constant 0 : i32
      %dma_wait3A_410 = arith.constant 0 : i32
      %dma_wait3A_411 = tpu.memref_slice %arg2[%dma_wait3A_409, %dma_wait3A_410] : memref<270000x128xf32, #tpu.memory_space<hbm>> -> memref<270000x128xf32, #tpu.memory_space<hbm>>
      tpu.wait_indirect_dma semaphore(%arg15 : memref<!tpu.dma_semaphore, #tpu.memory_space<semaphore_mem>>) src(%dma_wait3A_411 : memref<270000x128xf32, #tpu.memory_space<hbm>>) dst(%arg11 : memref<104x128xf32, #tpu.memory_space<vmem>>)
      %dma_start3A_412 = arith.constant 0 : i32
      %dma_start3A_413 = tpu.memref_slice %arg8[%add3A_403, %dma_start3A_412] : memref<40x104xi32, #tpu.memory_space<vmem>> -> memref<1x104xi32, #tpu.memory_space<vmem>>
      %dma_start3A_414 = tpu.memref_squeeze %dma_start3A_413 : memref<1x104xi32, #tpu.memory_space<vmem>> -> memref<104xi32, #tpu.memory_space<vmem>>
      %dma_start3A_415 = arith.constant 0 : i32
      %dma_start3A_416 = arith.constant 0 : i32
      %dma_start3A_417 = tpu.memref_slice %arg12[%dma_start3A_415, %dma_start3A_416] : memref<10008x128xf32, #tpu.memory_space<vmem_shared>> -> memref<10008x128xf32, #tpu.memory_space<vmem_shared>>
      tpu.enqueue_indirect_dma source(%arg11 : memref<104x128xf32, #tpu.memory_space<vmem>>) target(%dma_start3A_417 : memref<10008x128xf32, #tpu.memory_space<vmem_shared>>) offsets(%dma_start3A_414 : memref<104xi32, #tpu.memory_space<vmem>>) semaphore(%arg18 : memref<!tpu.dma_semaphore, #tpu.memory_space<semaphore_mem>>) {add = true}
      %dma_wait3A_418 = arith.constant 0 : i32
      %dma_wait3A_419 = tpu.memref_slice %arg8[%add3A_403, %dma_wait3A_418] : memref<40x104xi32, #tpu.memory_space<vmem>> -> memref<1x104xi32, #tpu.memory_space<vmem>>
      %dma_wait3A_420 = tpu.memref_squeeze %dma_wait3A_419 : memref<1x104xi32, #tpu.memory_space<vmem>> -> memref<104xi32, #tpu.memory_space<vmem>>
      %dma_wait3A_421 = arith.constant 0 : i32
      %dma_wait3A_422 = arith.constant 0 : i32
      %dma_wait3A_423 = tpu.memref_slice %arg12[%dma_wait3A_421, %dma_wait3A_422] : memref<10008x128xf32, #tpu.memory_space<vmem_shared>> -> memref<10008x128xf32, #tpu.memory_space<vmem_shared>>
      tpu.wait_indirect_dma semaphore(%arg17 : memref<!tpu.dma_semaphore, #tpu.memory_space<semaphore_mem>>) src(%arg10 : memref<104x128xf32, #tpu.memory_space<vmem>>) dst(%dma_wait3A_423 : memref<10008x128xf32, #tpu.memory_space<vmem_shared>>)
      %dma_start3A_424 = arith.constant 0 : i32
      %dma_start3A_425 = tpu.memref_slice %arg7[%add3A_405, %dma_start3A_424] : memref<40x104xi32, #tpu.memory_space<vmem>> -> memref<1x104xi32, #tpu.memory_space<vmem>>
      %dma_start3A_426 = tpu.memref_squeeze %dma_start3A_425 : memref<1x104xi32, #tpu.memory_space<vmem>> -> memref<104xi32, #tpu.memory_space<vmem>>
      %dma_start3A_427 = arith.constant 0 : i32
      %dma_start3A_428 = arith.constant 0 : i32
      %dma_start3A_429 = tpu.memref_slice %arg2[%dma_start3A_427, %dma_start3A_428] : memref<270000x128xf32, #tpu.memory_space<hbm>> -> memref<270000x128xf32, #tpu.memory_space<hbm>>
      tpu.enqueue_indirect_dma source(%dma_start3A_429 : memref<270000x128xf32, #tpu.memory_space<hbm>>) target(%arg10 : memref<104x128xf32, #tpu.memory_space<vmem>>) offsets(%dma_start3A_426 : memref<104xi32, #tpu.memory_space<vmem>>) semaphore(%arg14 : memref<!tpu.dma_semaphore, #tpu.memory_space<semaphore_mem>>)
      %mul3A_430 = arith.constant 3 : i32
      %mul3A_431 = arith.muli %mul3A_430, %scan3A_397 : i32
      %add3A_432 = arith.constant 2 : i32
      %add3A_433 = arith.addi %add3A_432, %mul3A_431 : i32
      %add3A_434 = arith.constant 1 : i32
      %add3A_435 = arith.addi %add3A_433, %add3A_434 : i32
      %add3A_436 = arith.constant 2 : i32
      %add3A_437 = arith.addi %add3A_435, %add3A_436 : i32
      %dma_wait3A_438 = arith.constant 0 : i32
      %dma_wait3A_439 = tpu.memref_slice %arg7[%add3A_435, %dma_wait3A_438] : memref<40x104xi32, #tpu.memory_space<vmem>> -> memref<1x104xi32, #tpu.memory_space<vmem>>
      %dma_wait3A_440 = tpu.memref_squeeze %dma_wait3A_439 : memref<1x104xi32, #tpu.memory_space<vmem>> -> memref<104xi32, #tpu.memory_space<vmem>>
      %dma_wait3A_441 = arith.constant 0 : i32
      %dma_wait3A_442 = arith.constant 0 : i32
      %dma_wait3A_443 = tpu.memref_slice %arg2[%dma_wait3A_441, %dma_wait3A_442] : memref<270000x128xf32, #tpu.memory_space<hbm>> -> memref<270000x128xf32, #tpu.memory_space<hbm>>
      tpu.wait_indirect_dma semaphore(%arg13 : memref<!tpu.dma_semaphore, #tpu.memory_space<semaphore_mem>>) src(%dma_wait3A_443 : memref<270000x128xf32, #tpu.memory_space<hbm>>) dst(%arg9 : memref<104x128xf32, #tpu.memory_space<vmem>>)
      %dma_start3A_444 = arith.constant 0 : i32
      %dma_start3A_445 = tpu.memref_slice %arg8[%add3A_435, %dma_start3A_444] : memref<40x104xi32, #tpu.memory_space<vmem>> -> memref<1x104xi32, #tpu.memory_space<vmem>>
      %dma_start3A_446 = tpu.memref_squeeze %dma_start3A_445 : memref<1x104xi32, #tpu.memory_space<vmem>> -> memref<104xi32, #tpu.memory_space<vmem>>
      %dma_start3A_447 = arith.constant 0 : i32
      %dma_start3A_448 = arith.constant 0 : i32
      %dma_start3A_449 = tpu.memref_slice %arg12[%dma_start3A_447, %dma_start3A_448] : memref<10008x128xf32, #tpu.memory_space<vmem_shared>> -> memref<10008x128xf32, #tpu.memory_space<vmem_shared>>
      tpu.enqueue_indirect_dma source(%arg9 : memref<104x128xf32, #tpu.memory_space<vmem>>) target(%dma_start3A_449 : memref<10008x128xf32, #tpu.memory_space<vmem_shared>>) offsets(%dma_start3A_446 : memref<104xi32, #tpu.memory_space<vmem>>) semaphore(%arg16 : memref<!tpu.dma_semaphore, #tpu.memory_space<semaphore_mem>>) {add = true}
      %dma_wait3A_450 = arith.constant 0 : i32
      %dma_wait3A_451 = tpu.memref_slice %arg8[%add3A_435, %dma_wait3A_450] : memref<40x104xi32, #tpu.memory_space<vmem>> -> memref<1x104xi32, #tpu.memory_space<vmem>>
      %dma_wait3A_452 = tpu.memref_squeeze %dma_wait3A_451 : memref<1x104xi32, #tpu.memory_space<vmem>> -> memref<104xi32, #tpu.memory_space<vmem>>
      %dma_wait3A_453 = arith.constant 0 : i32
      %dma_wait3A_454 = arith.constant 0 : i32
      %dma_wait3A_455 = tpu.memref_slice %arg12[%dma_wait3A_453, %dma_wait3A_454] : memref<10008x128xf32, #tpu.memory_space<vmem_shared>> -> memref<10008x128xf32, #tpu.memory_space<vmem_shared>>
      tpu.wait_indirect_dma semaphore(%arg18 : memref<!tpu.dma_semaphore, #tpu.memory_space<semaphore_mem>>) src(%arg11 : memref<104x128xf32, #tpu.memory_space<vmem>>) dst(%dma_wait3A_455 : memref<10008x128xf32, #tpu.memory_space<vmem_shared>>)
      %dma_start3A_456 = arith.constant 0 : i32
      %dma_start3A_457 = tpu.memref_slice %arg7[%add3A_437, %dma_start3A_456] : memref<40x104xi32, #tpu.memory_space<vmem>> -> memref<1x104xi32, #tpu.memory_space<vmem>>
      %dma_start3A_458 = tpu.memref_squeeze %dma_start3A_457 : memref<1x104xi32, #tpu.memory_space<vmem>> -> memref<104xi32, #tpu.memory_space<vmem>>
      %dma_start3A_459 = arith.constant 0 : i32
      %dma_start3A_460 = arith.constant 0 : i32
      %dma_start3A_461 = tpu.memref_slice %arg2[%dma_start3A_459, %dma_start3A_460] : memref<270000x128xf32, #tpu.memory_space<hbm>> -> memref<270000x128xf32, #tpu.memory_space<hbm>>
      tpu.enqueue_indirect_dma source(%dma_start3A_461 : memref<270000x128xf32, #tpu.memory_space<hbm>>) target(%arg11 : memref<104x128xf32, #tpu.memory_space<vmem>>) offsets(%dma_start3A_458 : memref<104xi32, #tpu.memory_space<vmem>>) semaphore(%arg15 : memref<!tpu.dma_semaphore, #tpu.memory_space<semaphore_mem>>)
      %mul3A_462 = arith.constant 3 : i32
      %mul3A_463 = arith.muli %mul3A_462, %scan3A_397 : i32
      %add3A_464 = arith.constant 2 : i32
      %add3A_465 = arith.addi %add3A_464, %mul3A_463 : i32
      %add3A_466 = arith.constant 2 : i32
      %add3A_467 = arith.addi %add3A_465, %add3A_466 : i32
      %add3A_468 = arith.constant 2 : i32
      %add3A_469 = arith.addi %add3A_467, %add3A_468 : i32
      %dma_wait3A_470 = arith.constant 0 : i32
      %dma_wait3A_471 = tpu.memref_slice %arg7[%add3A_467, %dma_wait3A_470] : memref<40x104xi32, #tpu.memory_space<vmem>> -> memref<1x104xi32, #tpu.memory_space<vmem>>
      %dma_wait3A_472 = tpu.memref_squeeze %dma_wait3A_471 : memref<1x104xi32, #tpu.memory_space<vmem>> -> memref<104xi32, #tpu.memory_space<vmem>>
      %dma_wait3A_473 = arith.constant 0 : i32
      %dma_wait3A_474 = arith.constant 0 : i32
      %dma_wait3A_475 = tpu.memref_slice %arg2[%dma_wait3A_473, %dma_wait3A_474] : memref<270000x128xf32, #tpu.memory_space<hbm>> -> memref<270000x128xf32, #tpu.memory_space<hbm>>
      tpu.wait_indirect_dma semaphore(%arg14 : memref<!tpu.dma_semaphore, #tpu.memory_space<semaphore_mem>>) src(%dma_wait3A_475 : memref<270000x128xf32, #tpu.memory_space<hbm>>) dst(%arg10 : memref<104x128xf32, #tpu.memory_space<vmem>>)
      %dma_start3A_476 = arith.constant 0 : i32
      %dma_start3A_477 = tpu.memref_slice %arg8[%add3A_467, %dma_start3A_476] : memref<40x104xi32, #tpu.memory_space<vmem>> -> memref<1x104xi32, #tpu.memory_space<vmem>>
      %dma_start3A_478 = tpu.memref_squeeze %dma_start3A_477 : memref<1x104xi32, #tpu.memory_space<vmem>> -> memref<104xi32, #tpu.memory_space<vmem>>
      %dma_start3A_479 = arith.constant 0 : i32
      %dma_start3A_480 = arith.constant 0 : i32
      %dma_start3A_481 = tpu.memref_slice %arg12[%dma_start3A_479, %dma_start3A_480] : memref<10008x128xf32, #tpu.memory_space<vmem_shared>> -> memref<10008x128xf32, #tpu.memory_space<vmem_shared>>
      tpu.enqueue_indirect_dma source(%arg10 : memref<104x128xf32, #tpu.memory_space<vmem>>) target(%dma_start3A_481 : memref<10008x128xf32, #tpu.memory_space<vmem_shared>>) offsets(%dma_start3A_478 : memref<104xi32, #tpu.memory_space<vmem>>) semaphore(%arg17 : memref<!tpu.dma_semaphore, #tpu.memory_space<semaphore_mem>>) {add = true}
      %dma_wait3A_482 = arith.constant 0 : i32
      %dma_wait3A_483 = tpu.memref_slice %arg8[%add3A_467, %dma_wait3A_482] : memref<40x104xi32, #tpu.memory_space<vmem>> -> memref<1x104xi32, #tpu.memory_space<vmem>>
      %dma_wait3A_484 = tpu.memref_squeeze %dma_wait3A_483 : memref<1x104xi32, #tpu.memory_space<vmem>> -> memref<104xi32, #tpu.memory_space<vmem>>
      %dma_wait3A_485 = arith.constant 0 : i32
      %dma_wait3A_486 = arith.constant 0 : i32
      %dma_wait3A_487 = tpu.memref_slice %arg12[%dma_wait3A_485, %dma_wait3A_486] : memref<10008x128xf32, #tpu.memory_space<vmem_shared>> -> memref<10008x128xf32, #tpu.memory_space<vmem_shared>>
      tpu.wait_indirect_dma semaphore(%arg16 : memref<!tpu.dma_semaphore, #tpu.memory_space<semaphore_mem>>) src(%arg9 : memref<104x128xf32, #tpu.memory_space<vmem>>) dst(%dma_wait3A_487 : memref<10008x128xf32, #tpu.memory_space<vmem_shared>>)
      %dma_start3A_488 = arith.constant 0 : i32
      %dma_start3A_489 = tpu.memref_slice %arg7[%add3A_469, %dma_start3A_488] : memref<40x104xi32, #tpu.memory_space<vmem>> -> memref<1x104xi32, #tpu.memory_space<vmem>>
      %dma_start3A_490 = tpu.memref_squeeze %dma_start3A_489 : memref<1x104xi32, #tpu.memory_space<vmem>> -> memref<104xi32, #tpu.memory_space<vmem>>
      %dma_start3A_491 = arith.constant 0 : i32
      %dma_start3A_492 = arith.constant 0 : i32
      %dma_start3A_493 = tpu.memref_slice %arg2[%dma_start3A_491, %dma_start3A_492] : memref<270000x128xf32, #tpu.memory_space<hbm>> -> memref<270000x128xf32, #tpu.memory_space<hbm>>
      tpu.enqueue_indirect_dma source(%dma_start3A_493 : memref<270000x128xf32, #tpu.memory_space<hbm>>) target(%arg9 : memref<104x128xf32, #tpu.memory_space<vmem>>) offsets(%dma_start3A_490 : memref<104xi32, #tpu.memory_space<vmem>>) semaphore(%arg13 : memref<!tpu.dma_semaphore, #tpu.memory_space<semaphore_mem>>)
    }
    %scan3A_308 = arith.constant 4 : i32
    %dma_wait3A_309 = arith.constant 14 : i32
    %dma_wait3A_310 = arith.constant 0 : i32
    %dma_wait3A_311 = tpu.memref_slice %arg7[%dma_wait3A_309, %dma_wait3A_310] : memref<40x104xi32, #tpu.memory_space<vmem>> -> memref<1x104xi32, #tpu.memory_space<vmem>>
    %dma_wait3A_312 = tpu.memref_squeeze %dma_wait3A_311 : memref<1x104xi32, #tpu.memory_space<vmem>> -> memref<104xi32, #tpu.memory_space<vmem>>
    %dma_wait3A_313 = arith.constant 0 : i32
    %dma_wait3A_314 = arith.constant 0 : i32
    %dma_wait3A_315 = tpu.memref_slice %arg2[%dma_wait3A_313, %dma_wait3A_314] : memref<270000x128xf32, #tpu.memory_space<hbm>> -> memref<270000x128xf32, #tpu.memory_space<hbm>>
    tpu.wait_indirect_dma semaphore(%arg15 : memref<!tpu.dma_semaphore, #tpu.memory_space<semaphore_mem>>) src(%dma_wait3A_315 : memref<270000x128xf32, #tpu.memory_space<hbm>>) dst(%arg11 : memref<104x128xf32, #tpu.memory_space<vmem>>)
    %dma_start3A_316 = arith.constant 14 : i32
    %dma_start3A_317 = arith.constant 0 : i32
    %dma_start3A_318 = tpu.memref_slice %arg8[%dma_start3A_316, %dma_start3A_317] : memref<40x104xi32, #tpu.memory_space<vmem>> -> memref<1x104xi32, #tpu.memory_space<vmem>>
    %dma_start3A_319 = tpu.memref_squeeze %dma_start3A_318 : memref<1x104xi32, #tpu.memory_space<vmem>> -> memref<104xi32, #tpu.memory_space<vmem>>
    %dma_start3A_320 = arith.constant 0 : i32
    %dma_start3A_321 = arith.constant 0 : i32
    %dma_start3A_322 = tpu.memref_slice %arg12[%dma_start3A_320, %dma_start3A_321] : memref<10008x128xf32, #tpu.memory_space<vmem_shared>> -> memref<10008x128xf32, #tpu.memory_space<vmem_shared>>
    tpu.enqueue_indirect_dma source(%arg11 : memref<104x128xf32, #tpu.memory_space<vmem>>) target(%dma_start3A_322 : memref<10008x128xf32, #tpu.memory_space<vmem_shared>>) offsets(%dma_start3A_319 : memref<104xi32, #tpu.memory_space<vmem>>) semaphore(%arg18 : memref<!tpu.dma_semaphore, #tpu.memory_space<semaphore_mem>>) {add = true}
    %dma_wait3A_323 = arith.constant 14 : i32
    %dma_wait3A_324 = arith.constant 0 : i32
    %dma_wait3A_325 = tpu.memref_slice %arg8[%dma_wait3A_323, %dma_wait3A_324] : memref<40x104xi32, #tpu.memory_space<vmem>> -> memref<1x104xi32, #tpu.memory_space<vmem>>
    %dma_wait3A_326 = tpu.memref_squeeze %dma_wait3A_325 : memref<1x104xi32, #tpu.memory_space<vmem>> -> memref<104xi32, #tpu.memory_space<vmem>>
    %dma_wait3A_327 = arith.constant 0 : i32
    %dma_wait3A_328 = arith.constant 0 : i32
    %dma_wait3A_329 = tpu.memref_slice %arg12[%dma_wait3A_327, %dma_wait3A_328] : memref<10008x128xf32, #tpu.memory_space<vmem_shared>> -> memref<10008x128xf32, #tpu.memory_space<vmem_shared>>
    tpu.wait_indirect_dma semaphore(%arg17 : memref<!tpu.dma_semaphore, #tpu.memory_space<semaphore_mem>>) src(%arg10 : memref<104x128xf32, #tpu.memory_space<vmem>>) dst(%dma_wait3A_329 : memref<10008x128xf32, #tpu.memory_space<vmem_shared>>)
    %dma_start3A_330 = arith.constant 16 : i32
    %dma_start3A_331 = arith.constant 0 : i32
    %dma_start3A_332 = tpu.memref_slice %arg7[%dma_start3A_330, %dma_start3A_331] : memref<40x104xi32, #tpu.memory_space<vmem>> -> memref<1x104xi32, #tpu.memory_space<vmem>>
    %dma_start3A_333 = tpu.memref_squeeze %dma_start3A_332 : memref<1x104xi32, #tpu.memory_space<vmem>> -> memref<104xi32, #tpu.memory_space<vmem>>
    %dma_start3A_334 = arith.constant 0 : i32
    %dma_start3A_335 = arith.constant 0 : i32
    %dma_start3A_336 = tpu.memref_slice %arg2[%dma_start3A_334, %dma_start3A_335] : memref<270000x128xf32, #tpu.memory_space<hbm>> -> memref<270000x128xf32, #tpu.memory_space<hbm>>
    tpu.enqueue_indirect_dma source(%dma_start3A_336 : memref<270000x128xf32, #tpu.memory_space<hbm>>) target(%arg10 : memref<104x128xf32, #tpu.memory_space<vmem>>) offsets(%dma_start3A_333 : memref<104xi32, #tpu.memory_space<vmem>>) semaphore(%arg14 : memref<!tpu.dma_semaphore, #tpu.memory_space<semaphore_mem>>)
    %dma_wait3A_337 = arith.constant 15 : i32
    %dma_wait3A_338 = arith.constant 0 : i32
    %dma_wait3A_339 = tpu.memref_slice %arg7[%dma_wait3A_337, %dma_wait3A_338] : memref<40x104xi32, #tpu.memory_space<vmem>> -> memref<1x104xi32, #tpu.memory_space<vmem>>
    %dma_wait3A_340 = tpu.memref_squeeze %dma_wait3A_339 : memref<1x104xi32, #tpu.memory_space<vmem>> -> memref<104xi32, #tpu.memory_space<vmem>>
    %dma_wait3A_341 = arith.constant 0 : i32
    %dma_wait3A_342 = arith.constant 0 : i32
    %dma_wait3A_343 = tpu.memref_slice %arg2[%dma_wait3A_341, %dma_wait3A_342] : memref<270000x128xf32, #tpu.memory_space<hbm>> -> memref<270000x128xf32, #tpu.memory_space<hbm>>
    tpu.wait_indirect_dma semaphore(%arg13 : memref<!tpu.dma_semaphore, #tpu.memory_space<semaphore_mem>>) src(%dma_wait3A_343 : memref<270000x128xf32, #tpu.memory_space<hbm>>) dst(%arg9 : memref<104x128xf32, #tpu.memory_space<vmem>>)
    %dma_start3A_344 = arith.constant 15 : i32
    %dma_start3A_345 = arith.constant 0 : i32
    %dma_start3A_346 = tpu.memref_slice %arg8[%dma_start3A_344, %dma_start3A_345] : memref<40x104xi32, #tpu.memory_space<vmem>> -> memref<1x104xi32, #tpu.memory_space<vmem>>
    %dma_start3A_347 = tpu.memref_squeeze %dma_start3A_346 : memref<1x104xi32, #tpu.memory_space<vmem>> -> memref<104xi32, #tpu.memory_space<vmem>>
    %dma_start3A_348 = arith.constant 0 : i32
    %dma_start3A_349 = arith.constant 0 : i32
    %dma_start3A_350 = tpu.memref_slice %arg12[%dma_start3A_348, %dma_start3A_349] : memref<10008x128xf32, #tpu.memory_space<vmem_shared>> -> memref<10008x128xf32, #tpu.memory_space<vmem_shared>>
    tpu.enqueue_indirect_dma source(%arg9 : memref<104x128xf32, #tpu.memory_space<vmem>>) target(%dma_start3A_350 : memref<10008x128xf32, #tpu.memory_space<vmem_shared>>) offsets(%dma_start3A_347 : memref<104xi32, #tpu.memory_space<vmem>>) semaphore(%arg16 : memref<!tpu.dma_semaphore, #tpu.memory_space<semaphore_mem>>) {add = true}
    %dma_wait3A_351 = arith.constant 15 : i32
    %dma_wait3A_352 = arith.constant 0 : i32
    %dma_wait3A_353 = tpu.memref_slice %arg8[%dma_wait3A_351, %dma_wait3A_352] : memref<40x104xi32, #tpu.memory_space<vmem>> -> memref<1x104xi32, #tpu.memory_space<vmem>>
    %dma_wait3A_354 = tpu.memref_squeeze %dma_wait3A_353 : memref<1x104xi32, #tpu.memory_space<vmem>> -> memref<104xi32, #tpu.memory_space<vmem>>
    %dma_wait3A_355 = arith.constant 0 : i32
    %dma_wait3A_356 = arith.constant 0 : i32
    %dma_wait3A_357 = tpu.memref_slice %arg12[%dma_wait3A_355, %dma_wait3A_356] : memref<10008x128xf32, #tpu.memory_space<vmem_shared>> -> memref<10008x128xf32, #tpu.memory_space<vmem_shared>>
    tpu.wait_indirect_dma semaphore(%arg18 : memref<!tpu.dma_semaphore, #tpu.memory_space<semaphore_mem>>) src(%arg11 : memref<104x128xf32, #tpu.memory_space<vmem>>) dst(%dma_wait3A_357 : memref<10008x128xf32, #tpu.memory_space<vmem_shared>>)
    %dma_wait3A_358 = arith.constant 16 : i32
    %dma_wait3A_359 = arith.constant 0 : i32
    %dma_wait3A_360 = tpu.memref_slice %arg7[%dma_wait3A_358, %dma_wait3A_359] : memref<40x104xi32, #tpu.memory_space<vmem>> -> memref<1x104xi32, #tpu.memory_space<vmem>>
    %dma_wait3A_361 = tpu.memref_squeeze %dma_wait3A_360 : memref<1x104xi32, #tpu.memory_space<vmem>> -> memref<104xi32, #tpu.memory_space<vmem>>
    %dma_wait3A_362 = arith.constant 0 : i32
    %dma_wait3A_363 = arith.constant 0 : i32
    %dma_wait3A_364 = tpu.memref_slice %arg2[%dma_wait3A_362, %dma_wait3A_363] : memref<270000x128xf32, #tpu.memory_space<hbm>> -> memref<270000x128xf32, #tpu.memory_space<hbm>>
    tpu.wait_indirect_dma semaphore(%arg14 : memref<!tpu.dma_semaphore, #tpu.memory_space<semaphore_mem>>) src(%dma_wait3A_364 : memref<270000x128xf32, #tpu.memory_space<hbm>>) dst(%arg10 : memref<104x128xf32, #tpu.memory_space<vmem>>)
    %dma_start3A_365 = arith.constant 16 : i32
    %dma_start3A_366 = arith.constant 0 : i32
    %dma_start3A_367 = tpu.memref_slice %arg8[%dma_start3A_365, %dma_start3A_366] : memref<40x104xi32, #tpu.memory_space<vmem>> -> memref<1x104xi32, #tpu.memory_space<vmem>>
    %dma_start3A_368 = tpu.memref_squeeze %dma_start3A_367 : memref<1x104xi32, #tpu.memory_space<vmem>> -> memref<104xi32, #tpu.memory_space<vmem>>
    %dma_start3A_369 = arith.constant 0 : i32
    %dma_start3A_370 = arith.constant 0 : i32
    %dma_start3A_371 = tpu.memref_slice %arg12[%dma_start3A_369, %dma_start3A_370] : memref<10008x128xf32, #tpu.memory_space<vmem_shared>> -> memref<10008x128xf32, #tpu.memory_space<vmem_shared>>
    tpu.enqueue_indirect_dma source(%arg10 : memref<104x128xf32, #tpu.memory_space<vmem>>) target(%dma_start3A_371 : memref<10008x128xf32, #tpu.memory_space<vmem_shared>>) offsets(%dma_start3A_368 : memref<104xi32, #tpu.memory_space<vmem>>) semaphore(%arg17 : memref<!tpu.dma_semaphore, #tpu.memory_space<semaphore_mem>>) {add = true}
    %dma_wait3A_372 = arith.constant 16 : i32
    %dma_wait3A_373 = arith.constant 0 : i32
    %dma_wait3A_374 = tpu.memref_slice %arg8[%dma_wait3A_372, %dma_wait3A_373] : memref<40x104xi32, #tpu.memory_space<vmem>> -> memref<1x104xi32, #tpu.memory_space<vmem>>
    %dma_wait3A_375 = tpu.memref_squeeze %dma_wait3A_374 : memref<1x104xi32, #tpu.memory_space<vmem>> -> memref<104xi32, #tpu.memory_space<vmem>>
    %dma_wait3A_376 = arith.constant 0 : i32
    %dma_wait3A_377 = arith.constant 0 : i32
    %dma_wait3A_378 = tpu.memref_slice %arg12[%dma_wait3A_376, %dma_wait3A_377] : memref<10008x128xf32, #tpu.memory_space<vmem_shared>> -> memref<10008x128xf32, #tpu.memory_space<vmem_shared>>
    tpu.wait_indirect_dma semaphore(%arg16 : memref<!tpu.dma_semaphore, #tpu.memory_space<semaphore_mem>>) src(%arg9 : memref<104x128xf32, #tpu.memory_space<vmem>>) dst(%dma_wait3A_378 : memref<10008x128xf32, #tpu.memory_space<vmem_shared>>)
    %dma_wait3A_379 = arith.constant 0 : i32
    %dma_wait3A_380 = arith.constant 0 : i32
    %dma_wait3A_381 = tpu.memref_slice %arg8[%dma_wait3A_379, %dma_wait3A_380] : memref<40x104xi32, #tpu.memory_space<vmem>> -> memref<1x104xi32, #tpu.memory_space<vmem>>
    %dma_wait3A_382 = tpu.memref_squeeze %dma_wait3A_381 : memref<1x104xi32, #tpu.memory_space<vmem>> -> memref<104xi32, #tpu.memory_space<vmem>>
    %dma_wait3A_383 = arith.constant 0 : i32
    %dma_wait3A_384 = arith.constant 0 : i32
    %dma_wait3A_385 = tpu.memref_slice %arg12[%dma_wait3A_383, %dma_wait3A_384] : memref<10008x128xf32, #tpu.memory_space<vmem_shared>> -> memref<10008x128xf32, #tpu.memory_space<vmem_shared>>
    tpu.wait_indirect_dma semaphore(%arg17 : memref<!tpu.dma_semaphore, #tpu.memory_space<semaphore_mem>>) src(%arg10 : memref<104x128xf32, #tpu.memory_space<vmem>>) dst(%dma_wait3A_385 : memref<10008x128xf32, #tpu.memory_space<vmem_shared>>)
    %barrier3A_386 = arith.constant 0 : index
    tpu.barrier barrier_id(%barrier3A_386)
    %lt3A_387 = arith.constant 15 : i32
    %lt3A_388 = arith.cmpi slt, %arg1, %lt3A_387 : i32
    %convert_element_type3A_389 = arith.extui %lt3A_388 : i1 to i32
    %cond3A_390 = arith.constant 0 : i32
    %cond3A_391 = arith.cmpi ne, %convert_element_type3A_389, %cond3A_390 : i32
    scf.if %cond3A_391 {
      %mul3A_397 = arith.constant 632 : i32
      %mul3A_398 = arith.muli %arg1, %mul3A_397 : i32
      %mul3A_399 = arith.constant 632 : i32
      %mul3A_400 = arith.muli %arg1, %mul3A_399 : i32
      "tpu.region"() ({
        %run_scoped3A = tpu.sem_alloc : memref<!tpu.dma_semaphore, #tpu.memory_space<semaphore_mem>>
        %dma_start3A_401 = arith.constant 0 : i32
        %dma_start3A_402 = tpu.memref_slice %arg6[%arg0, %mul3A_400, %dma_start3A_401] : memref<2x10008x128xf32, #tpu.memory_space<hbm>> -> memref<1x632x128xf32, #tpu.memory_space<hbm>>
        %dma_start3A_403 = tpu.memref_squeeze %dma_start3A_402 : memref<1x632x128xf32, #tpu.memory_space<hbm>> -> memref<632x128xf32, #tpu.memory_space<hbm>>
        %dma_start3A_404 = arith.constant 0 : i32
        %dma_start3A_405 = tpu.memref_slice %arg12[%mul3A_398, %dma_start3A_404] : memref<10008x128xf32, #tpu.memory_space<vmem_shared>> -> memref<632x128xf32, #tpu.memory_space<vmem_shared>>
        tpu.enqueue_dma source(%dma_start3A_405 : memref<632x128xf32, #tpu.memory_space<vmem_shared>>) target(%dma_start3A_403 : memref<632x128xf32, #tpu.memory_space<hbm>>) target_semaphore(%run_scoped3A : memref<!tpu.dma_semaphore, #tpu.memory_space<semaphore_mem>>)
        %dma_wait3A_406 = arith.constant 0 : i32
        %dma_wait3A_407 = tpu.memref_slice %arg6[%arg0, %mul3A_400, %dma_wait3A_406] : memref<2x10008x128xf32, #tpu.memory_space<hbm>> -> memref<1x632x128xf32, #tpu.memory_space<hbm>>
        %dma_wait3A_408 = tpu.memref_squeeze %dma_wait3A_407 : memref<1x632x128xf32, #tpu.memory_space<hbm>> -> memref<632x128xf32, #tpu.memory_space<hbm>>
        %dma_wait3A_409 = arith.constant 0 : i32
        %dma_wait3A_410 = tpu.memref_slice %arg12[%mul3A_398, %dma_wait3A_409] : memref<10008x128xf32, #tpu.memory_space<vmem_shared>> -> memref<632x128xf32, #tpu.memory_space<vmem_shared>>
        tpu.wait_dma2 semaphore(%run_scoped3A : memref<!tpu.dma_semaphore, #tpu.memory_space<semaphore_mem>>) src(%dma_wait3A_410 : memref<632x128xf32, #tpu.memory_space<vmem_shared>>) dst(%dma_wait3A_408 : memref<632x128xf32, #tpu.memory_space<hbm>>)
        tpu.yield
      }) : () -> ()
    } else {
    }
    %eq3A_392 = arith.constant 15 : i32
    %eq3A_393 = arith.cmpi eq, %arg1, %eq3A_392 : i32
    %convert_element_type3A_394 = arith.extui %eq3A_393 : i1 to i32
    %cond3A_395 = arith.constant 0 : i32
    %cond3A_396 = arith.cmpi ne, %convert_element_type3A_394, %cond3A_395 : i32
    scf.if %cond3A_396 {
      "tpu.region"() ({
        %run_scoped3A = tpu.sem_alloc : memref<!tpu.dma_semaphore, #tpu.memory_space<semaphore_mem>>
        %dma_start3A_397 = arith.constant 9480 : i32
        %dma_start3A_398 = arith.constant 0 : i32
        %dma_start3A_399 = tpu.memref_slice %arg6[%arg0, %dma_start3A_397, %dma_start3A_398] : memref<2x10008x128xf32, #tpu.memory_space<hbm>> -> memref<1x528x128xf32, #tpu.memory_space<hbm>>
        %dma_start3A_400 = tpu.memref_squeeze %dma_start3A_399 : memref<1x528x128xf32, #tpu.memory_space<hbm>> -> memref<528x128xf32, #tpu.memory_space<hbm>>
        %dma_start3A_401 = arith.constant 9480 : i32
        %dma_start3A_402 = arith.constant 0 : i32
        %dma_start3A_403 = tpu.memref_slice %arg12[%dma_start3A_401, %dma_start3A_402] : memref<10008x128xf32, #tpu.memory_space<vmem_shared>> -> memref<528x128xf32, #tpu.memory_space<vmem_shared>>
        tpu.enqueue_dma source(%dma_start3A_403 : memref<528x128xf32, #tpu.memory_space<vmem_shared>>) target(%dma_start3A_400 : memref<528x128xf32, #tpu.memory_space<hbm>>) target_semaphore(%run_scoped3A : memref<!tpu.dma_semaphore, #tpu.memory_space<semaphore_mem>>)
        %dma_wait3A_404 = arith.constant 9480 : i32
        %dma_wait3A_405 = arith.constant 0 : i32
        %dma_wait3A_406 = tpu.memref_slice %arg6[%arg0, %dma_wait3A_404, %dma_wait3A_405] : memref<2x10008x128xf32, #tpu.memory_space<hbm>> -> memref<1x528x128xf32, #tpu.memory_space<hbm>>
        %dma_wait3A_407 = tpu.memref_squeeze %dma_wait3A_406 : memref<1x528x128xf32, #tpu.memory_space<hbm>> -> memref<528x128xf32, #tpu.memory_space<hbm>>
        %dma_wait3A_408 = arith.constant 9480 : i32
        %dma_wait3A_409 = arith.constant 0 : i32
        %dma_wait3A_410 = tpu.memref_slice %arg12[%dma_wait3A_408, %dma_wait3A_409] : memref<10008x128xf32, #tpu.memory_space<vmem_shared>> -> memref<528x128xf32, #tpu.memory_space<vmem_shared>>
        tpu.wait_dma2 semaphore(%run_scoped3A : memref<!tpu.dma_semaphore, #tpu.memory_space<semaphore_mem>>) src(%dma_wait3A_410 : memref<528x128xf32, #tpu.memory_space<vmem_shared>>) dst(%dma_wait3A_407 : memref<528x128xf32, #tpu.memory_space<hbm>>)
        tpu.yield
      }) : () -> ()
    } else {
    }
    return
  }
}

#map = affine_map<(d0, d1) -> (0, 0)>
#map1 = affine_map<(d0, d1) -> (0, 0, 0)>
module attributes {stable_mosaic.version = 14 : i64} {
  func.func @k(%arg0: i32, %arg1: i32, %arg2: memref<270000x128xf32, #tpu.memory_space<hbm>>, %arg3: memref<32x104x104xi32, #tpu.memory_space<hbm>>, %arg4: memref<32x104x104xi32, #tpu.memory_space<hbm>>, %arg5: memref<10008x128xf32, #tpu.memory_space<hbm>>, %arg6: memref<2x10008x128xf32, #tpu.memory_space<hbm>>, %arg7: memref<40x104xi32, #tpu.memory_space<vmem>>, %arg8: memref<40x104xi32, #tpu.memory_space<vmem>>, %arg9: memref<104x128xf32, #tpu.memory_space<vmem>>, %arg10: memref<104x128xf32, #tpu.memory_space<vmem>>, %arg11: memref<104x128xf32, #tpu.memory_space<vmem>>, %arg12: memref<10008x128xf32, #tpu.memory_space<vmem_shared>>, %arg13: memref<!tpu.dma_semaphore, #tpu.memory_space<semaphore_mem>>, %arg14: memref<!tpu.dma_semaphore, #tpu.memory_space<semaphore_mem>>, %arg15: memref<!tpu.dma_semaphore, #tpu.memory_space<semaphore_mem>>, %arg16: memref<!tpu.dma_semaphore, #tpu.memory_space<semaphore_mem>>, %arg17: memref<!tpu.dma_semaphore, #tpu.memory_space<semaphore_mem>>, %arg18: memref<!tpu.dma_semaphore, #tpu.memory_space<semaphore_mem>>) attributes {dimension_semantics = [#tpu.dimension_semantics<core_parallel>, #tpu.dimension_semantics<subcore_parallel>], iteration_bounds = array<i64: 2, 16>, scalar_prefetch = 0 : i64, scratch_operands = 12 : i64, tpu.core_type = #tpu.core_type<sc_vector_subcore>, window_params = [{transform_indices = #map}, {transform_indices = #map1}, {transform_indices = #map1}, {transform_indices = #map}, {transform_indices = #map1}]} {
    %mul3A = arith.constant 16 : i32
    %mul3A_0 = arith.muli %arg0, %mul3A : i32
    %add3A = arith.addi %mul3A_0, %arg1 : i32
    %lt3A = arith.constant 15 : i32
    %lt3A_1 = arith.cmpi slt, %arg1, %lt3A : i32
    %convert_element_type3A = arith.extui %lt3A_1 : i1 to i32
    %cond3A = arith.constant 0 : i32
    %cond3A_2 = arith.cmpi ne, %convert_element_type3A, %cond3A : i32
    scf.if %cond3A_2 {
      %mul3A_397 = arith.constant 632 : i32
      %mul3A_398 = arith.muli %arg1, %mul3A_397 : i32
      %mul3A_399 = arith.constant 632 : i32
      %mul3A_400 = arith.muli %arg1, %mul3A_399 : i32
      "tpu.region"() ({
        %run_scoped3A = tpu.sem_alloc : memref<!tpu.dma_semaphore, #tpu.memory_space<semaphore_mem>>
        %dma_start3A_401 = arith.constant 0 : i32
        %dma_start3A_402 = tpu.memref_slice %arg12[%mul3A_400, %dma_start3A_401] : memref<10008x128xf32, #tpu.memory_space<vmem_shared>> -> memref<632x128xf32, #tpu.memory_space<vmem_shared>>
        %dma_start3A_403 = arith.constant 0 : i32
        %dma_start3A_404 = tpu.memref_slice %arg5[%mul3A_398, %dma_start3A_403] : memref<10008x128xf32, #tpu.memory_space<hbm>> -> memref<632x128xf32, #tpu.memory_space<hbm>>
        tpu.enqueue_dma source(%dma_start3A_404 : memref<632x128xf32, #tpu.memory_space<hbm>>) target(%dma_start3A_402 : memref<632x128xf32, #tpu.memory_space<vmem_shared>>) target_semaphore(%run_scoped3A : memref<!tpu.dma_semaphore, #tpu.memory_space<semaphore_mem>>)
        %dma_wait3A_405 = arith.constant 0 : i32
        %dma_wait3A_406 = tpu.memref_slice %arg12[%mul3A_400, %dma_wait3A_405] : memref<10008x128xf32, #tpu.memory_space<vmem_shared>> -> memref<632x128xf32, #tpu.memory_space<vmem_shared>>
        %dma_wait3A_407 = arith.constant 0 : i32
        %dma_wait3A_408 = tpu.memref_slice %arg5[%mul3A_398, %dma_wait3A_407] : memref<10008x128xf32, #tpu.memory_space<hbm>> -> memref<632x128xf32, #tpu.memory_space<hbm>>
        tpu.wait_dma2 semaphore(%run_scoped3A : memref<!tpu.dma_semaphore, #tpu.memory_space<semaphore_mem>>) src(%dma_wait3A_408 : memref<632x128xf32, #tpu.memory_space<hbm>>) dst(%dma_wait3A_406 : memref<632x128xf32, #tpu.memory_space<vmem_shared>>)
        tpu.yield
      }) : () -> ()
    } else {
    }
    %eq3A = arith.constant 15 : i32
    %eq3A_3 = arith.cmpi eq, %arg1, %eq3A : i32
    %convert_element_type3A_4 = arith.extui %eq3A_3 : i1 to i32
    %cond3A_5 = arith.constant 0 : i32
    %cond3A_6 = arith.cmpi ne, %convert_element_type3A_4, %cond3A_5 : i32
    scf.if %cond3A_6 {
      "tpu.region"() ({
        %run_scoped3A = tpu.sem_alloc : memref<!tpu.dma_semaphore, #tpu.memory_space<semaphore_mem>>
        %dma_start3A_397 = arith.constant 9480 : i32
        %dma_start3A_398 = arith.constant 0 : i32
        %dma_start3A_399 = tpu.memref_slice %arg12[%dma_start3A_397, %dma_start3A_398] : memref<10008x128xf32, #tpu.memory_space<vmem_shared>> -> memref<528x128xf32, #tpu.memory_space<vmem_shared>>
        %dma_start3A_400 = arith.constant 9480 : i32
        %dma_start3A_401 = arith.constant 0 : i32
        %dma_start3A_402 = tpu.memref_slice %arg5[%dma_start3A_400, %dma_start3A_401] : memref<10008x128xf32, #tpu.memory_space<hbm>> -> memref<528x128xf32, #tpu.memory_space<hbm>>
        tpu.enqueue_dma source(%dma_start3A_402 : memref<528x128xf32, #tpu.memory_space<hbm>>) target(%dma_start3A_399 : memref<528x128xf32, #tpu.memory_space<vmem_shared>>) target_semaphore(%run_scoped3A : memref<!tpu.dma_semaphore, #tpu.memory_space<semaphore_mem>>)
        %dma_wait3A_403 = arith.constant 9480 : i32
        %dma_wait3A_404 = arith.constant 0 : i32
        %dma_wait3A_405 = tpu.memref_slice %arg12[%dma_wait3A_403, %dma_wait3A_404] : memref<10008x128xf32, #tpu.memory_space<vmem_shared>> -> memref<528x128xf32, #tpu.memory_space<vmem_shared>>
        %dma_wait3A_406 = arith.constant 9480 : i32
        %dma_wait3A_407 = arith.constant 0 : i32
        %dma_wait3A_408 = tpu.memref_slice %arg5[%dma_wait3A_406, %dma_wait3A_407] : memref<10008x128xf32, #tpu.memory_space<hbm>> -> memref<528x128xf32, #tpu.memory_space<hbm>>
        tpu.wait_dma2 semaphore(%run_scoped3A : memref<!tpu.dma_semaphore, #tpu.memory_space<semaphore_mem>>) src(%dma_wait3A_408 : memref<528x128xf32, #tpu.memory_space<hbm>>) dst(%dma_wait3A_405 : memref<528x128xf32, #tpu.memory_space<vmem_shared>>)
        tpu.yield
      }) : () -> ()
    } else {
    }
    %barrier3A = arith.constant 0 : index
    tpu.barrier barrier_id(%barrier3A)
    "tpu.region"() ({
      %run_scoped3A = tpu.sem_alloc : memref<!tpu.dma_semaphore, #tpu.memory_space<semaphore_mem>>
      %dma_start3A_397 = arith.constant 0 : i32
      %dma_start3A_398 = arith.constant 0 : i32
      %dma_start3A_399 = tpu.memref_slice %arg7[%dma_start3A_397, %dma_start3A_398] : memref<40x104xi32, #tpu.memory_space<vmem>> -> memref<40x104xi32, #tpu.memory_space<vmem>>
      %dma_start3A_400 = arith.constant 0 : i32
      %dma_start3A_401 = arith.constant 0 : i32
      %dma_start3A_402 = tpu.memref_slice %arg3[%add3A, %dma_start3A_400, %dma_start3A_401] : memref<32x104x104xi32, #tpu.memory_space<hbm>> -> memref<1x40x104xi32, #tpu.memory_space<hbm>>
      %dma_start3A_403 = tpu.memref_squeeze %dma_start3A_402 : memref<1x40x104xi32, #tpu.memory_space<hbm>> -> memref<40x104xi32, #tpu.memory_space<hbm>>
      %dma_start3A_404 = arith.constant 0 : i32
      %dma_start3A_405 = arith.constant 0 : i32
      %dma_start3A_406 = tpu.memref_slice %arg7[%dma_start3A_404, %dma_start3A_405] : memref<40x104xi32, #tpu.memory_space<vmem>> -> memref<40x104xi32, #tpu.memory_space<vmem>>
      %dma_start3A_407 = arith.constant 0 : i32
      %dma_start3A_408 = arith.constant 0 : i32
      %dma_start3A_409 = tpu.memref_slice %arg3[%add3A, %dma_start3A_407, %dma_start3A_408] : memref<32x104x104xi32, #tpu.memory_space<hbm>> -> memref<1x40x104xi32, #tpu.memory_space<hbm>>
      %dma_start3A_410 = tpu.memref_squeeze %dma_start3A_409 : memref<1x40x104xi32, #tpu.memory_space<hbm>> -> memref<40x104xi32, #tpu.memory_space<hbm>>
      tpu.enqueue_dma source(%dma_start3A_410 : memref<40x104xi32, #tpu.memory_space<hbm>>) target(%dma_start3A_406 : memref<40x104xi32, #tpu.memory_space<vmem>>) target_semaphore(%run_scoped3A : memref<!tpu.dma_semaphore, #tpu.memory_space<semaphore_mem>>)
      %dma_wait3A_411 = arith.constant 0 : i32
      %dma_wait3A_412 = arith.constant 0 : i32
      %dma_wait3A_413 = tpu.memref_slice %arg7[%dma_wait3A_411, %dma_wait3A_412] : memref<40x104xi32, #tpu.memory_space<vmem>> -> memref<40x104xi32, #tpu.memory_space<vmem>>
      %dma_wait3A_414 = arith.constant 0 : i32
      %dma_wait3A_415 = arith.constant 0 : i32
      %dma_wait3A_416 = tpu.memref_slice %arg3[%add3A, %dma_wait3A_414, %dma_wait3A_415] : memref<32x104x104xi32, #tpu.memory_space<hbm>> -> memref<1x40x104xi32, #tpu.memory_space<hbm>>
      %dma_wait3A_417 = tpu.memref_squeeze %dma_wait3A_416 : memref<1x40x104xi32, #tpu.memory_space<hbm>> -> memref<40x104xi32, #tpu.memory_space<hbm>>
      %dma_wait3A_418 = arith.constant 0 : i32
      %dma_wait3A_419 = arith.constant 0 : i32
      %dma_wait3A_420 = tpu.memref_slice %arg7[%dma_wait3A_418, %dma_wait3A_419] : memref<40x104xi32, #tpu.memory_space<vmem>> -> memref<40x104xi32, #tpu.memory_space<vmem>>
      %dma_wait3A_421 = arith.constant 0 : i32
      %dma_wait3A_422 = arith.constant 0 : i32
      %dma_wait3A_423 = tpu.memref_slice %arg3[%add3A, %dma_wait3A_421, %dma_wait3A_422] : memref<32x104x104xi32, #tpu.memory_space<hbm>> -> memref<1x40x104xi32, #tpu.memory_space<hbm>>
      %dma_wait3A_424 = tpu.memref_squeeze %dma_wait3A_423 : memref<1x40x104xi32, #tpu.memory_space<hbm>> -> memref<40x104xi32, #tpu.memory_space<hbm>>
      tpu.wait_dma2 semaphore(%run_scoped3A : memref<!tpu.dma_semaphore, #tpu.memory_space<semaphore_mem>>) src(%dma_wait3A_424 : memref<40x104xi32, #tpu.memory_space<hbm>>) dst(%dma_wait3A_420 : memref<40x104xi32, #tpu.memory_space<vmem>>)
      tpu.yield
    }) : () -> ()
    "tpu.region"() ({
      %run_scoped3A = tpu.sem_alloc : memref<!tpu.dma_semaphore, #tpu.memory_space<semaphore_mem>>
      %dma_start3A_397 = arith.constant 0 : i32
      %dma_start3A_398 = arith.constant 0 : i32
      %dma_start3A_399 = tpu.memref_slice %arg8[%dma_start3A_397, %dma_start3A_398] : memref<40x104xi32, #tpu.memory_space<vmem>> -> memref<40x104xi32, #tpu.memory_space<vmem>>
      %dma_start3A_400 = arith.constant 0 : i32
      %dma_start3A_401 = arith.constant 0 : i32
      %dma_start3A_402 = tpu.memref_slice %arg4[%add3A, %dma_start3A_400, %dma_start3A_401] : memref<32x104x104xi32, #tpu.memory_space<hbm>> -> memref<1x40x104xi32, #tpu.memory_space<hbm>>
      %dma_start3A_403 = tpu.memref_squeeze %dma_start3A_402 : memref<1x40x104xi32, #tpu.memory_space<hbm>> -> memref<40x104xi32, #tpu.memory_space<hbm>>
      %dma_start3A_404 = arith.constant 0 : i32
      %dma_start3A_405 = arith.constant 0 : i32
      %dma_start3A_406 = tpu.memref_slice %arg8[%dma_start3A_404, %dma_start3A_405] : memref<40x104xi32, #tpu.memory_space<vmem>> -> memref<40x104xi32, #tpu.memory_space<vmem>>
      %dma_start3A_407 = arith.constant 0 : i32
      %dma_start3A_408 = arith.constant 0 : i32
      %dma_start3A_409 = tpu.memref_slice %arg4[%add3A, %dma_start3A_407, %dma_start3A_408] : memref<32x104x104xi32, #tpu.memory_space<hbm>> -> memref<1x40x104xi32, #tpu.memory_space<hbm>>
      %dma_start3A_410 = tpu.memref_squeeze %dma_start3A_409 : memref<1x40x104xi32, #tpu.memory_space<hbm>> -> memref<40x104xi32, #tpu.memory_space<hbm>>
      tpu.enqueue_dma source(%dma_start3A_410 : memref<40x104xi32, #tpu.memory_space<hbm>>) target(%dma_start3A_406 : memref<40x104xi32, #tpu.memory_space<vmem>>) target_semaphore(%run_scoped3A : memref<!tpu.dma_semaphore, #tpu.memory_space<semaphore_mem>>)
      %dma_wait3A_411 = arith.constant 0 : i32
      %dma_wait3A_412 = arith.constant 0 : i32
      %dma_wait3A_413 = tpu.memref_slice %arg8[%dma_wait3A_411, %dma_wait3A_412] : memref<40x104xi32, #tpu.memory_space<vmem>> -> memref<40x104xi32, #tpu.memory_space<vmem>>
      %dma_wait3A_414 = arith.constant 0 : i32
      %dma_wait3A_415 = arith.constant 0 : i32
      %dma_wait3A_416 = tpu.memref_slice %arg4[%add3A, %dma_wait3A_414, %dma_wait3A_415] : memref<32x104x104xi32, #tpu.memory_space<hbm>> -> memref<1x40x104xi32, #tpu.memory_space<hbm>>
      %dma_wait3A_417 = tpu.memref_squeeze %dma_wait3A_416 : memref<1x40x104xi32, #tpu.memory_space<hbm>> -> memref<40x104xi32, #tpu.memory_space<hbm>>
      %dma_wait3A_418 = arith.constant 0 : i32
      %dma_wait3A_419 = arith.constant 0 : i32
      %dma_wait3A_420 = tpu.memref_slice %arg8[%dma_wait3A_418, %dma_wait3A_419] : memref<40x104xi32, #tpu.memory_space<vmem>> -> memref<40x104xi32, #tpu.memory_space<vmem>>
      %dma_wait3A_421 = arith.constant 0 : i32
      %dma_wait3A_422 = arith.constant 0 : i32
      %dma_wait3A_423 = tpu.memref_slice %arg4[%add3A, %dma_wait3A_421, %dma_wait3A_422] : memref<32x104x104xi32, #tpu.memory_space<hbm>> -> memref<1x40x104xi32, #tpu.memory_space<hbm>>
      %dma_wait3A_424 = tpu.memref_squeeze %dma_wait3A_423 : memref<1x40x104xi32, #tpu.memory_space<hbm>> -> memref<40x104xi32, #tpu.memory_space<hbm>>
      tpu.wait_dma2 semaphore(%run_scoped3A : memref<!tpu.dma_semaphore, #tpu.memory_space<semaphore_mem>>) src(%dma_wait3A_424 : memref<40x104xi32, #tpu.memory_space<hbm>>) dst(%dma_wait3A_420 : memref<40x104xi32, #tpu.memory_space<vmem>>)
      tpu.yield
    }) : () -> ()
    %dma_start3A = arith.constant 0 : i32
    %dma_start3A_7 = arith.constant 0 : i32
    %dma_start3A_8 = tpu.memref_slice %arg7[%dma_start3A, %dma_start3A_7] : memref<40x104xi32, #tpu.memory_space<vmem>> -> memref<1x104xi32, #tpu.memory_space<vmem>>
    %dma_start3A_9 = tpu.memref_squeeze %dma_start3A_8 : memref<1x104xi32, #tpu.memory_space<vmem>> -> memref<104xi32, #tpu.memory_space<vmem>>
    %dma_start3A_10 = arith.constant 0 : i32
    %dma_start3A_11 = arith.constant 0 : i32
    %dma_start3A_12 = tpu.memref_slice %arg2[%dma_start3A_10, %dma_start3A_11] : memref<270000x128xf32, #tpu.memory_space<hbm>> -> memref<270000x128xf32, #tpu.memory_space<hbm>>
    tpu.enqueue_indirect_dma source(%dma_start3A_12 : memref<270000x128xf32, #tpu.memory_space<hbm>>) target(%arg9 : memref<104x128xf32, #tpu.memory_space<vmem>>) offsets(%dma_start3A_9 : memref<104xi32, #tpu.memory_space<vmem>>) semaphore(%arg13 : memref<!tpu.dma_semaphore, #tpu.memory_space<semaphore_mem>>)
    %dma_start3A_13 = arith.constant 1 : i32
    %dma_start3A_14 = arith.constant 0 : i32
    %dma_start3A_15 = tpu.memref_slice %arg7[%dma_start3A_13, %dma_start3A_14] : memref<40x104xi32, #tpu.memory_space<vmem>> -> memref<1x104xi32, #tpu.memory_space<vmem>>
    %dma_start3A_16 = tpu.memref_squeeze %dma_start3A_15 : memref<1x104xi32, #tpu.memory_space<vmem>> -> memref<104xi32, #tpu.memory_space<vmem>>
    %dma_start3A_17 = arith.constant 0 : i32
    %dma_start3A_18 = arith.constant 0 : i32
    %dma_start3A_19 = tpu.memref_slice %arg2[%dma_start3A_17, %dma_start3A_18] : memref<270000x128xf32, #tpu.memory_space<hbm>> -> memref<270000x128xf32, #tpu.memory_space<hbm>>
    tpu.enqueue_indirect_dma source(%dma_start3A_19 : memref<270000x128xf32, #tpu.memory_space<hbm>>) target(%arg10 : memref<104x128xf32, #tpu.memory_space<vmem>>) offsets(%dma_start3A_16 : memref<104xi32, #tpu.memory_space<vmem>>) semaphore(%arg14 : memref<!tpu.dma_semaphore, #tpu.memory_space<semaphore_mem>>)
    %dma_wait3A = arith.constant 0 : i32
    %dma_wait3A_20 = arith.constant 0 : i32
    %dma_wait3A_21 = tpu.memref_slice %arg7[%dma_wait3A, %dma_wait3A_20] : memref<40x104xi32, #tpu.memory_space<vmem>> -> memref<1x104xi32, #tpu.memory_space<vmem>>
    %dma_wait3A_22 = tpu.memref_squeeze %dma_wait3A_21 : memref<1x104xi32, #tpu.memory_space<vmem>> -> memref<104xi32, #tpu.memory_space<vmem>>
    %dma_wait3A_23 = arith.constant 0 : i32
    %dma_wait3A_24 = arith.constant 0 : i32
    %dma_wait3A_25 = tpu.memref_slice %arg2[%dma_wait3A_23, %dma_wait3A_24] : memref<270000x128xf32, #tpu.memory_space<hbm>> -> memref<270000x128xf32, #tpu.memory_space<hbm>>
    tpu.wait_indirect_dma semaphore(%arg13 : memref<!tpu.dma_semaphore, #tpu.memory_space<semaphore_mem>>) src(%dma_wait3A_25 : memref<270000x128xf32, #tpu.memory_space<hbm>>) dst(%arg9 : memref<104x128xf32, #tpu.memory_space<vmem>>)
    %dma_start3A_26 = arith.constant 0 : i32
    %dma_start3A_27 = arith.constant 0 : i32
    %dma_start3A_28 = tpu.memref_slice %arg8[%dma_start3A_26, %dma_start3A_27] : memref<40x104xi32, #tpu.memory_space<vmem>> -> memref<1x104xi32, #tpu.memory_space<vmem>>
    %dma_start3A_29 = tpu.memref_squeeze %dma_start3A_28 : memref<1x104xi32, #tpu.memory_space<vmem>> -> memref<104xi32, #tpu.memory_space<vmem>>
    %dma_start3A_30 = arith.constant 0 : i32
    %dma_start3A_31 = arith.constant 0 : i32
    %dma_start3A_32 = tpu.memref_slice %arg12[%dma_start3A_30, %dma_start3A_31] : memref<10008x128xf32, #tpu.memory_space<vmem_shared>> -> memref<10008x128xf32, #tpu.memory_space<vmem_shared>>
    tpu.enqueue_indirect_dma source(%arg9 : memref<104x128xf32, #tpu.memory_space<vmem>>) target(%dma_start3A_32 : memref<10008x128xf32, #tpu.memory_space<vmem_shared>>) offsets(%dma_start3A_29 : memref<104xi32, #tpu.memory_space<vmem>>) semaphore(%arg16 : memref<!tpu.dma_semaphore, #tpu.memory_space<semaphore_mem>>) {add = true}
    %dma_start3A_33 = arith.constant 2 : i32
    %dma_start3A_34 = arith.constant 0 : i32
    %dma_start3A_35 = tpu.memref_slice %arg7[%dma_start3A_33, %dma_start3A_34] : memref<40x104xi32, #tpu.memory_space<vmem>> -> memref<1x104xi32, #tpu.memory_space<vmem>>
    %dma_start3A_36 = tpu.memref_squeeze %dma_start3A_35 : memref<1x104xi32, #tpu.memory_space<vmem>> -> memref<104xi32, #tpu.memory_space<vmem>>
    %dma_start3A_37 = arith.constant 0 : i32
    %dma_start3A_38 = arith.constant 0 : i32
    %dma_start3A_39 = tpu.memref_slice %arg2[%dma_start3A_37, %dma_start3A_38] : memref<270000x128xf32, #tpu.memory_space<hbm>> -> memref<270000x128xf32, #tpu.memory_space<hbm>>
    tpu.enqueue_indirect_dma source(%dma_start3A_39 : memref<270000x128xf32, #tpu.memory_space<hbm>>) target(%arg11 : memref<104x128xf32, #tpu.memory_space<vmem>>) offsets(%dma_start3A_36 : memref<104xi32, #tpu.memory_space<vmem>>) semaphore(%arg15 : memref<!tpu.dma_semaphore, #tpu.memory_space<semaphore_mem>>)
    %dma_wait3A_40 = arith.constant 1 : i32
    %dma_wait3A_41 = arith.constant 0 : i32
    %dma_wait3A_42 = tpu.memref_slice %arg7[%dma_wait3A_40, %dma_wait3A_41] : memref<40x104xi32, #tpu.memory_space<vmem>> -> memref<1x104xi32, #tpu.memory_space<vmem>>
    %dma_wait3A_43 = tpu.memref_squeeze %dma_wait3A_42 : memref<1x104xi32, #tpu.memory_space<vmem>> -> memref<104xi32, #tpu.memory_space<vmem>>
    %dma_wait3A_44 = arith.constant 0 : i32
    %dma_wait3A_45 = arith.constant 0 : i32
    %dma_wait3A_46 = tpu.memref_slice %arg2[%dma_wait3A_44, %dma_wait3A_45] : memref<270000x128xf32, #tpu.memory_space<hbm>> -> memref<270000x128xf32, #tpu.memory_space<hbm>>
    tpu.wait_indirect_dma semaphore(%arg14 : memref<!tpu.dma_semaphore, #tpu.memory_space<semaphore_mem>>) src(%dma_wait3A_46 : memref<270000x128xf32, #tpu.memory_space<hbm>>) dst(%arg10 : memref<104x128xf32, #tpu.memory_space<vmem>>)
    %dma_start3A_47 = arith.constant 1 : i32
    %dma_start3A_48 = arith.constant 0 : i32
    %dma_start3A_49 = tpu.memref_slice %arg8[%dma_start3A_47, %dma_start3A_48] : memref<40x104xi32, #tpu.memory_space<vmem>> -> memref<1x104xi32, #tpu.memory_space<vmem>>
    %dma_start3A_50 = tpu.memref_squeeze %dma_start3A_49 : memref<1x104xi32, #tpu.memory_space<vmem>> -> memref<104xi32, #tpu.memory_space<vmem>>
    %dma_start3A_51 = arith.constant 0 : i32
    %dma_start3A_52 = arith.constant 0 : i32
    %dma_start3A_53 = tpu.memref_slice %arg12[%dma_start3A_51, %dma_start3A_52] : memref<10008x128xf32, #tpu.memory_space<vmem_shared>> -> memref<10008x128xf32, #tpu.memory_space<vmem_shared>>
    tpu.enqueue_indirect_dma source(%arg10 : memref<104x128xf32, #tpu.memory_space<vmem>>) target(%dma_start3A_53 : memref<10008x128xf32, #tpu.memory_space<vmem_shared>>) offsets(%dma_start3A_50 : memref<104xi32, #tpu.memory_space<vmem>>) semaphore(%arg17 : memref<!tpu.dma_semaphore, #tpu.memory_space<semaphore_mem>>) {add = true}
    %dma_wait3A_54 = arith.constant 1 : i32
    %dma_wait3A_55 = arith.constant 0 : i32
    %dma_wait3A_56 = tpu.memref_slice %arg8[%dma_wait3A_54, %dma_wait3A_55] : memref<40x104xi32, #tpu.memory_space<vmem>> -> memref<1x104xi32, #tpu.memory_space<vmem>>
    %dma_wait3A_57 = tpu.memref_squeeze %dma_wait3A_56 : memref<1x104xi32, #tpu.memory_space<vmem>> -> memref<104xi32, #tpu.memory_space<vmem>>
    %dma_wait3A_58 = arith.constant 0 : i32
    %dma_wait3A_59 = arith.constant 0 : i32
    %dma_wait3A_60 = tpu.memref_slice %arg12[%dma_wait3A_58, %dma_wait3A_59] : memref<10008x128xf32, #tpu.memory_space<vmem_shared>> -> memref<10008x128xf32, #tpu.memory_space<vmem_shared>>
    tpu.wait_indirect_dma semaphore(%arg16 : memref<!tpu.dma_semaphore, #tpu.memory_space<semaphore_mem>>) src(%arg9 : memref<104x128xf32, #tpu.memory_space<vmem>>) dst(%dma_wait3A_60 : memref<10008x128xf32, #tpu.memory_space<vmem_shared>>)
    %dma_start3A_61 = arith.constant 3 : i32
    %dma_start3A_62 = arith.constant 0 : i32
    %dma_start3A_63 = tpu.memref_slice %arg7[%dma_start3A_61, %dma_start3A_62] : memref<40x104xi32, #tpu.memory_space<vmem>> -> memref<1x104xi32, #tpu.memory_space<vmem>>
    %dma_start3A_64 = tpu.memref_squeeze %dma_start3A_63 : memref<1x104xi32, #tpu.memory_space<vmem>> -> memref<104xi32, #tpu.memory_space<vmem>>
    %dma_start3A_65 = arith.constant 0 : i32
    %dma_start3A_66 = arith.constant 0 : i32
    %dma_start3A_67 = tpu.memref_slice %arg2[%dma_start3A_65, %dma_start3A_66] : memref<270000x128xf32, #tpu.memory_space<hbm>> -> memref<270000x128xf32, #tpu.memory_space<hbm>>
    tpu.enqueue_indirect_dma source(%dma_start3A_67 : memref<270000x128xf32, #tpu.memory_space<hbm>>) target(%arg9 : memref<104x128xf32, #tpu.memory_space<vmem>>) offsets(%dma_start3A_64 : memref<104xi32, #tpu.memory_space<vmem>>) semaphore(%arg13 : memref<!tpu.dma_semaphore, #tpu.memory_space<semaphore_mem>>)
    %scan3A = arith.constant 0 : i32
    %scan3A_68 = arith.constant 0 : i32
    %scan3A_69 = arith.constant 12 : i32
    %scan3A_70 = arith.addi %scan3A_68, %scan3A_69 : i32
    %scan3A_71 = arith.constant 1 : i32
    scf.for %scan3A_397 = %scan3A_68 to %scan3A_70 step %scan3A_71  : i32 {
      %mul3A_398 = arith.constant 3 : i32
      %mul3A_399 = arith.muli %mul3A_398, %scan3A_397 : i32
      %add3A_400 = arith.constant 2 : i32
      %add3A_401 = arith.addi %add3A_400, %mul3A_399 : i32
      %add3A_402 = arith.constant 0 : i32
      %add3A_403 = arith.addi %add3A_401, %add3A_402 : i32
      %add3A_404 = arith.constant 2 : i32
      %add3A_405 = arith.addi %add3A_403, %add3A_404 : i32
      %dma_wait3A_406 = arith.constant 0 : i32
      %dma_wait3A_407 = tpu.memref_slice %arg7[%add3A_403, %dma_wait3A_406] : memref<40x104xi32, #tpu.memory_space<vmem>> -> memref<1x104xi32, #tpu.memory_space<vmem>>
      %dma_wait3A_408 = tpu.memref_squeeze %dma_wait3A_407 : memref<1x104xi32, #tpu.memory_space<vmem>> -> memref<104xi32, #tpu.memory_space<vmem>>
      %dma_wait3A_409 = arith.constant 0 : i32
      %dma_wait3A_410 = arith.constant 0 : i32
      %dma_wait3A_411 = tpu.memref_slice %arg2[%dma_wait3A_409, %dma_wait3A_410] : memref<270000x128xf32, #tpu.memory_space<hbm>> -> memref<270000x128xf32, #tpu.memory_space<hbm>>
      tpu.wait_indirect_dma semaphore(%arg15 : memref<!tpu.dma_semaphore, #tpu.memory_space<semaphore_mem>>) src(%dma_wait3A_411 : memref<270000x128xf32, #tpu.memory_space<hbm>>) dst(%arg11 : memref<104x128xf32, #tpu.memory_space<vmem>>)
      %dma_start3A_412 = arith.constant 0 : i32
      %dma_start3A_413 = tpu.memref_slice %arg8[%add3A_403, %dma_start3A_412] : memref<40x104xi32, #tpu.memory_space<vmem>> -> memref<1x104xi32, #tpu.memory_space<vmem>>
      %dma_start3A_414 = tpu.memref_squeeze %dma_start3A_413 : memref<1x104xi32, #tpu.memory_space<vmem>> -> memref<104xi32, #tpu.memory_space<vmem>>
      %dma_start3A_415 = arith.constant 0 : i32
      %dma_start3A_416 = arith.constant 0 : i32
      %dma_start3A_417 = tpu.memref_slice %arg12[%dma_start3A_415, %dma_start3A_416] : memref<10008x128xf32, #tpu.memory_space<vmem_shared>> -> memref<10008x128xf32, #tpu.memory_space<vmem_shared>>
      tpu.enqueue_indirect_dma source(%arg11 : memref<104x128xf32, #tpu.memory_space<vmem>>) target(%dma_start3A_417 : memref<10008x128xf32, #tpu.memory_space<vmem_shared>>) offsets(%dma_start3A_414 : memref<104xi32, #tpu.memory_space<vmem>>) semaphore(%arg18 : memref<!tpu.dma_semaphore, #tpu.memory_space<semaphore_mem>>) {add = true}
      %dma_wait3A_418 = arith.constant 0 : i32
      %dma_wait3A_419 = tpu.memref_slice %arg8[%add3A_403, %dma_wait3A_418] : memref<40x104xi32, #tpu.memory_space<vmem>> -> memref<1x104xi32, #tpu.memory_space<vmem>>
      %dma_wait3A_420 = tpu.memref_squeeze %dma_wait3A_419 : memref<1x104xi32, #tpu.memory_space<vmem>> -> memref<104xi32, #tpu.memory_space<vmem>>
      %dma_wait3A_421 = arith.constant 0 : i32
      %dma_wait3A_422 = arith.constant 0 : i32
      %dma_wait3A_423 = tpu.memref_slice %arg12[%dma_wait3A_421, %dma_wait3A_422] : memref<10008x128xf32, #tpu.memory_space<vmem_shared>> -> memref<10008x128xf32, #tpu.memory_space<vmem_shared>>
      tpu.wait_indirect_dma semaphore(%arg17 : memref<!tpu.dma_semaphore, #tpu.memory_space<semaphore_mem>>) src(%arg10 : memref<104x128xf32, #tpu.memory_space<vmem>>) dst(%dma_wait3A_423 : memref<10008x128xf32, #tpu.memory_space<vmem_shared>>)
      %dma_start3A_424 = arith.constant 0 : i32
      %dma_start3A_425 = tpu.memref_slice %arg7[%add3A_405, %dma_start3A_424] : memref<40x104xi32, #tpu.memory_space<vmem>> -> memref<1x104xi32, #tpu.memory_space<vmem>>
      %dma_start3A_426 = tpu.memref_squeeze %dma_start3A_425 : memref<1x104xi32, #tpu.memory_space<vmem>> -> memref<104xi32, #tpu.memory_space<vmem>>
      %dma_start3A_427 = arith.constant 0 : i32
      %dma_start3A_428 = arith.constant 0 : i32
      %dma_start3A_429 = tpu.memref_slice %arg2[%dma_start3A_427, %dma_start3A_428] : memref<270000x128xf32, #tpu.memory_space<hbm>> -> memref<270000x128xf32, #tpu.memory_space<hbm>>
      tpu.enqueue_indirect_dma source(%dma_start3A_429 : memref<270000x128xf32, #tpu.memory_space<hbm>>) target(%arg10 : memref<104x128xf32, #tpu.memory_space<vmem>>) offsets(%dma_start3A_426 : memref<104xi32, #tpu.memory_space<vmem>>) semaphore(%arg14 : memref<!tpu.dma_semaphore, #tpu.memory_space<semaphore_mem>>)
      %mul3A_430 = arith.constant 3 : i32
      %mul3A_431 = arith.muli %mul3A_430, %scan3A_397 : i32
      %add3A_432 = arith.constant 2 : i32
      %add3A_433 = arith.addi %add3A_432, %mul3A_431 : i32
      %add3A_434 = arith.constant 1 : i32
      %add3A_435 = arith.addi %add3A_433, %add3A_434 : i32
      %add3A_436 = arith.constant 2 : i32
      %add3A_437 = arith.addi %add3A_435, %add3A_436 : i32
      %dma_wait3A_438 = arith.constant 0 : i32
      %dma_wait3A_439 = tpu.memref_slice %arg7[%add3A_435, %dma_wait3A_438] : memref<40x104xi32, #tpu.memory_space<vmem>> -> memref<1x104xi32, #tpu.memory_space<vmem>>
      %dma_wait3A_440 = tpu.memref_squeeze %dma_wait3A_439 : memref<1x104xi32, #tpu.memory_space<vmem>> -> memref<104xi32, #tpu.memory_space<vmem>>
      %dma_wait3A_441 = arith.constant 0 : i32
      %dma_wait3A_442 = arith.constant 0 : i32
      %dma_wait3A_443 = tpu.memref_slice %arg2[%dma_wait3A_441, %dma_wait3A_442] : memref<270000x128xf32, #tpu.memory_space<hbm>> -> memref<270000x128xf32, #tpu.memory_space<hbm>>
      tpu.wait_indirect_dma semaphore(%arg13 : memref<!tpu.dma_semaphore, #tpu.memory_space<semaphore_mem>>) src(%dma_wait3A_443 : memref<270000x128xf32, #tpu.memory_space<hbm>>) dst(%arg9 : memref<104x128xf32, #tpu.memory_space<vmem>>)
      %dma_start3A_444 = arith.constant 0 : i32
      %dma_start3A_445 = tpu.memref_slice %arg8[%add3A_435, %dma_start3A_444] : memref<40x104xi32, #tpu.memory_space<vmem>> -> memref<1x104xi32, #tpu.memory_space<vmem>>
      %dma_start3A_446 = tpu.memref_squeeze %dma_start3A_445 : memref<1x104xi32, #tpu.memory_space<vmem>> -> memref<104xi32, #tpu.memory_space<vmem>>
      %dma_start3A_447 = arith.constant 0 : i32
      %dma_start3A_448 = arith.constant 0 : i32
      %dma_start3A_449 = tpu.memref_slice %arg12[%dma_start3A_447, %dma_start3A_448] : memref<10008x128xf32, #tpu.memory_space<vmem_shared>> -> memref<10008x128xf32, #tpu.memory_space<vmem_shared>>
      tpu.enqueue_indirect_dma source(%arg9 : memref<104x128xf32, #tpu.memory_space<vmem>>) target(%dma_start3A_449 : memref<10008x128xf32, #tpu.memory_space<vmem_shared>>) offsets(%dma_start3A_446 : memref<104xi32, #tpu.memory_space<vmem>>) semaphore(%arg16 : memref<!tpu.dma_semaphore, #tpu.memory_space<semaphore_mem>>) {add = true}
      %dma_wait3A_450 = arith.constant 0 : i32
      %dma_wait3A_451 = tpu.memref_slice %arg8[%add3A_435, %dma_wait3A_450] : memref<40x104xi32, #tpu.memory_space<vmem>> -> memref<1x104xi32, #tpu.memory_space<vmem>>
      %dma_wait3A_452 = tpu.memref_squeeze %dma_wait3A_451 : memref<1x104xi32, #tpu.memory_space<vmem>> -> memref<104xi32, #tpu.memory_space<vmem>>
      %dma_wait3A_453 = arith.constant 0 : i32
      %dma_wait3A_454 = arith.constant 0 : i32
      %dma_wait3A_455 = tpu.memref_slice %arg12[%dma_wait3A_453, %dma_wait3A_454] : memref<10008x128xf32, #tpu.memory_space<vmem_shared>> -> memref<10008x128xf32, #tpu.memory_space<vmem_shared>>
      tpu.wait_indirect_dma semaphore(%arg18 : memref<!tpu.dma_semaphore, #tpu.memory_space<semaphore_mem>>) src(%arg11 : memref<104x128xf32, #tpu.memory_space<vmem>>) dst(%dma_wait3A_455 : memref<10008x128xf32, #tpu.memory_space<vmem_shared>>)
      %dma_start3A_456 = arith.constant 0 : i32
      %dma_start3A_457 = tpu.memref_slice %arg7[%add3A_437, %dma_start3A_456] : memref<40x104xi32, #tpu.memory_space<vmem>> -> memref<1x104xi32, #tpu.memory_space<vmem>>
      %dma_start3A_458 = tpu.memref_squeeze %dma_start3A_457 : memref<1x104xi32, #tpu.memory_space<vmem>> -> memref<104xi32, #tpu.memory_space<vmem>>
      %dma_start3A_459 = arith.constant 0 : i32
      %dma_start3A_460 = arith.constant 0 : i32
      %dma_start3A_461 = tpu.memref_slice %arg2[%dma_start3A_459, %dma_start3A_460] : memref<270000x128xf32, #tpu.memory_space<hbm>> -> memref<270000x128xf32, #tpu.memory_space<hbm>>
      tpu.enqueue_indirect_dma source(%dma_start3A_461 : memref<270000x128xf32, #tpu.memory_space<hbm>>) target(%arg11 : memref<104x128xf32, #tpu.memory_space<vmem>>) offsets(%dma_start3A_458 : memref<104xi32, #tpu.memory_space<vmem>>) semaphore(%arg15 : memref<!tpu.dma_semaphore, #tpu.memory_space<semaphore_mem>>)
      %mul3A_462 = arith.constant 3 : i32
      %mul3A_463 = arith.muli %mul3A_462, %scan3A_397 : i32
      %add3A_464 = arith.constant 2 : i32
      %add3A_465 = arith.addi %add3A_464, %mul3A_463 : i32
      %add3A_466 = arith.constant 2 : i32
      %add3A_467 = arith.addi %add3A_465, %add3A_466 : i32
      %add3A_468 = arith.constant 2 : i32
      %add3A_469 = arith.addi %add3A_467, %add3A_468 : i32
      %dma_wait3A_470 = arith.constant 0 : i32
      %dma_wait3A_471 = tpu.memref_slice %arg7[%add3A_467, %dma_wait3A_470] : memref<40x104xi32, #tpu.memory_space<vmem>> -> memref<1x104xi32, #tpu.memory_space<vmem>>
      %dma_wait3A_472 = tpu.memref_squeeze %dma_wait3A_471 : memref<1x104xi32, #tpu.memory_space<vmem>> -> memref<104xi32, #tpu.memory_space<vmem>>
      %dma_wait3A_473 = arith.constant 0 : i32
      %dma_wait3A_474 = arith.constant 0 : i32
      %dma_wait3A_475 = tpu.memref_slice %arg2[%dma_wait3A_473, %dma_wait3A_474] : memref<270000x128xf32, #tpu.memory_space<hbm>> -> memref<270000x128xf32, #tpu.memory_space<hbm>>
      tpu.wait_indirect_dma semaphore(%arg14 : memref<!tpu.dma_semaphore, #tpu.memory_space<semaphore_mem>>) src(%dma_wait3A_475 : memref<270000x128xf32, #tpu.memory_space<hbm>>) dst(%arg10 : memref<104x128xf32, #tpu.memory_space<vmem>>)
      %dma_start3A_476 = arith.constant 0 : i32
      %dma_start3A_477 = tpu.memref_slice %arg8[%add3A_467, %dma_start3A_476] : memref<40x104xi32, #tpu.memory_space<vmem>> -> memref<1x104xi32, #tpu.memory_space<vmem>>
      %dma_start3A_478 = tpu.memref_squeeze %dma_start3A_477 : memref<1x104xi32, #tpu.memory_space<vmem>> -> memref<104xi32, #tpu.memory_space<vmem>>
      %dma_start3A_479 = arith.constant 0 : i32
      %dma_start3A_480 = arith.constant 0 : i32
      %dma_start3A_481 = tpu.memref_slice %arg12[%dma_start3A_479, %dma_start3A_480] : memref<10008x128xf32, #tpu.memory_space<vmem_shared>> -> memref<10008x128xf32, #tpu.memory_space<vmem_shared>>
      tpu.enqueue_indirect_dma source(%arg10 : memref<104x128xf32, #tpu.memory_space<vmem>>) target(%dma_start3A_481 : memref<10008x128xf32, #tpu.memory_space<vmem_shared>>) offsets(%dma_start3A_478 : memref<104xi32, #tpu.memory_space<vmem>>) semaphore(%arg17 : memref<!tpu.dma_semaphore, #tpu.memory_space<semaphore_mem>>) {add = true}
      %dma_wait3A_482 = arith.constant 0 : i32
      %dma_wait3A_483 = tpu.memref_slice %arg8[%add3A_467, %dma_wait3A_482] : memref<40x104xi32, #tpu.memory_space<vmem>> -> memref<1x104xi32, #tpu.memory_space<vmem>>
      %dma_wait3A_484 = tpu.memref_squeeze %dma_wait3A_483 : memref<1x104xi32, #tpu.memory_space<vmem>> -> memref<104xi32, #tpu.memory_space<vmem>>
      %dma_wait3A_485 = arith.constant 0 : i32
      %dma_wait3A_486 = arith.constant 0 : i32
      %dma_wait3A_487 = tpu.memref_slice %arg12[%dma_wait3A_485, %dma_wait3A_486] : memref<10008x128xf32, #tpu.memory_space<vmem_shared>> -> memref<10008x128xf32, #tpu.memory_space<vmem_shared>>
      tpu.wait_indirect_dma semaphore(%arg16 : memref<!tpu.dma_semaphore, #tpu.memory_space<semaphore_mem>>) src(%arg9 : memref<104x128xf32, #tpu.memory_space<vmem>>) dst(%dma_wait3A_487 : memref<10008x128xf32, #tpu.memory_space<vmem_shared>>)
      %dma_start3A_488 = arith.constant 0 : i32
      %dma_start3A_489 = tpu.memref_slice %arg7[%add3A_469, %dma_start3A_488] : memref<40x104xi32, #tpu.memory_space<vmem>> -> memref<1x104xi32, #tpu.memory_space<vmem>>
      %dma_start3A_490 = tpu.memref_squeeze %dma_start3A_489 : memref<1x104xi32, #tpu.memory_space<vmem>> -> memref<104xi32, #tpu.memory_space<vmem>>
      %dma_start3A_491 = arith.constant 0 : i32
      %dma_start3A_492 = arith.constant 0 : i32
      %dma_start3A_493 = tpu.memref_slice %arg2[%dma_start3A_491, %dma_start3A_492] : memref<270000x128xf32, #tpu.memory_space<hbm>> -> memref<270000x128xf32, #tpu.memory_space<hbm>>
      tpu.enqueue_indirect_dma source(%dma_start3A_493 : memref<270000x128xf32, #tpu.memory_space<hbm>>) target(%arg9 : memref<104x128xf32, #tpu.memory_space<vmem>>) offsets(%dma_start3A_490 : memref<104xi32, #tpu.memory_space<vmem>>) semaphore(%arg13 : memref<!tpu.dma_semaphore, #tpu.memory_space<semaphore_mem>>)
    }
    %scan3A_72 = arith.constant 12 : i32
    %dma_wait3A_73 = arith.constant 38 : i32
    %dma_wait3A_74 = arith.constant 0 : i32
    %dma_wait3A_75 = tpu.memref_slice %arg7[%dma_wait3A_73, %dma_wait3A_74] : memref<40x104xi32, #tpu.memory_space<vmem>> -> memref<1x104xi32, #tpu.memory_space<vmem>>
    %dma_wait3A_76 = tpu.memref_squeeze %dma_wait3A_75 : memref<1x104xi32, #tpu.memory_space<vmem>> -> memref<104xi32, #tpu.memory_space<vmem>>
    %dma_wait3A_77 = arith.constant 0 : i32
    %dma_wait3A_78 = arith.constant 0 : i32
    %dma_wait3A_79 = tpu.memref_slice %arg2[%dma_wait3A_77, %dma_wait3A_78] : memref<270000x128xf32, #tpu.memory_space<hbm>> -> memref<270000x128xf32, #tpu.memory_space<hbm>>
    tpu.wait_indirect_dma semaphore(%arg15 : memref<!tpu.dma_semaphore, #tpu.memory_space<semaphore_mem>>) src(%dma_wait3A_79 : memref<270000x128xf32, #tpu.memory_space<hbm>>) dst(%arg11 : memref<104x128xf32, #tpu.memory_space<vmem>>)
    %dma_start3A_80 = arith.constant 38 : i32
    %dma_start3A_81 = arith.constant 0 : i32
    %dma_start3A_82 = tpu.memref_slice %arg8[%dma_start3A_80, %dma_start3A_81] : memref<40x104xi32, #tpu.memory_space<vmem>> -> memref<1x104xi32, #tpu.memory_space<vmem>>
    %dma_start3A_83 = tpu.memref_squeeze %dma_start3A_82 : memref<1x104xi32, #tpu.memory_space<vmem>> -> memref<104xi32, #tpu.memory_space<vmem>>
    %dma_start3A_84 = arith.constant 0 : i32
    %dma_start3A_85 = arith.constant 0 : i32
    %dma_start3A_86 = tpu.memref_slice %arg12[%dma_start3A_84, %dma_start3A_85] : memref<10008x128xf32, #tpu.memory_space<vmem_shared>> -> memref<10008x128xf32, #tpu.memory_space<vmem_shared>>
    tpu.enqueue_indirect_dma source(%arg11 : memref<104x128xf32, #tpu.memory_space<vmem>>) target(%dma_start3A_86 : memref<10008x128xf32, #tpu.memory_space<vmem_shared>>) offsets(%dma_start3A_83 : memref<104xi32, #tpu.memory_space<vmem>>) semaphore(%arg18 : memref<!tpu.dma_semaphore, #tpu.memory_space<semaphore_mem>>) {add = true}
    %dma_wait3A_87 = arith.constant 38 : i32
    %dma_wait3A_88 = arith.constant 0 : i32
    %dma_wait3A_89 = tpu.memref_slice %arg8[%dma_wait3A_87, %dma_wait3A_88] : memref<40x104xi32, #tpu.memory_space<vmem>> -> memref<1x104xi32, #tpu.memory_space<vmem>>
    %dma_wait3A_90 = tpu.memref_squeeze %dma_wait3A_89 : memref<1x104xi32, #tpu.memory_space<vmem>> -> memref<104xi32, #tpu.memory_space<vmem>>
    %dma_wait3A_91 = arith.constant 0 : i32
    %dma_wait3A_92 = arith.constant 0 : i32
    %dma_wait3A_93 = tpu.memref_slice %arg12[%dma_wait3A_91, %dma_wait3A_92] : memref<10008x128xf32, #tpu.memory_space<vmem_shared>> -> memref<10008x128xf32, #tpu.memory_space<vmem_shared>>
    tpu.wait_indirect_dma semaphore(%arg17 : memref<!tpu.dma_semaphore, #tpu.memory_space<semaphore_mem>>) src(%arg10 : memref<104x128xf32, #tpu.memory_space<vmem>>) dst(%dma_wait3A_93 : memref<10008x128xf32, #tpu.memory_space<vmem_shared>>)
    %dma_wait3A_94 = arith.constant 39 : i32
    %dma_wait3A_95 = arith.constant 0 : i32
    %dma_wait3A_96 = tpu.memref_slice %arg7[%dma_wait3A_94, %dma_wait3A_95] : memref<40x104xi32, #tpu.memory_space<vmem>> -> memref<1x104xi32, #tpu.memory_space<vmem>>
    %dma_wait3A_97 = tpu.memref_squeeze %dma_wait3A_96 : memref<1x104xi32, #tpu.memory_space<vmem>> -> memref<104xi32, #tpu.memory_space<vmem>>
    %dma_wait3A_98 = arith.constant 0 : i32
    %dma_wait3A_99 = arith.constant 0 : i32
    %dma_wait3A_100 = tpu.memref_slice %arg2[%dma_wait3A_98, %dma_wait3A_99] : memref<270000x128xf32, #tpu.memory_space<hbm>> -> memref<270000x128xf32, #tpu.memory_space<hbm>>
    tpu.wait_indirect_dma semaphore(%arg13 : memref<!tpu.dma_semaphore, #tpu.memory_space<semaphore_mem>>) src(%dma_wait3A_100 : memref<270000x128xf32, #tpu.memory_space<hbm>>) dst(%arg9 : memref<104x128xf32, #tpu.memory_space<vmem>>)
    %dma_start3A_101 = arith.constant 39 : i32
    %dma_start3A_102 = arith.constant 0 : i32
    %dma_start3A_103 = tpu.memref_slice %arg8[%dma_start3A_101, %dma_start3A_102] : memref<40x104xi32, #tpu.memory_space<vmem>> -> memref<1x104xi32, #tpu.memory_space<vmem>>
    %dma_start3A_104 = tpu.memref_squeeze %dma_start3A_103 : memref<1x104xi32, #tpu.memory_space<vmem>> -> memref<104xi32, #tpu.memory_space<vmem>>
    %dma_start3A_105 = arith.constant 0 : i32
    %dma_start3A_106 = arith.constant 0 : i32
    %dma_start3A_107 = tpu.memref_slice %arg12[%dma_start3A_105, %dma_start3A_106] : memref<10008x128xf32, #tpu.memory_space<vmem_shared>> -> memref<10008x128xf32, #tpu.memory_space<vmem_shared>>
    tpu.enqueue_indirect_dma source(%arg9 : memref<104x128xf32, #tpu.memory_space<vmem>>) target(%dma_start3A_107 : memref<10008x128xf32, #tpu.memory_space<vmem_shared>>) offsets(%dma_start3A_104 : memref<104xi32, #tpu.memory_space<vmem>>) semaphore(%arg16 : memref<!tpu.dma_semaphore, #tpu.memory_space<semaphore_mem>>) {add = true}
    %dma_wait3A_108 = arith.constant 39 : i32
    %dma_wait3A_109 = arith.constant 0 : i32
    %dma_wait3A_110 = tpu.memref_slice %arg8[%dma_wait3A_108, %dma_wait3A_109] : memref<40x104xi32, #tpu.memory_space<vmem>> -> memref<1x104xi32, #tpu.memory_space<vmem>>
    %dma_wait3A_111 = tpu.memref_squeeze %dma_wait3A_110 : memref<1x104xi32, #tpu.memory_space<vmem>> -> memref<104xi32, #tpu.memory_space<vmem>>
    %dma_wait3A_112 = arith.constant 0 : i32
    %dma_wait3A_113 = arith.constant 0 : i32
    %dma_wait3A_114 = tpu.memref_slice %arg12[%dma_wait3A_112, %dma_wait3A_113] : memref<10008x128xf32, #tpu.memory_space<vmem_shared>> -> memref<10008x128xf32, #tpu.memory_space<vmem_shared>>
    tpu.wait_indirect_dma semaphore(%arg18 : memref<!tpu.dma_semaphore, #tpu.memory_space<semaphore_mem>>) src(%arg11 : memref<104x128xf32, #tpu.memory_space<vmem>>) dst(%dma_wait3A_114 : memref<10008x128xf32, #tpu.memory_space<vmem_shared>>)
    %dma_wait3A_115 = arith.constant 0 : i32
    %dma_wait3A_116 = arith.constant 0 : i32
    %dma_wait3A_117 = tpu.memref_slice %arg8[%dma_wait3A_115, %dma_wait3A_116] : memref<40x104xi32, #tpu.memory_space<vmem>> -> memref<1x104xi32, #tpu.memory_space<vmem>>
    %dma_wait3A_118 = tpu.memref_squeeze %dma_wait3A_117 : memref<1x104xi32, #tpu.memory_space<vmem>> -> memref<104xi32, #tpu.memory_space<vmem>>
    %dma_wait3A_119 = arith.constant 0 : i32
    %dma_wait3A_120 = arith.constant 0 : i32
    %dma_wait3A_121 = tpu.memref_slice %arg12[%dma_wait3A_119, %dma_wait3A_120] : memref<10008x128xf32, #tpu.memory_space<vmem_shared>> -> memref<10008x128xf32, #tpu.memory_space<vmem_shared>>
    tpu.wait_indirect_dma semaphore(%arg16 : memref<!tpu.dma_semaphore, #tpu.memory_space<semaphore_mem>>) src(%arg9 : memref<104x128xf32, #tpu.memory_space<vmem>>) dst(%dma_wait3A_121 : memref<10008x128xf32, #tpu.memory_space<vmem_shared>>)
    "tpu.region"() ({
      %run_scoped3A = tpu.sem_alloc : memref<!tpu.dma_semaphore, #tpu.memory_space<semaphore_mem>>
      %dma_start3A_397 = arith.constant 0 : i32
      %dma_start3A_398 = arith.constant 0 : i32
      %dma_start3A_399 = tpu.memref_slice %arg7[%dma_start3A_397, %dma_start3A_398] : memref<40x104xi32, #tpu.memory_space<vmem>> -> memref<40x104xi32, #tpu.memory_space<vmem>>
      %dma_start3A_400 = arith.constant 40 : i32
      %dma_start3A_401 = arith.constant 0 : i32
      %dma_start3A_402 = tpu.memref_slice %arg3[%add3A, %dma_start3A_400, %dma_start3A_401] : memref<32x104x104xi32, #tpu.memory_space<hbm>> -> memref<1x40x104xi32, #tpu.memory_space<hbm>>
      %dma_start3A_403 = tpu.memref_squeeze %dma_start3A_402 : memref<1x40x104xi32, #tpu.memory_space<hbm>> -> memref<40x104xi32, #tpu.memory_space<hbm>>
      %dma_start3A_404 = arith.constant 0 : i32
      %dma_start3A_405 = arith.constant 0 : i32
      %dma_start3A_406 = tpu.memref_slice %arg7[%dma_start3A_404, %dma_start3A_405] : memref<40x104xi32, #tpu.memory_space<vmem>> -> memref<40x104xi32, #tpu.memory_space<vmem>>
      %dma_start3A_407 = arith.constant 40 : i32
      %dma_start3A_408 = arith.constant 0 : i32
      %dma_start3A_409 = tpu.memref_slice %arg3[%add3A, %dma_start3A_407, %dma_start3A_408] : memref<32x104x104xi32, #tpu.memory_space<hbm>> -> memref<1x40x104xi32, #tpu.memory_space<hbm>>
      %dma_start3A_410 = tpu.memref_squeeze %dma_start3A_409 : memref<1x40x104xi32, #tpu.memory_space<hbm>> -> memref<40x104xi32, #tpu.memory_space<hbm>>
      tpu.enqueue_dma source(%dma_start3A_410 : memref<40x104xi32, #tpu.memory_space<hbm>>) target(%dma_start3A_406 : memref<40x104xi32, #tpu.memory_space<vmem>>) target_semaphore(%run_scoped3A : memref<!tpu.dma_semaphore, #tpu.memory_space<semaphore_mem>>)
      %dma_wait3A_411 = arith.constant 0 : i32
      %dma_wait3A_412 = arith.constant 0 : i32
      %dma_wait3A_413 = tpu.memref_slice %arg7[%dma_wait3A_411, %dma_wait3A_412] : memref<40x104xi32, #tpu.memory_space<vmem>> -> memref<40x104xi32, #tpu.memory_space<vmem>>
      %dma_wait3A_414 = arith.constant 40 : i32
      %dma_wait3A_415 = arith.constant 0 : i32
      %dma_wait3A_416 = tpu.memref_slice %arg3[%add3A, %dma_wait3A_414, %dma_wait3A_415] : memref<32x104x104xi32, #tpu.memory_space<hbm>> -> memref<1x40x104xi32, #tpu.memory_space<hbm>>
      %dma_wait3A_417 = tpu.memref_squeeze %dma_wait3A_416 : memref<1x40x104xi32, #tpu.memory_space<hbm>> -> memref<40x104xi32, #tpu.memory_space<hbm>>
      %dma_wait3A_418 = arith.constant 0 : i32
      %dma_wait3A_419 = arith.constant 0 : i32
      %dma_wait3A_420 = tpu.memref_slice %arg7[%dma_wait3A_418, %dma_wait3A_419] : memref<40x104xi32, #tpu.memory_space<vmem>> -> memref<40x104xi32, #tpu.memory_space<vmem>>
      %dma_wait3A_421 = arith.constant 40 : i32
      %dma_wait3A_422 = arith.constant 0 : i32
      %dma_wait3A_423 = tpu.memref_slice %arg3[%add3A, %dma_wait3A_421, %dma_wait3A_422] : memref<32x104x104xi32, #tpu.memory_space<hbm>> -> memref<1x40x104xi32, #tpu.memory_space<hbm>>
      %dma_wait3A_424 = tpu.memref_squeeze %dma_wait3A_423 : memref<1x40x104xi32, #tpu.memory_space<hbm>> -> memref<40x104xi32, #tpu.memory_space<hbm>>
      tpu.wait_dma2 semaphore(%run_scoped3A : memref<!tpu.dma_semaphore, #tpu.memory_space<semaphore_mem>>) src(%dma_wait3A_424 : memref<40x104xi32, #tpu.memory_space<hbm>>) dst(%dma_wait3A_420 : memref<40x104xi32, #tpu.memory_space<vmem>>)
      tpu.yield
    }) : () -> ()
    "tpu.region"() ({
      %run_scoped3A = tpu.sem_alloc : memref<!tpu.dma_semaphore, #tpu.memory_space<semaphore_mem>>
      %dma_start3A_397 = arith.constant 0 : i32
      %dma_start3A_398 = arith.constant 0 : i32
      %dma_start3A_399 = tpu.memref_slice %arg8[%dma_start3A_397, %dma_start3A_398] : memref<40x104xi32, #tpu.memory_space<vmem>> -> memref<40x104xi32, #tpu.memory_space<vmem>>
      %dma_start3A_400 = arith.constant 40 : i32
      %dma_start3A_401 = arith.constant 0 : i32
      %dma_start3A_402 = tpu.memref_slice %arg4[%add3A, %dma_start3A_400, %dma_start3A_401] : memref<32x104x104xi32, #tpu.memory_space<hbm>> -> memref<1x40x104xi32, #tpu.memory_space<hbm>>
      %dma_start3A_403 = tpu.memref_squeeze %dma_start3A_402 : memref<1x40x104xi32, #tpu.memory_space<hbm>> -> memref<40x104xi32, #tpu.memory_space<hbm>>
      %dma_start3A_404 = arith.constant 0 : i32
      %dma_start3A_405 = arith.constant 0 : i32
      %dma_start3A_406 = tpu.memref_slice %arg8[%dma_start3A_404, %dma_start3A_405] : memref<40x104xi32, #tpu.memory_space<vmem>> -> memref<40x104xi32, #tpu.memory_space<vmem>>
      %dma_start3A_407 = arith.constant 40 : i32
      %dma_start3A_408 = arith.constant 0 : i32
      %dma_start3A_409 = tpu.memref_slice %arg4[%add3A, %dma_start3A_407, %dma_start3A_408] : memref<32x104x104xi32, #tpu.memory_space<hbm>> -> memref<1x40x104xi32, #tpu.memory_space<hbm>>
      %dma_start3A_410 = tpu.memref_squeeze %dma_start3A_409 : memref<1x40x104xi32, #tpu.memory_space<hbm>> -> memref<40x104xi32, #tpu.memory_space<hbm>>
      tpu.enqueue_dma source(%dma_start3A_410 : memref<40x104xi32, #tpu.memory_space<hbm>>) target(%dma_start3A_406 : memref<40x104xi32, #tpu.memory_space<vmem>>) target_semaphore(%run_scoped3A : memref<!tpu.dma_semaphore, #tpu.memory_space<semaphore_mem>>)
      %dma_wait3A_411 = arith.constant 0 : i32
      %dma_wait3A_412 = arith.constant 0 : i32
      %dma_wait3A_413 = tpu.memref_slice %arg8[%dma_wait3A_411, %dma_wait3A_412] : memref<40x104xi32, #tpu.memory_space<vmem>> -> memref<40x104xi32, #tpu.memory_space<vmem>>
      %dma_wait3A_414 = arith.constant 40 : i32
      %dma_wait3A_415 = arith.constant 0 : i32
      %dma_wait3A_416 = tpu.memref_slice %arg4[%add3A, %dma_wait3A_414, %dma_wait3A_415] : memref<32x104x104xi32, #tpu.memory_space<hbm>> -> memref<1x40x104xi32, #tpu.memory_space<hbm>>
      %dma_wait3A_417 = tpu.memref_squeeze %dma_wait3A_416 : memref<1x40x104xi32, #tpu.memory_space<hbm>> -> memref<40x104xi32, #tpu.memory_space<hbm>>
      %dma_wait3A_418 = arith.constant 0 : i32
      %dma_wait3A_419 = arith.constant 0 : i32
      %dma_wait3A_420 = tpu.memref_slice %arg8[%dma_wait3A_418, %dma_wait3A_419] : memref<40x104xi32, #tpu.memory_space<vmem>> -> memref<40x104xi32, #tpu.memory_space<vmem>>
      %dma_wait3A_421 = arith.constant 40 : i32
      %dma_wait3A_422 = arith.constant 0 : i32
      %dma_wait3A_423 = tpu.memref_slice %arg4[%add3A, %dma_wait3A_421, %dma_wait3A_422] : memref<32x104x104xi32, #tpu.memory_space<hbm>> -> memref<1x40x104xi32, #tpu.memory_space<hbm>>
      %dma_wait3A_424 = tpu.memref_squeeze %dma_wait3A_423 : memref<1x40x104xi32, #tpu.memory_space<hbm>> -> memref<40x104xi32, #tpu.memory_space<hbm>>
      tpu.wait_dma2 semaphore(%run_scoped3A : memref<!tpu.dma_semaphore, #tpu.memory_space<semaphore_mem>>) src(%dma_wait3A_424 : memref<40x104xi32, #tpu.memory_space<hbm>>) dst(%dma_wait3A_420 : memref<40x104xi32, #tpu.memory_space<vmem>>)
      tpu.yield
    }) : () -> ()
    %dma_start3A_122 = arith.constant 0 : i32
    %dma_start3A_123 = arith.constant 0 : i32
    %dma_start3A_124 = tpu.memref_slice %arg7[%dma_start3A_122, %dma_start3A_123] : memref<40x104xi32, #tpu.memory_space<vmem>> -> memref<1x104xi32, #tpu.memory_space<vmem>>
    %dma_start3A_125 = tpu.memref_squeeze %dma_start3A_124 : memref<1x104xi32, #tpu.memory_space<vmem>> -> memref<104xi32, #tpu.memory_space<vmem>>
    %dma_start3A_126 = arith.constant 0 : i32
    %dma_start3A_127 = arith.constant 0 : i32
    %dma_start3A_128 = tpu.memref_slice %arg2[%dma_start3A_126, %dma_start3A_127] : memref<270000x128xf32, #tpu.memory_space<hbm>> -> memref<270000x128xf32, #tpu.memory_space<hbm>>
    tpu.enqueue_indirect_dma source(%dma_start3A_128 : memref<270000x128xf32, #tpu.memory_space<hbm>>) target(%arg9 : memref<104x128xf32, #tpu.memory_space<vmem>>) offsets(%dma_start3A_125 : memref<104xi32, #tpu.memory_space<vmem>>) semaphore(%arg13 : memref<!tpu.dma_semaphore, #tpu.memory_space<semaphore_mem>>)
    %dma_start3A_129 = arith.constant 1 : i32
    %dma_start3A_130 = arith.constant 0 : i32
    %dma_start3A_131 = tpu.memref_slice %arg7[%dma_start3A_129, %dma_start3A_130] : memref<40x104xi32, #tpu.memory_space<vmem>> -> memref<1x104xi32, #tpu.memory_space<vmem>>
    %dma_start3A_132 = tpu.memref_squeeze %dma_start3A_131 : memref<1x104xi32, #tpu.memory_space<vmem>> -> memref<104xi32, #tpu.memory_space<vmem>>
    %dma_start3A_133 = arith.constant 0 : i32
    %dma_start3A_134 = arith.constant 0 : i32
    %dma_start3A_135 = tpu.memref_slice %arg2[%dma_start3A_133, %dma_start3A_134] : memref<270000x128xf32, #tpu.memory_space<hbm>> -> memref<270000x128xf32, #tpu.memory_space<hbm>>
    tpu.enqueue_indirect_dma source(%dma_start3A_135 : memref<270000x128xf32, #tpu.memory_space<hbm>>) target(%arg10 : memref<104x128xf32, #tpu.memory_space<vmem>>) offsets(%dma_start3A_132 : memref<104xi32, #tpu.memory_space<vmem>>) semaphore(%arg14 : memref<!tpu.dma_semaphore, #tpu.memory_space<semaphore_mem>>)
    %dma_wait3A_136 = arith.constant 0 : i32
    %dma_wait3A_137 = arith.constant 0 : i32
    %dma_wait3A_138 = tpu.memref_slice %arg7[%dma_wait3A_136, %dma_wait3A_137] : memref<40x104xi32, #tpu.memory_space<vmem>> -> memref<1x104xi32, #tpu.memory_space<vmem>>
    %dma_wait3A_139 = tpu.memref_squeeze %dma_wait3A_138 : memref<1x104xi32, #tpu.memory_space<vmem>> -> memref<104xi32, #tpu.memory_space<vmem>>
    %dma_wait3A_140 = arith.constant 0 : i32
    %dma_wait3A_141 = arith.constant 0 : i32
    %dma_wait3A_142 = tpu.memref_slice %arg2[%dma_wait3A_140, %dma_wait3A_141] : memref<270000x128xf32, #tpu.memory_space<hbm>> -> memref<270000x128xf32, #tpu.memory_space<hbm>>
    tpu.wait_indirect_dma semaphore(%arg13 : memref<!tpu.dma_semaphore, #tpu.memory_space<semaphore_mem>>) src(%dma_wait3A_142 : memref<270000x128xf32, #tpu.memory_space<hbm>>) dst(%arg9 : memref<104x128xf32, #tpu.memory_space<vmem>>)
    %dma_start3A_143 = arith.constant 0 : i32
    %dma_start3A_144 = arith.constant 0 : i32
    %dma_start3A_145 = tpu.memref_slice %arg8[%dma_start3A_143, %dma_start3A_144] : memref<40x104xi32, #tpu.memory_space<vmem>> -> memref<1x104xi32, #tpu.memory_space<vmem>>
    %dma_start3A_146 = tpu.memref_squeeze %dma_start3A_145 : memref<1x104xi32, #tpu.memory_space<vmem>> -> memref<104xi32, #tpu.memory_space<vmem>>
    %dma_start3A_147 = arith.constant 0 : i32
    %dma_start3A_148 = arith.constant 0 : i32
    %dma_start3A_149 = tpu.memref_slice %arg12[%dma_start3A_147, %dma_start3A_148] : memref<10008x128xf32, #tpu.memory_space<vmem_shared>> -> memref<10008x128xf32, #tpu.memory_space<vmem_shared>>
    tpu.enqueue_indirect_dma source(%arg9 : memref<104x128xf32, #tpu.memory_space<vmem>>) target(%dma_start3A_149 : memref<10008x128xf32, #tpu.memory_space<vmem_shared>>) offsets(%dma_start3A_146 : memref<104xi32, #tpu.memory_space<vmem>>) semaphore(%arg16 : memref<!tpu.dma_semaphore, #tpu.memory_space<semaphore_mem>>) {add = true}
    %dma_start3A_150 = arith.constant 2 : i32
    %dma_start3A_151 = arith.constant 0 : i32
    %dma_start3A_152 = tpu.memref_slice %arg7[%dma_start3A_150, %dma_start3A_151] : memref<40x104xi32, #tpu.memory_space<vmem>> -> memref<1x104xi32, #tpu.memory_space<vmem>>
    %dma_start3A_153 = tpu.memref_squeeze %dma_start3A_152 : memref<1x104xi32, #tpu.memory_space<vmem>> -> memref<104xi32, #tpu.memory_space<vmem>>
    %dma_start3A_154 = arith.constant 0 : i32
    %dma_start3A_155 = arith.constant 0 : i32
    %dma_start3A_156 = tpu.memref_slice %arg2[%dma_start3A_154, %dma_start3A_155] : memref<270000x128xf32, #tpu.memory_space<hbm>> -> memref<270000x128xf32, #tpu.memory_space<hbm>>
    tpu.enqueue_indirect_dma source(%dma_start3A_156 : memref<270000x128xf32, #tpu.memory_space<hbm>>) target(%arg11 : memref<104x128xf32, #tpu.memory_space<vmem>>) offsets(%dma_start3A_153 : memref<104xi32, #tpu.memory_space<vmem>>) semaphore(%arg15 : memref<!tpu.dma_semaphore, #tpu.memory_space<semaphore_mem>>)
    %dma_wait3A_157 = arith.constant 1 : i32
    %dma_wait3A_158 = arith.constant 0 : i32
    %dma_wait3A_159 = tpu.memref_slice %arg7[%dma_wait3A_157, %dma_wait3A_158] : memref<40x104xi32, #tpu.memory_space<vmem>> -> memref<1x104xi32, #tpu.memory_space<vmem>>
    %dma_wait3A_160 = tpu.memref_squeeze %dma_wait3A_159 : memref<1x104xi32, #tpu.memory_space<vmem>> -> memref<104xi32, #tpu.memory_space<vmem>>
    %dma_wait3A_161 = arith.constant 0 : i32
    %dma_wait3A_162 = arith.constant 0 : i32
    %dma_wait3A_163 = tpu.memref_slice %arg2[%dma_wait3A_161, %dma_wait3A_162] : memref<270000x128xf32, #tpu.memory_space<hbm>> -> memref<270000x128xf32, #tpu.memory_space<hbm>>
    tpu.wait_indirect_dma semaphore(%arg14 : memref<!tpu.dma_semaphore, #tpu.memory_space<semaphore_mem>>) src(%dma_wait3A_163 : memref<270000x128xf32, #tpu.memory_space<hbm>>) dst(%arg10 : memref<104x128xf32, #tpu.memory_space<vmem>>)
    %dma_start3A_164 = arith.constant 1 : i32
    %dma_start3A_165 = arith.constant 0 : i32
    %dma_start3A_166 = tpu.memref_slice %arg8[%dma_start3A_164, %dma_start3A_165] : memref<40x104xi32, #tpu.memory_space<vmem>> -> memref<1x104xi32, #tpu.memory_space<vmem>>
    %dma_start3A_167 = tpu.memref_squeeze %dma_start3A_166 : memref<1x104xi32, #tpu.memory_space<vmem>> -> memref<104xi32, #tpu.memory_space<vmem>>
    %dma_start3A_168 = arith.constant 0 : i32
    %dma_start3A_169 = arith.constant 0 : i32
    %dma_start3A_170 = tpu.memref_slice %arg12[%dma_start3A_168, %dma_start3A_169] : memref<10008x128xf32, #tpu.memory_space<vmem_shared>> -> memref<10008x128xf32, #tpu.memory_space<vmem_shared>>
    tpu.enqueue_indirect_dma source(%arg10 : memref<104x128xf32, #tpu.memory_space<vmem>>) target(%dma_start3A_170 : memref<10008x128xf32, #tpu.memory_space<vmem_shared>>) offsets(%dma_start3A_167 : memref<104xi32, #tpu.memory_space<vmem>>) semaphore(%arg17 : memref<!tpu.dma_semaphore, #tpu.memory_space<semaphore_mem>>) {add = true}
    %dma_wait3A_171 = arith.constant 1 : i32
    %dma_wait3A_172 = arith.constant 0 : i32
    %dma_wait3A_173 = tpu.memref_slice %arg8[%dma_wait3A_171, %dma_wait3A_172] : memref<40x104xi32, #tpu.memory_space<vmem>> -> memref<1x104xi32, #tpu.memory_space<vmem>>
    %dma_wait3A_174 = tpu.memref_squeeze %dma_wait3A_173 : memref<1x104xi32, #tpu.memory_space<vmem>> -> memref<104xi32, #tpu.memory_space<vmem>>
    %dma_wait3A_175 = arith.constant 0 : i32
    %dma_wait3A_176 = arith.constant 0 : i32
    %dma_wait3A_177 = tpu.memref_slice %arg12[%dma_wait3A_175, %dma_wait3A_176] : memref<10008x128xf32, #tpu.memory_space<vmem_shared>> -> memref<10008x128xf32, #tpu.memory_space<vmem_shared>>
    tpu.wait_indirect_dma semaphore(%arg16 : memref<!tpu.dma_semaphore, #tpu.memory_space<semaphore_mem>>) src(%arg9 : memref<104x128xf32, #tpu.memory_space<vmem>>) dst(%dma_wait3A_177 : memref<10008x128xf32, #tpu.memory_space<vmem_shared>>)
    %dma_start3A_178 = arith.constant 3 : i32
    %dma_start3A_179 = arith.constant 0 : i32
    %dma_start3A_180 = tpu.memref_slice %arg7[%dma_start3A_178, %dma_start3A_179] : memref<40x104xi32, #tpu.memory_space<vmem>> -> memref<1x104xi32, #tpu.memory_space<vmem>>
    %dma_start3A_181 = tpu.memref_squeeze %dma_start3A_180 : memref<1x104xi32, #tpu.memory_space<vmem>> -> memref<104xi32, #tpu.memory_space<vmem>>
    %dma_start3A_182 = arith.constant 0 : i32
    %dma_start3A_183 = arith.constant 0 : i32
    %dma_start3A_184 = tpu.memref_slice %arg2[%dma_start3A_182, %dma_start3A_183] : memref<270000x128xf32, #tpu.memory_space<hbm>> -> memref<270000x128xf32, #tpu.memory_space<hbm>>
    tpu.enqueue_indirect_dma source(%dma_start3A_184 : memref<270000x128xf32, #tpu.memory_space<hbm>>) target(%arg9 : memref<104x128xf32, #tpu.memory_space<vmem>>) offsets(%dma_start3A_181 : memref<104xi32, #tpu.memory_space<vmem>>) semaphore(%arg13 : memref<!tpu.dma_semaphore, #tpu.memory_space<semaphore_mem>>)
    %scan3A_185 = arith.constant 0 : i32
    %scan3A_186 = arith.constant 0 : i32
    %scan3A_187 = arith.constant 12 : i32
    %scan3A_188 = arith.addi %scan3A_186, %scan3A_187 : i32
    %scan3A_189 = arith.constant 1 : i32
    scf.for %scan3A_397 = %scan3A_186 to %scan3A_188 step %scan3A_189  : i32 {
      %mul3A_398 = arith.constant 3 : i32
      %mul3A_399 = arith.muli %mul3A_398, %scan3A_397 : i32
      %add3A_400 = arith.constant 2 : i32
      %add3A_401 = arith.addi %add3A_400, %mul3A_399 : i32
      %add3A_402 = arith.constant 0 : i32
      %add3A_403 = arith.addi %add3A_401, %add3A_402 : i32
      %add3A_404 = arith.constant 2 : i32
      %add3A_405 = arith.addi %add3A_403, %add3A_404 : i32
      %dma_wait3A_406 = arith.constant 0 : i32
      %dma_wait3A_407 = tpu.memref_slice %arg7[%add3A_403, %dma_wait3A_406] : memref<40x104xi32, #tpu.memory_space<vmem>> -> memref<1x104xi32, #tpu.memory_space<vmem>>
      %dma_wait3A_408 = tpu.memref_squeeze %dma_wait3A_407 : memref<1x104xi32, #tpu.memory_space<vmem>> -> memref<104xi32, #tpu.memory_space<vmem>>
      %dma_wait3A_409 = arith.constant 0 : i32
      %dma_wait3A_410 = arith.constant 0 : i32
      %dma_wait3A_411 = tpu.memref_slice %arg2[%dma_wait3A_409, %dma_wait3A_410] : memref<270000x128xf32, #tpu.memory_space<hbm>> -> memref<270000x128xf32, #tpu.memory_space<hbm>>
      tpu.wait_indirect_dma semaphore(%arg15 : memref<!tpu.dma_semaphore, #tpu.memory_space<semaphore_mem>>) src(%dma_wait3A_411 : memref<270000x128xf32, #tpu.memory_space<hbm>>) dst(%arg11 : memref<104x128xf32, #tpu.memory_space<vmem>>)
      %dma_start3A_412 = arith.constant 0 : i32
      %dma_start3A_413 = tpu.memref_slice %arg8[%add3A_403, %dma_start3A_412] : memref<40x104xi32, #tpu.memory_space<vmem>> -> memref<1x104xi32, #tpu.memory_space<vmem>>
      %dma_start3A_414 = tpu.memref_squeeze %dma_start3A_413 : memref<1x104xi32, #tpu.memory_space<vmem>> -> memref<104xi32, #tpu.memory_space<vmem>>
      %dma_start3A_415 = arith.constant 0 : i32
      %dma_start3A_416 = arith.constant 0 : i32
      %dma_start3A_417 = tpu.memref_slice %arg12[%dma_start3A_415, %dma_start3A_416] : memref<10008x128xf32, #tpu.memory_space<vmem_shared>> -> memref<10008x128xf32, #tpu.memory_space<vmem_shared>>
      tpu.enqueue_indirect_dma source(%arg11 : memref<104x128xf32, #tpu.memory_space<vmem>>) target(%dma_start3A_417 : memref<10008x128xf32, #tpu.memory_space<vmem_shared>>) offsets(%dma_start3A_414 : memref<104xi32, #tpu.memory_space<vmem>>) semaphore(%arg18 : memref<!tpu.dma_semaphore, #tpu.memory_space<semaphore_mem>>) {add = true}
      %dma_wait3A_418 = arith.constant 0 : i32
      %dma_wait3A_419 = tpu.memref_slice %arg8[%add3A_403, %dma_wait3A_418] : memref<40x104xi32, #tpu.memory_space<vmem>> -> memref<1x104xi32, #tpu.memory_space<vmem>>
      %dma_wait3A_420 = tpu.memref_squeeze %dma_wait3A_419 : memref<1x104xi32, #tpu.memory_space<vmem>> -> memref<104xi32, #tpu.memory_space<vmem>>
      %dma_wait3A_421 = arith.constant 0 : i32
      %dma_wait3A_422 = arith.constant 0 : i32
      %dma_wait3A_423 = tpu.memref_slice %arg12[%dma_wait3A_421, %dma_wait3A_422] : memref<10008x128xf32, #tpu.memory_space<vmem_shared>> -> memref<10008x128xf32, #tpu.memory_space<vmem_shared>>
      tpu.wait_indirect_dma semaphore(%arg17 : memref<!tpu.dma_semaphore, #tpu.memory_space<semaphore_mem>>) src(%arg10 : memref<104x128xf32, #tpu.memory_space<vmem>>) dst(%dma_wait3A_423 : memref<10008x128xf32, #tpu.memory_space<vmem_shared>>)
      %dma_start3A_424 = arith.constant 0 : i32
      %dma_start3A_425 = tpu.memref_slice %arg7[%add3A_405, %dma_start3A_424] : memref<40x104xi32, #tpu.memory_space<vmem>> -> memref<1x104xi32, #tpu.memory_space<vmem>>
      %dma_start3A_426 = tpu.memref_squeeze %dma_start3A_425 : memref<1x104xi32, #tpu.memory_space<vmem>> -> memref<104xi32, #tpu.memory_space<vmem>>
      %dma_start3A_427 = arith.constant 0 : i32
      %dma_start3A_428 = arith.constant 0 : i32
      %dma_start3A_429 = tpu.memref_slice %arg2[%dma_start3A_427, %dma_start3A_428] : memref<270000x128xf32, #tpu.memory_space<hbm>> -> memref<270000x128xf32, #tpu.memory_space<hbm>>
      tpu.enqueue_indirect_dma source(%dma_start3A_429 : memref<270000x128xf32, #tpu.memory_space<hbm>>) target(%arg10 : memref<104x128xf32, #tpu.memory_space<vmem>>) offsets(%dma_start3A_426 : memref<104xi32, #tpu.memory_space<vmem>>) semaphore(%arg14 : memref<!tpu.dma_semaphore, #tpu.memory_space<semaphore_mem>>)
      %mul3A_430 = arith.constant 3 : i32
      %mul3A_431 = arith.muli %mul3A_430, %scan3A_397 : i32
      %add3A_432 = arith.constant 2 : i32
      %add3A_433 = arith.addi %add3A_432, %mul3A_431 : i32
      %add3A_434 = arith.constant 1 : i32
      %add3A_435 = arith.addi %add3A_433, %add3A_434 : i32
      %add3A_436 = arith.constant 2 : i32
      %add3A_437 = arith.addi %add3A_435, %add3A_436 : i32
      %dma_wait3A_438 = arith.constant 0 : i32
      %dma_wait3A_439 = tpu.memref_slice %arg7[%add3A_435, %dma_wait3A_438] : memref<40x104xi32, #tpu.memory_space<vmem>> -> memref<1x104xi32, #tpu.memory_space<vmem>>
      %dma_wait3A_440 = tpu.memref_squeeze %dma_wait3A_439 : memref<1x104xi32, #tpu.memory_space<vmem>> -> memref<104xi32, #tpu.memory_space<vmem>>
      %dma_wait3A_441 = arith.constant 0 : i32
      %dma_wait3A_442 = arith.constant 0 : i32
      %dma_wait3A_443 = tpu.memref_slice %arg2[%dma_wait3A_441, %dma_wait3A_442] : memref<270000x128xf32, #tpu.memory_space<hbm>> -> memref<270000x128xf32, #tpu.memory_space<hbm>>
      tpu.wait_indirect_dma semaphore(%arg13 : memref<!tpu.dma_semaphore, #tpu.memory_space<semaphore_mem>>) src(%dma_wait3A_443 : memref<270000x128xf32, #tpu.memory_space<hbm>>) dst(%arg9 : memref<104x128xf32, #tpu.memory_space<vmem>>)
      %dma_start3A_444 = arith.constant 0 : i32
      %dma_start3A_445 = tpu.memref_slice %arg8[%add3A_435, %dma_start3A_444] : memref<40x104xi32, #tpu.memory_space<vmem>> -> memref<1x104xi32, #tpu.memory_space<vmem>>
      %dma_start3A_446 = tpu.memref_squeeze %dma_start3A_445 : memref<1x104xi32, #tpu.memory_space<vmem>> -> memref<104xi32, #tpu.memory_space<vmem>>
      %dma_start3A_447 = arith.constant 0 : i32
      %dma_start3A_448 = arith.constant 0 : i32
      %dma_start3A_449 = tpu.memref_slice %arg12[%dma_start3A_447, %dma_start3A_448] : memref<10008x128xf32, #tpu.memory_space<vmem_shared>> -> memref<10008x128xf32, #tpu.memory_space<vmem_shared>>
      tpu.enqueue_indirect_dma source(%arg9 : memref<104x128xf32, #tpu.memory_space<vmem>>) target(%dma_start3A_449 : memref<10008x128xf32, #tpu.memory_space<vmem_shared>>) offsets(%dma_start3A_446 : memref<104xi32, #tpu.memory_space<vmem>>) semaphore(%arg16 : memref<!tpu.dma_semaphore, #tpu.memory_space<semaphore_mem>>) {add = true}
      %dma_wait3A_450 = arith.constant 0 : i32
      %dma_wait3A_451 = tpu.memref_slice %arg8[%add3A_435, %dma_wait3A_450] : memref<40x104xi32, #tpu.memory_space<vmem>> -> memref<1x104xi32, #tpu.memory_space<vmem>>
      %dma_wait3A_452 = tpu.memref_squeeze %dma_wait3A_451 : memref<1x104xi32, #tpu.memory_space<vmem>> -> memref<104xi32, #tpu.memory_space<vmem>>
      %dma_wait3A_453 = arith.constant 0 : i32
      %dma_wait3A_454 = arith.constant 0 : i32
      %dma_wait3A_455 = tpu.memref_slice %arg12[%dma_wait3A_453, %dma_wait3A_454] : memref<10008x128xf32, #tpu.memory_space<vmem_shared>> -> memref<10008x128xf32, #tpu.memory_space<vmem_shared>>
      tpu.wait_indirect_dma semaphore(%arg18 : memref<!tpu.dma_semaphore, #tpu.memory_space<semaphore_mem>>) src(%arg11 : memref<104x128xf32, #tpu.memory_space<vmem>>) dst(%dma_wait3A_455 : memref<10008x128xf32, #tpu.memory_space<vmem_shared>>)
      %dma_start3A_456 = arith.constant 0 : i32
      %dma_start3A_457 = tpu.memref_slice %arg7[%add3A_437, %dma_start3A_456] : memref<40x104xi32, #tpu.memory_space<vmem>> -> memref<1x104xi32, #tpu.memory_space<vmem>>
      %dma_start3A_458 = tpu.memref_squeeze %dma_start3A_457 : memref<1x104xi32, #tpu.memory_space<vmem>> -> memref<104xi32, #tpu.memory_space<vmem>>
      %dma_start3A_459 = arith.constant 0 : i32
      %dma_start3A_460 = arith.constant 0 : i32
      %dma_start3A_461 = tpu.memref_slice %arg2[%dma_start3A_459, %dma_start3A_460] : memref<270000x128xf32, #tpu.memory_space<hbm>> -> memref<270000x128xf32, #tpu.memory_space<hbm>>
      tpu.enqueue_indirect_dma source(%dma_start3A_461 : memref<270000x128xf32, #tpu.memory_space<hbm>>) target(%arg11 : memref<104x128xf32, #tpu.memory_space<vmem>>) offsets(%dma_start3A_458 : memref<104xi32, #tpu.memory_space<vmem>>) semaphore(%arg15 : memref<!tpu.dma_semaphore, #tpu.memory_space<semaphore_mem>>)
      %mul3A_462 = arith.constant 3 : i32
      %mul3A_463 = arith.muli %mul3A_462, %scan3A_397 : i32
      %add3A_464 = arith.constant 2 : i32
      %add3A_465 = arith.addi %add3A_464, %mul3A_463 : i32
      %add3A_466 = arith.constant 2 : i32
      %add3A_467 = arith.addi %add3A_465, %add3A_466 : i32
      %add3A_468 = arith.constant 2 : i32
      %add3A_469 = arith.addi %add3A_467, %add3A_468 : i32
      %dma_wait3A_470 = arith.constant 0 : i32
      %dma_wait3A_471 = tpu.memref_slice %arg7[%add3A_467, %dma_wait3A_470] : memref<40x104xi32, #tpu.memory_space<vmem>> -> memref<1x104xi32, #tpu.memory_space<vmem>>
      %dma_wait3A_472 = tpu.memref_squeeze %dma_wait3A_471 : memref<1x104xi32, #tpu.memory_space<vmem>> -> memref<104xi32, #tpu.memory_space<vmem>>
      %dma_wait3A_473 = arith.constant 0 : i32
      %dma_wait3A_474 = arith.constant 0 : i32
      %dma_wait3A_475 = tpu.memref_slice %arg2[%dma_wait3A_473, %dma_wait3A_474] : memref<270000x128xf32, #tpu.memory_space<hbm>> -> memref<270000x128xf32, #tpu.memory_space<hbm>>
      tpu.wait_indirect_dma semaphore(%arg14 : memref<!tpu.dma_semaphore, #tpu.memory_space<semaphore_mem>>) src(%dma_wait3A_475 : memref<270000x128xf32, #tpu.memory_space<hbm>>) dst(%arg10 : memref<104x128xf32, #tpu.memory_space<vmem>>)
      %dma_start3A_476 = arith.constant 0 : i32
      %dma_start3A_477 = tpu.memref_slice %arg8[%add3A_467, %dma_start3A_476] : memref<40x104xi32, #tpu.memory_space<vmem>> -> memref<1x104xi32, #tpu.memory_space<vmem>>
      %dma_start3A_478 = tpu.memref_squeeze %dma_start3A_477 : memref<1x104xi32, #tpu.memory_space<vmem>> -> memref<104xi32, #tpu.memory_space<vmem>>
      %dma_start3A_479 = arith.constant 0 : i32
      %dma_start3A_480 = arith.constant 0 : i32
      %dma_start3A_481 = tpu.memref_slice %arg12[%dma_start3A_479, %dma_start3A_480] : memref<10008x128xf32, #tpu.memory_space<vmem_shared>> -> memref<10008x128xf32, #tpu.memory_space<vmem_shared>>
      tpu.enqueue_indirect_dma source(%arg10 : memref<104x128xf32, #tpu.memory_space<vmem>>) target(%dma_start3A_481 : memref<10008x128xf32, #tpu.memory_space<vmem_shared>>) offsets(%dma_start3A_478 : memref<104xi32, #tpu.memory_space<vmem>>) semaphore(%arg17 : memref<!tpu.dma_semaphore, #tpu.memory_space<semaphore_mem>>) {add = true}
      %dma_wait3A_482 = arith.constant 0 : i32
      %dma_wait3A_483 = tpu.memref_slice %arg8[%add3A_467, %dma_wait3A_482] : memref<40x104xi32, #tpu.memory_space<vmem>> -> memref<1x104xi32, #tpu.memory_space<vmem>>
      %dma_wait3A_484 = tpu.memref_squeeze %dma_wait3A_483 : memref<1x104xi32, #tpu.memory_space<vmem>> -> memref<104xi32, #tpu.memory_space<vmem>>
      %dma_wait3A_485 = arith.constant 0 : i32
      %dma_wait3A_486 = arith.constant 0 : i32
      %dma_wait3A_487 = tpu.memref_slice %arg12[%dma_wait3A_485, %dma_wait3A_486] : memref<10008x128xf32, #tpu.memory_space<vmem_shared>> -> memref<10008x128xf32, #tpu.memory_space<vmem_shared>>
      tpu.wait_indirect_dma semaphore(%arg16 : memref<!tpu.dma_semaphore, #tpu.memory_space<semaphore_mem>>) src(%arg9 : memref<104x128xf32, #tpu.memory_space<vmem>>) dst(%dma_wait3A_487 : memref<10008x128xf32, #tpu.memory_space<vmem_shared>>)
      %dma_start3A_488 = arith.constant 0 : i32
      %dma_start3A_489 = tpu.memref_slice %arg7[%add3A_469, %dma_start3A_488] : memref<40x104xi32, #tpu.memory_space<vmem>> -> memref<1x104xi32, #tpu.memory_space<vmem>>
      %dma_start3A_490 = tpu.memref_squeeze %dma_start3A_489 : memref<1x104xi32, #tpu.memory_space<vmem>> -> memref<104xi32, #tpu.memory_space<vmem>>
      %dma_start3A_491 = arith.constant 0 : i32
      %dma_start3A_492 = arith.constant 0 : i32
      %dma_start3A_493 = tpu.memref_slice %arg2[%dma_start3A_491, %dma_start3A_492] : memref<270000x128xf32, #tpu.memory_space<hbm>> -> memref<270000x128xf32, #tpu.memory_space<hbm>>
      tpu.enqueue_indirect_dma source(%dma_start3A_493 : memref<270000x128xf32, #tpu.memory_space<hbm>>) target(%arg9 : memref<104x128xf32, #tpu.memory_space<vmem>>) offsets(%dma_start3A_490 : memref<104xi32, #tpu.memory_space<vmem>>) semaphore(%arg13 : memref<!tpu.dma_semaphore, #tpu.memory_space<semaphore_mem>>)
    }
    %scan3A_190 = arith.constant 12 : i32
    %dma_wait3A_191 = arith.constant 38 : i32
    %dma_wait3A_192 = arith.constant 0 : i32
    %dma_wait3A_193 = tpu.memref_slice %arg7[%dma_wait3A_191, %dma_wait3A_192] : memref<40x104xi32, #tpu.memory_space<vmem>> -> memref<1x104xi32, #tpu.memory_space<vmem>>
    %dma_wait3A_194 = tpu.memref_squeeze %dma_wait3A_193 : memref<1x104xi32, #tpu.memory_space<vmem>> -> memref<104xi32, #tpu.memory_space<vmem>>
    %dma_wait3A_195 = arith.constant 0 : i32
    %dma_wait3A_196 = arith.constant 0 : i32
    %dma_wait3A_197 = tpu.memref_slice %arg2[%dma_wait3A_195, %dma_wait3A_196] : memref<270000x128xf32, #tpu.memory_space<hbm>> -> memref<270000x128xf32, #tpu.memory_space<hbm>>
    tpu.wait_indirect_dma semaphore(%arg15 : memref<!tpu.dma_semaphore, #tpu.memory_space<semaphore_mem>>) src(%dma_wait3A_197 : memref<270000x128xf32, #tpu.memory_space<hbm>>) dst(%arg11 : memref<104x128xf32, #tpu.memory_space<vmem>>)
    %dma_start3A_198 = arith.constant 38 : i32
    %dma_start3A_199 = arith.constant 0 : i32
    %dma_start3A_200 = tpu.memref_slice %arg8[%dma_start3A_198, %dma_start3A_199] : memref<40x104xi32, #tpu.memory_space<vmem>> -> memref<1x104xi32, #tpu.memory_space<vmem>>
    %dma_start3A_201 = tpu.memref_squeeze %dma_start3A_200 : memref<1x104xi32, #tpu.memory_space<vmem>> -> memref<104xi32, #tpu.memory_space<vmem>>
    %dma_start3A_202 = arith.constant 0 : i32
    %dma_start3A_203 = arith.constant 0 : i32
    %dma_start3A_204 = tpu.memref_slice %arg12[%dma_start3A_202, %dma_start3A_203] : memref<10008x128xf32, #tpu.memory_space<vmem_shared>> -> memref<10008x128xf32, #tpu.memory_space<vmem_shared>>
    tpu.enqueue_indirect_dma source(%arg11 : memref<104x128xf32, #tpu.memory_space<vmem>>) target(%dma_start3A_204 : memref<10008x128xf32, #tpu.memory_space<vmem_shared>>) offsets(%dma_start3A_201 : memref<104xi32, #tpu.memory_space<vmem>>) semaphore(%arg18 : memref<!tpu.dma_semaphore, #tpu.memory_space<semaphore_mem>>) {add = true}
    %dma_wait3A_205 = arith.constant 38 : i32
    %dma_wait3A_206 = arith.constant 0 : i32
    %dma_wait3A_207 = tpu.memref_slice %arg8[%dma_wait3A_205, %dma_wait3A_206] : memref<40x104xi32, #tpu.memory_space<vmem>> -> memref<1x104xi32, #tpu.memory_space<vmem>>
    %dma_wait3A_208 = tpu.memref_squeeze %dma_wait3A_207 : memref<1x104xi32, #tpu.memory_space<vmem>> -> memref<104xi32, #tpu.memory_space<vmem>>
    %dma_wait3A_209 = arith.constant 0 : i32
    %dma_wait3A_210 = arith.constant 0 : i32
    %dma_wait3A_211 = tpu.memref_slice %arg12[%dma_wait3A_209, %dma_wait3A_210] : memref<10008x128xf32, #tpu.memory_space<vmem_shared>> -> memref<10008x128xf32, #tpu.memory_space<vmem_shared>>
    tpu.wait_indirect_dma semaphore(%arg17 : memref<!tpu.dma_semaphore, #tpu.memory_space<semaphore_mem>>) src(%arg10 : memref<104x128xf32, #tpu.memory_space<vmem>>) dst(%dma_wait3A_211 : memref<10008x128xf32, #tpu.memory_space<vmem_shared>>)
    %dma_wait3A_212 = arith.constant 39 : i32
    %dma_wait3A_213 = arith.constant 0 : i32
    %dma_wait3A_214 = tpu.memref_slice %arg7[%dma_wait3A_212, %dma_wait3A_213] : memref<40x104xi32, #tpu.memory_space<vmem>> -> memref<1x104xi32, #tpu.memory_space<vmem>>
    %dma_wait3A_215 = tpu.memref_squeeze %dma_wait3A_214 : memref<1x104xi32, #tpu.memory_space<vmem>> -> memref<104xi32, #tpu.memory_space<vmem>>
    %dma_wait3A_216 = arith.constant 0 : i32
    %dma_wait3A_217 = arith.constant 0 : i32
    %dma_wait3A_218 = tpu.memref_slice %arg2[%dma_wait3A_216, %dma_wait3A_217] : memref<270000x128xf32, #tpu.memory_space<hbm>> -> memref<270000x128xf32, #tpu.memory_space<hbm>>
    tpu.wait_indirect_dma semaphore(%arg13 : memref<!tpu.dma_semaphore, #tpu.memory_space<semaphore_mem>>) src(%dma_wait3A_218 : memref<270000x128xf32, #tpu.memory_space<hbm>>) dst(%arg9 : memref<104x128xf32, #tpu.memory_space<vmem>>)
    %dma_start3A_219 = arith.constant 39 : i32
    %dma_start3A_220 = arith.constant 0 : i32
    %dma_start3A_221 = tpu.memref_slice %arg8[%dma_start3A_219, %dma_start3A_220] : memref<40x104xi32, #tpu.memory_space<vmem>> -> memref<1x104xi32, #tpu.memory_space<vmem>>
    %dma_start3A_222 = tpu.memref_squeeze %dma_start3A_221 : memref<1x104xi32, #tpu.memory_space<vmem>> -> memref<104xi32, #tpu.memory_space<vmem>>
    %dma_start3A_223 = arith.constant 0 : i32
    %dma_start3A_224 = arith.constant 0 : i32
    %dma_start3A_225 = tpu.memref_slice %arg12[%dma_start3A_223, %dma_start3A_224] : memref<10008x128xf32, #tpu.memory_space<vmem_shared>> -> memref<10008x128xf32, #tpu.memory_space<vmem_shared>>
    tpu.enqueue_indirect_dma source(%arg9 : memref<104x128xf32, #tpu.memory_space<vmem>>) target(%dma_start3A_225 : memref<10008x128xf32, #tpu.memory_space<vmem_shared>>) offsets(%dma_start3A_222 : memref<104xi32, #tpu.memory_space<vmem>>) semaphore(%arg16 : memref<!tpu.dma_semaphore, #tpu.memory_space<semaphore_mem>>) {add = true}
    %dma_wait3A_226 = arith.constant 39 : i32
    %dma_wait3A_227 = arith.constant 0 : i32
    %dma_wait3A_228 = tpu.memref_slice %arg8[%dma_wait3A_226, %dma_wait3A_227] : memref<40x104xi32, #tpu.memory_space<vmem>> -> memref<1x104xi32, #tpu.memory_space<vmem>>
    %dma_wait3A_229 = tpu.memref_squeeze %dma_wait3A_228 : memref<1x104xi32, #tpu.memory_space<vmem>> -> memref<104xi32, #tpu.memory_space<vmem>>
    %dma_wait3A_230 = arith.constant 0 : i32
    %dma_wait3A_231 = arith.constant 0 : i32
    %dma_wait3A_232 = tpu.memref_slice %arg12[%dma_wait3A_230, %dma_wait3A_231] : memref<10008x128xf32, #tpu.memory_space<vmem_shared>> -> memref<10008x128xf32, #tpu.memory_space<vmem_shared>>
    tpu.wait_indirect_dma semaphore(%arg18 : memref<!tpu.dma_semaphore, #tpu.memory_space<semaphore_mem>>) src(%arg11 : memref<104x128xf32, #tpu.memory_space<vmem>>) dst(%dma_wait3A_232 : memref<10008x128xf32, #tpu.memory_space<vmem_shared>>)
    %dma_wait3A_233 = arith.constant 0 : i32
    %dma_wait3A_234 = arith.constant 0 : i32
    %dma_wait3A_235 = tpu.memref_slice %arg8[%dma_wait3A_233, %dma_wait3A_234] : memref<40x104xi32, #tpu.memory_space<vmem>> -> memref<1x104xi32, #tpu.memory_space<vmem>>
    %dma_wait3A_236 = tpu.memref_squeeze %dma_wait3A_235 : memref<1x104xi32, #tpu.memory_space<vmem>> -> memref<104xi32, #tpu.memory_space<vmem>>
    %dma_wait3A_237 = arith.constant 0 : i32
    %dma_wait3A_238 = arith.constant 0 : i32
    %dma_wait3A_239 = tpu.memref_slice %arg12[%dma_wait3A_237, %dma_wait3A_238] : memref<10008x128xf32, #tpu.memory_space<vmem_shared>> -> memref<10008x128xf32, #tpu.memory_space<vmem_shared>>
    tpu.wait_indirect_dma semaphore(%arg16 : memref<!tpu.dma_semaphore, #tpu.memory_space<semaphore_mem>>) src(%arg9 : memref<104x128xf32, #tpu.memory_space<vmem>>) dst(%dma_wait3A_239 : memref<10008x128xf32, #tpu.memory_space<vmem_shared>>)
    "tpu.region"() ({
      %run_scoped3A = tpu.sem_alloc : memref<!tpu.dma_semaphore, #tpu.memory_space<semaphore_mem>>
      %dma_start3A_397 = arith.constant 0 : i32
      %dma_start3A_398 = arith.constant 0 : i32
      %dma_start3A_399 = tpu.memref_slice %arg7[%dma_start3A_397, %dma_start3A_398] : memref<40x104xi32, #tpu.memory_space<vmem>> -> memref<24x104xi32, #tpu.memory_space<vmem>>
      %dma_start3A_400 = arith.constant 80 : i32
      %dma_start3A_401 = arith.constant 0 : i32
      %dma_start3A_402 = tpu.memref_slice %arg3[%add3A, %dma_start3A_400, %dma_start3A_401] : memref<32x104x104xi32, #tpu.memory_space<hbm>> -> memref<1x24x104xi32, #tpu.memory_space<hbm>>
      %dma_start3A_403 = tpu.memref_squeeze %dma_start3A_402 : memref<1x24x104xi32, #tpu.memory_space<hbm>> -> memref<24x104xi32, #tpu.memory_space<hbm>>
      %dma_start3A_404 = arith.constant 0 : i32
      %dma_start3A_405 = arith.constant 0 : i32
      %dma_start3A_406 = tpu.memref_slice %arg7[%dma_start3A_404, %dma_start3A_405] : memref<40x104xi32, #tpu.memory_space<vmem>> -> memref<24x104xi32, #tpu.memory_space<vmem>>
      %dma_start3A_407 = arith.constant 80 : i32
      %dma_start3A_408 = arith.constant 0 : i32
      %dma_start3A_409 = tpu.memref_slice %arg3[%add3A, %dma_start3A_407, %dma_start3A_408] : memref<32x104x104xi32, #tpu.memory_space<hbm>> -> memref<1x24x104xi32, #tpu.memory_space<hbm>>
      %dma_start3A_410 = tpu.memref_squeeze %dma_start3A_409 : memref<1x24x104xi32, #tpu.memory_space<hbm>> -> memref<24x104xi32, #tpu.memory_space<hbm>>
      tpu.enqueue_dma source(%dma_start3A_410 : memref<24x104xi32, #tpu.memory_space<hbm>>) target(%dma_start3A_406 : memref<24x104xi32, #tpu.memory_space<vmem>>) target_semaphore(%run_scoped3A : memref<!tpu.dma_semaphore, #tpu.memory_space<semaphore_mem>>)
      %dma_wait3A_411 = arith.constant 0 : i32
      %dma_wait3A_412 = arith.constant 0 : i32
      %dma_wait3A_413 = tpu.memref_slice %arg7[%dma_wait3A_411, %dma_wait3A_412] : memref<40x104xi32, #tpu.memory_space<vmem>> -> memref<24x104xi32, #tpu.memory_space<vmem>>
      %dma_wait3A_414 = arith.constant 80 : i32
      %dma_wait3A_415 = arith.constant 0 : i32
      %dma_wait3A_416 = tpu.memref_slice %arg3[%add3A, %dma_wait3A_414, %dma_wait3A_415] : memref<32x104x104xi32, #tpu.memory_space<hbm>> -> memref<1x24x104xi32, #tpu.memory_space<hbm>>
      %dma_wait3A_417 = tpu.memref_squeeze %dma_wait3A_416 : memref<1x24x104xi32, #tpu.memory_space<hbm>> -> memref<24x104xi32, #tpu.memory_space<hbm>>
      %dma_wait3A_418 = arith.constant 0 : i32
      %dma_wait3A_419 = arith.constant 0 : i32
      %dma_wait3A_420 = tpu.memref_slice %arg7[%dma_wait3A_418, %dma_wait3A_419] : memref<40x104xi32, #tpu.memory_space<vmem>> -> memref<24x104xi32, #tpu.memory_space<vmem>>
      %dma_wait3A_421 = arith.constant 80 : i32
      %dma_wait3A_422 = arith.constant 0 : i32
      %dma_wait3A_423 = tpu.memref_slice %arg3[%add3A, %dma_wait3A_421, %dma_wait3A_422] : memref<32x104x104xi32, #tpu.memory_space<hbm>> -> memref<1x24x104xi32, #tpu.memory_space<hbm>>
      %dma_wait3A_424 = tpu.memref_squeeze %dma_wait3A_423 : memref<1x24x104xi32, #tpu.memory_space<hbm>> -> memref<24x104xi32, #tpu.memory_space<hbm>>
      tpu.wait_dma2 semaphore(%run_scoped3A : memref<!tpu.dma_semaphore, #tpu.memory_space<semaphore_mem>>) src(%dma_wait3A_424 : memref<24x104xi32, #tpu.memory_space<hbm>>) dst(%dma_wait3A_420 : memref<24x104xi32, #tpu.memory_space<vmem>>)
      tpu.yield
    }) : () -> ()
    "tpu.region"() ({
      %run_scoped3A = tpu.sem_alloc : memref<!tpu.dma_semaphore, #tpu.memory_space<semaphore_mem>>
      %dma_start3A_397 = arith.constant 0 : i32
      %dma_start3A_398 = arith.constant 0 : i32
      %dma_start3A_399 = tpu.memref_slice %arg8[%dma_start3A_397, %dma_start3A_398] : memref<40x104xi32, #tpu.memory_space<vmem>> -> memref<24x104xi32, #tpu.memory_space<vmem>>
      %dma_start3A_400 = arith.constant 80 : i32
      %dma_start3A_401 = arith.constant 0 : i32
      %dma_start3A_402 = tpu.memref_slice %arg4[%add3A, %dma_start3A_400, %dma_start3A_401] : memref<32x104x104xi32, #tpu.memory_space<hbm>> -> memref<1x24x104xi32, #tpu.memory_space<hbm>>
      %dma_start3A_403 = tpu.memref_squeeze %dma_start3A_402 : memref<1x24x104xi32, #tpu.memory_space<hbm>> -> memref<24x104xi32, #tpu.memory_space<hbm>>
      %dma_start3A_404 = arith.constant 0 : i32
      %dma_start3A_405 = arith.constant 0 : i32
      %dma_start3A_406 = tpu.memref_slice %arg8[%dma_start3A_404, %dma_start3A_405] : memref<40x104xi32, #tpu.memory_space<vmem>> -> memref<24x104xi32, #tpu.memory_space<vmem>>
      %dma_start3A_407 = arith.constant 80 : i32
      %dma_start3A_408 = arith.constant 0 : i32
      %dma_start3A_409 = tpu.memref_slice %arg4[%add3A, %dma_start3A_407, %dma_start3A_408] : memref<32x104x104xi32, #tpu.memory_space<hbm>> -> memref<1x24x104xi32, #tpu.memory_space<hbm>>
      %dma_start3A_410 = tpu.memref_squeeze %dma_start3A_409 : memref<1x24x104xi32, #tpu.memory_space<hbm>> -> memref<24x104xi32, #tpu.memory_space<hbm>>
      tpu.enqueue_dma source(%dma_start3A_410 : memref<24x104xi32, #tpu.memory_space<hbm>>) target(%dma_start3A_406 : memref<24x104xi32, #tpu.memory_space<vmem>>) target_semaphore(%run_scoped3A : memref<!tpu.dma_semaphore, #tpu.memory_space<semaphore_mem>>)
      %dma_wait3A_411 = arith.constant 0 : i32
      %dma_wait3A_412 = arith.constant 0 : i32
      %dma_wait3A_413 = tpu.memref_slice %arg8[%dma_wait3A_411, %dma_wait3A_412] : memref<40x104xi32, #tpu.memory_space<vmem>> -> memref<24x104xi32, #tpu.memory_space<vmem>>
      %dma_wait3A_414 = arith.constant 80 : i32
      %dma_wait3A_415 = arith.constant 0 : i32
      %dma_wait3A_416 = tpu.memref_slice %arg4[%add3A, %dma_wait3A_414, %dma_wait3A_415] : memref<32x104x104xi32, #tpu.memory_space<hbm>> -> memref<1x24x104xi32, #tpu.memory_space<hbm>>
      %dma_wait3A_417 = tpu.memref_squeeze %dma_wait3A_416 : memref<1x24x104xi32, #tpu.memory_space<hbm>> -> memref<24x104xi32, #tpu.memory_space<hbm>>
      %dma_wait3A_418 = arith.constant 0 : i32
      %dma_wait3A_419 = arith.constant 0 : i32
      %dma_wait3A_420 = tpu.memref_slice %arg8[%dma_wait3A_418, %dma_wait3A_419] : memref<40x104xi32, #tpu.memory_space<vmem>> -> memref<24x104xi32, #tpu.memory_space<vmem>>
      %dma_wait3A_421 = arith.constant 80 : i32
      %dma_wait3A_422 = arith.constant 0 : i32
      %dma_wait3A_423 = tpu.memref_slice %arg4[%add3A, %dma_wait3A_421, %dma_wait3A_422] : memref<32x104x104xi32, #tpu.memory_space<hbm>> -> memref<1x24x104xi32, #tpu.memory_space<hbm>>
      %dma_wait3A_424 = tpu.memref_squeeze %dma_wait3A_423 : memref<1x24x104xi32, #tpu.memory_space<hbm>> -> memref<24x104xi32, #tpu.memory_space<hbm>>
      tpu.wait_dma2 semaphore(%run_scoped3A : memref<!tpu.dma_semaphore, #tpu.memory_space<semaphore_mem>>) src(%dma_wait3A_424 : memref<24x104xi32, #tpu.memory_space<hbm>>) dst(%dma_wait3A_420 : memref<24x104xi32, #tpu.memory_space<vmem>>)
      tpu.yield
    }) : () -> ()
    %dma_start3A_240 = arith.constant 0 : i32
    %dma_start3A_241 = arith.constant 0 : i32
    %dma_start3A_242 = tpu.memref_slice %arg7[%dma_start3A_240, %dma_start3A_241] : memref<40x104xi32, #tpu.memory_space<vmem>> -> memref<1x104xi32, #tpu.memory_space<vmem>>
    %dma_start3A_243 = tpu.memref_squeeze %dma_start3A_242 : memref<1x104xi32, #tpu.memory_space<vmem>> -> memref<104xi32, #tpu.memory_space<vmem>>
    %dma_start3A_244 = arith.constant 0 : i32
    %dma_start3A_245 = arith.constant 0 : i32
    %dma_start3A_246 = tpu.memref_slice %arg2[%dma_start3A_244, %dma_start3A_245] : memref<270000x128xf32, #tpu.memory_space<hbm>> -> memref<270000x128xf32, #tpu.memory_space<hbm>>
    tpu.enqueue_indirect_dma source(%dma_start3A_246 : memref<270000x128xf32, #tpu.memory_space<hbm>>) target(%arg9 : memref<104x128xf32, #tpu.memory_space<vmem>>) offsets(%dma_start3A_243 : memref<104xi32, #tpu.memory_space<vmem>>) semaphore(%arg13 : memref<!tpu.dma_semaphore, #tpu.memory_space<semaphore_mem>>)
    %dma_start3A_247 = arith.constant 1 : i32
    %dma_start3A_248 = arith.constant 0 : i32
    %dma_start3A_249 = tpu.memref_slice %arg7[%dma_start3A_247, %dma_start3A_248] : memref<40x104xi32, #tpu.memory_space<vmem>> -> memref<1x104xi32, #tpu.memory_space<vmem>>
    %dma_start3A_250 = tpu.memref_squeeze %dma_start3A_249 : memref<1x104xi32, #tpu.memory_space<vmem>> -> memref<104xi32, #tpu.memory_space<vmem>>
    %dma_start3A_251 = arith.constant 0 : i32
    %dma_start3A_252 = arith.constant 0 : i32
    %dma_start3A_253 = tpu.memref_slice %arg2[%dma_start3A_251, %dma_start3A_252] : memref<270000x128xf32, #tpu.memory_space<hbm>> -> memref<270000x128xf32, #tpu.memory_space<hbm>>
    tpu.enqueue_indirect_dma source(%dma_start3A_253 : memref<270000x128xf32, #tpu.memory_space<hbm>>) target(%arg10 : memref<104x128xf32, #tpu.memory_space<vmem>>) offsets(%dma_start3A_250 : memref<104xi32, #tpu.memory_space<vmem>>) semaphore(%arg14 : memref<!tpu.dma_semaphore, #tpu.memory_space<semaphore_mem>>)
    %dma_wait3A_254 = arith.constant 0 : i32
    %dma_wait3A_255 = arith.constant 0 : i32
    %dma_wait3A_256 = tpu.memref_slice %arg7[%dma_wait3A_254, %dma_wait3A_255] : memref<40x104xi32, #tpu.memory_space<vmem>> -> memref<1x104xi32, #tpu.memory_space<vmem>>
    %dma_wait3A_257 = tpu.memref_squeeze %dma_wait3A_256 : memref<1x104xi32, #tpu.memory_space<vmem>> -> memref<104xi32, #tpu.memory_space<vmem>>
    %dma_wait3A_258 = arith.constant 0 : i32
    %dma_wait3A_259 = arith.constant 0 : i32
    %dma_wait3A_260 = tpu.memref_slice %arg2[%dma_wait3A_258, %dma_wait3A_259] : memref<270000x128xf32, #tpu.memory_space<hbm>> -> memref<270000x128xf32, #tpu.memory_space<hbm>>
    tpu.wait_indirect_dma semaphore(%arg13 : memref<!tpu.dma_semaphore, #tpu.memory_space<semaphore_mem>>) src(%dma_wait3A_260 : memref<270000x128xf32, #tpu.memory_space<hbm>>) dst(%arg9 : memref<104x128xf32, #tpu.memory_space<vmem>>)
    %dma_start3A_261 = arith.constant 0 : i32
    %dma_start3A_262 = arith.constant 0 : i32
    %dma_start3A_263 = tpu.memref_slice %arg8[%dma_start3A_261, %dma_start3A_262] : memref<40x104xi32, #tpu.memory_space<vmem>> -> memref<1x104xi32, #tpu.memory_space<vmem>>
    %dma_start3A_264 = tpu.memref_squeeze %dma_start3A_263 : memref<1x104xi32, #tpu.memory_space<vmem>> -> memref<104xi32, #tpu.memory_space<vmem>>
    %dma_start3A_265 = arith.constant 0 : i32
    %dma_start3A_266 = arith.constant 0 : i32
    %dma_start3A_267 = tpu.memref_slice %arg12[%dma_start3A_265, %dma_start3A_266] : memref<10008x128xf32, #tpu.memory_space<vmem_shared>> -> memref<10008x128xf32, #tpu.memory_space<vmem_shared>>
    tpu.enqueue_indirect_dma source(%arg9 : memref<104x128xf32, #tpu.memory_space<vmem>>) target(%dma_start3A_267 : memref<10008x128xf32, #tpu.memory_space<vmem_shared>>) offsets(%dma_start3A_264 : memref<104xi32, #tpu.memory_space<vmem>>) semaphore(%arg16 : memref<!tpu.dma_semaphore, #tpu.memory_space<semaphore_mem>>) {add = true}
    %dma_start3A_268 = arith.constant 2 : i32
    %dma_start3A_269 = arith.constant 0 : i32
    %dma_start3A_270 = tpu.memref_slice %arg7[%dma_start3A_268, %dma_start3A_269] : memref<40x104xi32, #tpu.memory_space<vmem>> -> memref<1x104xi32, #tpu.memory_space<vmem>>
    %dma_start3A_271 = tpu.memref_squeeze %dma_start3A_270 : memref<1x104xi32, #tpu.memory_space<vmem>> -> memref<104xi32, #tpu.memory_space<vmem>>
    %dma_start3A_272 = arith.constant 0 : i32
    %dma_start3A_273 = arith.constant 0 : i32
    %dma_start3A_274 = tpu.memref_slice %arg2[%dma_start3A_272, %dma_start3A_273] : memref<270000x128xf32, #tpu.memory_space<hbm>> -> memref<270000x128xf32, #tpu.memory_space<hbm>>
    tpu.enqueue_indirect_dma source(%dma_start3A_274 : memref<270000x128xf32, #tpu.memory_space<hbm>>) target(%arg11 : memref<104x128xf32, #tpu.memory_space<vmem>>) offsets(%dma_start3A_271 : memref<104xi32, #tpu.memory_space<vmem>>) semaphore(%arg15 : memref<!tpu.dma_semaphore, #tpu.memory_space<semaphore_mem>>)
    %dma_wait3A_275 = arith.constant 1 : i32
    %dma_wait3A_276 = arith.constant 0 : i32
    %dma_wait3A_277 = tpu.memref_slice %arg7[%dma_wait3A_275, %dma_wait3A_276] : memref<40x104xi32, #tpu.memory_space<vmem>> -> memref<1x104xi32, #tpu.memory_space<vmem>>
    %dma_wait3A_278 = tpu.memref_squeeze %dma_wait3A_277 : memref<1x104xi32, #tpu.memory_space<vmem>> -> memref<104xi32, #tpu.memory_space<vmem>>
    %dma_wait3A_279 = arith.constant 0 : i32
    %dma_wait3A_280 = arith.constant 0 : i32
    %dma_wait3A_281 = tpu.memref_slice %arg2[%dma_wait3A_279, %dma_wait3A_280] : memref<270000x128xf32, #tpu.memory_space<hbm>> -> memref<270000x128xf32, #tpu.memory_space<hbm>>
    tpu.wait_indirect_dma semaphore(%arg14 : memref<!tpu.dma_semaphore, #tpu.memory_space<semaphore_mem>>) src(%dma_wait3A_281 : memref<270000x128xf32, #tpu.memory_space<hbm>>) dst(%arg10 : memref<104x128xf32, #tpu.memory_space<vmem>>)
    %dma_start3A_282 = arith.constant 1 : i32
    %dma_start3A_283 = arith.constant 0 : i32
    %dma_start3A_284 = tpu.memref_slice %arg8[%dma_start3A_282, %dma_start3A_283] : memref<40x104xi32, #tpu.memory_space<vmem>> -> memref<1x104xi32, #tpu.memory_space<vmem>>
    %dma_start3A_285 = tpu.memref_squeeze %dma_start3A_284 : memref<1x104xi32, #tpu.memory_space<vmem>> -> memref<104xi32, #tpu.memory_space<vmem>>
    %dma_start3A_286 = arith.constant 0 : i32
    %dma_start3A_287 = arith.constant 0 : i32
    %dma_start3A_288 = tpu.memref_slice %arg12[%dma_start3A_286, %dma_start3A_287] : memref<10008x128xf32, #tpu.memory_space<vmem_shared>> -> memref<10008x128xf32, #tpu.memory_space<vmem_shared>>
    tpu.enqueue_indirect_dma source(%arg10 : memref<104x128xf32, #tpu.memory_space<vmem>>) target(%dma_start3A_288 : memref<10008x128xf32, #tpu.memory_space<vmem_shared>>) offsets(%dma_start3A_285 : memref<104xi32, #tpu.memory_space<vmem>>) semaphore(%arg17 : memref<!tpu.dma_semaphore, #tpu.memory_space<semaphore_mem>>) {add = true}
    %dma_wait3A_289 = arith.constant 1 : i32
    %dma_wait3A_290 = arith.constant 0 : i32
    %dma_wait3A_291 = tpu.memref_slice %arg8[%dma_wait3A_289, %dma_wait3A_290] : memref<40x104xi32, #tpu.memory_space<vmem>> -> memref<1x104xi32, #tpu.memory_space<vmem>>
    %dma_wait3A_292 = tpu.memref_squeeze %dma_wait3A_291 : memref<1x104xi32, #tpu.memory_space<vmem>> -> memref<104xi32, #tpu.memory_space<vmem>>
    %dma_wait3A_293 = arith.constant 0 : i32
    %dma_wait3A_294 = arith.constant 0 : i32
    %dma_wait3A_295 = tpu.memref_slice %arg12[%dma_wait3A_293, %dma_wait3A_294] : memref<10008x128xf32, #tpu.memory_space<vmem_shared>> -> memref<10008x128xf32, #tpu.memory_space<vmem_shared>>
    tpu.wait_indirect_dma semaphore(%arg16 : memref<!tpu.dma_semaphore, #tpu.memory_space<semaphore_mem>>) src(%arg9 : memref<104x128xf32, #tpu.memory_space<vmem>>) dst(%dma_wait3A_295 : memref<10008x128xf32, #tpu.memory_space<vmem_shared>>)
    %dma_start3A_296 = arith.constant 3 : i32
    %dma_start3A_297 = arith.constant 0 : i32
    %dma_start3A_298 = tpu.memref_slice %arg7[%dma_start3A_296, %dma_start3A_297] : memref<40x104xi32, #tpu.memory_space<vmem>> -> memref<1x104xi32, #tpu.memory_space<vmem>>
    %dma_start3A_299 = tpu.memref_squeeze %dma_start3A_298 : memref<1x104xi32, #tpu.memory_space<vmem>> -> memref<104xi32, #tpu.memory_space<vmem>>
    %dma_start3A_300 = arith.constant 0 : i32
    %dma_start3A_301 = arith.constant 0 : i32
    %dma_start3A_302 = tpu.memref_slice %arg2[%dma_start3A_300, %dma_start3A_301] : memref<270000x128xf32, #tpu.memory_space<hbm>> -> memref<270000x128xf32, #tpu.memory_space<hbm>>
    tpu.enqueue_indirect_dma source(%dma_start3A_302 : memref<270000x128xf32, #tpu.memory_space<hbm>>) target(%arg9 : memref<104x128xf32, #tpu.memory_space<vmem>>) offsets(%dma_start3A_299 : memref<104xi32, #tpu.memory_space<vmem>>) semaphore(%arg13 : memref<!tpu.dma_semaphore, #tpu.memory_space<semaphore_mem>>)
    %scan3A_303 = arith.constant 0 : i32
    %scan3A_304 = arith.constant 0 : i32
    %scan3A_305 = arith.constant 4 : i32
    %scan3A_306 = arith.addi %scan3A_304, %scan3A_305 : i32
    %scan3A_307 = arith.constant 1 : i32
    scf.for %scan3A_397 = %scan3A_304 to %scan3A_306 step %scan3A_307  : i32 {
      %mul3A_398 = arith.constant 3 : i32
      %mul3A_399 = arith.muli %mul3A_398, %scan3A_397 : i32
      %add3A_400 = arith.constant 2 : i32
      %add3A_401 = arith.addi %add3A_400, %mul3A_399 : i32
      %add3A_402 = arith.constant 0 : i32
      %add3A_403 = arith.addi %add3A_401, %add3A_402 : i32
      %add3A_404 = arith.constant 2 : i32
      %add3A_405 = arith.addi %add3A_403, %add3A_404 : i32
      %dma_wait3A_406 = arith.constant 0 : i32
      %dma_wait3A_407 = tpu.memref_slice %arg7[%add3A_403, %dma_wait3A_406] : memref<40x104xi32, #tpu.memory_space<vmem>> -> memref<1x104xi32, #tpu.memory_space<vmem>>
      %dma_wait3A_408 = tpu.memref_squeeze %dma_wait3A_407 : memref<1x104xi32, #tpu.memory_space<vmem>> -> memref<104xi32, #tpu.memory_space<vmem>>
      %dma_wait3A_409 = arith.constant 0 : i32
      %dma_wait3A_410 = arith.constant 0 : i32
      %dma_wait3A_411 = tpu.memref_slice %arg2[%dma_wait3A_409, %dma_wait3A_410] : memref<270000x128xf32, #tpu.memory_space<hbm>> -> memref<270000x128xf32, #tpu.memory_space<hbm>>
      tpu.wait_indirect_dma semaphore(%arg15 : memref<!tpu.dma_semaphore, #tpu.memory_space<semaphore_mem>>) src(%dma_wait3A_411 : memref<270000x128xf32, #tpu.memory_space<hbm>>) dst(%arg11 : memref<104x128xf32, #tpu.memory_space<vmem>>)
      %dma_start3A_412 = arith.constant 0 : i32
      %dma_start3A_413 = tpu.memref_slice %arg8[%add3A_403, %dma_start3A_412] : memref<40x104xi32, #tpu.memory_space<vmem>> -> memref<1x104xi32, #tpu.memory_space<vmem>>
      %dma_start3A_414 = tpu.memref_squeeze %dma_start3A_413 : memref<1x104xi32, #tpu.memory_space<vmem>> -> memref<104xi32, #tpu.memory_space<vmem>>
      %dma_start3A_415 = arith.constant 0 : i32
      %dma_start3A_416 = arith.constant 0 : i32
      %dma_start3A_417 = tpu.memref_slice %arg12[%dma_start3A_415, %dma_start3A_416] : memref<10008x128xf32, #tpu.memory_space<vmem_shared>> -> memref<10008x128xf32, #tpu.memory_space<vmem_shared>>
      tpu.enqueue_indirect_dma source(%arg11 : memref<104x128xf32, #tpu.memory_space<vmem>>) target(%dma_start3A_417 : memref<10008x128xf32, #tpu.memory_space<vmem_shared>>) offsets(%dma_start3A_414 : memref<104xi32, #tpu.memory_space<vmem>>) semaphore(%arg18 : memref<!tpu.dma_semaphore, #tpu.memory_space<semaphore_mem>>) {add = true}
      %dma_wait3A_418 = arith.constant 0 : i32
      %dma_wait3A_419 = tpu.memref_slice %arg8[%add3A_403, %dma_wait3A_418] : memref<40x104xi32, #tpu.memory_space<vmem>> -> memref<1x104xi32, #tpu.memory_space<vmem>>
      %dma_wait3A_420 = tpu.memref_squeeze %dma_wait3A_419 : memref<1x104xi32, #tpu.memory_space<vmem>> -> memref<104xi32, #tpu.memory_space<vmem>>
      %dma_wait3A_421 = arith.constant 0 : i32
      %dma_wait3A_422 = arith.constant 0 : i32
      %dma_wait3A_423 = tpu.memref_slice %arg12[%dma_wait3A_421, %dma_wait3A_422] : memref<10008x128xf32, #tpu.memory_space<vmem_shared>> -> memref<10008x128xf32, #tpu.memory_space<vmem_shared>>
      tpu.wait_indirect_dma semaphore(%arg17 : memref<!tpu.dma_semaphore, #tpu.memory_space<semaphore_mem>>) src(%arg10 : memref<104x128xf32, #tpu.memory_space<vmem>>) dst(%dma_wait3A_423 : memref<10008x128xf32, #tpu.memory_space<vmem_shared>>)
      %dma_start3A_424 = arith.constant 0 : i32
      %dma_start3A_425 = tpu.memref_slice %arg7[%add3A_405, %dma_start3A_424] : memref<40x104xi32, #tpu.memory_space<vmem>> -> memref<1x104xi32, #tpu.memory_space<vmem>>
      %dma_start3A_426 = tpu.memref_squeeze %dma_start3A_425 : memref<1x104xi32, #tpu.memory_space<vmem>> -> memref<104xi32, #tpu.memory_space<vmem>>
      %dma_start3A_427 = arith.constant 0 : i32
      %dma_start3A_428 = arith.constant 0 : i32
      %dma_start3A_429 = tpu.memref_slice %arg2[%dma_start3A_427, %dma_start3A_428] : memref<270000x128xf32, #tpu.memory_space<hbm>> -> memref<270000x128xf32, #tpu.memory_space<hbm>>
      tpu.enqueue_indirect_dma source(%dma_start3A_429 : memref<270000x128xf32, #tpu.memory_space<hbm>>) target(%arg10 : memref<104x128xf32, #tpu.memory_space<vmem>>) offsets(%dma_start3A_426 : memref<104xi32, #tpu.memory_space<vmem>>) semaphore(%arg14 : memref<!tpu.dma_semaphore, #tpu.memory_space<semaphore_mem>>)
      %mul3A_430 = arith.constant 3 : i32
      %mul3A_431 = arith.muli %mul3A_430, %scan3A_397 : i32
      %add3A_432 = arith.constant 2 : i32
      %add3A_433 = arith.addi %add3A_432, %mul3A_431 : i32
      %add3A_434 = arith.constant 1 : i32
      %add3A_435 = arith.addi %add3A_433, %add3A_434 : i32
      %add3A_436 = arith.constant 2 : i32
      %add3A_437 = arith.addi %add3A_435, %add3A_436 : i32
      %dma_wait3A_438 = arith.constant 0 : i32
      %dma_wait3A_439 = tpu.memref_slice %arg7[%add3A_435, %dma_wait3A_438] : memref<40x104xi32, #tpu.memory_space<vmem>> -> memref<1x104xi32, #tpu.memory_space<vmem>>
      %dma_wait3A_440 = tpu.memref_squeeze %dma_wait3A_439 : memref<1x104xi32, #tpu.memory_space<vmem>> -> memref<104xi32, #tpu.memory_space<vmem>>
      %dma_wait3A_441 = arith.constant 0 : i32
      %dma_wait3A_442 = arith.constant 0 : i32
      %dma_wait3A_443 = tpu.memref_slice %arg2[%dma_wait3A_441, %dma_wait3A_442] : memref<270000x128xf32, #tpu.memory_space<hbm>> -> memref<270000x128xf32, #tpu.memory_space<hbm>>
      tpu.wait_indirect_dma semaphore(%arg13 : memref<!tpu.dma_semaphore, #tpu.memory_space<semaphore_mem>>) src(%dma_wait3A_443 : memref<270000x128xf32, #tpu.memory_space<hbm>>) dst(%arg9 : memref<104x128xf32, #tpu.memory_space<vmem>>)
      %dma_start3A_444 = arith.constant 0 : i32
      %dma_start3A_445 = tpu.memref_slice %arg8[%add3A_435, %dma_start3A_444] : memref<40x104xi32, #tpu.memory_space<vmem>> -> memref<1x104xi32, #tpu.memory_space<vmem>>
      %dma_start3A_446 = tpu.memref_squeeze %dma_start3A_445 : memref<1x104xi32, #tpu.memory_space<vmem>> -> memref<104xi32, #tpu.memory_space<vmem>>
      %dma_start3A_447 = arith.constant 0 : i32
      %dma_start3A_448 = arith.constant 0 : i32
      %dma_start3A_449 = tpu.memref_slice %arg12[%dma_start3A_447, %dma_start3A_448] : memref<10008x128xf32, #tpu.memory_space<vmem_shared>> -> memref<10008x128xf32, #tpu.memory_space<vmem_shared>>
      tpu.enqueue_indirect_dma source(%arg9 : memref<104x128xf32, #tpu.memory_space<vmem>>) target(%dma_start3A_449 : memref<10008x128xf32, #tpu.memory_space<vmem_shared>>) offsets(%dma_start3A_446 : memref<104xi32, #tpu.memory_space<vmem>>) semaphore(%arg16 : memref<!tpu.dma_semaphore, #tpu.memory_space<semaphore_mem>>) {add = true}
      %dma_wait3A_450 = arith.constant 0 : i32
      %dma_wait3A_451 = tpu.memref_slice %arg8[%add3A_435, %dma_wait3A_450] : memref<40x104xi32, #tpu.memory_space<vmem>> -> memref<1x104xi32, #tpu.memory_space<vmem>>
      %dma_wait3A_452 = tpu.memref_squeeze %dma_wait3A_451 : memref<1x104xi32, #tpu.memory_space<vmem>> -> memref<104xi32, #tpu.memory_space<vmem>>
      %dma_wait3A_453 = arith.constant 0 : i32
      %dma_wait3A_454 = arith.constant 0 : i32
      %dma_wait3A_455 = tpu.memref_slice %arg12[%dma_wait3A_453, %dma_wait3A_454] : memref<10008x128xf32, #tpu.memory_space<vmem_shared>> -> memref<10008x128xf32, #tpu.memory_space<vmem_shared>>
      tpu.wait_indirect_dma semaphore(%arg18 : memref<!tpu.dma_semaphore, #tpu.memory_space<semaphore_mem>>) src(%arg11 : memref<104x128xf32, #tpu.memory_space<vmem>>) dst(%dma_wait3A_455 : memref<10008x128xf32, #tpu.memory_space<vmem_shared>>)
      %dma_start3A_456 = arith.constant 0 : i32
      %dma_start3A_457 = tpu.memref_slice %arg7[%add3A_437, %dma_start3A_456] : memref<40x104xi32, #tpu.memory_space<vmem>> -> memref<1x104xi32, #tpu.memory_space<vmem>>
      %dma_start3A_458 = tpu.memref_squeeze %dma_start3A_457 : memref<1x104xi32, #tpu.memory_space<vmem>> -> memref<104xi32, #tpu.memory_space<vmem>>
      %dma_start3A_459 = arith.constant 0 : i32
      %dma_start3A_460 = arith.constant 0 : i32
      %dma_start3A_461 = tpu.memref_slice %arg2[%dma_start3A_459, %dma_start3A_460] : memref<270000x128xf32, #tpu.memory_space<hbm>> -> memref<270000x128xf32, #tpu.memory_space<hbm>>
      tpu.enqueue_indirect_dma source(%dma_start3A_461 : memref<270000x128xf32, #tpu.memory_space<hbm>>) target(%arg11 : memref<104x128xf32, #tpu.memory_space<vmem>>) offsets(%dma_start3A_458 : memref<104xi32, #tpu.memory_space<vmem>>) semaphore(%arg15 : memref<!tpu.dma_semaphore, #tpu.memory_space<semaphore_mem>>)
      %mul3A_462 = arith.constant 3 : i32
      %mul3A_463 = arith.muli %mul3A_462, %scan3A_397 : i32
      %add3A_464 = arith.constant 2 : i32
      %add3A_465 = arith.addi %add3A_464, %mul3A_463 : i32
      %add3A_466 = arith.constant 2 : i32
      %add3A_467 = arith.addi %add3A_465, %add3A_466 : i32
      %add3A_468 = arith.constant 2 : i32
      %add3A_469 = arith.addi %add3A_467, %add3A_468 : i32
      %dma_wait3A_470 = arith.constant 0 : i32
      %dma_wait3A_471 = tpu.memref_slice %arg7[%add3A_467, %dma_wait3A_470] : memref<40x104xi32, #tpu.memory_space<vmem>> -> memref<1x104xi32, #tpu.memory_space<vmem>>
      %dma_wait3A_472 = tpu.memref_squeeze %dma_wait3A_471 : memref<1x104xi32, #tpu.memory_space<vmem>> -> memref<104xi32, #tpu.memory_space<vmem>>
      %dma_wait3A_473 = arith.constant 0 : i32
      %dma_wait3A_474 = arith.constant 0 : i32
      %dma_wait3A_475 = tpu.memref_slice %arg2[%dma_wait3A_473, %dma_wait3A_474] : memref<270000x128xf32, #tpu.memory_space<hbm>> -> memref<270000x128xf32, #tpu.memory_space<hbm>>
      tpu.wait_indirect_dma semaphore(%arg14 : memref<!tpu.dma_semaphore, #tpu.memory_space<semaphore_mem>>) src(%dma_wait3A_475 : memref<270000x128xf32, #tpu.memory_space<hbm>>) dst(%arg10 : memref<104x128xf32, #tpu.memory_space<vmem>>)
      %dma_start3A_476 = arith.constant 0 : i32
      %dma_start3A_477 = tpu.memref_slice %arg8[%add3A_467, %dma_start3A_476] : memref<40x104xi32, #tpu.memory_space<vmem>> -> memref<1x104xi32, #tpu.memory_space<vmem>>
      %dma_start3A_478 = tpu.memref_squeeze %dma_start3A_477 : memref<1x104xi32, #tpu.memory_space<vmem>> -> memref<104xi32, #tpu.memory_space<vmem>>
      %dma_start3A_479 = arith.constant 0 : i32
      %dma_start3A_480 = arith.constant 0 : i32
      %dma_start3A_481 = tpu.memref_slice %arg12[%dma_start3A_479, %dma_start3A_480] : memref<10008x128xf32, #tpu.memory_space<vmem_shared>> -> memref<10008x128xf32, #tpu.memory_space<vmem_shared>>
      tpu.enqueue_indirect_dma source(%arg10 : memref<104x128xf32, #tpu.memory_space<vmem>>) target(%dma_start3A_481 : memref<10008x128xf32, #tpu.memory_space<vmem_shared>>) offsets(%dma_start3A_478 : memref<104xi32, #tpu.memory_space<vmem>>) semaphore(%arg17 : memref<!tpu.dma_semaphore, #tpu.memory_space<semaphore_mem>>) {add = true}
      %dma_wait3A_482 = arith.constant 0 : i32
      %dma_wait3A_483 = tpu.memref_slice %arg8[%add3A_467, %dma_wait3A_482] : memref<40x104xi32, #tpu.memory_space<vmem>> -> memref<1x104xi32, #tpu.memory_space<vmem>>
      %dma_wait3A_484 = tpu.memref_squeeze %dma_wait3A_483 : memref<1x104xi32, #tpu.memory_space<vmem>> -> memref<104xi32, #tpu.memory_space<vmem>>
      %dma_wait3A_485 = arith.constant 0 : i32
      %dma_wait3A_486 = arith.constant 0 : i32
      %dma_wait3A_487 = tpu.memref_slice %arg12[%dma_wait3A_485, %dma_wait3A_486] : memref<10008x128xf32, #tpu.memory_space<vmem_shared>> -> memref<10008x128xf32, #tpu.memory_space<vmem_shared>>
      tpu.wait_indirect_dma semaphore(%arg16 : memref<!tpu.dma_semaphore, #tpu.memory_space<semaphore_mem>>) src(%arg9 : memref<104x128xf32, #tpu.memory_space<vmem>>) dst(%dma_wait3A_487 : memref<10008x128xf32, #tpu.memory_space<vmem_shared>>)
      %dma_start3A_488 = arith.constant 0 : i32
      %dma_start3A_489 = tpu.memref_slice %arg7[%add3A_469, %dma_start3A_488] : memref<40x104xi32, #tpu.memory_space<vmem>> -> memref<1x104xi32, #tpu.memory_space<vmem>>
      %dma_start3A_490 = tpu.memref_squeeze %dma_start3A_489 : memref<1x104xi32, #tpu.memory_space<vmem>> -> memref<104xi32, #tpu.memory_space<vmem>>
      %dma_start3A_491 = arith.constant 0 : i32
      %dma_start3A_492 = arith.constant 0 : i32
      %dma_start3A_493 = tpu.memref_slice %arg2[%dma_start3A_491, %dma_start3A_492] : memref<270000x128xf32, #tpu.memory_space<hbm>> -> memref<270000x128xf32, #tpu.memory_space<hbm>>
      tpu.enqueue_indirect_dma source(%dma_start3A_493 : memref<270000x128xf32, #tpu.memory_space<hbm>>) target(%arg9 : memref<104x128xf32, #tpu.memory_space<vmem>>) offsets(%dma_start3A_490 : memref<104xi32, #tpu.memory_space<vmem>>) semaphore(%arg13 : memref<!tpu.dma_semaphore, #tpu.memory_space<semaphore_mem>>)
    }
    %scan3A_308 = arith.constant 4 : i32
    %dma_wait3A_309 = arith.constant 14 : i32
    %dma_wait3A_310 = arith.constant 0 : i32
    %dma_wait3A_311 = tpu.memref_slice %arg7[%dma_wait3A_309, %dma_wait3A_310] : memref<40x104xi32, #tpu.memory_space<vmem>> -> memref<1x104xi32, #tpu.memory_space<vmem>>
    %dma_wait3A_312 = tpu.memref_squeeze %dma_wait3A_311 : memref<1x104xi32, #tpu.memory_space<vmem>> -> memref<104xi32, #tpu.memory_space<vmem>>
    %dma_wait3A_313 = arith.constant 0 : i32
    %dma_wait3A_314 = arith.constant 0 : i32
    %dma_wait3A_315 = tpu.memref_slice %arg2[%dma_wait3A_313, %dma_wait3A_314] : memref<270000x128xf32, #tpu.memory_space<hbm>> -> memref<270000x128xf32, #tpu.memory_space<hbm>>
    tpu.wait_indirect_dma semaphore(%arg15 : memref<!tpu.dma_semaphore, #tpu.memory_space<semaphore_mem>>) src(%dma_wait3A_315 : memref<270000x128xf32, #tpu.memory_space<hbm>>) dst(%arg11 : memref<104x128xf32, #tpu.memory_space<vmem>>)
    %dma_start3A_316 = arith.constant 14 : i32
    %dma_start3A_317 = arith.constant 0 : i32
    %dma_start3A_318 = tpu.memref_slice %arg8[%dma_start3A_316, %dma_start3A_317] : memref<40x104xi32, #tpu.memory_space<vmem>> -> memref<1x104xi32, #tpu.memory_space<vmem>>
    %dma_start3A_319 = tpu.memref_squeeze %dma_start3A_318 : memref<1x104xi32, #tpu.memory_space<vmem>> -> memref<104xi32, #tpu.memory_space<vmem>>
    %dma_start3A_320 = arith.constant 0 : i32
    %dma_start3A_321 = arith.constant 0 : i32
    %dma_start3A_322 = tpu.memref_slice %arg12[%dma_start3A_320, %dma_start3A_321] : memref<10008x128xf32, #tpu.memory_space<vmem_shared>> -> memref<10008x128xf32, #tpu.memory_space<vmem_shared>>
    tpu.enqueue_indirect_dma source(%arg11 : memref<104x128xf32, #tpu.memory_space<vmem>>) target(%dma_start3A_322 : memref<10008x128xf32, #tpu.memory_space<vmem_shared>>) offsets(%dma_start3A_319 : memref<104xi32, #tpu.memory_space<vmem>>) semaphore(%arg18 : memref<!tpu.dma_semaphore, #tpu.memory_space<semaphore_mem>>) {add = true}
    %dma_wait3A_323 = arith.constant 14 : i32
    %dma_wait3A_324 = arith.constant 0 : i32
    %dma_wait3A_325 = tpu.memref_slice %arg8[%dma_wait3A_323, %dma_wait3A_324] : memref<40x104xi32, #tpu.memory_space<vmem>> -> memref<1x104xi32, #tpu.memory_space<vmem>>
    %dma_wait3A_326 = tpu.memref_squeeze %dma_wait3A_325 : memref<1x104xi32, #tpu.memory_space<vmem>> -> memref<104xi32, #tpu.memory_space<vmem>>
    %dma_wait3A_327 = arith.constant 0 : i32
    %dma_wait3A_328 = arith.constant 0 : i32
    %dma_wait3A_329 = tpu.memref_slice %arg12[%dma_wait3A_327, %dma_wait3A_328] : memref<10008x128xf32, #tpu.memory_space<vmem_shared>> -> memref<10008x128xf32, #tpu.memory_space<vmem_shared>>
    tpu.wait_indirect_dma semaphore(%arg17 : memref<!tpu.dma_semaphore, #tpu.memory_space<semaphore_mem>>) src(%arg10 : memref<104x128xf32, #tpu.memory_space<vmem>>) dst(%dma_wait3A_329 : memref<10008x128xf32, #tpu.memory_space<vmem_shared>>)
    %dma_start3A_330 = arith.constant 16 : i32
    %dma_start3A_331 = arith.constant 0 : i32
    %dma_start3A_332 = tpu.memref_slice %arg7[%dma_start3A_330, %dma_start3A_331] : memref<40x104xi32, #tpu.memory_space<vmem>> -> memref<1x104xi32, #tpu.memory_space<vmem>>
    %dma_start3A_333 = tpu.memref_squeeze %dma_start3A_332 : memref<1x104xi32, #tpu.memory_space<vmem>> -> memref<104xi32, #tpu.memory_space<vmem>>
    %dma_start3A_334 = arith.constant 0 : i32
    %dma_start3A_335 = arith.constant 0 : i32
    %dma_start3A_336 = tpu.memref_slice %arg2[%dma_start3A_334, %dma_start3A_335] : memref<270000x128xf32, #tpu.memory_space<hbm>> -> memref<270000x128xf32, #tpu.memory_space<hbm>>
    tpu.enqueue_indirect_dma source(%dma_start3A_336 : memref<270000x128xf32, #tpu.memory_space<hbm>>) target(%arg10 : memref<104x128xf32, #tpu.memory_space<vmem>>) offsets(%dma_start3A_333 : memref<104xi32, #tpu.memory_space<vmem>>) semaphore(%arg14 : memref<!tpu.dma_semaphore, #tpu.memory_space<semaphore_mem>>)
    %dma_wait3A_337 = arith.constant 15 : i32
    %dma_wait3A_338 = arith.constant 0 : i32
    %dma_wait3A_339 = tpu.memref_slice %arg7[%dma_wait3A_337, %dma_wait3A_338] : memref<40x104xi32, #tpu.memory_space<vmem>> -> memref<1x104xi32, #tpu.memory_space<vmem>>
    %dma_wait3A_340 = tpu.memref_squeeze %dma_wait3A_339 : memref<1x104xi32, #tpu.memory_space<vmem>> -> memref<104xi32, #tpu.memory_space<vmem>>
    %dma_wait3A_341 = arith.constant 0 : i32
    %dma_wait3A_342 = arith.constant 0 : i32
    %dma_wait3A_343 = tpu.memref_slice %arg2[%dma_wait3A_341, %dma_wait3A_342] : memref<270000x128xf32, #tpu.memory_space<hbm>> -> memref<270000x128xf32, #tpu.memory_space<hbm>>
    tpu.wait_indirect_dma semaphore(%arg13 : memref<!tpu.dma_semaphore, #tpu.memory_space<semaphore_mem>>) src(%dma_wait3A_343 : memref<270000x128xf32, #tpu.memory_space<hbm>>) dst(%arg9 : memref<104x128xf32, #tpu.memory_space<vmem>>)
    %dma_start3A_344 = arith.constant 15 : i32
    %dma_start3A_345 = arith.constant 0 : i32
    %dma_start3A_346 = tpu.memref_slice %arg8[%dma_start3A_344, %dma_start3A_345] : memref<40x104xi32, #tpu.memory_space<vmem>> -> memref<1x104xi32, #tpu.memory_space<vmem>>
    %dma_start3A_347 = tpu.memref_squeeze %dma_start3A_346 : memref<1x104xi32, #tpu.memory_space<vmem>> -> memref<104xi32, #tpu.memory_space<vmem>>
    %dma_start3A_348 = arith.constant 0 : i32
    %dma_start3A_349 = arith.constant 0 : i32
    %dma_start3A_350 = tpu.memref_slice %arg12[%dma_start3A_348, %dma_start3A_349] : memref<10008x128xf32, #tpu.memory_space<vmem_shared>> -> memref<10008x128xf32, #tpu.memory_space<vmem_shared>>
    tpu.enqueue_indirect_dma source(%arg9 : memref<104x128xf32, #tpu.memory_space<vmem>>) target(%dma_start3A_350 : memref<10008x128xf32, #tpu.memory_space<vmem_shared>>) offsets(%dma_start3A_347 : memref<104xi32, #tpu.memory_space<vmem>>) semaphore(%arg16 : memref<!tpu.dma_semaphore, #tpu.memory_space<semaphore_mem>>) {add = true}
    %dma_wait3A_351 = arith.constant 15 : i32
    %dma_wait3A_352 = arith.constant 0 : i32
    %dma_wait3A_353 = tpu.memref_slice %arg8[%dma_wait3A_351, %dma_wait3A_352] : memref<40x104xi32, #tpu.memory_space<vmem>> -> memref<1x104xi32, #tpu.memory_space<vmem>>
    %dma_wait3A_354 = tpu.memref_squeeze %dma_wait3A_353 : memref<1x104xi32, #tpu.memory_space<vmem>> -> memref<104xi32, #tpu.memory_space<vmem>>
    %dma_wait3A_355 = arith.constant 0 : i32
    %dma_wait3A_356 = arith.constant 0 : i32
    %dma_wait3A_357 = tpu.memref_slice %arg12[%dma_wait3A_355, %dma_wait3A_356] : memref<10008x128xf32, #tpu.memory_space<vmem_shared>> -> memref<10008x128xf32, #tpu.memory_space<vmem_shared>>
    tpu.wait_indirect_dma semaphore(%arg18 : memref<!tpu.dma_semaphore, #tpu.memory_space<semaphore_mem>>) src(%arg11 : memref<104x128xf32, #tpu.memory_space<vmem>>) dst(%dma_wait3A_357 : memref<10008x128xf32, #tpu.memory_space<vmem_shared>>)
    %dma_wait3A_358 = arith.constant 16 : i32
    %dma_wait3A_359 = arith.constant 0 : i32
    %dma_wait3A_360 = tpu.memref_slice %arg7[%dma_wait3A_358, %dma_wait3A_359] : memref<40x104xi32, #tpu.memory_space<vmem>> -> memref<1x104xi32, #tpu.memory_space<vmem>>
    %dma_wait3A_361 = tpu.memref_squeeze %dma_wait3A_360 : memref<1x104xi32, #tpu.memory_space<vmem>> -> memref<104xi32, #tpu.memory_space<vmem>>
    %dma_wait3A_362 = arith.constant 0 : i32
    %dma_wait3A_363 = arith.constant 0 : i32
    %dma_wait3A_364 = tpu.memref_slice %arg2[%dma_wait3A_362, %dma_wait3A_363] : memref<270000x128xf32, #tpu.memory_space<hbm>> -> memref<270000x128xf32, #tpu.memory_space<hbm>>
    tpu.wait_indirect_dma semaphore(%arg14 : memref<!tpu.dma_semaphore, #tpu.memory_space<semaphore_mem>>) src(%dma_wait3A_364 : memref<270000x128xf32, #tpu.memory_space<hbm>>) dst(%arg10 : memref<104x128xf32, #tpu.memory_space<vmem>>)
    %dma_start3A_365 = arith.constant 16 : i32
    %dma_start3A_366 = arith.constant 0 : i32
    %dma_start3A_367 = tpu.memref_slice %arg8[%dma_start3A_365, %dma_start3A_366] : memref<40x104xi32, #tpu.memory_space<vmem>> -> memref<1x104xi32, #tpu.memory_space<vmem>>
    %dma_start3A_368 = tpu.memref_squeeze %dma_start3A_367 : memref<1x104xi32, #tpu.memory_space<vmem>> -> memref<104xi32, #tpu.memory_space<vmem>>
    %dma_start3A_369 = arith.constant 0 : i32
    %dma_start3A_370 = arith.constant 0 : i32
    %dma_start3A_371 = tpu.memref_slice %arg12[%dma_start3A_369, %dma_start3A_370] : memref<10008x128xf32, #tpu.memory_space<vmem_shared>> -> memref<10008x128xf32, #tpu.memory_space<vmem_shared>>
    tpu.enqueue_indirect_dma source(%arg10 : memref<104x128xf32, #tpu.memory_space<vmem>>) target(%dma_start3A_371 : memref<10008x128xf32, #tpu.memory_space<vmem_shared>>) offsets(%dma_start3A_368 : memref<104xi32, #tpu.memory_space<vmem>>) semaphore(%arg17 : memref<!tpu.dma_semaphore, #tpu.memory_space<semaphore_mem>>) {add = true}
    %dma_wait3A_372 = arith.constant 16 : i32
    %dma_wait3A_373 = arith.constant 0 : i32
    %dma_wait3A_374 = tpu.memref_slice %arg8[%dma_wait3A_372, %dma_wait3A_373] : memref<40x104xi32, #tpu.memory_space<vmem>> -> memref<1x104xi32, #tpu.memory_space<vmem>>
    %dma_wait3A_375 = tpu.memref_squeeze %dma_wait3A_374 : memref<1x104xi32, #tpu.memory_space<vmem>> -> memref<104xi32, #tpu.memory_space<vmem>>
    %dma_wait3A_376 = arith.constant 0 : i32
    %dma_wait3A_377 = arith.constant 0 : i32
    %dma_wait3A_378 = tpu.memref_slice %arg12[%dma_wait3A_376, %dma_wait3A_377] : memref<10008x128xf32, #tpu.memory_space<vmem_shared>> -> memref<10008x128xf32, #tpu.memory_space<vmem_shared>>
    tpu.wait_indirect_dma semaphore(%arg16 : memref<!tpu.dma_semaphore, #tpu.memory_space<semaphore_mem>>) src(%arg9 : memref<104x128xf32, #tpu.memory_space<vmem>>) dst(%dma_wait3A_378 : memref<10008x128xf32, #tpu.memory_space<vmem_shared>>)
    %dma_wait3A_379 = arith.constant 0 : i32
    %dma_wait3A_380 = arith.constant 0 : i32
    %dma_wait3A_381 = tpu.memref_slice %arg8[%dma_wait3A_379, %dma_wait3A_380] : memref<40x104xi32, #tpu.memory_space<vmem>> -> memref<1x104xi32, #tpu.memory_space<vmem>>
    %dma_wait3A_382 = tpu.memref_squeeze %dma_wait3A_381 : memref<1x104xi32, #tpu.memory_space<vmem>> -> memref<104xi32, #tpu.memory_space<vmem>>
    %dma_wait3A_383 = arith.constant 0 : i32
    %dma_wait3A_384 = arith.constant 0 : i32
    %dma_wait3A_385 = tpu.memref_slice %arg12[%dma_wait3A_383, %dma_wait3A_384] : memref<10008x128xf32, #tpu.memory_space<vmem_shared>> -> memref<10008x128xf32, #tpu.memory_space<vmem_shared>>
    tpu.wait_indirect_dma semaphore(%arg17 : memref<!tpu.dma_semaphore, #tpu.memory_space<semaphore_mem>>) src(%arg10 : memref<104x128xf32, #tpu.memory_space<vmem>>) dst(%dma_wait3A_385 : memref<10008x128xf32, #tpu.memory_space<vmem_shared>>)
    %barrier3A_386 = arith.constant 0 : index
    tpu.barrier barrier_id(%barrier3A_386)
    %lt3A_387 = arith.constant 15 : i32
    %lt3A_388 = arith.cmpi slt, %arg1, %lt3A_387 : i32
    %convert_element_type3A_389 = arith.extui %lt3A_388 : i1 to i32
    %cond3A_390 = arith.constant 0 : i32
    %cond3A_391 = arith.cmpi ne, %convert_element_type3A_389, %cond3A_390 : i32
    scf.if %cond3A_391 {
      %mul3A_397 = arith.constant 632 : i32
      %mul3A_398 = arith.muli %arg1, %mul3A_397 : i32
      %mul3A_399 = arith.constant 632 : i32
      %mul3A_400 = arith.muli %arg1, %mul3A_399 : i32
      "tpu.region"() ({
        %run_scoped3A = tpu.sem_alloc : memref<!tpu.dma_semaphore, #tpu.memory_space<semaphore_mem>>
        %dma_start3A_401 = arith.constant 0 : i32
        %dma_start3A_402 = tpu.memref_slice %arg6[%arg0, %mul3A_400, %dma_start3A_401] : memref<2x10008x128xf32, #tpu.memory_space<hbm>> -> memref<1x632x128xf32, #tpu.memory_space<hbm>>
        %dma_start3A_403 = tpu.memref_squeeze %dma_start3A_402 : memref<1x632x128xf32, #tpu.memory_space<hbm>> -> memref<632x128xf32, #tpu.memory_space<hbm>>
        %dma_start3A_404 = arith.constant 0 : i32
        %dma_start3A_405 = tpu.memref_slice %arg12[%mul3A_398, %dma_start3A_404] : memref<10008x128xf32, #tpu.memory_space<vmem_shared>> -> memref<632x128xf32, #tpu.memory_space<vmem_shared>>
        tpu.enqueue_dma source(%dma_start3A_405 : memref<632x128xf32, #tpu.memory_space<vmem_shared>>) target(%dma_start3A_403 : memref<632x128xf32, #tpu.memory_space<hbm>>) target_semaphore(%run_scoped3A : memref<!tpu.dma_semaphore, #tpu.memory_space<semaphore_mem>>)
        %dma_wait3A_406 = arith.constant 0 : i32
        %dma_wait3A_407 = tpu.memref_slice %arg6[%arg0, %mul3A_400, %dma_wait3A_406] : memref<2x10008x128xf32, #tpu.memory_space<hbm>> -> memref<1x632x128xf32, #tpu.memory_space<hbm>>
        %dma_wait3A_408 = tpu.memref_squeeze %dma_wait3A_407 : memref<1x632x128xf32, #tpu.memory_space<hbm>> -> memref<632x128xf32, #tpu.memory_space<hbm>>
        %dma_wait3A_409 = arith.constant 0 : i32
        %dma_wait3A_410 = tpu.memref_slice %arg12[%mul3A_398, %dma_wait3A_409] : memref<10008x128xf32, #tpu.memory_space<vmem_shared>> -> memref<632x128xf32, #tpu.memory_space<vmem_shared>>
        tpu.wait_dma2 semaphore(%run_scoped3A : memref<!tpu.dma_semaphore, #tpu.memory_space<semaphore_mem>>) src(%dma_wait3A_410 : memref<632x128xf32, #tpu.memory_space<vmem_shared>>) dst(%dma_wait3A_408 : memref<632x128xf32, #tpu.memory_space<hbm>>)
        tpu.yield
      }) : () -> ()
    } else {
    }
    %eq3A_392 = arith.constant 15 : i32
    %eq3A_393 = arith.cmpi eq, %arg1, %eq3A_392 : i32
    %convert_element_type3A_394 = arith.extui %eq3A_393 : i1 to i32
    %cond3A_395 = arith.constant 0 : i32
    %cond3A_396 = arith.cmpi ne, %convert_element_type3A_394, %cond3A_395 : i32
    scf.if %cond3A_396 {
      "tpu.region"() ({
        %run_scoped3A = tpu.sem_alloc : memref<!tpu.dma_semaphore, #tpu.memory_space<semaphore_mem>>
        %dma_start3A_397 = arith.constant 9480 : i32
        %dma_start3A_398 = arith.constant 0 : i32
        %dma_start3A_399 = tpu.memref_slice %arg6[%arg0, %dma_start3A_397, %dma_start3A_398] : memref<2x10008x128xf32, #tpu.memory_space<hbm>> -> memref<1x528x128xf32, #tpu.memory_space<hbm>>
        %dma_start3A_400 = tpu.memref_squeeze %dma_start3A_399 : memref<1x528x128xf32, #tpu.memory_space<hbm>> -> memref<528x128xf32, #tpu.memory_space<hbm>>
        %dma_start3A_401 = arith.constant 9480 : i32
        %dma_start3A_402 = arith.constant 0 : i32
        %dma_start3A_403 = tpu.memref_slice %arg12[%dma_start3A_401, %dma_start3A_402] : memref<10008x128xf32, #tpu.memory_space<vmem_shared>> -> memref<528x128xf32, #tpu.memory_space<vmem_shared>>
        tpu.enqueue_dma source(%dma_start3A_403 : memref<528x128xf32, #tpu.memory_space<vmem_shared>>) target(%dma_start3A_400 : memref<528x128xf32, #tpu.memory_space<hbm>>) target_semaphore(%run_scoped3A : memref<!tpu.dma_semaphore, #tpu.memory_space<semaphore_mem>>)
        %dma_wait3A_404 = arith.constant 9480 : i32
        %dma_wait3A_405 = arith.constant 0 : i32
        %dma_wait3A_406 = tpu.memref_slice %arg6[%arg0, %dma_wait3A_404, %dma_wait3A_405] : memref<2x10008x128xf32, #tpu.memory_space<hbm>> -> memref<1x528x128xf32, #tpu.memory_space<hbm>>
        %dma_wait3A_407 = tpu.memref_squeeze %dma_wait3A_406 : memref<1x528x128xf32, #tpu.memory_space<hbm>> -> memref<528x128xf32, #tpu.memory_space<hbm>>
        %dma_wait3A_408 = arith.constant 9480 : i32
        %dma_wait3A_409 = arith.constant 0 : i32
        %dma_wait3A_410 = tpu.memref_slice %arg12[%dma_wait3A_408, %dma_wait3A_409] : memref<10008x128xf32, #tpu.memory_space<vmem_shared>> -> memref<528x128xf32, #tpu.memory_space<vmem_shared>>
        tpu.wait_dma2 semaphore(%run_scoped3A : memref<!tpu.dma_semaphore, #tpu.memory_space<semaphore_mem>>) src(%dma_wait3A_410 : memref<528x128xf32, #tpu.memory_space<vmem_shared>>) dst(%dma_wait3A_407 : memref<528x128xf32, #tpu.memory_space<hbm>>)
        tpu.yield
      }) : () -> ()
    } else {
    }
    return
  }
}

module attributes {stable_mosaic.version = 14 : i64} {
  func.func @_mm_body(%arg0: i32, %arg1: memref<10000x128xf32, #tpu.memory_space<vmem>>, %arg2: memref<1x128x128xf32, #tpu.memory_space<vmem>>, %arg3: memref<1x10000x128xf32, #tpu.memory_space<vmem>>) attributes {dimension_semantics = [#tpu.dimension_semantics<arbitrary>], iteration_bounds = array<i64: 27>, scalar_prefetch = 0 : i64, scratch_operands = 0 : i64, tpu.core_type = #tpu.core_type<tc>, window_params = [{pipeline_mode = #tpu.pipeline_mode<synchronous>, transform_indices = @transform_0, window_bounds = array<i64: 10000, 128>}, {transform_indices = @transform_1, window_bounds = array<i64: 1, 128, 128>}, {transform_indices = @transform_2, window_bounds = array<i64: 1, 10000, 128>}]} {
    %get3A = arith.constant 0 : index
    %get3A_0 = arith.constant 0 : index
    %get3A_1 = vector.load %arg1[%get3A, %get3A_0] : memref<10000x128xf32, #tpu.memory_space<vmem>>, vector<10000x128xf32>
    %get3A_2 = arith.constant 0 : index
    %get3A_3 = arith.constant 0 : index
    %get3A_4 = arith.constant 0 : index
    %get3A_5 = vector.load %arg2[%get3A_2, %get3A_3, %get3A_4] : memref<1x128x128xf32, #tpu.memory_space<vmem>>, vector<1x128x128xf32>
    %get3A_6 = vector.shape_cast %get3A_5 : vector<1x128x128xf32> to vector<128x128xf32>
    %dot_general3A = arith.constant dense<0.000000e+00> : vector<10000x128xf32>
    %dot_general3A_7 = tpu.matmul %get3A_1, %get3A_6, %dot_general3A {dimension_numbers = #tpu.dot_dimension_numbers<[1], [0], [0], [1], [0, 0, 1, 1], [], []>, transpose_lhs_hint = false} : vector<10000x128xf32>, vector<128x128xf32>, vector<10000x128xf32> -> vector<10000x128xf32>
    %swap3A = arith.constant 0 : index
    %swap3A_8 = arith.constant 0 : index
    %swap3A_9 = arith.constant 0 : index
    %swap3A_10 = vector.load %arg3[%swap3A, %swap3A_8, %swap3A_9] : memref<1x10000x128xf32, #tpu.memory_space<vmem>>, vector<1x10000x128xf32>
    %swap3A_11 = vector.shape_cast %swap3A_10 : vector<1x10000x128xf32> to vector<10000x128xf32>
    %swap3A_12 = vector.shape_cast %dot_general3A_7 : vector<10000x128xf32> to vector<1x10000x128xf32>
    tpu.vector_store %arg3[%swap3A, %swap3A_8, %swap3A_9], %swap3A_12 {strides = array<i32>} : memref<1x10000x128xf32, #tpu.memory_space<vmem>>, vector<1x10000x128xf32>,
    return
  }
  func.func @transform_0(%arg0: i32) -> (i32, i32) {
    %c0_i32 = arith.constant 0 : i32
    %c0_i32_0 = arith.constant 0 : i32
    %c0_i32_1 = arith.constant 0 : i32
    return %c0_i32, %c0_i32_0 : i32, i32
  }
  func.func @transform_1(%arg0: i32) -> (i32, i32, i32) {
    %c0_i32 = arith.constant 0 : i32
    %c0_i32_0 = arith.constant 0 : i32
    %c0_i32_1 = arith.constant 0 : i32
    return %arg0, %c0_i32, %c0_i32_0 : i32, i32, i32
  }
  func.func @transform_2(%arg0: i32) -> (i32, i32, i32) {
    %c0_i32 = arith.constant 0 : i32
    %c0_i32_0 = arith.constant 0 : i32
    %c0_i32_1 = arith.constant 0 : i32
    return %arg0, %c0_i32, %c0_i32_0 : i32, i32, i32
  }
}

module attributes {stable_mosaic.version = 14 : i64} {
  func.func @_mid_body(%arg0: i32, %arg1: memref<2x10008x128xf32, #tpu.memory_space<vmem>>, %arg2: memref<1x128xf32, #tpu.memory_space<vmem>>, %arg3: memref<1x128xf32, #tpu.memory_space<vmem>>, %arg4: memref<1x128xf32, #tpu.memory_space<vmem>>, %arg5: memref<1x128x128xf32, #tpu.memory_space<vmem>>, %arg6: memref<1x10000x128xf32, #tpu.memory_space<vmem>>, %arg7: memref<10000x128xf32, #tpu.memory_space<vmem>>) attributes {dimension_semantics = [#tpu.dimension_semantics<arbitrary>], iteration_bounds = array<i64: 27>, scalar_prefetch = 0 : i64, scratch_operands = 1 : i64, tpu.core_type = #tpu.core_type<tc>, window_params = [{pipeline_mode = #tpu.pipeline_mode<synchronous>, transform_indices = @transform_0, window_bounds = array<i64: 2, 10008, 128>}, {pipeline_mode = #tpu.pipeline_mode<synchronous>, transform_indices = @transform_1, window_bounds = array<i64: 1, 128>}, {pipeline_mode = #tpu.pipeline_mode<synchronous>, transform_indices = @transform_2, window_bounds = array<i64: 1, 128>}, {pipeline_mode = #tpu.pipeline_mode<synchronous>, transform_indices = @transform_3, window_bounds = array<i64: 1, 128>}, {transform_indices = @transform_4, window_bounds = array<i64: 1, 128, 128>}, {transform_indices = @transform_5, window_bounds = array<i64: 1, 10000, 128>}]} {
    %eq3A = arith.constant 0 : i32
    %eq3A_0 = arith.cmpi eq, %arg0, %eq3A : i32
    %convert_element_type3A = arith.extui %eq3A_0 : i1 to i32
    %cond3A = arith.constant 0 : i32
    %cond3A_1 = arith.cmpi ne, %convert_element_type3A, %cond3A : i32
    scf.if %cond3A_1 {
      %get3A_15 = arith.constant 0 : index
      %get3A_16 = arith.constant 0 : index
      %get3A_17 = arith.constant 0 : index
      %get3A_18 = vector.load %arg1[%get3A_15, %get3A_16, %get3A_17] : memref<2x10008x128xf32, #tpu.memory_space<vmem>>, vector<1x10000x128xf32>
      %get3A_19 = vector.shape_cast %get3A_18 : vector<1x10000x128xf32> to vector<10000x128xf32>
      %get3A_20 = arith.constant 1 : index
      %get3A_21 = arith.constant 0 : index
      %get3A_22 = arith.constant 0 : index
      %get3A_23 = vector.load %arg1[%get3A_20, %get3A_21, %get3A_22] : memref<2x10008x128xf32, #tpu.memory_space<vmem>>, vector<1x10000x128xf32>
      %get3A_24 = vector.shape_cast %get3A_23 : vector<1x10000x128xf32> to vector<10000x128xf32>
      %add3A = arith.addf %get3A_19, %get3A_24 : vector<10000x128xf32>
      %get3A_25 = arith.constant 0 : index
      %get3A_26 = arith.constant 0 : index
      %get3A_27 = vector.load %arg2[%get3A_25, %get3A_26] : memref<1x128xf32, #tpu.memory_space<vmem>>, vector<1x128xf32>
      %add3A_28 = vector.broadcast %get3A_27 : vector<1x128xf32> to vector<10000x128xf32>
      %add3A_29 = arith.addf %add3A, %add3A_28 : vector<10000x128xf32>
      %reduce_sum3A = arith.constant dense<0.000000e+00> : vector<128xf32>
      %reduce_sum3A_30 = vector.multi_reduction <add>, %add3A_29, %reduce_sum3A [0] : vector<10000x128xf32> to vector<128xf32>
      %broadcast_in_dim3A = vector.shape_cast %reduce_sum3A_30 : vector<128xf32> to vector<1x128xf32>
      %div3A = arith.constant 1.000000e+04 : f32
      %div3A_31 = vector.broadcast %div3A : f32 to vector<1x128xf32>
      %div3A_32 = arith.divf %broadcast_in_dim3A, %div3A_31 : vector<1x128xf32>
      %mul3A = arith.mulf %add3A_29, %add3A_29 : vector<10000x128xf32>
      %reduce_sum3A_33 = arith.constant dense<0.000000e+00> : vector<128xf32>
      %reduce_sum3A_34 = vector.multi_reduction <add>, %mul3A, %reduce_sum3A_33 [0] : vector<10000x128xf32> to vector<128xf32>
      %broadcast_in_dim3A_35 = vector.shape_cast %reduce_sum3A_34 : vector<128xf32> to vector<1x128xf32>
      %div3A_36 = arith.constant 1.000000e+04 : f32
      %div3A_37 = vector.broadcast %div3A_36 : f32 to vector<1x128xf32>
      %div3A_38 = arith.divf %broadcast_in_dim3A_35, %div3A_37 : vector<1x128xf32>
      %mul3A_39 = arith.mulf %div3A_32, %div3A_32 : vector<1x128xf32>
      %sub3A = arith.subf %div3A_38, %mul3A_39 : vector<1x128xf32>
      %sub3A_40 = vector.broadcast %div3A_32 : vector<1x128xf32> to vector<10000x128xf32>
      %sub3A_41 = arith.subf %add3A_29, %sub3A_40 : vector<10000x128xf32>
      %add3A_42 = arith.constant 1.000000e-03 : f32
      %add3A_43 = vector.broadcast %add3A_42 : f32 to vector<1x128xf32>
      %add3A_44 = arith.addf %sub3A, %add3A_43 : vector<1x128xf32>
      %rsqrt3A = math.rsqrt %add3A_44 : vector<1x128xf32>
      %mul3A_45 = vector.broadcast %rsqrt3A : vector<1x128xf32> to vector<10000x128xf32>
      %mul3A_46 = arith.mulf %sub3A_41, %mul3A_45 : vector<10000x128xf32>
      %get3A_47 = arith.constant 0 : index
      %get3A_48 = arith.constant 0 : index
      %get3A_49 = vector.load %arg3[%get3A_47, %get3A_48] : memref<1x128xf32, #tpu.memory_space<vmem>>, vector<1x128xf32>
      %mul3A_50 = vector.broadcast %get3A_49 : vector<1x128xf32> to vector<10000x128xf32>
      %mul3A_51 = arith.mulf %mul3A_46, %mul3A_50 : vector<10000x128xf32>
      %get3A_52 = arith.constant 0 : index
      %get3A_53 = arith.constant 0 : index
      %get3A_54 = vector.load %arg4[%get3A_52, %get3A_53] : memref<1x128xf32, #tpu.memory_space<vmem>>, vector<1x128xf32>
      %add3A_55 = vector.broadcast %get3A_54 : vector<1x128xf32> to vector<10000x128xf32>
      %add3A_56 = arith.addf %mul3A_51, %add3A_55 : vector<10000x128xf32>
      %max3A = arith.constant 0.000000e+00 : f32
      %max3A_57 = vector.broadcast %max3A : f32 to vector<10000x128xf32>
      %max3A_58 = arith.maximumf %add3A_56, %max3A_57 : vector<10000x128xf32>
      %swap3A_59 = arith.constant 0 : index
      %swap3A_60 = arith.constant 0 : index
      %swap3A_61 = vector.load %arg7[%swap3A_59, %swap3A_60] : memref<10000x128xf32, #tpu.memory_space<vmem>>, vector<10000x128xf32>
      tpu.vector_store %arg7[%swap3A_59, %swap3A_60], %max3A_58 {strides = array<i32>} : memref<10000x128xf32, #tpu.memory_space<vmem>>, vector<10000x128xf32>,
    } else {
    }
    %get3A = arith.constant 0 : index
    %get3A_2 = arith.constant 0 : index
    %get3A_3 = vector.load %arg7[%get3A, %get3A_2] : memref<10000x128xf32, #tpu.memory_space<vmem>>, vector<10000x128xf32>
    %get3A_4 = arith.constant 0 : index
    %get3A_5 = arith.constant 0 : index
    %get3A_6 = arith.constant 0 : index
    %get3A_7 = vector.load %arg5[%get3A_4, %get3A_5, %get3A_6] : memref<1x128x128xf32, #tpu.memory_space<vmem>>, vector<1x128x128xf32>
    %get3A_8 = vector.shape_cast %get3A_7 : vector<1x128x128xf32> to vector<128x128xf32>
    %dot_general3A = arith.constant dense<0.000000e+00> : vector<10000x128xf32>
    %dot_general3A_9 = tpu.matmul %get3A_3, %get3A_8, %dot_general3A {dimension_numbers = #tpu.dot_dimension_numbers<[1], [0], [0], [1], [0, 0, 1, 1], [], []>, transpose_lhs_hint = false} : vector<10000x128xf32>, vector<128x128xf32>, vector<10000x128xf32> -> vector<10000x128xf32>
    %swap3A = arith.constant 0 : index
    %swap3A_10 = arith.constant 0 : index
    %swap3A_11 = arith.constant 0 : index
    %swap3A_12 = vector.load %arg6[%swap3A, %swap3A_10, %swap3A_11] : memref<1x10000x128xf32, #tpu.memory_space<vmem>>, vector<1x10000x128xf32>
    %swap3A_13 = vector.shape_cast %swap3A_12 : vector<1x10000x128xf32> to vector<10000x128xf32>
    %swap3A_14 = vector.shape_cast %dot_general3A_9 : vector<10000x128xf32> to vector<1x10000x128xf32>
    tpu.vector_store %arg6[%swap3A, %swap3A_10, %swap3A_11], %swap3A_14 {strides = array<i32>} : memref<1x10000x128xf32, #tpu.memory_space<vmem>>, vector<1x10000x128xf32>,
    return
  }
  func.func @transform_0(%arg0: i32) -> (i32, i32, i32) {
    %c0_i32 = arith.constant 0 : i32
    %c0_i32_0 = arith.constant 0 : i32
    %c0_i32_1 = arith.constant 0 : i32
    %c0_i32_2 = arith.constant 0 : i32
    return %c0_i32, %c0_i32_0, %c0_i32_1 : i32, i32, i32
  }
  func.func @transform_1(%arg0: i32) -> (i32, i32) {
    %c0_i32 = arith.constant 0 : i32
    %c0_i32_0 = arith.constant 0 : i32
    %c0_i32_1 = arith.constant 0 : i32
    return %c0_i32, %c0_i32_0 : i32, i32
  }
  func.func @transform_2(%arg0: i32) -> (i32, i32) {
    %c0_i32 = arith.constant 0 : i32
    %c0_i32_0 = arith.constant 0 : i32
    %c0_i32_1 = arith.constant 0 : i32
    return %c0_i32, %c0_i32_0 : i32, i32
  }
  func.func @transform_3(%arg0: i32) -> (i32, i32) {
    %c0_i32 = arith.constant 0 : i32
    %c0_i32_0 = arith.constant 0 : i32
    %c0_i32_1 = arith.constant 0 : i32
    return %c0_i32, %c0_i32_0 : i32, i32
  }
  func.func @transform_4(%arg0: i32) -> (i32, i32, i32) {
    %c0_i32 = arith.constant 0 : i32
    %c0_i32_0 = arith.constant 0 : i32
    %c0_i32_1 = arith.constant 0 : i32
    return %arg0, %c0_i32, %c0_i32_0 : i32, i32, i32
  }
  func.func @transform_5(%arg0: i32) -> (i32, i32, i32) {
    %c0_i32 = arith.constant 0 : i32
    %c0_i32_0 = arith.constant 0 : i32
    %c0_i32_1 = arith.constant 0 : i32
    return %arg0, %c0_i32, %c0_i32_0 : i32, i32, i32
  }
}

module attributes {stable_mosaic.version = 14 : i64} {
  func.func @_final_body(%arg0: memref<2x10008x128xf32, #tpu.memory_space<vmem>>, %arg1: memref<10000x128xf32, #tpu.memory_space<vmem>>, %arg2: memref<1x128xf32, #tpu.memory_space<vmem>>, %arg3: memref<1x128xf32, #tpu.memory_space<vmem>>, %arg4: memref<1x128xf32, #tpu.memory_space<vmem>>, %arg5: memref<10000x128xf32, #tpu.memory_space<vmem>>) attributes {dimension_semantics = [], scalar_prefetch = 0 : i64, scratch_operands = 0 : i64, tpu.core_type = #tpu.core_type<tc>} {
    %get3A = arith.constant 0 : index
    %get3A_0 = arith.constant 0 : index
    %get3A_1 = arith.constant 0 : index
    %get3A_2 = vector.load %arg0[%get3A, %get3A_0, %get3A_1] : memref<2x10008x128xf32, #tpu.memory_space<vmem>>, vector<1x10000x128xf32>
    %get3A_3 = vector.shape_cast %get3A_2 : vector<1x10000x128xf32> to vector<10000x128xf32>
    %get3A_4 = arith.constant 1 : index
    %get3A_5 = arith.constant 0 : index
    %get3A_6 = arith.constant 0 : index
    %get3A_7 = vector.load %arg0[%get3A_4, %get3A_5, %get3A_6] : memref<2x10008x128xf32, #tpu.memory_space<vmem>>, vector<1x10000x128xf32>
    %get3A_8 = vector.shape_cast %get3A_7 : vector<1x10000x128xf32> to vector<10000x128xf32>
    %add3A = arith.addf %get3A_3, %get3A_8 : vector<10000x128xf32>
    %get3A_9 = arith.constant 0 : index
    %get3A_10 = arith.constant 0 : index
    %get3A_11 = vector.load %arg2[%get3A_9, %get3A_10] : memref<1x128xf32, #tpu.memory_space<vmem>>, vector<1x128xf32>
    %add3A_12 = vector.broadcast %get3A_11 : vector<1x128xf32> to vector<10000x128xf32>
    %add3A_13 = arith.addf %add3A, %add3A_12 : vector<10000x128xf32>
    %reduce_sum3A = arith.constant dense<0.000000e+00> : vector<128xf32>
    %reduce_sum3A_14 = vector.multi_reduction <add>, %add3A_13, %reduce_sum3A [0] : vector<10000x128xf32> to vector<128xf32>
    %broadcast_in_dim3A = vector.shape_cast %reduce_sum3A_14 : vector<128xf32> to vector<1x128xf32>
    %div3A = arith.constant 1.000000e+04 : f32
    %div3A_15 = vector.broadcast %div3A : f32 to vector<1x128xf32>
    %div3A_16 = arith.divf %broadcast_in_dim3A, %div3A_15 : vector<1x128xf32>
    %mul3A = arith.mulf %add3A_13, %add3A_13 : vector<10000x128xf32>
    %reduce_sum3A_17 = arith.constant dense<0.000000e+00> : vector<128xf32>
    %reduce_sum3A_18 = vector.multi_reduction <add>, %mul3A, %reduce_sum3A_17 [0] : vector<10000x128xf32> to vector<128xf32>
    %broadcast_in_dim3A_19 = vector.shape_cast %reduce_sum3A_18 : vector<128xf32> to vector<1x128xf32>
    %div3A_20 = arith.constant 1.000000e+04 : f32
    %div3A_21 = vector.broadcast %div3A_20 : f32 to vector<1x128xf32>
    %div3A_22 = arith.divf %broadcast_in_dim3A_19, %div3A_21 : vector<1x128xf32>
    %mul3A_23 = arith.mulf %div3A_16, %div3A_16 : vector<1x128xf32>
    %sub3A = arith.subf %div3A_22, %mul3A_23 : vector<1x128xf32>
    %sub3A_24 = vector.broadcast %div3A_16 : vector<1x128xf32> to vector<10000x128xf32>
    %sub3A_25 = arith.subf %add3A_13, %sub3A_24 : vector<10000x128xf32>
    %add3A_26 = arith.constant 1.000000e-03 : f32
    %add3A_27 = vector.broadcast %add3A_26 : f32 to vector<1x128xf32>
    %add3A_28 = arith.addf %sub3A, %add3A_27 : vector<1x128xf32>
    %rsqrt3A = math.rsqrt %add3A_28 : vector<1x128xf32>
    %mul3A_29 = vector.broadcast %rsqrt3A : vector<1x128xf32> to vector<10000x128xf32>
    %mul3A_30 = arith.mulf %sub3A_25, %mul3A_29 : vector<10000x128xf32>
    %get3A_31 = arith.constant 0 : index
    %get3A_32 = arith.constant 0 : index
    %get3A_33 = vector.load %arg3[%get3A_31, %get3A_32] : memref<1x128xf32, #tpu.memory_space<vmem>>, vector<1x128xf32>
    %mul3A_34 = vector.broadcast %get3A_33 : vector<1x128xf32> to vector<10000x128xf32>
    %mul3A_35 = arith.mulf %mul3A_30, %mul3A_34 : vector<10000x128xf32>
    %get3A_36 = arith.constant 0 : index
    %get3A_37 = arith.constant 0 : index
    %get3A_38 = vector.load %arg4[%get3A_36, %get3A_37] : memref<1x128xf32, #tpu.memory_space<vmem>>, vector<1x128xf32>
    %add3A_39 = vector.broadcast %get3A_38 : vector<1x128xf32> to vector<10000x128xf32>
    %add3A_40 = arith.addf %mul3A_35, %add3A_39 : vector<10000x128xf32>
    %get3A_41 = arith.constant 0 : index
    %get3A_42 = arith.constant 0 : index
    %get3A_43 = vector.load %arg1[%get3A_41, %get3A_42] : memref<10000x128xf32, #tpu.memory_space<vmem>>, vector<10000x128xf32>
    %add3A_44 = arith.addf %add3A_40, %get3A_43 : vector<10000x128xf32>
    %max3A = arith.constant 0.000000e+00 : f32
    %max3A_45 = vector.broadcast %max3A : f32 to vector<10000x128xf32>
    %max3A_46 = arith.maximumf %add3A_44, %max3A_45 : vector<10000x128xf32>
    %swap3A = arith.constant 0 : index
    %swap3A_47 = arith.constant 0 : index
    %swap3A_48 = vector.load %arg5[%swap3A, %swap3A_47] : memref<10000x128xf32, #tpu.memory_space<vmem>>, vector<10000x128xf32>
    tpu.vector_store %arg5[%swap3A, %swap3A_47], %max3A_46 {strides = array<i32>} : memref<10000x128xf32, #tpu.memory_space<vmem>>, vector<10000x128xf32>,
    return
  }
}

</mosaic_0001>

<sc_bundles>
// kernel: kernel.10.cloned.1.call-start
scs
__scs_entry_jumppad:
0x0: {  	(pc) =	sbr.rel $0x88, $3  }
0x1: {  	(tag) =	ssettag $0x0;
	lr =	simm.s32 $0x1  }
0x2: {  	[smem:$0x3F96] =	sst lr;
	_ =	strace $0xD0000000  }
0x3: {  	_ = 	snop  }
0x4: {  	_ = 	snop  }
0x5: {  	_ = 	snop  }
0x6: {  	_ = 	snop  }
0x7: {  	_ = 	snop  }
__scs_overlays_trampoline_lowered:
0x8: {  	[smem:$0x3FA5] =	sst s0  }
0x9: {  	[smem:$0x3FA6] =	sst s1  }
0xa: {  	[smem:$0x3FA7] =	sst s2  }
0xb: {  	[smem:$0x3FA8] =	sst s3  }
0xc: {  	[smem:$0x3FA9] =	sst s4  }
0xd: {  	[smem:$0x3FAA] =	sst s5  }
0xe: {  	[smem:$0x3FAB] =	sst s6  }
0xf: {  	[smem:$0x3FAC] =	sst s7  }
0x10: {  	[smem:$0x3FAD] =	sst s8  }
0x11: {  	[smem:$0x3FAE] =	sst s9;
	s0 =	simm.s32 @!p0 $0x0  }
0x12: {  	s1 =	sld [smem:$0x3F94];
	s0 =	simm.s32 @p0 $0x1  }
0x13: {  	[smem:$0x3FAF] =	sst s0;
	s0 =	simm.s32 @!p1 $0x0  }
0x14: {  	s2 =	sld [smem:$0x3F93];
	s0 =	simm.s32 @p1 $0x1  }
0x15: {  	[smem:$0x3FB0] =	sst s0;
	s0 =	simm.s32 @!p2 $0x0  }
0x16: {  	s3 =	sld [smem:$0x3FDB];
	s0 =	simm.s32 @p2 $0x1  }
0x17: {  	s4 =	simm.s32 $0x1BF5;
	[smem:$0x3FB2] =	sst s0  }
0x18: {  	s0 =	sld [smem:$0x3F95];
	_ =	swait.ge [sflag:s4], $0x0  }
0x19: {  	s7 =	sld [smem:$0x3F96]  }
0x1a: {  	s8 =	sadd.s32 $0xFFFFE003, lr  }
0x1b: {  	s9 =	sadd.s32 $0xFFFFFEF7, lr;
	s5 =	simm.s32 $0xFFFFFFFF;
	p2 =	slt.u32 s8, $0xFFFFF086  }
0x1c: {  	p1 =	slt.u32 s9, $0xF7A;
	s5 =	simm.s32 @!p2 $0x0  }
0x1d: {  	s5 =	simm.s32 @p1 $0x1;
	p0 =	seq.s32 s7, s2  }
0x1e: {  	s7 =	smul.u32 @!p0 $0xF7A, s2;
	p2 =	seq.s32 @!p0 s5, $0x0  }
0x1f: {  	s9 =	smul.u32 $0xF7A, s1;
	s8 =	simm.s32 @!p0 $0x1BF5;
	p2 =	por !p2, p0  }
0x20: {  	[sflag:s8] =	ssyncset.s32 @!p0 $0xFFFFF086;
	s6 =	sadd.s32 @!p0 s3, s7;
	s7 =	simm.s32 @!p0 $0x108  }
0x21: {  	s3 =	sadd.s32 s3, s9;
	s6 =	sadd.s32 @!p0 $0x88, s6;
	s7 =	simm.s32 @p2 $0x1082  }
0x22: {  	[simem:s7], [sflag:s8] =	dma.local @!p0 [hbm:s6], $0xF7A  }
0x23: {  	s9 =	sor.u32 $0xD0000000, s2;
	s6 =	simm.s32 $0x108;
	_ =	swait.ge @!p0 [sflag:s8], $0x0  }
0x24: {  	s3 =	sadd.s32 $0x88, s3;
	s6 =	simm.s32 @!p1 $0x1082;
	[sflag:s4] =	ssyncset.s32 $0xFFFFF086  }
0x25: {  	[simem:s6], [sflag:s4] =	dma.local [hbm:s3], $0xF7A  }
0x26: {  	[smem:$0x3F96] =	sst s1;
	(tag) =	ssettag s2;
	_ =	strace s9  }
0x27: {  	s1 =	sld [smem:$0x3FA6]  }
0x28: {  	s2 =	sld [smem:$0x3FA7]  }
0x29: {  	s4 =	sld [smem:$0x3FA9]  }
0x2a: {  	p0 =	seq.s32 s5, $0x0;
	s5 =	sld [smem:$0x3FAA]  }
0x2b: {  	s6 =	sld [smem:$0x3FAB]  }
0x2c: {  	s7 =	sld [smem:$0x3FAC]  }
0x2d: {  	s3 =	simm.s32 $0x108;
	s8 =	sld [smem:$0x3FAD]  }
0x2e: {  	s3 =	simm.s32 @!p0 $0x1082;
	s9 =	sld [smem:$0x3FAE]  }
0x2f: {  	lr =	sadd.s32 s0, s3;
	s0 =	sld [smem:$0x3FA5]  }
0x30: {  	s3 =	sld [smem:$0x3FA8]  }
0x31: {  	[smem:$0x3FB1] =	sst s10  }
0x32: {  	s10 =	sld [smem:$0x3FAF];
	_ =	sdelay $0x3  }
0x33: {  	p0 =	seq.s32 s10, $0x1;
	s10 =	sld [smem:$0x3FB1];
	_ =	sdelay $0x3  }
0x34: {  	[smem:$0x3FB1] =	sst s10  }
0x35: {  	s10 =	sld [smem:$0x3FB0];
	_ =	sdelay $0x3  }
0x36: {  	p1 =	seq.s32 s10, $0x1;
	s10 =	sld [smem:$0x3FB1];
	_ =	sdelay $0x3  }
0x37: {  	[smem:$0x3FB1] =	sst s10  }
0x38: {  	s10 =	sld [smem:$0x3FB2]  }
0x39: {  	_ = 	snop;
	(pc) =	sbr.ind lr, $3  }
0x3a: {  	_ = 	snop  }
0x3b: {  	_ = 	snop  }
0x3c: {  	p2 =	seq.s32 s10, $0x1;
	s10 =	sld [smem:$0x3FB1]  }
0x3d: {  	_ =	shalt  }
0x3e: {  	_ =	shalt  }
0x3f: {  	_ =	shalt  }
0x40: {  	_ =	shalt  }
0x41: {  	_ =	shalt  }
0x42: {  	_ =	shalt  }
0x43: {  	_ =	shalt  }
0x44: {  	_ =	shalt  }
0x45: {  	_ =	shalt  }
0x46: {  	_ =	shalt  }
0x47: {  	_ =	shalt  }
0x48: {  	_ =	shalt  }
0x49: {  	_ =	shalt  }
0x4a: {  	_ =	shalt  }
0x4b: {  	_ =	shalt  }
0x4c: {  	_ =	shalt  }
0x4d: {  	_ =	shalt  }
0x4e: {  	_ =	shalt  }
0x4f: {  	_ =	shalt  }
0x50: {  	_ =	shalt  }
0x51: {  	_ =	shalt  }
0x52: {  	_ =	shalt  }
0x53: {  	_ =	shalt  }
0x54: {  	_ =	shalt  }
0x55: {  	_ =	shalt  }
0x56: {  	_ =	shalt  }
0x57: {  	_ =	shalt  }
0x58: {  	_ =	shalt  }
0x59: {  	_ =	shalt  }
0x5a: {  	_ =	shalt  }
0x5b: {  	_ =	shalt  }
0x5c: {  	_ =	shalt  }
0x5d: {  	_ =	shalt  }
0x5e: {  	_ =	shalt  }
0x5f: {  	_ =	shalt  }
0x60: {  	_ =	shalt  }
0x61: {  	_ =	shalt  }
0x62: {  	_ =	shalt  }
0x63: {  	_ =	shalt  }
0x64: {  	_ =	shalt  }
0x65: {  	_ =	shalt  }
0x66: {  	_ =	shalt  }
0x67: {  	_ =	shalt  }
0x68: {  	_ =	shalt  }
0x69: {  	_ =	shalt  }
0x6a: {  	_ =	shalt  }
0x6b: {  	_ =	shalt  }
0x6c: {  	_ =	shalt  }
0x6d: {  	_ =	shalt  }
0x6e: {  	_ =	shalt  }
0x6f: {  	_ =	shalt  }
0x70: {  	_ =	shalt  }
0x71: {  	_ =	shalt  }
0x72: {  	_ =	shalt  }
0x73: {  	_ =	shalt  }
0x74: {  	_ =	shalt  }
0x75: {  	_ =	shalt  }
0x76: {  	_ =	shalt  }
0x77: {  	_ =	shalt  }
0x78: {  	_ =	shalt  }
0x79: {  	_ =	shalt  }
0x7a: {  	_ =	shalt  }
0x7b: {  	_ =	shalt  }
0x7c: {  	_ =	shalt  }
0x7d: {  	_ =	shalt  }
0x7e: {  	_ =	shalt  }
0x7f: {  	_ =	shalt  }
0x80: {  	_ =	shalt  }
0x81: {  	_ =	shalt  }
0x82: {  	_ =	shalt  }
0x83: {  	_ =	shalt  }
0x84: {  	_ =	shalt  }
0x85: {  	_ =	shalt  }
0x86: {  	_ =	shalt  }
0x87: {  	_ =	shalt  }
.Lfunc_end0:
.L_simem_size_0:
called_computation.1_lowered:
.L_overlay_start_0:
0x88: {  	s2 =	sld [smem:$0x3FD9]  }
0x89: {  	s3 =	sld [smem:$0x3FFE];
	_ =	sdelay $0x1  }
0x8a: {  	s1 =	srdreg.scid  }
0x8b: {  	s0 =	sand.u32 $0x1, s1  }
0x8c: {  	s17 =	sshll.u32 s0, $0xA;
	s2 =	sadd.s32 s3, s2  }
0x8d: {  	s2 =	sadd.s32 s2, s17  }
0x8e: {  	[smem:$0x3FBD] =	sst s2  }
0x8f: {  	_ = 	snop  }
0x90: {  	s2 =	sld [smem:$0x3FD0];
	(tm) =	ssettm $0x1  }
0x91: {  	s18 =	sld [smem:$0x3FFB];
	_ =	sdelay $0x3  }
0x92: {  	_ =	strace s18  }
0x93: {  	s3 =	sld [smem:$0x3FFC];
	_ =	sdelay $0x3  }
0x94: {  	_ =	strace s3  }
0x95: {  	s3 =	sld [smem:$0x3FFD];
	_ =	sdelay $0x3  }
0x96: {  	_ =	strace s3  }
0x97: {  	_ =	strace $0x8FFFFFFF  }
0x98: {  	s19 =	sld [smem:$0x3FDB];
	_ =	sdelay $0x1  }
0x99: {  	s4 =	simm.s32 $_scs_section_size  }
0x9a: {  	s5 =	simm.s32 $_size__tile_overlayer_lowered;
	s6 =	simm.s32 $_tile_overlayer_lowered  }
0x9b: {  	s22 =	simm.s32 $0x1BFF;
	s21 =	sshll.u32 s6, $0x1;
	s3 =	sadd.s32 s4, s19  }
0x9c: {  	s7 =	simm.s32 $0x0;
	s20 =	sshll.u32 s5, $0x1;
	s5 =	sadd.s32 s21, s3  }
0x9d: {  	[timem:s7], [sflag:s22] =	dma.local [hbm:s5], s20  }
0x9e: {  	_ =	swait.ge [sflag:s22], s20  }
0x9f: {  	s4 =	ssub.s32 $0x0, s20;
	[sflag:s22] =	ssyncset.done $0x0  }
0xa0: {  	[sflag:s22] =	ssyncadd.s32 s4;
	_ =	sdelay $0x1  }
0xa1: {  	s23 =	simm.s32 $0x1B8B  }
0xa2: {  	_ =	swait.ge [sflag:s23], $0x1  }
0xa3: {  	[sflag:s23] =	ssyncset.done $0x0  }
0xa4: {  	s25 =	simm.s32 $0x1B8E;
	s24 =	sld [smem:$0x3FFE];
	[sflag:s23] =	ssyncadd.s32 $0xFFFFFFFF  }
0xa5: {  	s26 =	simm.s32 $execute0_lowered;
	[smem:$0x3FD2] =	sst s25  }
0xa6: {  	s5 =	sshll.u32 s26, $0x1;
	_ =	strace $0x80000049;
	[dreg:$0x1] =	wrdreg $0xFFFFFFFF  }
0xa7: {  	s28 =	simm.s32 $_size_execute0_lowered;
	s3 =	sadd.s32 s3, s5;
	[dreg:$0x0] =	wrdreg $0x0  }
0xa8: {  	s5 =	sshll.u32 s28, $0x1;
	[dreg:$0x2] =	wrdreg s3  }
0xa9: {  	[dreg:$0x3] =	wrdreg s5  }
0xaa: {  	[dreg:$0x4] =	wrdreg $0xC0  }
0xab: {  	_ =	task [dreg:s7], $0x5FFFF  }
0xac: {  	[dreg:$0x1] =	wrdreg $0xFFFFFFFF  }
0xad: {  	[dreg:$0x0] =	wrdreg $0x60  }
0xae: {  	[dreg:$0x2] =	wrdreg s24  }
0xaf: {  	[dreg:$0x3] =	wrdreg s2  }
0xb0: {  	[dreg:$0x4] =	wrdreg $0xC4000  }
0xb1: {  	[dreg:$0x5] =	wrdreg $0x9  }
0xb2: {  	_ =	task.clear_ibuf [dreg:s7], $0x6FFFF;
	_ =	strace $0x90000049  }
0xb3: {  	s29 =	simm.s32 $0x9;
	_ =	strace $0x8000004B  }
0xb4: {  	_ =	swait.ge [sflag:s29], $0x1  }
0xb5: {  	[sflag:s29] =	ssyncadd.s32 $0xFFFFFFFF  }
0xb6: {  	_ =	strace $0x9000004B  }
0xb7: {  	_ =	sfence  }
0xb8: {  	s30 =	sld [smem:$0x0];
	_ =	sdelay $0x2  }
0xb9: {  	s31 =	sshll.u32 s1, $0xD;
	s1 =	sshrl.u32 s1, $0x2  }
0xba: {  	s3 =	sand.u32 $0x4000, s31;
	s1 =	sadd.s32 s1, s30  }
0xbb: {  	s0 =	sor.u32 s3, s0;
	s1 =	sshll.u32 s1, $0x11  }
0xbc: {  	s0 =	sor.u32 s1, s0  }
0xbd: {  	s0 =	sadd.s32 $0x8F2B, s0  }
0xbe: {  	[sflag:s0] =	ssyncadd.remote.s32 $0x1  }
0xbf: {  	_ =	sfence.sel $0xFFFF  }
0xc0: {  	[dreg:$0x0] =	wrdreg $0xFFFFFFFF;
	(pc) =	sbr.abs _section_cstart, $3  }
0xc1: {  	[dreg:$0x1] =	wrdreg $0xFFFFFFFF  }
0xc2: {  	_ =	task.clear_ibuf [dreg:s7], $0x2FFFF;
	_ =	strace $0x9FFFFFFF  }
0xc3: {  	(tm) =	ssettm $0x7FFFFFFF  }
tec
execute0_lowered:
.L_overlay_start_1:
0x0: {  	(tag) =	ssettag $0x1  }
0x1: {  	s0 =	rddreg [dreg:$0x0]  }
0x2: {  	s1 =	rddreg [dreg:$0x1]  }
0x3: {  	s2 =	rddreg [dreg:$0x2];
	s3 =	simm.s32 $0x0  }
0x4: {  	s15 =	stileid.u32;
	s6 =	srdreg.scid;
	s19 =	simm.s32 $0x7  }
0x5: {  	s20 =	simm.s32 $0x1400;
	s28 =	simm.s32 $0x9000;
	s29 =	simm.s32 $0x2  }
0x6: {  	s30 =	simm.s32 $0x1480;
	s31 =	simm.s32 $0x4;
	[smem:$0x7FF] =	sst s3  }
0x7: {  	s5 =	smul.u32 $0x2780, s15;
	s4 =	sadd.s32 $0xF600, s0;
	s7 =	sadd.s32 $0x2600, s0  }
0x8: {  	s6 =	sand.u32 $0x1, s6;
	s9 =	smul.u32 $0x4F000, s15;
	s10 =	sadd.s32 $0x455400, s0  }
0x9: {  	s13 =	smul.u32 $0x13C00, s15;
	p0 =	seq.s32 s15, $0xF;
	_ =	strace $0x8000004A  }
0xa: {  	s8 =	sshll.u32 s6, $0x4;
	s11 =	ssub.s32 $0x2, s6;
	s6 =	smul.u32 $0x138C00, s6  }
0xb: {  	s5 =	sadd.s32 s5, s0;
	s8 =	sor.u32 s15, s8;
	s12 =	sshrl.u32 s11, $0x1  }
0xc: {  	s9 =	sshrl.u32 s9, $0x2;
	s0 =	sadd.s32 $0x453280, s0;
	s8 =	smul.u32 $0x3400, s8  }
0xd: {  	s11 =	ssub.s32 s11, s12;
	s9 =	sadd.s32 s9, s2;
	s5 =	sadd.s32 $0x42E200, s5  }
0xe: {  	[dreg:$0x5] =	wrdreg s0;
	s25 =	sadd.s32 s13, s6;
	s26 =	sshrl.u32 s6, $0x3  }
0xf: {  	s6 =	simm.s32 $0x6;
	[dreg:$0x4] =	wrdreg s5;
	s5 =	sadd.s32 $0x128400, s2  }
0x10: {  	s18 =	sshrl.u32 @!p0 s9, $0x3;
	s9 =	simm.s32 $0x0;
	s21 =	sshrl.u32 s8, $0x3  }
0x11: {  	s16 =	sshrl.u32 @p0 s5, $0x3;
	s5 =	simm.s32 $0x5;
	s8 =	sadd.s32 s1, s21  }
0x12: {  	s22 =	sadd.s32 s7, s21;
	s23 =	sadd.s32 $0x280, s21;
	[dreg:$0x6] =	wrdreg s8  }
0x13: {  	s0 =	sadd.s32 $0x500, s21;
	[dreg:$0x7] =	wrdreg s22;
	s24 =	sadd.s32 s1, s23  }
0x14: {  	s21 =	simm.s32 $0x68;
	s8 =	sadd.s32 s7, s23;
	[dreg:$0x8] =	wrdreg s24  }
0x15: {  	s1 =	sadd.s32 s1, s0;
	s0 =	sadd.s32 s7, s0;
	[dreg:$0x9] =	wrdreg s8  }
0x16: {  	s22 =	simm.s32 $0x2800;
	s23 =	simm.s32 $0x80;
	[dreg:$0xa] =	wrdreg s1  }
0x17: {  	s7 =	simm.s32 $0x2700;
	[dreg:$0xb] =	wrdreg s0;
	s0 =	sshrl.u32 s25, $0x3  }
0x18: {  	s1 =	sadd.s32 s10, s26;
	s24 =	simm.s32 $0x5C00;
	s25 =	simm.s32 $0x1  }
0x19: {  	s26 =	simm.s32 $0x100;
	s8 =	simm.s32 $0x2780;
	s13 =	sadd.s32 s10, s0  }
0x1a: {  	s14 =	sadd.s32 $0x25080, s1;
	s0 =	sshll.u32 @!p0 s15, $0x6;
	s15 =	smax.u32 s11, $0x1  }
0x1b: {  	s1 =	simm.s32 $0x3;
	s17 =	sor.u32 @!p0 $0x1C07, s0;
	s0 =	simm.s32 $0x180  }
.LBB2_1:
0x1c: {  	s10 =	simm.s32 @p0 $0x1FC7;
	s11 =	rddreg [dreg:$0x5]  }
0x1d: {  	[spmem:s16], [sflag:s10] =	dma.local @p0 [hbm:s11], $0x2100  }
0x1e: {  	s10 =	simm.s32 @p0 $0x7  }
0x1f: {  	_ =	swait.ge @p0 [sflag:s10], $0x2100  }
0x20: {  	[sflag:s10] =	ssyncset.done @p0 $0x0  }
0x21: {  	[sflag:s10] =	ssyncadd.s32 @p0 $0xFFFFDF00;
	s10 =	rddreg [dreg:$0x4]  }
0x22: {  	[spmem:s18], [sflag:s17] =	dma.local @!p0 [hbm:s10], $0x2780  }
0x23: {  	s10 =	simm.s32 @!p0 $0x7  }
0x24: {  	_ =	swait.ge @!p0 [sflag:s10], $0x2780  }
0x25: {  	[sflag:s10] =	ssyncset.done @!p0 $0x0  }
0x26: {  	[sflag:s10] =	ssyncadd.s32 @!p0 $0xFFFFD880  }
0x27: {  	[bflag:$0x0] =	sbarrier.arrive $0xFFFF  }
0x28: {  	s12 =	rddreg [dreg:$0x6]  }
0x29: {  	[tilespmem:s3], [sflag:$0x7] =	stream.linear.gather [hbm4b:s12+s3], $0x1400, $0x38;
	[tilespmem:$0x1FCC0] =	vst v63  }
0x2a: {  	_ =	swait.ge [sflag:s19], $0x1400  }
0x2b: {  	[sflag:s19] =	ssyncset.done $0x0  }
0x2c: {  	s11 =	rddreg [dreg:$0x7];
	[sflag:s19] =	ssyncadd.s32 $0xFFFFEC00  }
0x2d: {  	[tilespmem:s20], [sflag:$0x7] =	stream.linear.gather [hbm4b:s11+s3], $0x1400, $0x38;
	[tilespmem:$0x1FCC0] =	vst v63  }
0x2e: {  	_ =	swait.ge [sflag:s19], $0x1400  }
0x2f: {  	[sflag:s19] =	ssyncset.done $0x0  }
0x30: {  	[sflag:s19] =	ssyncadd.s32 $0xFFFFEC00  }
0x31: {  	[tilespmem:s22], [sflag:$0x1] =	stream.indirect.gather [hbm4b:s4+s21], $0x80, s3, s21, $0xb8;
	[tilespmem:$0x1FCC0] =	vst v63  }
0x32: {  	_ = 	snop  }
0x33: {  	[tilespmem:s24], [sflag:$0x2] =	stream.indirect.gather [hbm4b:s4+s21], $0x80, s23, s21, $0xb8;
	[tilespmem:$0x1FCC0] =	vst v63  }
0x34: {  	_ =	swait.ge [sflag:s25], $0x3400  }
0x35: {  	[sflag:s25] =	ssyncset.done $0x0  }
0x36: {  	[sflag:s25] =	ssyncadd.s32 $0xFFFFCC00  }
0x37: {  	[spmem:s2] =	stream.indirect.scatter.add.f32 [tilespmem:s22], [sflag:$0x4], $0x80, s20, s21, $0xb8;
	[tilespmem:$0x1FCC0] =	vst v63  }
0x38: {  	_ = 	snop  }
0x39: {  	[tilespmem:s28], [sflag:$0x3] =	stream.indirect.gather [hbm4b:s4+s21], $0x80, s26, s21, $0xb8;
	[tilespmem:$0x1FCC0] =	vst v63  }
0x3a: {  	_ =	swait.ge [sflag:s29], $0x3400  }
0x3b: {  	[sflag:s29] =	ssyncset.done $0x0  }
0x3c: {  	[sflag:s29] =	ssyncadd.s32 $0xFFFFCC00  }
0x3d: {  	[spmem:s2] =	stream.indirect.scatter.add.f32 [tilespmem:s24], [sflag:$0x5], $0x80, s30, s21, $0xb8;
	[tilespmem:$0x1FCC0] =	vst v63  }
0x3e: {  	_ =	swait.ge [sflag:s31], $0x3400  }
0x3f: {  	[sflag:s31] =	ssyncset.done $0x0  }
0x40: {  	[sflag:s31] =	ssyncadd.s32 $0xFFFFCC00  }
0x41: {  	[tilespmem:s22], [sflag:$0x1] =	stream.indirect.gather [hbm4b:s4+s21], $0x80, s0, s21, $0xb8;
	[tilespmem:$0x1FCC0] =	vst v63  }
0x42: {  	_ =	swait.ge [sflag:s1], $0x3400  }
0x43: {  	[sflag:s1] =	ssyncset.done $0x0  }
0x44: {  	s12 =	simm.s32 $0x1500;
	[sflag:s1] =	ssyncadd.s32 $0xFFFFCC00  }
0x45: {  	[spmem:s2] =	stream.indirect.scatter.add.f32 [tilespmem:s28], [sflag:$0x6], $0x80, s12, s21, $0xb8;
	[tilespmem:$0x1FCC0] =	vst v63  }
0x46: {  	_ =	swait.ge [sflag:s5], $0x3400  }
0x47: {  	[sflag:s5] =	ssyncset.done $0x0  }
0x48: {  	s11 =	simm.s32 $0x200;
	[sflag:s5] =	ssyncadd.s32 $0xFFFFCC00  }
0x49: {  	[tilespmem:s24], [sflag:$0x2] =	stream.indirect.gather [hbm4b:s4+s21], $0x80, s11, s21, $0xb8;
	[tilespmem:$0x1FCC0] =	vst v63  }
0x4a: {  	_ =	swait.ge [sflag:s25], $0x3400  }
0x4b: {  	[sflag:s25] =	ssyncset.done $0x0  }
0x4c: {  	s12 =	simm.s32 $0x1580;
	[sflag:s25] =	ssyncadd.s32 $0xFFFFCC00  }
0x4d: {  	[spmem:s2] =	stream.indirect.scatter.add.f32 [tilespmem:s22], [sflag:$0x4], $0x80, s12, s21, $0xb8;
	[tilespmem:$0x1FCC0] =	vst v63  }
0x4e: {  	_ =	swait.ge [sflag:s6], $0x3400  }
0x4f: {  	[sflag:s6] =	ssyncset.done $0x0  }
0x50: {  	s11 =	simm.s32 $0x280;
	[sflag:s6] =	ssyncadd.s32 $0xFFFFCC00  }
0x51: {  	[tilespmem:s28], [sflag:$0x3] =	stream.indirect.gather [hbm4b:s4+s21], $0x80, s11, s21, $0xb8;
	[tilespmem:$0x1FCC0] =	vst v63  }
0x52: {  	_ =	swait.ge [sflag:s29], $0x3400  }
0x53: {  	[sflag:s29] =	ssyncset.done $0x0  }
0x54: {  	s12 =	simm.s32 $0x1600;
	[sflag:s29] =	ssyncadd.s32 $0xFFFFCC00  }
0x55: {  	[spmem:s2] =	stream.indirect.scatter.add.f32 [tilespmem:s24], [sflag:$0x5], $0x80, s12, s21, $0xb8;
	[tilespmem:$0x1FCC0] =	vst v63  }
0x56: {  	_ =	swait.ge [sflag:s31], $0x3400  }
0x57: {  	[sflag:s31] =	ssyncset.done $0x0  }
0x58: {  	s10 =	simm.s32 $0x600;
	s11 =	simm.s32 $0x300;
	[sflag:s31] =	ssyncadd.s32 $0xFFFFCC00  }
.LBB2_2:
0x59: {  	[tilespmem:s22], [sflag:$0x1] =	stream.indirect.gather [hbm4b:s4+s21], $0x80, s11, s21, $0xb8;
	[tilespmem:$0x1FCC0] =	vst v63  }
0x5a: {  	s11 =	smov.u32 s10  }
0x5b: {  	p1 =	sne.s32 s10, $0x4200;
	s10 =	sadd.s32 $0x600, s10;
	_ =	swait.ge [sflag:s1], $0x3400  }
0x5c: {  	s11 =	sshra.s32 s11, $0x2;
	[sflag:s1] =	ssyncset.done $0x0  }
0x5d: {  	s12 =	sadd.s32 $0x1500, s11;
	[sflag:s1] =	ssyncadd.s32 $0xFFFFCC00  }
0x5e: {  	[spmem:s2] =	stream.indirect.scatter.add.f32 [tilespmem:s28], [sflag:$0x6], $0x80, s12, s21, $0xb8;
	[tilespmem:$0x1FCC0] =	vst v63  }
0x5f: {  	_ =	swait.ge [sflag:s5], $0x3400  }
0x60: {  	[sflag:s5] =	ssyncset.done $0x0  }
0x61: {  	s12 =	sadd.s32 $0x200, s11;
	[sflag:s5] =	ssyncadd.s32 $0xFFFFCC00  }
0x62: {  	[tilespmem:s24], [sflag:$0x2] =	stream.indirect.gather [hbm4b:s4+s21], $0x80, s12, s21, $0xb8;
	[tilespmem:$0x1FCC0] =	vst v63  }
0x63: {  	_ =	swait.ge [sflag:s25], $0x3400  }
0x64: {  	[sflag:s25] =	ssyncset.done $0x0  }
0x65: {  	s12 =	sadd.s32 $0x1580, s11;
	[sflag:s25] =	ssyncadd.s32 $0xFFFFCC00  }
0x66: {  	[spmem:s2] =	stream.indirect.scatter.add.f32 [tilespmem:s22], [sflag:$0x4], $0x80, s12, s21, $0xb8;
	[tilespmem:$0x1FCC0] =	vst v63  }
0x67: {  	_ =	swait.ge [sflag:s6], $0x3400  }
0x68: {  	[sflag:s6] =	ssyncset.done $0x0  }
0x69: {  	s12 =	sadd.s32 $0x280, s11;
	[sflag:s6] =	ssyncadd.s32 $0xFFFFCC00  }
0x6a: {  	[tilespmem:s28], [sflag:$0x3] =	stream.indirect.gather [hbm4b:s4+s21], $0x80, s12, s21, $0xb8;
	[tilespmem:$0x1FCC0] =	vst v63  }
0x6b: {  	_ =	swait.ge [sflag:s29], $0x3400  }
0x6c: {  	[sflag:s29] =	ssyncset.done $0x0  }
.Ltmp0:
0x6d: {  	s12 =	sadd.s32 $0x1600, s11;
	[sflag:s29] =	ssyncadd.s32 $0xFFFFCC00;
	(pc) =	sbr.rel @p1 .LBB2_2-.Ltmp0, $4  }
0x6e: {  	[spmem:s2] =	stream.indirect.scatter.add.f32 [tilespmem:s24], [sflag:$0x5], $0x80, s12, s21, $0xb8;
	[tilespmem:$0x1FCC0] =	vst v63  }
0x6f: {  	_ =	swait.ge [sflag:s31], $0x3400  }
0x70: {  	[sflag:s31] =	ssyncset.done $0x0  }
0x71: {  	s11 =	sadd.s32 $0x300, s11;
	[sflag:s31] =	ssyncadd.s32 $0xFFFFCC00  }
0x72: {  	[tilespmem:s22], [sflag:$0x1] =	stream.indirect.gather [hbm4b:s4+s21], $0x80, s11, s21, $0xb8;
	[tilespmem:$0x1FCC0] =	vst v63  }
0x73: {  	_ =	swait.ge [sflag:s1], $0x3400  }
0x74: {  	[sflag:s1] =	ssyncset.done $0x0  }
0x75: {  	[sflag:s1] =	ssyncadd.s32 $0xFFFFCC00  }
0x76: {  	[spmem:s2] =	stream.indirect.scatter.add.f32 [tilespmem:s28], [sflag:$0x6], $0x80, s7, s21, $0xb8;
	[tilespmem:$0x1FCC0] =	vst v63  }
0x77: {  	_ =	swait.ge [sflag:s5], $0x3400  }
0x78: {  	[sflag:s5] =	ssyncset.done $0x0  }
0x79: {  	[sflag:s5] =	ssyncadd.s32 $0xFFFFCC00  }
0x7a: {  	_ =	swait.ge [sflag:s25], $0x3400  }
0x7b: {  	[sflag:s25] =	ssyncset.done $0x0  }
0x7c: {  	[sflag:s25] =	ssyncadd.s32 $0xFFFFCC00  }
0x7d: {  	[spmem:s2] =	stream.indirect.scatter.add.f32 [tilespmem:s22], [sflag:$0x4], $0x80, s8, s21, $0xb8;
	[tilespmem:$0x1FCC0] =	vst v63  }
0x7e: {  	_ =	swait.ge [sflag:s6], $0x3400  }
0x7f: {  	[sflag:s6] =	ssyncset.done $0x0  }
0x80: {  	[sflag:s6] =	ssyncadd.s32 $0xFFFFCC00  }
0x81: {  	_ =	swait.ge [sflag:s31], $0x3400  }
0x82: {  	[sflag:s31] =	ssyncset.done $0x0  }
0x83: {  	s10 =	simm.s32 $0x0;
	s12 =	rddreg [dreg:$0x8];
	[sflag:s31] =	ssyncadd.s32 $0xFFFFCC00  }
0x84: {  	[tilespmem:s10], [sflag:$0x7] =	stream.linear.gather [hbm4b:s12+s10], $0x1400, $0x38;
	[tilespmem:$0x1FCC0] =	vst v63  }
0x85: {  	_ =	swait.ge [sflag:s19], $0x1400  }
0x86: {  	[sflag:s19] =	ssyncset.done $0x0  }
0x87: {  	s12 =	rddreg [dreg:$0x9];
	[sflag:s19] =	ssyncadd.s32 $0xFFFFEC00  }
0x88: {  	[tilespmem:s20], [sflag:$0x7] =	stream.linear.gather [hbm4b:s12+s10], $0x1400, $0x38;
	[tilespmem:$0x1FCC0] =	vst v63  }
0x89: {  	_ =	swait.ge [sflag:s19], $0x1400  }
0x8a: {  	[sflag:s19] =	ssyncset.done $0x0  }
0x8b: {  	[sflag:s19] =	ssyncadd.s32 $0xFFFFEC00  }
0x8c: {  	[tilespmem:s22], [sflag:$0x1] =	stream.indirect.gather [hbm4b:s4+s21], $0x80, s10, s21, $0xb8;
	[tilespmem:$0x1FCC0] =	vst v63  }
0x8d: {  	_ = 	snop  }
0x8e: {  	[tilespmem:s24], [sflag:$0x2] =	stream.indirect.gather [hbm4b:s4+s21], $0x80, s23, s21, $0xb8;
	[tilespmem:$0x1FCC0] =	vst v63  }
0x8f: {  	_ =	swait.ge [sflag:s25], $0x3400  }
0x90: {  	[sflag:s25] =	ssyncset.done $0x0  }
0x91: {  	[sflag:s25] =	ssyncadd.s32 $0xFFFFCC00  }
0x92: {  	[spmem:s2] =	stream.indirect.scatter.add.f32 [tilespmem:s22], [sflag:$0x4], $0x80, s20, s21, $0xb8;
	[tilespmem:$0x1FCC0] =	vst v63  }
0x93: {  	_ = 	snop  }
0x94: {  	[tilespmem:s28], [sflag:$0x3] =	stream.indirect.gather [hbm4b:s4+s21], $0x80, s26, s21, $0xb8;
	[tilespmem:$0x1FCC0] =	vst v63  }
0x95: {  	_ =	swait.ge [sflag:s29], $0x3400  }
0x96: {  	[sflag:s29] =	ssyncset.done $0x0  }
0x97: {  	[sflag:s29] =	ssyncadd.s32 $0xFFFFCC00  }
0x98: {  	[spmem:s2] =	stream.indirect.scatter.add.f32 [tilespmem:s24], [sflag:$0x5], $0x80, s30, s21, $0xb8;
	[tilespmem:$0x1FCC0] =	vst v63  }
0x99: {  	_ =	swait.ge [sflag:s31], $0x3400  }
0x9a: {  	[sflag:s31] =	ssyncset.done $0x0  }
0x9b: {  	[sflag:s31] =	ssyncadd.s32 $0xFFFFCC00  }
0x9c: {  	[tilespmem:s22], [sflag:$0x1] =	stream.indirect.gather [hbm4b:s4+s21], $0x80, s0, s21, $0xb8;
	[tilespmem:$0x1FCC0] =	vst v63  }
0x9d: {  	_ =	swait.ge [sflag:s1], $0x3400  }
0x9e: {  	[sflag:s1] =	ssyncset.done $0x0  }
0x9f: {  	s12 =	simm.s32 $0x1500;
	[sflag:s1] =	ssyncadd.s32 $0xFFFFCC00  }
0xa0: {  	[spmem:s2] =	stream.indirect.scatter.add.f32 [tilespmem:s28], [sflag:$0x6], $0x80, s12, s21, $0xb8;
	[tilespmem:$0x1FCC0] =	vst v63  }
0xa1: {  	_ =	swait.ge [sflag:s5], $0x3400  }
0xa2: {  	[sflag:s5] =	ssyncset.done $0x0  }
0xa3: {  	s11 =	simm.s32 $0x200;
	[sflag:s5] =	ssyncadd.s32 $0xFFFFCC00  }
0xa4: {  	[tilespmem:s24], [sflag:$0x2] =	stream.indirect.gather [hbm4b:s4+s21], $0x80, s11, s21, $0xb8;
	[tilespmem:$0x1FCC0] =	vst v63  }
0xa5: {  	_ =	swait.ge [sflag:s25], $0x3400  }
0xa6: {  	[sflag:s25] =	ssyncset.done $0x0  }
0xa7: {  	s12 =	simm.s32 $0x1580;
	[sflag:s25] =	ssyncadd.s32 $0xFFFFCC00  }
0xa8: {  	[spmem:s2] =	stream.indirect.scatter.add.f32 [tilespmem:s22], [sflag:$0x4], $0x80, s12, s21, $0xb8;
	[tilespmem:$0x1FCC0] =	vst v63  }
0xa9: {  	_ =	swait.ge [sflag:s6], $0x3400  }
0xaa: {  	[sflag:s6] =	ssyncset.done $0x0  }
0xab: {  	s11 =	simm.s32 $0x280;
	[sflag:s6] =	ssyncadd.s32 $0xFFFFCC00  }
0xac: {  	[tilespmem:s28], [sflag:$0x3] =	stream.indirect.gather [hbm4b:s4+s21], $0x80, s11, s21, $0xb8;
	[tilespmem:$0x1FCC0] =	vst v63  }
0xad: {  	_ =	swait.ge [sflag:s29], $0x3400  }
0xae: {  	[sflag:s29] =	ssyncset.done $0x0  }
0xaf: {  	s12 =	simm.s32 $0x1600;
	[sflag:s29] =	ssyncadd.s32 $0xFFFFCC00  }
0xb0: {  	[spmem:s2] =	stream.indirect.scatter.add.f32 [tilespmem:s24], [sflag:$0x5], $0x80, s12, s21, $0xb8;
	[tilespmem:$0x1FCC0] =	vst v63  }
0xb1: {  	_ =	swait.ge [sflag:s31], $0x3400  }
0xb2: {  	[sflag:s31] =	ssyncset.done $0x0  }
0xb3: {  	s10 =	simm.s32 $0x600;
	s11 =	simm.s32 $0x300;
	[sflag:s31] =	ssyncadd.s32 $0xFFFFCC00  }
.LBB2_4:
0xb4: {  	[tilespmem:s22], [sflag:$0x1] =	stream.indirect.gather [hbm4b:s4+s21], $0x80, s11, s21, $0xb8;
	[tilespmem:$0x1FCC0] =	vst v63  }
0xb5: {  	s11 =	smov.u32 s10  }
0xb6: {  	p1 =	sne.s32 s10, $0x4200;
	s10 =	sadd.s32 $0x600, s10;
	_ =	swait.ge [sflag:s1], $0x3400  }
0xb7: {  	s11 =	sshra.s32 s11, $0x2;
	[sflag:s1] =	ssyncset.done $0x0  }
0xb8: {  	s12 =	sadd.s32 $0x1500, s11;
	[sflag:s1] =	ssyncadd.s32 $0xFFFFCC00  }
0xb9: {  	[spmem:s2] =	stream.indirect.scatter.add.f32 [tilespmem:s28], [sflag:$0x6], $0x80, s12, s21, $0xb8;
	[tilespmem:$0x1FCC0] =	vst v63  }
0xba: {  	_ =	swait.ge [sflag:s5], $0x3400  }
0xbb: {  	[sflag:s5] =	ssyncset.done $0x0  }
0xbc: {  	s12 =	sadd.s32 $0x200, s11;
	[sflag:s5] =	ssyncadd.s32 $0xFFFFCC00  }
0xbd: {  	[tilespmem:s24], [sflag:$0x2] =	stream.indirect.gather [hbm4b:s4+s21], $0x80, s12, s21, $0xb8;
	[tilespmem:$0x1FCC0] =	vst v63  }
0xbe: {  	_ =	swait.ge [sflag:s25], $0x3400  }
0xbf: {  	[sflag:s25] =	ssyncset.done $0x0  }
0xc0: {  	s12 =	sadd.s32 $0x1580, s11;
	[sflag:s25] =	ssyncadd.s32 $0xFFFFCC00  }
0xc1: {  	[spmem:s2] =	stream.indirect.scatter.add.f32 [tilespmem:s22], [sflag:$0x4], $0x80, s12, s21, $0xb8;
	[tilespmem:$0x1FCC0] =	vst v63  }
0xc2: {  	_ =	swait.ge [sflag:s6], $0x3400  }
0xc3: {  	[sflag:s6] =	ssyncset.done $0x0  }
0xc4: {  	s12 =	sadd.s32 $0x280, s11;
	[sflag:s6] =	ssyncadd.s32 $0xFFFFCC00  }
0xc5: {  	[tilespmem:s28], [sflag:$0x3] =	stream.indirect.gather [hbm4b:s4+s21], $0x80, s12, s21, $0xb8;
	[tilespmem:$0x1FCC0] =	vst v63  }
0xc6: {  	_ =	swait.ge [sflag:s29], $0x3400  }
0xc7: {  	[sflag:s29] =	ssyncset.done $0x0  }
.Ltmp1:
0xc8: {  	s12 =	sadd.s32 $0x1600, s11;
	[sflag:s29] =	ssyncadd.s32 $0xFFFFCC00;
	(pc) =	sbr.rel @p1 .LBB2_4-.Ltmp1, $4  }
0xc9: {  	[spmem:s2] =	stream.indirect.scatter.add.f32 [tilespmem:s24], [sflag:$0x5], $0x80, s12, s21, $0xb8;
	[tilespmem:$0x1FCC0] =	vst v63  }
0xca: {  	_ =	swait.ge [sflag:s31], $0x3400  }
0xcb: {  	[sflag:s31] =	ssyncset.done $0x0  }
0xcc: {  	s11 =	sadd.s32 $0x300, s11;
	[sflag:s31] =	ssyncadd.s32 $0xFFFFCC00  }
0xcd: {  	[tilespmem:s22], [sflag:$0x1] =	stream.indirect.gather [hbm4b:s4+s21], $0x80, s11, s21, $0xb8;
	[tilespmem:$0x1FCC0] =	vst v63  }
0xce: {  	_ =	swait.ge [sflag:s1], $0x3400  }
0xcf: {  	[sflag:s1] =	ssyncset.done $0x0  }
0xd0: {  	[sflag:s1] =	ssyncadd.s32 $0xFFFFCC00  }
0xd1: {  	[spmem:s2] =	stream.indirect.scatter.add.f32 [tilespmem:s28], [sflag:$0x6], $0x80, s7, s21, $0xb8;
	[tilespmem:$0x1FCC0] =	vst v63  }
0xd2: {  	_ =	swait.ge [sflag:s5], $0x3400  }
0xd3: {  	[sflag:s5] =	ssyncset.done $0x0  }
0xd4: {  	[sflag:s5] =	ssyncadd.s32 $0xFFFFCC00  }
0xd5: {  	_ =	swait.ge [sflag:s25], $0x3400  }
0xd6: {  	[sflag:s25] =	ssyncset.done $0x0  }
0xd7: {  	[sflag:s25] =	ssyncadd.s32 $0xFFFFCC00  }
0xd8: {  	[spmem:s2] =	stream.indirect.scatter.add.f32 [tilespmem:s22], [sflag:$0x4], $0x80, s8, s21, $0xb8;
	[tilespmem:$0x1FCC0] =	vst v63  }
0xd9: {  	_ =	swait.ge [sflag:s6], $0x3400  }
0xda: {  	[sflag:s6] =	ssyncset.done $0x0  }
0xdb: {  	[sflag:s6] =	ssyncadd.s32 $0xFFFFCC00  }
0xdc: {  	_ =	swait.ge [sflag:s31], $0x3400  }
0xdd: {  	[sflag:s31] =	ssyncset.done $0x0  }
0xde: {  	s10 =	rddreg [dreg:$0xa];
	[sflag:s31] =	ssyncadd.s32 $0xFFFFCC00  }
0xdf: {  	[tilespmem:s3], [sflag:$0x7] =	stream.linear.gather [hbm4b:s10+s3], $0xC00, $0x38;
	[tilespmem:$0x1FCC0] =	vst v63  }
0xe0: {  	_ =	swait.ge [sflag:s19], $0xC00  }
0xe1: {  	[sflag:s19] =	ssyncset.done $0x0  }
0xe2: {  	s12 =	rddreg [dreg:$0xb];
	[sflag:s19] =	ssyncadd.s32 $0xFFFFF400  }
0xe3: {  	[tilespmem:s20], [sflag:$0x7] =	stream.linear.gather [hbm4b:s12+s3], $0xC00, $0x38;
	[tilespmem:$0x1FCC0] =	vst v63  }
0xe4: {  	_ =	swait.ge [sflag:s19], $0xC00  }
0xe5: {  	[sflag:s19] =	ssyncset.done $0x0  }
0xe6: {  	[sflag:s19] =	ssyncadd.s32 $0xFFFFF400  }
0xe7: {  	[tilespmem:s22], [sflag:$0x1] =	stream.indirect.gather [hbm4b:s4+s21], $0x80, s3, s21, $0xb8;
	[tilespmem:$0x1FCC0] =	vst v63  }
0xe8: {  	_ = 	snop  }
0xe9: {  	[tilespmem:s24], [sflag:$0x2] =	stream.indirect.gather [hbm4b:s4+s21], $0x80, s23, s21, $0xb8;
	[tilespmem:$0x1FCC0] =	vst v63  }
0xea: {  	_ =	swait.ge [sflag:s25], $0x3400  }
0xeb: {  	[sflag:s25] =	ssyncset.done $0x0  }
0xec: {  	[sflag:s25] =	ssyncadd.s32 $0xFFFFCC00  }
0xed: {  	[spmem:s2] =	stream.indirect.scatter.add.f32 [tilespmem:s22], [sflag:$0x4], $0x80, s20, s21, $0xb8;
	[tilespmem:$0x1FCC0] =	vst v63  }
0xee: {  	_ = 	snop  }
0xef: {  	[tilespmem:s28], [sflag:$0x3] =	stream.indirect.gather [hbm4b:s4+s21], $0x80, s26, s21, $0xb8;
	[tilespmem:$0x1FCC0] =	vst v63  }
0xf0: {  	_ =	swait.ge [sflag:s29], $0x3400  }
0xf1: {  	[sflag:s29] =	ssyncset.done $0x0  }
0xf2: {  	[sflag:s29] =	ssyncadd.s32 $0xFFFFCC00  }
0xf3: {  	[spmem:s2] =	stream.indirect.scatter.add.f32 [tilespmem:s24], [sflag:$0x5], $0x80, s30, s21, $0xb8;
	[tilespmem:$0x1FCC0] =	vst v63  }
0xf4: {  	_ =	swait.ge [sflag:s31], $0x3400  }
0xf5: {  	[sflag:s31] =	ssyncset.done $0x0  }
0xf6: {  	[sflag:s31] =	ssyncadd.s32 $0xFFFFCC00  }
0xf7: {  	[tilespmem:s22], [sflag:$0x1] =	stream.indirect.gather [hbm4b:s4+s21], $0x80, s0, s21, $0xb8;
	[tilespmem:$0x1FCC0] =	vst v63  }
0xf8: {  	_ =	swait.ge [sflag:s1], $0x3400  }
0xf9: {  	[sflag:s1] =	ssyncset.done $0x0  }
0xfa: {  	s11 =	simm.s32 $0x1500;
	[sflag:s1] =	ssyncadd.s32 $0xFFFFCC00  }
0xfb: {  	[spmem:s2] =	stream.indirect.scatter.add.f32 [tilespmem:s28], [sflag:$0x6], $0x80, s11, s21, $0xb8;
	[tilespmem:$0x1FCC0] =	vst v63  }
0xfc: {  	_ =	swait.ge [sflag:s5], $0x3400  }
0xfd: {  	[sflag:s5] =	ssyncset.done $0x0  }
0xfe: {  	s12 =	simm.s32 $0x200;
	[sflag:s5] =	ssyncadd.s32 $0xFFFFCC00  }
0xff: {  	[tilespmem:s24], [sflag:$0x2] =	stream.indirect.gather [hbm4b:s4+s21], $0x80, s12, s21, $0xb8;
	[tilespmem:$0x1FCC0] =	vst v63  }
0x100: {  	_ =	swait.ge [sflag:s25], $0x3400  }
0x101: {  	[sflag:s25] =	ssyncset.done $0x0  }
0x102: {  	s11 =	simm.s32 $0x1580;
	[sflag:s25] =	ssyncadd.s32 $0xFFFFCC00  }
0x103: {  	[spmem:s2] =	stream.indirect.scatter.add.f32 [tilespmem:s22], [sflag:$0x4], $0x80, s11, s21, $0xb8;
	[tilespmem:$0x1FCC0] =	vst v63  }
0x104: {  	_ =	swait.ge [sflag:s6], $0x3400  }
0x105: {  	[sflag:s6] =	ssyncset.done $0x0  }
0x106: {  	s12 =	simm.s32 $0x280;
	[sflag:s6] =	ssyncadd.s32 $0xFFFFCC00  }
0x107: {  	[tilespmem:s28], [sflag:$0x3] =	stream.indirect.gather [hbm4b:s4+s21], $0x80, s12, s21, $0xb8;
	[tilespmem:$0x1FCC0] =	vst v63  }
0x108: {  	_ =	swait.ge [sflag:s29], $0x3400  }
0x109: {  	[sflag:s29] =	ssyncset.done $0x0  }
0x10a: {  	s11 =	simm.s32 $0x1600;
	[sflag:s29] =	ssyncadd.s32 $0xFFFFCC00  }
0x10b: {  	[spmem:s2] =	stream.indirect.scatter.add.f32 [tilespmem:s24], [sflag:$0x5], $0x80, s11, s21, $0xb8;
	[tilespmem:$0x1FCC0] =	vst v63  }
0x10c: {  	_ =	swait.ge [sflag:s31], $0x3400  }
0x10d: {  	[sflag:s31] =	ssyncset.done $0x0  }
0x10e: {  	s12 =	simm.s32 $0x300;
	[sflag:s31] =	ssyncadd.s32 $0xFFFFCC00  }
0x10f: {  	[tilespmem:s22], [sflag:$0x1] =	stream.indirect.gather [hbm4b:s4+s21], $0x80, s12, s21, $0xb8;
	[tilespmem:$0x1FCC0] =	vst v63  }
0x110: {  	_ =	swait.ge [sflag:s1], $0x3400  }
0x111: {  	[sflag:s1] =	ssyncset.done $0x0  }
0x112: {  	s11 =	simm.s32 $0x1680;
	[sflag:s1] =	ssyncadd.s32 $0xFFFFCC00  }
0x113: {  	[spmem:s2] =	stream.indirect.scatter.add.f32 [tilespmem:s28], [sflag:$0x6], $0x80, s11, s21, $0xb8;
	[tilespmem:$0x1FCC0] =	vst v63  }
0x114: {  	_ =	swait.ge [sflag:s5], $0x3400  }
0x115: {  	[sflag:s5] =	ssyncset.done $0x0  }
0x116: {  	s12 =	simm.s32 $0x380;
	[sflag:s5] =	ssyncadd.s32 $0xFFFFCC00  }
0x117: {  	[tilespmem:s24], [sflag:$0x2] =	stream.indirect.gather [hbm4b:s4+s21], $0x80, s12, s21, $0xb8;
	[tilespmem:$0x1FCC0] =	vst v63  }
0x118: {  	_ =	swait.ge [sflag:s25], $0x3400  }
0x119: {  	[sflag:s25] =	ssyncset.done $0x0  }
0x11a: {  	s11 =	simm.s32 $0x1700;
	[sflag:s25] =	ssyncadd.s32 $0xFFFFCC00  }
0x11b: {  	[spmem:s2] =	stream.indirect.scatter.add.f32 [tilespmem:s22], [sflag:$0x4], $0x80, s11, s21, $0xb8;
	[tilespmem:$0x1FCC0] =	vst v63  }
0x11c: {  	_ =	swait.ge [sflag:s6], $0x3400  }
0x11d: {  	[sflag:s6] =	ssyncset.done $0x0  }
0x11e: {  	s12 =	simm.s32 $0x400;
	[sflag:s6] =	ssyncadd.s32 $0xFFFFCC00  }
0x11f: {  	[tilespmem:s28], [sflag:$0x3] =	stream.indirect.gather [hbm4b:s4+s21], $0x80, s12, s21, $0xb8;
	[tilespmem:$0x1FCC0] =	vst v63  }
0x120: {  	_ =	swait.ge [sflag:s29], $0x3400  }
0x121: {  	[sflag:s29] =	ssyncset.done $0x0  }
0x122: {  	s11 =	simm.s32 $0x1780;
	[sflag:s29] =	ssyncadd.s32 $0xFFFFCC00  }
0x123: {  	[spmem:s2] =	stream.indirect.scatter.add.f32 [tilespmem:s24], [sflag:$0x5], $0x80, s11, s21, $0xb8;
	[tilespmem:$0x1FCC0] =	vst v63  }
0x124: {  	_ =	swait.ge [sflag:s31], $0x3400  }
0x125: {  	[sflag:s31] =	ssyncset.done $0x0  }
0x126: {  	s12 =	simm.s32 $0x480;
	[sflag:s31] =	ssyncadd.s32 $0xFFFFCC00  }
0x127: {  	[tilespmem:s22], [sflag:$0x1] =	stream.indirect.gather [hbm4b:s4+s21], $0x80, s12, s21, $0xb8;
	[tilespmem:$0x1FCC0] =	vst v63  }
0x128: {  	_ =	swait.ge [sflag:s1], $0x3400  }
0x129: {  	[sflag:s1] =	ssyncset.done $0x0  }
0x12a: {  	s11 =	simm.s32 $0x1800;
	[sflag:s1] =	ssyncadd.s32 $0xFFFFCC00  }
0x12b: {  	[spmem:s2] =	stream.indirect.scatter.add.f32 [tilespmem:s28], [sflag:$0x6], $0x80, s11, s21, $0xb8;
	[tilespmem:$0x1FCC0] =	vst v63  }
0x12c: {  	_ =	swait.ge [sflag:s5], $0x3400  }
0x12d: {  	[sflag:s5] =	ssyncset.done $0x0  }
0x12e: {  	s12 =	simm.s32 $0x500;
	[sflag:s5] =	ssyncadd.s32 $0xFFFFCC00  }
0x12f: {  	[tilespmem:s24], [sflag:$0x2] =	stream.indirect.gather [hbm4b:s4+s21], $0x80, s12, s21, $0xb8;
	[tilespmem:$0x1FCC0] =	vst v63  }
0x130: {  	_ =	swait.ge [sflag:s25], $0x3400  }
0x131: {  	[sflag:s25] =	ssyncset.done $0x0  }
0x132: {  	s11 =	simm.s32 $0x1880;
	[sflag:s25] =	ssyncadd.s32 $0xFFFFCC00  }
0x133: {  	[spmem:s2] =	stream.indirect.scatter.add.f32 [tilespmem:s22], [sflag:$0x4], $0x80, s11, s21, $0xb8;
	[tilespmem:$0x1FCC0] =	vst v63  }
0x134: {  	_ =	swait.ge [sflag:s6], $0x3400  }
0x135: {  	[sflag:s6] =	ssyncset.done $0x0  }
0x136: {  	s12 =	simm.s32 $0x580;
	[sflag:s6] =	ssyncadd.s32 $0xFFFFCC00  }
0x137: {  	[tilespmem:s28], [sflag:$0x3] =	stream.indirect.gather [hbm4b:s4+s21], $0x80, s12, s21, $0xb8;
	[tilespmem:$0x1FCC0] =	vst v63  }
0x138: {  	_ =	swait.ge [sflag:s29], $0x3400  }
0x139: {  	[sflag:s29] =	ssyncset.done $0x0  }
0x13a: {  	s11 =	simm.s32 $0x1900;
	[sflag:s29] =	ssyncadd.s32 $0xFFFFCC00  }
0x13b: {  	[spmem:s2] =	stream.indirect.scatter.add.f32 [tilespmem:s24], [sflag:$0x5], $0x80, s11, s21, $0xb8;
	[tilespmem:$0x1FCC0] =	vst v63  }
0x13c: {  	_ =	swait.ge [sflag:s31], $0x3400  }
0x13d: {  	[sflag:s31] =	ssyncset.done $0x0  }
0x13e: {  	s12 =	simm.s32 $0x600;
	[sflag:s31] =	ssyncadd.s32 $0xFFFFCC00  }
0x13f: {  	[tilespmem:s22], [sflag:$0x1] =	stream.indirect.gather [hbm4b:s4+s21], $0x80, s12, s21, $0xb8;
	[tilespmem:$0x1FCC0] =	vst v63  }
0x140: {  	_ =	swait.ge [sflag:s1], $0x3400  }
0x141: {  	[sflag:s1] =	ssyncset.done $0x0  }
0x142: {  	s11 =	simm.s32 $0x1980;
	[sflag:s1] =	ssyncadd.s32 $0xFFFFCC00  }
0x143: {  	[spmem:s2] =	stream.indirect.scatter.add.f32 [tilespmem:s28], [sflag:$0x6], $0x80, s11, s21, $0xb8;
	[tilespmem:$0x1FCC0] =	vst v63  }
0x144: {  	_ =	swait.ge [sflag:s5], $0x3400  }
0x145: {  	[sflag:s5] =	ssyncset.done $0x0  }
0x146: {  	s12 =	simm.s32 $0x680;
	[sflag:s5] =	ssyncadd.s32 $0xFFFFCC00  }
0x147: {  	[tilespmem:s24], [sflag:$0x2] =	stream.indirect.gather [hbm4b:s4+s21], $0x80, s12, s21, $0xb8;
	[tilespmem:$0x1FCC0] =	vst v63  }
0x148: {  	_ =	swait.ge [sflag:s25], $0x3400  }
0x149: {  	[sflag:s25] =	ssyncset.done $0x0  }
0x14a: {  	s11 =	simm.s32 $0x1A00;
	[sflag:s25] =	ssyncadd.s32 $0xFFFFCC00  }
0x14b: {  	[spmem:s2] =	stream.indirect.scatter.add.f32 [tilespmem:s22], [sflag:$0x4], $0x80, s11, s21, $0xb8;
	[tilespmem:$0x1FCC0] =	vst v63  }
0x14c: {  	_ =	swait.ge [sflag:s6], $0x3400  }
0x14d: {  	[sflag:s6] =	ssyncset.done $0x0  }
0x14e: {  	s12 =	simm.s32 $0x700;
	[sflag:s6] =	ssyncadd.s32 $0xFFFFCC00  }
0x14f: {  	[tilespmem:s28], [sflag:$0x3] =	stream.indirect.gather [hbm4b:s4+s21], $0x80, s12, s21, $0xb8;
	[tilespmem:$0x1FCC0] =	vst v63  }
0x150: {  	_ =	swait.ge [sflag:s29], $0x3400  }
0x151: {  	[sflag:s29] =	ssyncset.done $0x0  }
0x152: {  	s11 =	simm.s32 $0x1A80;
	[sflag:s29] =	ssyncadd.s32 $0xFFFFCC00  }
0x153: {  	[spmem:s2] =	stream.indirect.scatter.add.f32 [tilespmem:s24], [sflag:$0x5], $0x80, s11, s21, $0xb8;
	[tilespmem:$0x1FCC0] =	vst v63  }
0x154: {  	_ =	swait.ge [sflag:s31], $0x3400  }
0x155: {  	[sflag:s31] =	ssyncset.done $0x0  }
0x156: {  	s12 =	simm.s32 $0x780;
	[sflag:s31] =	ssyncadd.s32 $0xFFFFCC00  }
0x157: {  	[tilespmem:s22], [sflag:$0x1] =	stream.indirect.gather [hbm4b:s4+s21], $0x80, s12, s21, $0xb8;
	[tilespmem:$0x1FCC0] =	vst v63  }
0x158: {  	_ =	swait.ge [sflag:s1], $0x3400  }
0x159: {  	[sflag:s1] =	ssyncset.done $0x0  }
0x15a: {  	s11 =	simm.s32 $0x1B00;
	[sflag:s1] =	ssyncadd.s32 $0xFFFFCC00  }
0x15b: {  	[spmem:s2] =	stream.indirect.scatter.add.f32 [tilespmem:s28], [sflag:$0x6], $0x80, s11, s21, $0xb8;
	[tilespmem:$0x1FCC0] =	vst v63  }
0x15c: {  	_ =	swait.ge [sflag:s5], $0x3400  }
0x15d: {  	[sflag:s5] =	ssyncset.done $0x0  }
0x15e: {  	s12 =	simm.s32 $0x800;
	[sflag:s5] =	ssyncadd.s32 $0xFFFFCC00  }
0x15f: {  	[tilespmem:s24], [sflag:$0x2] =	stream.indirect.gather [hbm4b:s4+s21], $0x80, s12, s21, $0xb8;
	[tilespmem:$0x1FCC0] =	vst v63  }
0x160: {  	_ =	swait.ge [sflag:s25], $0x3400  }
0x161: {  	[sflag:s25] =	ssyncset.done $0x0  }
0x162: {  	s11 =	simm.s32 $0x1B80;
	[sflag:s25] =	ssyncadd.s32 $0xFFFFCC00  }
0x163: {  	[spmem:s2] =	stream.indirect.scatter.add.f32 [tilespmem:s22], [sflag:$0x4], $0x80, s11, s21, $0xb8;
	[tilespmem:$0x1FCC0] =	vst v63  }
0x164: {  	_ =	swait.ge [sflag:s6], $0x3400  }
0x165: {  	[sflag:s6] =	ssyncset.done $0x0  }
0x166: {  	[sflag:s6] =	ssyncadd.s32 $0xFFFFCC00  }
0x167: {  	_ =	swait.ge [sflag:s29], $0x3400  }
0x168: {  	[sflag:s29] =	ssyncset.done $0x0  }
0x169: {  	s12 =	simm.s32 $0x1C00;
	[sflag:s29] =	ssyncadd.s32 $0xFFFFCC00  }
0x16a: {  	[spmem:s2] =	stream.indirect.scatter.add.f32 [tilespmem:s24], [sflag:$0x5], $0x80, s12, s21, $0xb8;
	[tilespmem:$0x1FCC0] =	vst v63  }
0x16b: {  	_ =	swait.ge [sflag:s31], $0x3400  }
0x16c: {  	[sflag:s31] =	ssyncset.done $0x0  }
0x16d: {  	[sflag:s31] =	ssyncadd.s32 $0xFFFFCC00  }
0x16e: {  	_ =	swait.ge [sflag:s5], $0x3400  }
0x16f: {  	[sflag:s5] =	ssyncset.done $0x0  }
0x170: {  	[sflag:s5] =	ssyncadd.s32 $0xFFFFCC00  }
0x171: {  	s10 =	simm.s32 @p0 $0x1FC7;
	[bflag:$0x0] =	sbarrier.arrive $0xFFFF  }
0x172: {  	[hbm:s14], [sflag:s10] =	dma.local @p0 [spmem:s16], $0x2100  }
0x173: {  	s10 =	simm.s32 @p0 $0x7  }
0x174: {  	s9 =	sadd.s32 $0x1, s9;
	_ =	swait.ge @p0 [sflag:s10], $0x2100  }
0x175: {  	p1 =	sne.s32 s9, s15;
	[sflag:s10] =	ssyncset.done @p0 $0x0  }
.Ltmp2:
0x176: {  	[sflag:s10] =	ssyncadd.s32 @p0 $0xFFFFDF00;
	s10 =	simm.s32 @!p0 $0x7;
	(pc) =	sbr.rel @p1 .LBB2_1-.Ltmp2, $4  }
0x177: {  	[hbm:s13], [sflag:s17] =	dma.local @!p0 [spmem:s18], $0x2780  }
0x178: {  	_ =	swait.ge @!p0 [sflag:s10], $0x2780  }
0x179: {  	[sflag:s10] =	ssyncset.done @!p0 $0x0  }
0x17a: {  	[sflag:s10] =	ssyncadd.s32 @!p0 $0xFFFFD880  }
0x17b: {  	_ =	sfence.sel $0x180000  }
0x17c: {  	[bflag:$0x0] =	sbarrier.arrive $0xFFFF  }
0x17d: {  	_ =	strace $0x9000004A  }
0x17e: {  	s0 =	stileid.u32;
	[bflag:$0x2] =	sbarrier.arrive $0xFFFF  }
0x17f: {  	p0 =	sne.s32 s0, $0x0;
	s0 =	rddreg [dreg:$0x3]  }
0x180: {  	s0 =	sadd.s32 @!p0 $0x100000, s0  }
0x181: {  	[sflag:s0] =	ssyncadd.tile.s32 @!p0 $0x1;
	_ =	shalt  }
.Lfunc_end2:
_tile_overlayer_lowered:
.L_overlay_start_2:
0x182: {  	(tag) =	ssettag $0x2  }
0x183: {  	s0 =	rddreg [dreg:$0x0];
	s2 =	stileid.u32  }
0x184: {  	s1 =	rddreg [dreg:$0x1];
	p0 =	sne.s32 s2, $0x0  }
0x185: {  	s3 =	rddreg [dreg:$0x2];
	[bflag:$0x3] =	sbarrier.arrive $0xFFFF;
	s2 =	simm.s32 @!p0 $0x1C07  }
0x186: {  	[timem:s3], [sflag:s2] =	dma.local @!p0 [hbm:s0], s1  }
0x187: {  	s0 =	simm.s32 @!p0 $0x7  }
0x188: {  	_ =	swait.ge @!p0 [sflag:s0], s1  }
0x189: {  	s1 =	ssub.s32 @!p0 $0x0, s1;
	[sflag:s0] =	ssyncset.done @!p0 $0x0  }
0x18a: {  	[sflag:s0] =	ssyncadd.s32 @!p0 s1  }
0x18b: {  	[bflag:$0x3] =	sbarrier.arrive $0xFFFF  }
0x18c: {  	_ =	shalt  }

// kernel: kernel.7.cloned.1.call-start
scs
__scs_entry_jumppad:
0x0: {  	(pc) =	sbr.rel $0x88, $3  }
0x1: {  	(tag) =	ssettag $0x0;
	lr =	simm.s32 $0x1  }
0x2: {  	[smem:$0x3F96] =	sst lr;
	_ =	strace $0xD0000000  }
0x3: {  	_ = 	snop  }
0x4: {  	_ = 	snop  }
0x5: {  	_ = 	snop  }
0x6: {  	_ = 	snop  }
0x7: {  	_ = 	snop  }
__scs_overlays_trampoline_lowered:
0x8: {  	[smem:$0x3FA5] =	sst s0  }
0x9: {  	[smem:$0x3FA6] =	sst s1  }
0xa: {  	[smem:$0x3FA7] =	sst s2  }
0xb: {  	[smem:$0x3FA8] =	sst s3  }
0xc: {  	[smem:$0x3FA9] =	sst s4  }
0xd: {  	[smem:$0x3FAA] =	sst s5  }
0xe: {  	[smem:$0x3FAB] =	sst s6  }
0xf: {  	[smem:$0x3FAC] =	sst s7  }
0x10: {  	[smem:$0x3FAD] =	sst s8  }
0x11: {  	[smem:$0x3FAE] =	sst s9;
	s0 =	simm.s32 @!p0 $0x0  }
0x12: {  	s1 =	sld [smem:$0x3F94];
	s0 =	simm.s32 @p0 $0x1  }
0x13: {  	[smem:$0x3FAF] =	sst s0;
	s0 =	simm.s32 @!p1 $0x0  }
0x14: {  	s2 =	sld [smem:$0x3F93];
	s0 =	simm.s32 @p1 $0x1  }
0x15: {  	[smem:$0x3FB0] =	sst s0;
	s0 =	simm.s32 @!p2 $0x0  }
0x16: {  	s3 =	sld [smem:$0x3FDB];
	s0 =	simm.s32 @p2 $0x1  }
0x17: {  	s4 =	simm.s32 $0x1BF5;
	[smem:$0x3FB2] =	sst s0  }
0x18: {  	s0 =	sld [smem:$0x3F95];
	_ =	swait.ge [sflag:s4], $0x0  }
0x19: {  	s7 =	sld [smem:$0x3F96]  }
0x1a: {  	s8 =	sadd.s32 $0xFFFFE003, lr  }
0x1b: {  	s9 =	sadd.s32 $0xFFFFFEF7, lr;
	s5 =	simm.s32 $0xFFFFFFFF;
	p2 =	slt.u32 s8, $0xFFFFF086  }
0x1c: {  	p1 =	slt.u32 s9, $0xF7A;
	s5 =	simm.s32 @!p2 $0x0  }
0x1d: {  	s5 =	simm.s32 @p1 $0x1;
	p0 =	seq.s32 s7, s2  }
0x1e: {  	s7 =	smul.u32 @!p0 $0xF7A, s2;
	p2 =	seq.s32 @!p0 s5, $0x0  }
0x1f: {  	s9 =	smul.u32 $0xF7A, s1;
	s8 =	simm.s32 @!p0 $0x1BF5;
	p2 =	por !p2, p0  }
0x20: {  	[sflag:s8] =	ssyncset.s32 @!p0 $0xFFFFF086;
	s6 =	sadd.s32 @!p0 s3, s7;
	s7 =	simm.s32 @!p0 $0x108  }
0x21: {  	s3 =	sadd.s32 s3, s9;
	s6 =	sadd.s32 @!p0 $0x88, s6;
	s7 =	simm.s32 @p2 $0x1082  }
0x22: {  	[simem:s7], [sflag:s8] =	dma.local @!p0 [hbm:s6], $0xF7A  }
0x23: {  	s9 =	sor.u32 $0xD0000000, s2;
	s6 =	simm.s32 $0x108;
	_ =	swait.ge @!p0 [sflag:s8], $0x0  }
0x24: {  	s3 =	sadd.s32 $0x88, s3;
	s6 =	simm.s32 @!p1 $0x1082;
	[sflag:s4] =	ssyncset.s32 $0xFFFFF086  }
0x25: {  	[simem:s6], [sflag:s4] =	dma.local [hbm:s3], $0xF7A  }
0x26: {  	[smem:$0x3F96] =	sst s1;
	(tag) =	ssettag s2;
	_ =	strace s9  }
0x27: {  	s1 =	sld [smem:$0x3FA6]  }
0x28: {  	s2 =	sld [smem:$0x3FA7]  }
0x29: {  	s4 =	sld [smem:$0x3FA9]  }
0x2a: {  	p0 =	seq.s32 s5, $0x0;
	s5 =	sld [smem:$0x3FAA]  }
0x2b: {  	s6 =	sld [smem:$0x3FAB]  }
0x2c: {  	s7 =	sld [smem:$0x3FAC]  }
0x2d: {  	s3 =	simm.s32 $0x108;
	s8 =	sld [smem:$0x3FAD]  }
0x2e: {  	s3 =	simm.s32 @!p0 $0x1082;
	s9 =	sld [smem:$0x3FAE]  }
0x2f: {  	lr =	sadd.s32 s0, s3;
	s0 =	sld [smem:$0x3FA5]  }
0x30: {  	s3 =	sld [smem:$0x3FA8]  }
0x31: {  	[smem:$0x3FB1] =	sst s10  }
0x32: {  	s10 =	sld [smem:$0x3FAF];
	_ =	sdelay $0x3  }
0x33: {  	p0 =	seq.s32 s10, $0x1;
	s10 =	sld [smem:$0x3FB1];
	_ =	sdelay $0x3  }
0x34: {  	[smem:$0x3FB1] =	sst s10  }
0x35: {  	s10 =	sld [smem:$0x3FB0];
	_ =	sdelay $0x3  }
0x36: {  	p1 =	seq.s32 s10, $0x1;
	s10 =	sld [smem:$0x3FB1];
	_ =	sdelay $0x3  }
0x37: {  	[smem:$0x3FB1] =	sst s10  }
0x38: {  	s10 =	sld [smem:$0x3FB2]  }
0x39: {  	_ = 	snop;
	(pc) =	sbr.ind lr, $3  }
0x3a: {  	_ = 	snop  }
0x3b: {  	_ = 	snop  }
0x3c: {  	p2 =	seq.s32 s10, $0x1;
	s10 =	sld [smem:$0x3FB1]  }
0x3d: {  	_ =	shalt  }
0x3e: {  	_ =	shalt  }
0x3f: {  	_ =	shalt  }
0x40: {  	_ =	shalt  }
0x41: {  	_ =	shalt  }
0x42: {  	_ =	shalt  }
0x43: {  	_ =	shalt  }
0x44: {  	_ =	shalt  }
0x45: {  	_ =	shalt  }
0x46: {  	_ =	shalt  }
0x47: {  	_ =	shalt  }
0x48: {  	_ =	shalt  }
0x49: {  	_ =	shalt  }
0x4a: {  	_ =	shalt  }
0x4b: {  	_ =	shalt  }
0x4c: {  	_ =	shalt  }
0x4d: {  	_ =	shalt  }
0x4e: {  	_ =	shalt  }
0x4f: {  	_ =	shalt  }
0x50: {  	_ =	shalt  }
0x51: {  	_ =	shalt  }
0x52: {  	_ =	shalt  }
0x53: {  	_ =	shalt  }
0x54: {  	_ =	shalt  }
0x55: {  	_ =	shalt  }
0x56: {  	_ =	shalt  }
0x57: {  	_ =	shalt  }
0x58: {  	_ =	shalt  }
0x59: {  	_ =	shalt  }
0x5a: {  	_ =	shalt  }
0x5b: {  	_ =	shalt  }
0x5c: {  	_ =	shalt  }
0x5d: {  	_ =	shalt  }
0x5e: {  	_ =	shalt  }
0x5f: {  	_ =	shalt  }
0x60: {  	_ =	shalt  }
0x61: {  	_ =	shalt  }
0x62: {  	_ =	shalt  }
0x63: {  	_ =	shalt  }
0x64: {  	_ =	shalt  }
0x65: {  	_ =	shalt  }
0x66: {  	_ =	shalt  }
0x67: {  	_ =	shalt  }
0x68: {  	_ =	shalt  }
0x69: {  	_ =	shalt  }
0x6a: {  	_ =	shalt  }
0x6b: {  	_ =	shalt  }
0x6c: {  	_ =	shalt  }
0x6d: {  	_ =	shalt  }
0x6e: {  	_ =	shalt  }
0x6f: {  	_ =	shalt  }
0x70: {  	_ =	shalt  }
0x71: {  	_ =	shalt  }
0x72: {  	_ =	shalt  }
0x73: {  	_ =	shalt  }
0x74: {  	_ =	shalt  }
0x75: {  	_ =	shalt  }
0x76: {  	_ =	shalt  }
0x77: {  	_ =	shalt  }
0x78: {  	_ =	shalt  }
0x79: {  	_ =	shalt  }
0x7a: {  	_ =	shalt  }
0x7b: {  	_ =	shalt  }
0x7c: {  	_ =	shalt  }
0x7d: {  	_ =	shalt  }
0x7e: {  	_ =	shalt  }
0x7f: {  	_ =	shalt  }
0x80: {  	_ =	shalt  }
0x81: {  	_ =	shalt  }
0x82: {  	_ =	shalt  }
0x83: {  	_ =	shalt  }
0x84: {  	_ =	shalt  }
0x85: {  	_ =	shalt  }
0x86: {  	_ =	shalt  }
0x87: {  	_ =	shalt  }
.Lfunc_end0:
.L_simem_size_0:
called_computation_lowered:
.L_overlay_start_0:
0x88: {  	s2 =	sld [smem:$0x3FD9]  }
0x89: {  	s3 =	sld [smem:$0x3FFE];
	_ =	sdelay $0x1  }
0x8a: {  	s1 =	srdreg.scid  }
0x8b: {  	s0 =	sand.u32 $0x1, s1  }
0x8c: {  	s17 =	sshll.u32 s0, $0xA;
	s2 =	sadd.s32 s3, s2  }
0x8d: {  	s2 =	sadd.s32 s2, s17  }
0x8e: {  	[smem:$0x3FBD] =	sst s2  }
0x8f: {  	_ = 	snop  }
0x90: {  	s2 =	sld [smem:$0x3FD0];
	(tm) =	ssettm $0x1  }
0x91: {  	s18 =	sld [smem:$0x3FFB];
	_ =	sdelay $0x3  }
0x92: {  	_ =	strace s18  }
0x93: {  	s3 =	sld [smem:$0x3FFC];
	_ =	sdelay $0x3  }
0x94: {  	_ =	strace s3  }
0x95: {  	s3 =	sld [smem:$0x3FFD];
	_ =	sdelay $0x3  }
0x96: {  	_ =	strace s3  }
0x97: {  	_ =	strace $0x8FFFFFFF  }
0x98: {  	s19 =	sld [smem:$0x3FDB];
	_ =	sdelay $0x1  }
0x99: {  	s4 =	simm.s32 $_scs_section_size  }
0x9a: {  	s5 =	simm.s32 $_size__tile_overlayer_lowered;
	s6 =	simm.s32 $_tile_overlayer_lowered  }
0x9b: {  	s22 =	simm.s32 $0x1BFF;
	s21 =	sshll.u32 s6, $0x1;
	s3 =	sadd.s32 s4, s19  }
0x9c: {  	s7 =	simm.s32 $0x0;
	s20 =	sshll.u32 s5, $0x1;
	s5 =	sadd.s32 s21, s3  }
0x9d: {  	[timem:s7], [sflag:s22] =	dma.local [hbm:s5], s20  }
0x9e: {  	_ =	swait.ge [sflag:s22], s20  }
0x9f: {  	s4 =	ssub.s32 $0x0, s20;
	[sflag:s22] =	ssyncset.done $0x0  }
0xa0: {  	[sflag:s22] =	ssyncadd.s32 s4;
	_ =	sdelay $0x1  }
0xa1: {  	s23 =	simm.s32 $0x1B8B  }
0xa2: {  	_ =	swait.ge [sflag:s23], $0x1  }
0xa3: {  	[sflag:s23] =	ssyncset.done $0x0  }
0xa4: {  	s25 =	simm.s32 $0x1B8E;
	s24 =	sld [smem:$0x3FFE];
	[sflag:s23] =	ssyncadd.s32 $0xFFFFFFFF  }
0xa5: {  	s26 =	simm.s32 $execute0_lowered;
	[smem:$0x3FD2] =	sst s25  }
0xa6: {  	s5 =	sshll.u32 s26, $0x1;
	_ =	strace $0x80000046;
	[dreg:$0x1] =	wrdreg $0xFFFFFFFF  }
0xa7: {  	s28 =	simm.s32 $_size_execute0_lowered;
	s3 =	sadd.s32 s3, s5;
	[dreg:$0x0] =	wrdreg $0x0  }
0xa8: {  	s5 =	sshll.u32 s28, $0x1;
	[dreg:$0x2] =	wrdreg s3  }
0xa9: {  	[dreg:$0x3] =	wrdreg s5  }
0xaa: {  	[dreg:$0x4] =	wrdreg $0xC0  }
0xab: {  	_ =	task [dreg:s7], $0x5FFFF  }
0xac: {  	[dreg:$0x1] =	wrdreg $0xFFFFFFFF  }
0xad: {  	[dreg:$0x0] =	wrdreg $0x60  }
0xae: {  	[dreg:$0x2] =	wrdreg s24  }
0xaf: {  	[dreg:$0x3] =	wrdreg s2  }
0xb0: {  	[dreg:$0x4] =	wrdreg $0xC4000  }
0xb1: {  	[dreg:$0x5] =	wrdreg $0x9  }
0xb2: {  	_ =	task.clear_ibuf [dreg:s7], $0x6FFFF;
	_ =	strace $0x90000046  }
0xb3: {  	s29 =	simm.s32 $0x9;
	_ =	strace $0x80000048  }
0xb4: {  	_ =	swait.ge [sflag:s29], $0x1  }
0xb5: {  	[sflag:s29] =	ssyncadd.s32 $0xFFFFFFFF  }
0xb6: {  	_ =	strace $0x90000048  }
0xb7: {  	_ =	sfence  }
0xb8: {  	s30 =	sld [smem:$0x0];
	_ =	sdelay $0x2  }
0xb9: {  	s31 =	sshll.u32 s1, $0xD;
	s1 =	sshrl.u32 s1, $0x2  }
0xba: {  	s3 =	sand.u32 $0x4000, s31;
	s1 =	sadd.s32 s1, s30  }
0xbb: {  	s0 =	sor.u32 s3, s0;
	s1 =	sshll.u32 s1, $0x11  }
0xbc: {  	s0 =	sor.u32 s1, s0  }
0xbd: {  	s0 =	sadd.s32 $0x8F2B, s0  }
0xbe: {  	[sflag:s0] =	ssyncadd.remote.s32 $0x1  }
0xbf: {  	_ =	sfence.sel $0xFFFF  }
0xc0: {  	[dreg:$0x0] =	wrdreg $0xFFFFFFFF;
	(pc) =	sbr.abs _section_cstart, $3  }
0xc1: {  	[dreg:$0x1] =	wrdreg $0xFFFFFFFF  }
0xc2: {  	_ =	task.clear_ibuf [dreg:s7], $0x2FFFF;
	_ =	strace $0x9FFFFFFF  }
0xc3: {  	(tm) =	ssettm $0x7FFFFFFF  }
tec
execute0_lowered:
.L_overlay_start_1:
0x0: {  	(tag) =	ssettag $0x1  }
0x1: {  	s0 =	rddreg [dreg:$0x0]  }
0x2: {  	s1 =	rddreg [dreg:$0x1]  }
0x3: {  	s2 =	rddreg [dreg:$0x2];
	s3 =	simm.s32 $0x0  }
0x4: {  	s15 =	stileid.u32;
	s6 =	srdreg.scid;
	s19 =	simm.s32 $0x7  }
0x5: {  	s20 =	simm.s32 $0x1400;
	s28 =	simm.s32 $0x9000;
	s29 =	simm.s32 $0x2  }
0x6: {  	s30 =	simm.s32 $0x1480;
	s31 =	simm.s32 $0x4;
	[smem:$0x7FF] =	sst s3  }
0x7: {  	s5 =	smul.u32 $0x2780, s15;
	s4 =	sadd.s32 $0xF600, s0;
	s7 =	sadd.s32 $0x2600, s0  }
0x8: {  	s6 =	sand.u32 $0x1, s6;
	s9 =	smul.u32 $0x4F000, s15;
	s10 =	sadd.s32 $0x455400, s0  }
0x9: {  	s13 =	smul.u32 $0x13C00, s15;
	p0 =	seq.s32 s15, $0xF;
	_ =	strace $0x80000047  }
0xa: {  	s8 =	sshll.u32 s6, $0x4;
	s11 =	ssub.s32 $0x2, s6;
	s6 =	smul.u32 $0x138C00, s6  }
0xb: {  	s5 =	sadd.s32 s5, s0;
	s8 =	sor.u32 s15, s8;
	s12 =	sshrl.u32 s11, $0x1  }
0xc: {  	s9 =	sshrl.u32 s9, $0x2;
	s0 =	sadd.s32 $0x453280, s0;
	s8 =	smul.u32 $0x3400, s8  }
0xd: {  	s11 =	ssub.s32 s11, s12;
	s9 =	sadd.s32 s9, s2;
	s5 =	sadd.s32 $0x42E200, s5  }
0xe: {  	[dreg:$0x5] =	wrdreg s0;
	s25 =	sadd.s32 s13, s6;
	s26 =	sshrl.u32 s6, $0x3  }
0xf: {  	s6 =	simm.s32 $0x6;
	[dreg:$0x4] =	wrdreg s5;
	s5 =	sadd.s32 $0x128400, s2  }
0x10: {  	s18 =	sshrl.u32 @!p0 s9, $0x3;
	s9 =	simm.s32 $0x0;
	s21 =	sshrl.u32 s8, $0x3  }
0x11: {  	s16 =	sshrl.u32 @p0 s5, $0x3;
	s5 =	simm.s32 $0x5;
	s8 =	sadd.s32 s1, s21  }
0x12: {  	s22 =	sadd.s32 s7, s21;
	s23 =	sadd.s32 $0x280, s21;
	[dreg:$0x6] =	wrdreg s8  }
0x13: {  	s0 =	sadd.s32 $0x500, s21;
	[dreg:$0x7] =	wrdreg s22;
	s24 =	sadd.s32 s1, s23  }
0x14: {  	s21 =	simm.s32 $0x68;
	s8 =	sadd.s32 s7, s23;
	[dreg:$0x8] =	wrdreg s24  }
0x15: {  	s1 =	sadd.s32 s1, s0;
	s0 =	sadd.s32 s7, s0;
	[dreg:$0x9] =	wrdreg s8  }
0x16: {  	s22 =	simm.s32 $0x2800;
	s23 =	simm.s32 $0x80;
	[dreg:$0xa] =	wrdreg s1  }
0x17: {  	s7 =	simm.s32 $0x2700;
	[dreg:$0xb] =	wrdreg s0;
	s0 =	sshrl.u32 s25, $0x3  }
0x18: {  	s1 =	sadd.s32 s10, s26;
	s24 =	simm.s32 $0x5C00;
	s25 =	simm.s32 $0x1  }
0x19: {  	s26 =	simm.s32 $0x100;
	s8 =	simm.s32 $0x2780;
	s13 =	sadd.s32 s10, s0  }
0x1a: {  	s14 =	sadd.s32 $0x25080, s1;
	s0 =	sshll.u32 @!p0 s15, $0x6;
	s15 =	smax.u32 s11, $0x1  }
0x1b: {  	s1 =	simm.s32 $0x3;
	s17 =	sor.u32 @!p0 $0x1C07, s0;
	s0 =	simm.s32 $0x180  }
.LBB2_1:
0x1c: {  	s10 =	simm.s32 @p0 $0x1FC7;
	s11 =	rddreg [dreg:$0x5]  }
0x1d: {  	[spmem:s16], [sflag:s10] =	dma.local @p0 [hbm:s11], $0x2100  }
0x1e: {  	s10 =	simm.s32 @p0 $0x7  }
0x1f: {  	_ =	swait.ge @p0 [sflag:s10], $0x2100  }
0x20: {  	[sflag:s10] =	ssyncset.done @p0 $0x0  }
0x21: {  	[sflag:s10] =	ssyncadd.s32 @p0 $0xFFFFDF00;
	s10 =	rddreg [dreg:$0x4]  }
0x22: {  	[spmem:s18], [sflag:s17] =	dma.local @!p0 [hbm:s10], $0x2780  }
0x23: {  	s10 =	simm.s32 @!p0 $0x7  }
0x24: {  	_ =	swait.ge @!p0 [sflag:s10], $0x2780  }
0x25: {  	[sflag:s10] =	ssyncset.done @!p0 $0x0  }
0x26: {  	[sflag:s10] =	ssyncadd.s32 @!p0 $0xFFFFD880  }
0x27: {  	[bflag:$0x0] =	sbarrier.arrive $0xFFFF  }
0x28: {  	s12 =	rddreg [dreg:$0x6]  }
0x29: {  	[tilespmem:s3], [sflag:$0x7] =	stream.linear.gather [hbm4b:s12+s3], $0x1400, $0x38;
	[tilespmem:$0x1FCC0] =	vst v63  }
0x2a: {  	_ =	swait.ge [sflag:s19], $0x1400  }
0x2b: {  	[sflag:s19] =	ssyncset.done $0x0  }
0x2c: {  	s11 =	rddreg [dreg:$0x7];
	[sflag:s19] =	ssyncadd.s32 $0xFFFFEC00  }
0x2d: {  	[tilespmem:s20], [sflag:$0x7] =	stream.linear.gather [hbm4b:s11+s3], $0x1400, $0x38;
	[tilespmem:$0x1FCC0] =	vst v63  }
0x2e: {  	_ =	swait.ge [sflag:s19], $0x1400  }
0x2f: {  	[sflag:s19] =	ssyncset.done $0x0  }
0x30: {  	[sflag:s19] =	ssyncadd.s32 $0xFFFFEC00  }
0x31: {  	[tilespmem:s22], [sflag:$0x1] =	stream.indirect.gather [hbm4b:s4+s21], $0x80, s3, s21, $0xb8;
	[tilespmem:$0x1FCC0] =	vst v63  }
0x32: {  	_ = 	snop  }
0x33: {  	[tilespmem:s24], [sflag:$0x2] =	stream.indirect.gather [hbm4b:s4+s21], $0x80, s23, s21, $0xb8;
	[tilespmem:$0x1FCC0] =	vst v63  }
0x34: {  	_ =	swait.ge [sflag:s25], $0x3400  }
0x35: {  	[sflag:s25] =	ssyncset.done $0x0  }
0x36: {  	[sflag:s25] =	ssyncadd.s32 $0xFFFFCC00  }
0x37: {  	[spmem:s2] =	stream.indirect.scatter.add.f32 [tilespmem:s22], [sflag:$0x4], $0x80, s20, s21, $0xb8;
	[tilespmem:$0x1FCC0] =	vst v63  }
0x38: {  	_ = 	snop  }
0x39: {  	[tilespmem:s28], [sflag:$0x3] =	stream.indirect.gather [hbm4b:s4+s21], $0x80, s26, s21, $0xb8;
	[tilespmem:$0x1FCC0] =	vst v63  }
0x3a: {  	_ =	swait.ge [sflag:s29], $0x3400  }
0x3b: {  	[sflag:s29] =	ssyncset.done $0x0  }
0x3c: {  	[sflag:s29] =	ssyncadd.s32 $0xFFFFCC00  }
0x3d: {  	[spmem:s2] =	stream.indirect.scatter.add.f32 [tilespmem:s24], [sflag:$0x5], $0x80, s30, s21, $0xb8;
	[tilespmem:$0x1FCC0] =	vst v63  }
0x3e: {  	_ =	swait.ge [sflag:s31], $0x3400  }
0x3f: {  	[sflag:s31] =	ssyncset.done $0x0  }
0x40: {  	[sflag:s31] =	ssyncadd.s32 $0xFFFFCC00  }
0x41: {  	[tilespmem:s22], [sflag:$0x1] =	stream.indirect.gather [hbm4b:s4+s21], $0x80, s0, s21, $0xb8;
	[tilespmem:$0x1FCC0] =	vst v63  }
0x42: {  	_ =	swait.ge [sflag:s1], $0x3400  }
0x43: {  	[sflag:s1] =	ssyncset.done $0x0  }
0x44: {  	s12 =	simm.s32 $0x1500;
	[sflag:s1] =	ssyncadd.s32 $0xFFFFCC00  }
0x45: {  	[spmem:s2] =	stream.indirect.scatter.add.f32 [tilespmem:s28], [sflag:$0x6], $0x80, s12, s21, $0xb8;
	[tilespmem:$0x1FCC0] =	vst v63  }
0x46: {  	_ =	swait.ge [sflag:s5], $0x3400  }
0x47: {  	[sflag:s5] =	ssyncset.done $0x0  }
0x48: {  	s11 =	simm.s32 $0x200;
	[sflag:s5] =	ssyncadd.s32 $0xFFFFCC00  }
0x49: {  	[tilespmem:s24], [sflag:$0x2] =	stream.indirect.gather [hbm4b:s4+s21], $0x80, s11, s21, $0xb8;
	[tilespmem:$0x1FCC0] =	vst v63  }
0x4a: {  	_ =	swait.ge [sflag:s25], $0x3400  }
0x4b: {  	[sflag:s25] =	ssyncset.done $0x0  }
0x4c: {  	s12 =	simm.s32 $0x1580;
	[sflag:s25] =	ssyncadd.s32 $0xFFFFCC00  }
0x4d: {  	[spmem:s2] =	stream.indirect.scatter.add.f32 [tilespmem:s22], [sflag:$0x4], $0x80, s12, s21, $0xb8;
	[tilespmem:$0x1FCC0] =	vst v63  }
0x4e: {  	_ =	swait.ge [sflag:s6], $0x3400  }
0x4f: {  	[sflag:s6] =	ssyncset.done $0x0  }
0x50: {  	s11 =	simm.s32 $0x280;
	[sflag:s6] =	ssyncadd.s32 $0xFFFFCC00  }
0x51: {  	[tilespmem:s28], [sflag:$0x3] =	stream.indirect.gather [hbm4b:s4+s21], $0x80, s11, s21, $0xb8;
	[tilespmem:$0x1FCC0] =	vst v63  }
0x52: {  	_ =	swait.ge [sflag:s29], $0x3400  }
0x53: {  	[sflag:s29] =	ssyncset.done $0x0  }
0x54: {  	s12 =	simm.s32 $0x1600;
	[sflag:s29] =	ssyncadd.s32 $0xFFFFCC00  }
0x55: {  	[spmem:s2] =	stream.indirect.scatter.add.f32 [tilespmem:s24], [sflag:$0x5], $0x80, s12, s21, $0xb8;
	[tilespmem:$0x1FCC0] =	vst v63  }
0x56: {  	_ =	swait.ge [sflag:s31], $0x3400  }
0x57: {  	[sflag:s31] =	ssyncset.done $0x0  }
0x58: {  	s10 =	simm.s32 $0x600;
	s11 =	simm.s32 $0x300;
	[sflag:s31] =	ssyncadd.s32 $0xFFFFCC00  }
.LBB2_2:
0x59: {  	[tilespmem:s22], [sflag:$0x1] =	stream.indirect.gather [hbm4b:s4+s21], $0x80, s11, s21, $0xb8;
	[tilespmem:$0x1FCC0] =	vst v63  }
0x5a: {  	s11 =	smov.u32 s10  }
0x5b: {  	p1 =	sne.s32 s10, $0x4200;
	s10 =	sadd.s32 $0x600, s10;
	_ =	swait.ge [sflag:s1], $0x3400  }
0x5c: {  	s11 =	sshra.s32 s11, $0x2;
	[sflag:s1] =	ssyncset.done $0x0  }
0x5d: {  	s12 =	sadd.s32 $0x1500, s11;
	[sflag:s1] =	ssyncadd.s32 $0xFFFFCC00  }
0x5e: {  	[spmem:s2] =	stream.indirect.scatter.add.f32 [tilespmem:s28], [sflag:$0x6], $0x80, s12, s21, $0xb8;
	[tilespmem:$0x1FCC0] =	vst v63  }
0x5f: {  	_ =	swait.ge [sflag:s5], $0x3400  }
0x60: {  	[sflag:s5] =	ssyncset.done $0x0  }
0x61: {  	s12 =	sadd.s32 $0x200, s11;
	[sflag:s5] =	ssyncadd.s32 $0xFFFFCC00  }
0x62: {  	[tilespmem:s24], [sflag:$0x2] =	stream.indirect.gather [hbm4b:s4+s21], $0x80, s12, s21, $0xb8;
	[tilespmem:$0x1FCC0] =	vst v63  }
0x63: {  	_ =	swait.ge [sflag:s25], $0x3400  }
0x64: {  	[sflag:s25] =	ssyncset.done $0x0  }
0x65: {  	s12 =	sadd.s32 $0x1580, s11;
	[sflag:s25] =	ssyncadd.s32 $0xFFFFCC00  }
0x66: {  	[spmem:s2] =	stream.indirect.scatter.add.f32 [tilespmem:s22], [sflag:$0x4], $0x80, s12, s21, $0xb8;
	[tilespmem:$0x1FCC0] =	vst v63  }
0x67: {  	_ =	swait.ge [sflag:s6], $0x3400  }
0x68: {  	[sflag:s6] =	ssyncset.done $0x0  }
0x69: {  	s12 =	sadd.s32 $0x280, s11;
	[sflag:s6] =	ssyncadd.s32 $0xFFFFCC00  }
0x6a: {  	[tilespmem:s28], [sflag:$0x3] =	stream.indirect.gather [hbm4b:s4+s21], $0x80, s12, s21, $0xb8;
	[tilespmem:$0x1FCC0] =	vst v63  }
0x6b: {  	_ =	swait.ge [sflag:s29], $0x3400  }
0x6c: {  	[sflag:s29] =	ssyncset.done $0x0  }
.Ltmp0:
0x6d: {  	s12 =	sadd.s32 $0x1600, s11;
	[sflag:s29] =	ssyncadd.s32 $0xFFFFCC00;
	(pc) =	sbr.rel @p1 .LBB2_2-.Ltmp0, $4  }
0x6e: {  	[spmem:s2] =	stream.indirect.scatter.add.f32 [tilespmem:s24], [sflag:$0x5], $0x80, s12, s21, $0xb8;
	[tilespmem:$0x1FCC0] =	vst v63  }
0x6f: {  	_ =	swait.ge [sflag:s31], $0x3400  }
0x70: {  	[sflag:s31] =	ssyncset.done $0x0  }
0x71: {  	s11 =	sadd.s32 $0x300, s11;
	[sflag:s31] =	ssyncadd.s32 $0xFFFFCC00  }
0x72: {  	[tilespmem:s22], [sflag:$0x1] =	stream.indirect.gather [hbm4b:s4+s21], $0x80, s11, s21, $0xb8;
	[tilespmem:$0x1FCC0] =	vst v63  }
0x73: {  	_ =	swait.ge [sflag:s1], $0x3400  }
0x74: {  	[sflag:s1] =	ssyncset.done $0x0  }
0x75: {  	[sflag:s1] =	ssyncadd.s32 $0xFFFFCC00  }
0x76: {  	[spmem:s2] =	stream.indirect.scatter.add.f32 [tilespmem:s28], [sflag:$0x6], $0x80, s7, s21, $0xb8;
	[tilespmem:$0x1FCC0] =	vst v63  }
0x77: {  	_ =	swait.ge [sflag:s5], $0x3400  }
0x78: {  	[sflag:s5] =	ssyncset.done $0x0  }
0x79: {  	[sflag:s5] =	ssyncadd.s32 $0xFFFFCC00  }
0x7a: {  	_ =	swait.ge [sflag:s25], $0x3400  }
0x7b: {  	[sflag:s25] =	ssyncset.done $0x0  }
0x7c: {  	[sflag:s25] =	ssyncadd.s32 $0xFFFFCC00  }
0x7d: {  	[spmem:s2] =	stream.indirect.scatter.add.f32 [tilespmem:s22], [sflag:$0x4], $0x80, s8, s21, $0xb8;
	[tilespmem:$0x1FCC0] =	vst v63  }
0x7e: {  	_ =	swait.ge [sflag:s6], $0x3400  }
0x7f: {  	[sflag:s6] =	ssyncset.done $0x0  }
0x80: {  	[sflag:s6] =	ssyncadd.s32 $0xFFFFCC00  }
0x81: {  	_ =	swait.ge [sflag:s31], $0x3400  }
0x82: {  	[sflag:s31] =	ssyncset.done $0x0  }
0x83: {  	s10 =	simm.s32 $0x0;
	s12 =	rddreg [dreg:$0x8];
	[sflag:s31] =	ssyncadd.s32 $0xFFFFCC00  }
0x84: {  	[tilespmem:s10], [sflag:$0x7] =	stream.linear.gather [hbm4b:s12+s10], $0x1400, $0x38;
	[tilespmem:$0x1FCC0] =	vst v63  }
0x85: {  	_ =	swait.ge [sflag:s19], $0x1400  }
0x86: {  	[sflag:s19] =	ssyncset.done $0x0  }
0x87: {  	s12 =	rddreg [dreg:$0x9];
	[sflag:s19] =	ssyncadd.s32 $0xFFFFEC00  }
0x88: {  	[tilespmem:s20], [sflag:$0x7] =	stream.linear.gather [hbm4b:s12+s10], $0x1400, $0x38;
	[tilespmem:$0x1FCC0] =	vst v63  }
0x89: {  	_ =	swait.ge [sflag:s19], $0x1400  }
0x8a: {  	[sflag:s19] =	ssyncset.done $0x0  }
0x8b: {  	[sflag:s19] =	ssyncadd.s32 $0xFFFFEC00  }
0x8c: {  	[tilespmem:s22], [sflag:$0x1] =	stream.indirect.gather [hbm4b:s4+s21], $0x80, s10, s21, $0xb8;
	[tilespmem:$0x1FCC0] =	vst v63  }
0x8d: {  	_ = 	snop  }
0x8e: {  	[tilespmem:s24], [sflag:$0x2] =	stream.indirect.gather [hbm4b:s4+s21], $0x80, s23, s21, $0xb8;
	[tilespmem:$0x1FCC0] =	vst v63  }
0x8f: {  	_ =	swait.ge [sflag:s25], $0x3400  }
0x90: {  	[sflag:s25] =	ssyncset.done $0x0  }
0x91: {  	[sflag:s25] =	ssyncadd.s32 $0xFFFFCC00  }
0x92: {  	[spmem:s2] =	stream.indirect.scatter.add.f32 [tilespmem:s22], [sflag:$0x4], $0x80, s20, s21, $0xb8;
	[tilespmem:$0x1FCC0] =	vst v63  }
0x93: {  	_ = 	snop  }
0x94: {  	[tilespmem:s28], [sflag:$0x3] =	stream.indirect.gather [hbm4b:s4+s21], $0x80, s26, s21, $0xb8;
	[tilespmem:$0x1FCC0] =	vst v63  }
0x95: {  	_ =	swait.ge [sflag:s29], $0x3400  }
0x96: {  	[sflag:s29] =	ssyncset.done $0x0  }
0x97: {  	[sflag:s29] =	ssyncadd.s32 $0xFFFFCC00  }
0x98: {  	[spmem:s2] =	stream.indirect.scatter.add.f32 [tilespmem:s24], [sflag:$0x5], $0x80, s30, s21, $0xb8;
	[tilespmem:$0x1FCC0] =	vst v63  }
0x99: {  	_ =	swait.ge [sflag:s31], $0x3400  }
0x9a: {  	[sflag:s31] =	ssyncset.done $0x0  }
0x9b: {  	[sflag:s31] =	ssyncadd.s32 $0xFFFFCC00  }
0x9c: {  	[tilespmem:s22], [sflag:$0x1] =	stream.indirect.gather [hbm4b:s4+s21], $0x80, s0, s21, $0xb8;
	[tilespmem:$0x1FCC0] =	vst v63  }
0x9d: {  	_ =	swait.ge [sflag:s1], $0x3400  }
0x9e: {  	[sflag:s1] =	ssyncset.done $0x0  }
0x9f: {  	s12 =	simm.s32 $0x1500;
	[sflag:s1] =	ssyncadd.s32 $0xFFFFCC00  }
0xa0: {  	[spmem:s2] =	stream.indirect.scatter.add.f32 [tilespmem:s28], [sflag:$0x6], $0x80, s12, s21, $0xb8;
	[tilespmem:$0x1FCC0] =	vst v63  }
0xa1: {  	_ =	swait.ge [sflag:s5], $0x3400  }
0xa2: {  	[sflag:s5] =	ssyncset.done $0x0  }
0xa3: {  	s11 =	simm.s32 $0x200;
	[sflag:s5] =	ssyncadd.s32 $0xFFFFCC00  }
0xa4: {  	[tilespmem:s24], [sflag:$0x2] =	stream.indirect.gather [hbm4b:s4+s21], $0x80, s11, s21, $0xb8;
	[tilespmem:$0x1FCC0] =	vst v63  }
0xa5: {  	_ =	swait.ge [sflag:s25], $0x3400  }
0xa6: {  	[sflag:s25] =	ssyncset.done $0x0  }
0xa7: {  	s12 =	simm.s32 $0x1580;
	[sflag:s25] =	ssyncadd.s32 $0xFFFFCC00  }
0xa8: {  	[spmem:s2] =	stream.indirect.scatter.add.f32 [tilespmem:s22], [sflag:$0x4], $0x80, s12, s21, $0xb8;
	[tilespmem:$0x1FCC0] =	vst v63  }
0xa9: {  	_ =	swait.ge [sflag:s6], $0x3400  }
0xaa: {  	[sflag:s6] =	ssyncset.done $0x0  }
0xab: {  	s11 =	simm.s32 $0x280;
	[sflag:s6] =	ssyncadd.s32 $0xFFFFCC00  }
0xac: {  	[tilespmem:s28], [sflag:$0x3] =	stream.indirect.gather [hbm4b:s4+s21], $0x80, s11, s21, $0xb8;
	[tilespmem:$0x1FCC0] =	vst v63  }
0xad: {  	_ =	swait.ge [sflag:s29], $0x3400  }
0xae: {  	[sflag:s29] =	ssyncset.done $0x0  }
0xaf: {  	s12 =	simm.s32 $0x1600;
	[sflag:s29] =	ssyncadd.s32 $0xFFFFCC00  }
0xb0: {  	[spmem:s2] =	stream.indirect.scatter.add.f32 [tilespmem:s24], [sflag:$0x5], $0x80, s12, s21, $0xb8;
	[tilespmem:$0x1FCC0] =	vst v63  }
0xb1: {  	_ =	swait.ge [sflag:s31], $0x3400  }
0xb2: {  	[sflag:s31] =	ssyncset.done $0x0  }
0xb3: {  	s10 =	simm.s32 $0x600;
	s11 =	simm.s32 $0x300;
	[sflag:s31] =	ssyncadd.s32 $0xFFFFCC00  }
.LBB2_4:
0xb4: {  	[tilespmem:s22], [sflag:$0x1] =	stream.indirect.gather [hbm4b:s4+s21], $0x80, s11, s21, $0xb8;
	[tilespmem:$0x1FCC0] =	vst v63  }
0xb5: {  	s11 =	smov.u32 s10  }
0xb6: {  	p1 =	sne.s32 s10, $0x4200;
	s10 =	sadd.s32 $0x600, s10;
	_ =	swait.ge [sflag:s1], $0x3400  }
0xb7: {  	s11 =	sshra.s32 s11, $0x2;
	[sflag:s1] =	ssyncset.done $0x0  }
0xb8: {  	s12 =	sadd.s32 $0x1500, s11;
	[sflag:s1] =	ssyncadd.s32 $0xFFFFCC00  }
0xb9: {  	[spmem:s2] =	stream.indirect.scatter.add.f32 [tilespmem:s28], [sflag:$0x6], $0x80, s12, s21, $0xb8;
	[tilespmem:$0x1FCC0] =	vst v63  }
0xba: {  	_ =	swait.ge [sflag:s5], $0x3400  }
0xbb: {  	[sflag:s5] =	ssyncset.done $0x0  }
0xbc: {  	s12 =	sadd.s32 $0x200, s11;
	[sflag:s5] =	ssyncadd.s32 $0xFFFFCC00  }
0xbd: {  	[tilespmem:s24], [sflag:$0x2] =	stream.indirect.gather [hbm4b:s4+s21], $0x80, s12, s21, $0xb8;
	[tilespmem:$0x1FCC0] =	vst v63  }
0xbe: {  	_ =	swait.ge [sflag:s25], $0x3400  }
0xbf: {  	[sflag:s25] =	ssyncset.done $0x0  }
0xc0: {  	s12 =	sadd.s32 $0x1580, s11;
	[sflag:s25] =	ssyncadd.s32 $0xFFFFCC00  }
0xc1: {  	[spmem:s2] =	stream.indirect.scatter.add.f32 [tilespmem:s22], [sflag:$0x4], $0x80, s12, s21, $0xb8;
	[tilespmem:$0x1FCC0] =	vst v63  }
0xc2: {  	_ =	swait.ge [sflag:s6], $0x3400  }
0xc3: {  	[sflag:s6] =	ssyncset.done $0x0  }
0xc4: {  	s12 =	sadd.s32 $0x280, s11;
	[sflag:s6] =	ssyncadd.s32 $0xFFFFCC00  }
0xc5: {  	[tilespmem:s28], [sflag:$0x3] =	stream.indirect.gather [hbm4b:s4+s21], $0x80, s12, s21, $0xb8;
	[tilespmem:$0x1FCC0] =	vst v63  }
0xc6: {  	_ =	swait.ge [sflag:s29], $0x3400  }
0xc7: {  	[sflag:s29] =	ssyncset.done $0x0  }
.Ltmp1:
0xc8: {  	s12 =	sadd.s32 $0x1600, s11;
	[sflag:s29] =	ssyncadd.s32 $0xFFFFCC00;
	(pc) =	sbr.rel @p1 .LBB2_4-.Ltmp1, $4  }
0xc9: {  	[spmem:s2] =	stream.indirect.scatter.add.f32 [tilespmem:s24], [sflag:$0x5], $0x80, s12, s21, $0xb8;
	[tilespmem:$0x1FCC0] =	vst v63  }
0xca: {  	_ =	swait.ge [sflag:s31], $0x3400  }
0xcb: {  	[sflag:s31] =	ssyncset.done $0x0  }
0xcc: {  	s11 =	sadd.s32 $0x300, s11;
	[sflag:s31] =	ssyncadd.s32 $0xFFFFCC00  }
0xcd: {  	[tilespmem:s22], [sflag:$0x1] =	stream.indirect.gather [hbm4b:s4+s21], $0x80, s11, s21, $0xb8;
	[tilespmem:$0x1FCC0] =	vst v63  }
0xce: {  	_ =	swait.ge [sflag:s1], $0x3400  }
0xcf: {  	[sflag:s1] =	ssyncset.done $0x0  }
0xd0: {  	[sflag:s1] =	ssyncadd.s32 $0xFFFFCC00  }
0xd1: {  	[spmem:s2] =	stream.indirect.scatter.add.f32 [tilespmem:s28], [sflag:$0x6], $0x80, s7, s21, $0xb8;
	[tilespmem:$0x1FCC0] =	vst v63  }
0xd2: {  	_ =	swait.ge [sflag:s5], $0x3400  }
0xd3: {  	[sflag:s5] =	ssyncset.done $0x0  }
0xd4: {  	[sflag:s5] =	ssyncadd.s32 $0xFFFFCC00  }
0xd5: {  	_ =	swait.ge [sflag:s25], $0x3400  }
0xd6: {  	[sflag:s25] =	ssyncset.done $0x0  }
0xd7: {  	[sflag:s25] =	ssyncadd.s32 $0xFFFFCC00  }
0xd8: {  	[spmem:s2] =	stream.indirect.scatter.add.f32 [tilespmem:s22], [sflag:$0x4], $0x80, s8, s21, $0xb8;
	[tilespmem:$0x1FCC0] =	vst v63  }
0xd9: {  	_ =	swait.ge [sflag:s6], $0x3400  }
0xda: {  	[sflag:s6] =	ssyncset.done $0x0  }
0xdb: {  	[sflag:s6] =	ssyncadd.s32 $0xFFFFCC00  }
0xdc: {  	_ =	swait.ge [sflag:s31], $0x3400  }
0xdd: {  	[sflag:s31] =	ssyncset.done $0x0  }
0xde: {  	s10 =	rddreg [dreg:$0xa];
	[sflag:s31] =	ssyncadd.s32 $0xFFFFCC00  }
0xdf: {  	[tilespmem:s3], [sflag:$0x7] =	stream.linear.gather [hbm4b:s10+s3], $0xC00, $0x38;
	[tilespmem:$0x1FCC0] =	vst v63  }
0xe0: {  	_ =	swait.ge [sflag:s19], $0xC00  }
0xe1: {  	[sflag:s19] =	ssyncset.done $0x0  }
0xe2: {  	s12 =	rddreg [dreg:$0xb];
	[sflag:s19] =	ssyncadd.s32 $0xFFFFF400  }
0xe3: {  	[tilespmem:s20], [sflag:$0x7] =	stream.linear.gather [hbm4b:s12+s3], $0xC00, $0x38;
	[tilespmem:$0x1FCC0] =	vst v63  }
0xe4: {  	_ =	swait.ge [sflag:s19], $0xC00  }
0xe5: {  	[sflag:s19] =	ssyncset.done $0x0  }
0xe6: {  	[sflag:s19] =	ssyncadd.s32 $0xFFFFF400  }
0xe7: {  	[tilespmem:s22], [sflag:$0x1] =	stream.indirect.gather [hbm4b:s4+s21], $0x80, s3, s21, $0xb8;
	[tilespmem:$0x1FCC0] =	vst v63  }
0xe8: {  	_ = 	snop  }
0xe9: {  	[tilespmem:s24], [sflag:$0x2] =	stream.indirect.gather [hbm4b:s4+s21], $0x80, s23, s21, $0xb8;
	[tilespmem:$0x1FCC0] =	vst v63  }
0xea: {  	_ =	swait.ge [sflag:s25], $0x3400  }
0xeb: {  	[sflag:s25] =	ssyncset.done $0x0  }
0xec: {  	[sflag:s25] =	ssyncadd.s32 $0xFFFFCC00  }
0xed: {  	[spmem:s2] =	stream.indirect.scatter.add.f32 [tilespmem:s22], [sflag:$0x4], $0x80, s20, s21, $0xb8;
	[tilespmem:$0x1FCC0] =	vst v63  }
0xee: {  	_ = 	snop  }
0xef: {  	[tilespmem:s28], [sflag:$0x3] =	stream.indirect.gather [hbm4b:s4+s21], $0x80, s26, s21, $0xb8;
	[tilespmem:$0x1FCC0] =	vst v63  }
0xf0: {  	_ =	swait.ge [sflag:s29], $0x3400  }
0xf1: {  	[sflag:s29] =	ssyncset.done $0x0  }
0xf2: {  	[sflag:s29] =	ssyncadd.s32 $0xFFFFCC00  }
0xf3: {  	[spmem:s2] =	stream.indirect.scatter.add.f32 [tilespmem:s24], [sflag:$0x5], $0x80, s30, s21, $0xb8;
	[tilespmem:$0x1FCC0] =	vst v63  }
0xf4: {  	_ =	swait.ge [sflag:s31], $0x3400  }
0xf5: {  	[sflag:s31] =	ssyncset.done $0x0  }
0xf6: {  	[sflag:s31] =	ssyncadd.s32 $0xFFFFCC00  }
0xf7: {  	[tilespmem:s22], [sflag:$0x1] =	stream.indirect.gather [hbm4b:s4+s21], $0x80, s0, s21, $0xb8;
	[tilespmem:$0x1FCC0] =	vst v63  }
0xf8: {  	_ =	swait.ge [sflag:s1], $0x3400  }
0xf9: {  	[sflag:s1] =	ssyncset.done $0x0  }
0xfa: {  	s11 =	simm.s32 $0x1500;
	[sflag:s1] =	ssyncadd.s32 $0xFFFFCC00  }
0xfb: {  	[spmem:s2] =	stream.indirect.scatter.add.f32 [tilespmem:s28], [sflag:$0x6], $0x80, s11, s21, $0xb8;
	[tilespmem:$0x1FCC0] =	vst v63  }
0xfc: {  	_ =	swait.ge [sflag:s5], $0x3400  }
0xfd: {  	[sflag:s5] =	ssyncset.done $0x0  }
0xfe: {  	s12 =	simm.s32 $0x200;
	[sflag:s5] =	ssyncadd.s32 $0xFFFFCC00  }
0xff: {  	[tilespmem:s24], [sflag:$0x2] =	stream.indirect.gather [hbm4b:s4+s21], $0x80, s12, s21, $0xb8;
	[tilespmem:$0x1FCC0] =	vst v63  }
0x100: {  	_ =	swait.ge [sflag:s25], $0x3400  }
0x101: {  	[sflag:s25] =	ssyncset.done $0x0  }
0x102: {  	s11 =	simm.s32 $0x1580;
	[sflag:s25] =	ssyncadd.s32 $0xFFFFCC00  }
0x103: {  	[spmem:s2] =	stream.indirect.scatter.add.f32 [tilespmem:s22], [sflag:$0x4], $0x80, s11, s21, $0xb8;
	[tilespmem:$0x1FCC0] =	vst v63  }
0x104: {  	_ =	swait.ge [sflag:s6], $0x3400  }
0x105: {  	[sflag:s6] =	ssyncset.done $0x0  }
0x106: {  	s12 =	simm.s32 $0x280;
	[sflag:s6] =	ssyncadd.s32 $0xFFFFCC00  }
0x107: {  	[tilespmem:s28], [sflag:$0x3] =	stream.indirect.gather [hbm4b:s4+s21], $0x80, s12, s21, $0xb8;
	[tilespmem:$0x1FCC0] =	vst v63  }
0x108: {  	_ =	swait.ge [sflag:s29], $0x3400  }
0x109: {  	[sflag:s29] =	ssyncset.done $0x0  }
0x10a: {  	s11 =	simm.s32 $0x1600;
	[sflag:s29] =	ssyncadd.s32 $0xFFFFCC00  }
0x10b: {  	[spmem:s2] =	stream.indirect.scatter.add.f32 [tilespmem:s24], [sflag:$0x5], $0x80, s11, s21, $0xb8;
	[tilespmem:$0x1FCC0] =	vst v63  }
0x10c: {  	_ =	swait.ge [sflag:s31], $0x3400  }
0x10d: {  	[sflag:s31] =	ssyncset.done $0x0  }
0x10e: {  	s12 =	simm.s32 $0x300;
	[sflag:s31] =	ssyncadd.s32 $0xFFFFCC00  }
0x10f: {  	[tilespmem:s22], [sflag:$0x1] =	stream.indirect.gather [hbm4b:s4+s21], $0x80, s12, s21, $0xb8;
	[tilespmem:$0x1FCC0] =	vst v63  }
0x110: {  	_ =	swait.ge [sflag:s1], $0x3400  }
0x111: {  	[sflag:s1] =	ssyncset.done $0x0  }
0x112: {  	s11 =	simm.s32 $0x1680;
	[sflag:s1] =	ssyncadd.s32 $0xFFFFCC00  }
0x113: {  	[spmem:s2] =	stream.indirect.scatter.add.f32 [tilespmem:s28], [sflag:$0x6], $0x80, s11, s21, $0xb8;
	[tilespmem:$0x1FCC0] =	vst v63  }
0x114: {  	_ =	swait.ge [sflag:s5], $0x3400  }
0x115: {  	[sflag:s5] =	ssyncset.done $0x0  }
0x116: {  	s12 =	simm.s32 $0x380;
	[sflag:s5] =	ssyncadd.s32 $0xFFFFCC00  }
0x117: {  	[tilespmem:s24], [sflag:$0x2] =	stream.indirect.gather [hbm4b:s4+s21], $0x80, s12, s21, $0xb8;
	[tilespmem:$0x1FCC0] =	vst v63  }
0x118: {  	_ =	swait.ge [sflag:s25], $0x3400  }
0x119: {  	[sflag:s25] =	ssyncset.done $0x0  }
0x11a: {  	s11 =	simm.s32 $0x1700;
	[sflag:s25] =	ssyncadd.s32 $0xFFFFCC00  }
0x11b: {  	[spmem:s2] =	stream.indirect.scatter.add.f32 [tilespmem:s22], [sflag:$0x4], $0x80, s11, s21, $0xb8;
	[tilespmem:$0x1FCC0] =	vst v63  }
0x11c: {  	_ =	swait.ge [sflag:s6], $0x3400  }
0x11d: {  	[sflag:s6] =	ssyncset.done $0x0  }
0x11e: {  	s12 =	simm.s32 $0x400;
	[sflag:s6] =	ssyncadd.s32 $0xFFFFCC00  }
0x11f: {  	[tilespmem:s28], [sflag:$0x3] =	stream.indirect.gather [hbm4b:s4+s21], $0x80, s12, s21, $0xb8;
	[tilespmem:$0x1FCC0] =	vst v63  }
0x120: {  	_ =	swait.ge [sflag:s29], $0x3400  }
0x121: {  	[sflag:s29] =	ssyncset.done $0x0  }
0x122: {  	s11 =	simm.s32 $0x1780;
	[sflag:s29] =	ssyncadd.s32 $0xFFFFCC00  }
0x123: {  	[spmem:s2] =	stream.indirect.scatter.add.f32 [tilespmem:s24], [sflag:$0x5], $0x80, s11, s21, $0xb8;
	[tilespmem:$0x1FCC0] =	vst v63  }
0x124: {  	_ =	swait.ge [sflag:s31], $0x3400  }
0x125: {  	[sflag:s31] =	ssyncset.done $0x0  }
0x126: {  	s12 =	simm.s32 $0x480;
	[sflag:s31] =	ssyncadd.s32 $0xFFFFCC00  }
0x127: {  	[tilespmem:s22], [sflag:$0x1] =	stream.indirect.gather [hbm4b:s4+s21], $0x80, s12, s21, $0xb8;
	[tilespmem:$0x1FCC0] =	vst v63  }
0x128: {  	_ =	swait.ge [sflag:s1], $0x3400  }
0x129: {  	[sflag:s1] =	ssyncset.done $0x0  }
0x12a: {  	s11 =	simm.s32 $0x1800;
	[sflag:s1] =	ssyncadd.s32 $0xFFFFCC00  }
0x12b: {  	[spmem:s2] =	stream.indirect.scatter.add.f32 [tilespmem:s28], [sflag:$0x6], $0x80, s11, s21, $0xb8;
	[tilespmem:$0x1FCC0] =	vst v63  }
0x12c: {  	_ =	swait.ge [sflag:s5], $0x3400  }
0x12d: {  	[sflag:s5] =	ssyncset.done $0x0  }
0x12e: {  	s12 =	simm.s32 $0x500;
	[sflag:s5] =	ssyncadd.s32 $0xFFFFCC00  }
0x12f: {  	[tilespmem:s24], [sflag:$0x2] =	stream.indirect.gather [hbm4b:s4+s21], $0x80, s12, s21, $0xb8;
	[tilespmem:$0x1FCC0] =	vst v63  }
0x130: {  	_ =	swait.ge [sflag:s25], $0x3400  }
0x131: {  	[sflag:s25] =	ssyncset.done $0x0  }
0x132: {  	s11 =	simm.s32 $0x1880;
	[sflag:s25] =	ssyncadd.s32 $0xFFFFCC00  }
0x133: {  	[spmem:s2] =	stream.indirect.scatter.add.f32 [tilespmem:s22], [sflag:$0x4], $0x80, s11, s21, $0xb8;
	[tilespmem:$0x1FCC0] =	vst v63  }
0x134: {  	_ =	swait.ge [sflag:s6], $0x3400  }
0x135: {  	[sflag:s6] =	ssyncset.done $0x0  }
0x136: {  	s12 =	simm.s32 $0x580;
	[sflag:s6] =	ssyncadd.s32 $0xFFFFCC00  }
0x137: {  	[tilespmem:s28], [sflag:$0x3] =	stream.indirect.gather [hbm4b:s4+s21], $0x80, s12, s21, $0xb8;
	[tilespmem:$0x1FCC0] =	vst v63  }
0x138: {  	_ =	swait.ge [sflag:s29], $0x3400  }
0x139: {  	[sflag:s29] =	ssyncset.done $0x0  }
0x13a: {  	s11 =	simm.s32 $0x1900;
	[sflag:s29] =	ssyncadd.s32 $0xFFFFCC00  }
0x13b: {  	[spmem:s2] =	stream.indirect.scatter.add.f32 [tilespmem:s24], [sflag:$0x5], $0x80, s11, s21, $0xb8;
	[tilespmem:$0x1FCC0] =	vst v63  }
0x13c: {  	_ =	swait.ge [sflag:s31], $0x3400  }
0x13d: {  	[sflag:s31] =	ssyncset.done $0x0  }
0x13e: {  	s12 =	simm.s32 $0x600;
	[sflag:s31] =	ssyncadd.s32 $0xFFFFCC00  }
0x13f: {  	[tilespmem:s22], [sflag:$0x1] =	stream.indirect.gather [hbm4b:s4+s21], $0x80, s12, s21, $0xb8;
	[tilespmem:$0x1FCC0] =	vst v63  }
0x140: {  	_ =	swait.ge [sflag:s1], $0x3400  }
0x141: {  	[sflag:s1] =	ssyncset.done $0x0  }
0x142: {  	s11 =	simm.s32 $0x1980;
	[sflag:s1] =	ssyncadd.s32 $0xFFFFCC00  }
0x143: {  	[spmem:s2] =	stream.indirect.scatter.add.f32 [tilespmem:s28], [sflag:$0x6], $0x80, s11, s21, $0xb8;
	[tilespmem:$0x1FCC0] =	vst v63  }
0x144: {  	_ =	swait.ge [sflag:s5], $0x3400  }
0x145: {  	[sflag:s5] =	ssyncset.done $0x0  }
0x146: {  	s12 =	simm.s32 $0x680;
	[sflag:s5] =	ssyncadd.s32 $0xFFFFCC00  }
0x147: {  	[tilespmem:s24], [sflag:$0x2] =	stream.indirect.gather [hbm4b:s4+s21], $0x80, s12, s21, $0xb8;
	[tilespmem:$0x1FCC0] =	vst v63  }
0x148: {  	_ =	swait.ge [sflag:s25], $0x3400  }
0x149: {  	[sflag:s25] =	ssyncset.done $0x0  }
0x14a: {  	s11 =	simm.s32 $0x1A00;
	[sflag:s25] =	ssyncadd.s32 $0xFFFFCC00  }
0x14b: {  	[spmem:s2] =	stream.indirect.scatter.add.f32 [tilespmem:s22], [sflag:$0x4], $0x80, s11, s21, $0xb8;
	[tilespmem:$0x1FCC0] =	vst v63  }
0x14c: {  	_ =	swait.ge [sflag:s6], $0x3400  }
0x14d: {  	[sflag:s6] =	ssyncset.done $0x0  }
0x14e: {  	s12 =	simm.s32 $0x700;
	[sflag:s6] =	ssyncadd.s32 $0xFFFFCC00  }
0x14f: {  	[tilespmem:s28], [sflag:$0x3] =	stream.indirect.gather [hbm4b:s4+s21], $0x80, s12, s21, $0xb8;
	[tilespmem:$0x1FCC0] =	vst v63  }
0x150: {  	_ =	swait.ge [sflag:s29], $0x3400  }
0x151: {  	[sflag:s29] =	ssyncset.done $0x0  }
0x152: {  	s11 =	simm.s32 $0x1A80;
	[sflag:s29] =	ssyncadd.s32 $0xFFFFCC00  }
0x153: {  	[spmem:s2] =	stream.indirect.scatter.add.f32 [tilespmem:s24], [sflag:$0x5], $0x80, s11, s21, $0xb8;
	[tilespmem:$0x1FCC0] =	vst v63  }
0x154: {  	_ =	swait.ge [sflag:s31], $0x3400  }
0x155: {  	[sflag:s31] =	ssyncset.done $0x0  }
0x156: {  	s12 =	simm.s32 $0x780;
	[sflag:s31] =	ssyncadd.s32 $0xFFFFCC00  }
0x157: {  	[tilespmem:s22], [sflag:$0x1] =	stream.indirect.gather [hbm4b:s4+s21], $0x80, s12, s21, $0xb8;
	[tilespmem:$0x1FCC0] =	vst v63  }
0x158: {  	_ =	swait.ge [sflag:s1], $0x3400  }
0x159: {  	[sflag:s1] =	ssyncset.done $0x0  }
0x15a: {  	s11 =	simm.s32 $0x1B00;
	[sflag:s1] =	ssyncadd.s32 $0xFFFFCC00  }
0x15b: {  	[spmem:s2] =	stream.indirect.scatter.add.f32 [tilespmem:s28], [sflag:$0x6], $0x80, s11, s21, $0xb8;
	[tilespmem:$0x1FCC0] =	vst v63  }
0x15c: {  	_ =	swait.ge [sflag:s5], $0x3400  }
0x15d: {  	[sflag:s5] =	ssyncset.done $0x0  }
0x15e: {  	s12 =	simm.s32 $0x800;
	[sflag:s5] =	ssyncadd.s32 $0xFFFFCC00  }
0x15f: {  	[tilespmem:s24], [sflag:$0x2] =	stream.indirect.gather [hbm4b:s4+s21], $0x80, s12, s21, $0xb8;
	[tilespmem:$0x1FCC0] =	vst v63  }
0x160: {  	_ =	swait.ge [sflag:s25], $0x3400  }
0x161: {  	[sflag:s25] =	ssyncset.done $0x0  }
0x162: {  	s11 =	simm.s32 $0x1B80;
	[sflag:s25] =	ssyncadd.s32 $0xFFFFCC00  }
0x163: {  	[spmem:s2] =	stream.indirect.scatter.add.f32 [tilespmem:s22], [sflag:$0x4], $0x80, s11, s21, $0xb8;
	[tilespmem:$0x1FCC0] =	vst v63  }
0x164: {  	_ =	swait.ge [sflag:s6], $0x3400  }
0x165: {  	[sflag:s6] =	ssyncset.done $0x0  }
0x166: {  	[sflag:s6] =	ssyncadd.s32 $0xFFFFCC00  }
0x167: {  	_ =	swait.ge [sflag:s29], $0x3400  }
0x168: {  	[sflag:s29] =	ssyncset.done $0x0  }
0x169: {  	s12 =	simm.s32 $0x1C00;
	[sflag:s29] =	ssyncadd.s32 $0xFFFFCC00  }
0x16a: {  	[spmem:s2] =	stream.indirect.scatter.add.f32 [tilespmem:s24], [sflag:$0x5], $0x80, s12, s21, $0xb8;
	[tilespmem:$0x1FCC0] =	vst v63  }
0x16b: {  	_ =	swait.ge [sflag:s31], $0x3400  }
0x16c: {  	[sflag:s31] =	ssyncset.done $0x0  }
0x16d: {  	[sflag:s31] =	ssyncadd.s32 $0xFFFFCC00  }
0x16e: {  	_ =	swait.ge [sflag:s5], $0x3400  }
0x16f: {  	[sflag:s5] =	ssyncset.done $0x0  }
0x170: {  	[sflag:s5] =	ssyncadd.s32 $0xFFFFCC00  }
0x171: {  	s10 =	simm.s32 @p0 $0x1FC7;
	[bflag:$0x0] =	sbarrier.arrive $0xFFFF  }
0x172: {  	[hbm:s14], [sflag:s10] =	dma.local @p0 [spmem:s16], $0x2100  }
0x173: {  	s10 =	simm.s32 @p0 $0x7  }
0x174: {  	s9 =	sadd.s32 $0x1, s9;
	_ =	swait.ge @p0 [sflag:s10], $0x2100  }
0x175: {  	p1 =	sne.s32 s9, s15;
	[sflag:s10] =	ssyncset.done @p0 $0x0  }
.Ltmp2:
0x176: {  	[sflag:s10] =	ssyncadd.s32 @p0 $0xFFFFDF00;
	s10 =	simm.s32 @!p0 $0x7;
	(pc) =	sbr.rel @p1 .LBB2_1-.Ltmp2, $4  }
0x177: {  	[hbm:s13], [sflag:s17] =	dma.local @!p0 [spmem:s18], $0x2780  }
0x178: {  	_ =	swait.ge @!p0 [sflag:s10], $0x2780  }
0x179: {  	[sflag:s10] =	ssyncset.done @!p0 $0x0  }
0x17a: {  	[sflag:s10] =	ssyncadd.s32 @!p0 $0xFFFFD880  }
0x17b: {  	_ =	sfence.sel $0x180000  }
0x17c: {  	[bflag:$0x0] =	sbarrier.arrive $0xFFFF  }
0x17d: {  	_ =	strace $0x90000047  }
0x17e: {  	s0 =	stileid.u32;
	[bflag:$0x2] =	sbarrier.arrive $0xFFFF  }
0x17f: {  	p0 =	sne.s32 s0, $0x0;
	s0 =	rddreg [dreg:$0x3]  }
0x180: {  	s0 =	sadd.s32 @!p0 $0x100000, s0  }
0x181: {  	[sflag:s0] =	ssyncadd.tile.s32 @!p0 $0x1;
	_ =	shalt  }
.Lfunc_end2:
_tile_overlayer_lowered:
.L_overlay_start_2:
0x182: {  	(tag) =	ssettag $0x2  }
0x183: {  	s0 =	rddreg [dreg:$0x0];
	s2 =	stileid.u32  }
0x184: {  	s1 =	rddreg [dreg:$0x1];
	p0 =	sne.s32 s2, $0x0  }
0x185: {  	s3 =	rddreg [dreg:$0x2];
	[bflag:$0x3] =	sbarrier.arrive $0xFFFF;
	s2 =	simm.s32 @!p0 $0x1C07  }
0x186: {  	[timem:s3], [sflag:s2] =	dma.local @!p0 [hbm:s0], s1  }
0x187: {  	s0 =	simm.s32 @!p0 $0x7  }
0x188: {  	_ =	swait.ge @!p0 [sflag:s0], s1  }
0x189: {  	s1 =	ssub.s32 @!p0 $0x0, s1;
	[sflag:s0] =	ssyncset.done @!p0 $0x0  }
0x18a: {  	[sflag:s0] =	ssyncadd.s32 @!p0 s1  }
0x18b: {  	[bflag:$0x3] =	sbarrier.arrive $0xFFFF  }
0x18c: {  	_ =	shalt  }

</sc_bundles>
